<compile_context>
chip_gen: v7x
topology: tpu7x:2x2x1
jax: 0.10.2.dev20260603
libtpu: 0.0.44.dev20260713+nightly
codegen_flags: <defaults>
</compile_context>

<pallas_src>
import functools

import jax
import jax.numpy as jnp
from jax import lax
from jax.experimental import pallas as pl
from jax.experimental.pallas import tpu as pltpu
from jax.experimental.pallas import tpu_sc as plsc

_NC = 2
_NS = 16
_NW = _NC * _NS
_CHUNK = 128
_GRP = 1
_NBUF = 6
_NH = 2


def _log_sigmoid(x):
    return jnp.minimum(x, 0.0) - jnp.log(1.0 + jnp.exp(-jnp.abs(x)))


def _sc_gather(node_emb, ctx_emb, nidx3, cidx3, bs, nneg):
    emb = node_emb.shape[1]
    f32 = jnp.float32
    wpw = bs // _NW
    wch = wpw // _CHUNK
    npw = bs * nneg // _NW
    nch = npw // _CHUNK
    grows = _GRP * _CHUNK

    mesh = plsc.VectorSubcoreMesh(
        core_axis_name="c", subcore_axis_name="s",
        num_cores=_NC, num_subcores=_NS)

    @functools.partial(
        pl.kernel,
        mesh=mesh,
        out_type=[
            jax.ShapeDtypeStruct((bs, emb), f32),
            jax.ShapeDtypeStruct((bs, emb), f32),
            jax.ShapeDtypeStruct((bs, emb), f32),
            jax.ShapeDtypeStruct((bs * nneg, emb), f32),
        ],
        scratch_types=[
            pltpu.VMEM((2 * wch, _CHUNK), jnp.int32),
            pltpu.VMEM((wch + nch, _CHUNK), jnp.int32),
            pltpu.VMEM((_NBUF * grows, emb), f32),
        ] + [pltpu.SemaphoreType.DMA] * (2 * _NBUF),
    )
    def gk(node_hbm, ctx_hbm, ni_hbm, ci_hbm,
           owe, oce, octx, oneg, ino, ict, buf, *sems):
        wid = lax.axis_index("s") * _NC + lax.axis_index("c")
        pltpu.sync_copy(ni_hbm.at[wid], ino)
        pltpu.sync_copy(ci_hbm.at[wid], ict)

        glist = []
        for g in range(wch // _GRP):
            glist.append((node_hbm, ino, g * _GRP, owe,
                          wid * wpw + g * grows))
        for g in range(wch // _GRP):
            glist.append((node_hbm, ino, wch + g * _GRP, oce,
                          wid * wpw + g * grows))
        for g in range(wch // _GRP):
            glist.append((ctx_hbm, ict, g * _GRP, octx,
                          wid * wpw + g * grows))
        for g in range(nch // _GRP):
            glist.append((ctx_hbm, ict, wch + g * _GRP, oneg,
                          wid * npw + g * grows))
        ng = len(glist)
        sg = sems[:_NBUF]
        sw = sems[_NBUF:]

        def fire(g):
            tbl, ibuf, ibase, _, _ = glist[g]
            s = g % _NBUF
            return [
                pltpu.async_copy(
                    tbl.at[ibuf.at[ibase + j]],
                    buf.at[pl.ds(s * grows + j * _CHUNK, _CHUNK)],
                    sg[s])
                for j in range(_GRP)
            ]

        gdesc = {}
        wdesc = {}
        for k in range(min(_NBUF - 1, ng)):
            gdesc[k] = fire(k)
        for g in range(ng):
            s = g % _NBUF
            for d in gdesc.pop(g):
                d.wait()
            _, _, _, out, obase = glist[g]
            wdesc[g] = pltpu.async_copy(
                buf.at[pl.ds(s * grows, grows)],
                out.at[pl.ds(obase, grows)], sw[s])
            nxt = g + _NBUF - 1
            if nxt < ng:
                prev = nxt - _NBUF
                if prev in wdesc:
                    wdesc.pop(prev).wait()
                gdesc[nxt] = fire(nxt)
        for g in sorted(wdesc):
            wdesc.pop(g).wait()

    return gk(node_emb, ctx_emb, nidx3, cidx3)


def _tc_math(we, ce, cctx, neg3, w_comm, bs, row0, sq_prev, pr_prev):
    blk = 1024
    nneg, bsh, emb = neg3.shape
    cat = w_comm.shape[0]
    f32 = jnp.float32
    nb = bsh // blk
    ob = row0 // blk
    prev = [] if sq_prev is None else [sq_prev, pr_prev]

    def body(we_ref, ce_ref, cc_ref, ng_ref, w_ref, *rest):
        sq_ref, pr_ref, acc_ref = rest[-3:]
        i = pl.program_id(0)
        w = w_ref[...]
        we_ = we_ref[...]
        dn_t = (((1,), (1,)), ((), ()))
        q = lax.dot_general(we_ * ce_ref[...], w, dn_t,
                            preferred_element_type=f32)
        prior_logits = lax.dot_general(we_, w, dn_t,
                                       preferred_element_type=f32)
        pr_ref[...] = jax.nn.softmax(prior_logits, axis=-1)
        sq_ref[...] = jax.nn.softmax(q, axis=-1)
        r = lax.dot_general(q, w, (((1,), (0,)), ((), ())),
                            preferred_element_type=f32)
        pos = jnp.sum(cc_ref[...] * r, axis=1)
        tot = jnp.sum(_log_sigmoid(pos))
        for n in range(nneg):
            npd = jnp.sum(ng_ref[n] * r, axis=1)
            tot = tot + jnp.sum(_log_sigmoid(-npd))

        @pl.when(i == 0)
        def _():
            acc_ref[0, 0] = 0.0

        acc_ref[0, 0] += tot

    return pl.pallas_call(
        body,
        grid=(nb,),
        in_specs=[
            pl.BlockSpec((blk, emb), lambda i: (i, 0)),
            pl.BlockSpec((blk, emb), lambda i: (i, 0)),
            pl.BlockSpec((blk, emb), lambda i: (i, 0)),
            pl.BlockSpec((nneg, blk, emb), lambda i: (0, i, 0)),
            pl.BlockSpec((cat, emb), lambda i: (0, 0)),
        ] + [pl.BlockSpec(memory_space=pl.ANY)] * len(prev),
        out_specs=[
            pl.BlockSpec((blk, cat), lambda i: (i + ob, 0)),
            pl.BlockSpec((blk, cat), lambda i: (i + ob, 0)),
            pl.BlockSpec(memory_space=pltpu.SMEM),
        ],
        out_shape=[
            jax.ShapeDtypeStruct((bs, cat), f32),
            jax.ShapeDtypeStruct((bs, cat), f32),
            jax.ShapeDtypeStruct((1, 1), f32),
        ],
        input_output_aliases={5: 0, 6: 1} if prev else {},
    )(we, ce, cctx, neg3, w_comm, *prev)


def kernel(w, c, neg, temp, node_emb, ctx_emb, W_comm):
    bs = w.shape[0]
    nneg = neg.shape[1]
    emb = node_emb.shape[1]
    cat = W_comm.shape[0]
    f32 = jnp.float32
    w = w.astype(jnp.int32)
    c = c.astype(jnp.int32)
    neg = neg.astype(jnp.int32)
    sizes = (bs * 3 // 4, bs // 4)
    offs = (0, bs * 3 // 4)

    chunks = []
    for o, n in zip(offs, sizes):
        wh = lax.dynamic_slice_in_dim(w, o, n)
        ch = lax.dynamic_slice_in_dim(c, o, n)
        negf = lax.dynamic_slice_in_dim(neg, o, n).T.reshape(-1)
        nidx3 = jnp.concatenate(
            [wh.reshape(_NW, -1), ch.reshape(_NW, -1)], axis=1
        ).reshape(_NW, -1, _CHUNK)
        cidx3 = jnp.concatenate(
            [ch.reshape(_NW, -1), negf.reshape(_NW, -1)], axis=1
        ).reshape(_NW, -1, _CHUNK)
        chunks.append((nidx3, cidx3))

    sq = None
    prior = None
    tot = jnp.float32(0.0)
    for (o, n), (nidx3, cidx3) in zip(zip(offs, sizes), chunks):
        we, ce, cctx, negrows = _sc_gather(node_emb, ctx_emb, nidx3, cidx3,
                                           n, nneg)
        neg3 = negrows.reshape(nneg, n, emb)
        sq, prior, acc = _tc_math(we, ce, cctx, neg3, W_comm, bs, o,
                                  sq, prior)
        tot = tot + acc[0, 0]
    out = -tot / bs
    return (out, sq, prior)

# --- scband reference (transcript-rebuilt; emitter-appended) ---
"""Pipeline reference for scband-gcnmodel-gumbel-13804024889381 (READ-ONLY COPY).

The authoritative reference and input builder live on the scoring server;
editing this copy changes nothing except your own understanding.
"""

import jax, jax.numpy as jnp
import numpy as np

SIZE = 100000
EMB = 128
CAT = 16
BS = 16384
NNEG = 5

def setup_inputs(seed: int = 0) -> dict:
    key = jax.random.key(seed)
    k1, k2, k3, k4, k5, k6 = jax.random.split(key, 6)
    w = jax.random.randint(k1, (BS,), 0, SIZE)
    c = jax.random.randint(k2, (BS,), 0, SIZE)
    neg = jax.random.randint(k3, (BS, NNEG), 0, SIZE)
    node_emb = jax.random.normal(k4, (SIZE, EMB), dtype=jnp.float32)
    ctx_emb = jax.random.normal(k5, (SIZE, EMB), dtype=jnp.float32)
    # xavier-uniform init for community Linear weight [CAT, EMB]
    limit = float(np.sqrt(6.0 / (EMB + CAT)))
    W_comm = jax.random.uniform(k6, (CAT, EMB), dtype=jnp.float32, minval=-limit, maxval=limit)
    return {"w": w, "c": c, "neg": neg, "temp": 1, "node_emb": node_emb, "ctx_emb": ctx_emb, "W_comm": W_comm}

def reference(w, c, neg, temp, node_emb, ctx_emb, W_comm):
    bs = w.shape[0]
    # embedding lookups (gathers)
    w_e = jnp.take(node_emb, w, axis=0)            # [bs, EMB]
    c_e = jnp.take(node_emb, c, axis=0)            # [bs, EMB]
    c_ctx = jnp.take(ctx_emb, c, axis=0)           # [bs, EMB]
    c_ctx_com = c_ctx @ W_comm.T                   # [bs, CAT]
    emb_neg = jnp.take(ctx_emb, neg, axis=0)       # [bs, NNEG, EMB]
    emb_neg_com = emb_neg @ W_comm.T               # [bs, NNEG, CAT]
    q = (w_e * c_e) @ W_comm.T                     # [bs, CAT]
    # eval-mode z (one-hot argmax) -- computed as in torch forward but unused downstream
    tmp = jnp.argmax(q, axis=-1)
    z = jax.nn.one_hot(tmp, q.shape[-1], dtype=q.dtype)
    del z
    prior = jax.nn.softmax(w_e @ W_comm.T, axis=-1)
    pos_prod = jnp.sum(c_ctx_com * q, axis=1)      # [bs]
    out = jax.nn.log_sigmoid(pos_prod)
    neg_prod = jnp.einsum('bnc,bc->bn', emb_neg_com, q)  # [bs, NNEG]
    out = out + jnp.sum(jax.nn.log_sigmoid(-neg_prod), axis=1)
    out = -jnp.sum(out) / bs
    return (out, jax.nn.softmax(q, axis=-1), prior)

if __name__ == "__main__":
    import jax
    _d = setup_inputs()
    print(jax.jit(kernel)(*tuple(_d.values())))

</pallas_src>

<mosaic_0001>
#map = affine_map<(d0, d1) -> (0, 0)>
#map1 = affine_map<(d0, d1) -> (0, 0, 0)>
module attributes {stable_mosaic.version = 14 : i64} {
  func.func @gk(%arg0: i32, %arg1: i32, %arg2: memref<100000x128xf32, #tpu.memory_space<hbm>>, %arg3: memref<100000x128xf32, #tpu.memory_space<hbm>>, %arg4: memref<32x6x128xi32, #tpu.memory_space<hbm>>, %arg5: memref<32x18x128xi32, #tpu.memory_space<hbm>>, %arg6: memref<12288x128xf32, #tpu.memory_space<hbm>>, %arg7: memref<12288x128xf32, #tpu.memory_space<hbm>>, %arg8: memref<12288x128xf32, #tpu.memory_space<hbm>>, %arg9: memref<61440x128xf32, #tpu.memory_space<hbm>>, %arg10: memref<6x128xi32, #tpu.memory_space<vmem>>, %arg11: memref<18x128xi32, #tpu.memory_space<vmem>>, %arg12: memref<768x128xf32, #tpu.memory_space<vmem>>, %arg13: memref<!tpu.dma_semaphore, #tpu.memory_space<semaphore_mem>>, %arg14: memref<!tpu.dma_semaphore, #tpu.memory_space<semaphore_mem>>, %arg15: memref<!tpu.dma_semaphore, #tpu.memory_space<semaphore_mem>>, %arg16: memref<!tpu.dma_semaphore, #tpu.memory_space<semaphore_mem>>, %arg17: memref<!tpu.dma_semaphore, #tpu.memory_space<semaphore_mem>>, %arg18: memref<!tpu.dma_semaphore, #tpu.memory_space<semaphore_mem>>, %arg19: memref<!tpu.dma_semaphore, #tpu.memory_space<semaphore_mem>>, %arg20: memref<!tpu.dma_semaphore, #tpu.memory_space<semaphore_mem>>, %arg21: memref<!tpu.dma_semaphore, #tpu.memory_space<semaphore_mem>>, %arg22: memref<!tpu.dma_semaphore, #tpu.memory_space<semaphore_mem>>, %arg23: memref<!tpu.dma_semaphore, #tpu.memory_space<semaphore_mem>>, %arg24: memref<!tpu.dma_semaphore, #tpu.memory_space<semaphore_mem>>) attributes {dimension_semantics = [#tpu.dimension_semantics<core_parallel>, #tpu.dimension_semantics<subcore_parallel>], iteration_bounds = array<i64: 2, 16>, scalar_prefetch = 0 : i64, scratch_operands = 15 : i64, tpu.core_type = #tpu.core_type<sc_vector_subcore>, window_params = [{transform_indices = #map}, {transform_indices = #map}, {transform_indices = #map1}, {transform_indices = #map1}, {transform_indices = #map}, {transform_indices = #map}, {transform_indices = #map}, {transform_indices = #map}]} {
    %mul3A = arith.constant 2 : i32
    %mul3A_0 = arith.muli %arg1, %mul3A : i32
    %add3A = arith.addi %mul3A_0, %arg0 : i32
    "tpu.region"() ({
      %run_scoped3A = tpu.sem_alloc : memref<!tpu.dma_semaphore, #tpu.memory_space<semaphore_mem>>
      %dma_start3A_1055 = arith.constant 0 : i32
      %dma_start3A_1056 = arith.constant 0 : i32
      %dma_start3A_1057 = tpu.memref_slice %arg4[%add3A, %dma_start3A_1055, %dma_start3A_1056] : memref<32x6x128xi32, #tpu.memory_space<hbm>> -> memref<1x6x128xi32, #tpu.memory_space<hbm>>
      %dma_start3A_1058 = tpu.memref_squeeze %dma_start3A_1057 : memref<1x6x128xi32, #tpu.memory_space<hbm>> -> memref<6x128xi32, #tpu.memory_space<hbm>>
      %dma_start3A_1059 = arith.constant 0 : i32
      %dma_start3A_1060 = arith.constant 0 : i32
      %dma_start3A_1061 = tpu.memref_slice %arg4[%add3A, %dma_start3A_1059, %dma_start3A_1060] : memref<32x6x128xi32, #tpu.memory_space<hbm>> -> memref<1x6x128xi32, #tpu.memory_space<hbm>>
      %dma_start3A_1062 = tpu.memref_squeeze %dma_start3A_1061 : memref<1x6x128xi32, #tpu.memory_space<hbm>> -> memref<6x128xi32, #tpu.memory_space<hbm>>
      tpu.enqueue_dma source(%dma_start3A_1062 : memref<6x128xi32, #tpu.memory_space<hbm>>) target(%arg10 : memref<6x128xi32, #tpu.memory_space<vmem>>) target_semaphore(%run_scoped3A : memref<!tpu.dma_semaphore, #tpu.memory_space<semaphore_mem>>)
      %dma_wait3A_1063 = arith.constant 0 : i32
      %dma_wait3A_1064 = arith.constant 0 : i32
      %dma_wait3A_1065 = tpu.memref_slice %arg4[%add3A, %dma_wait3A_1063, %dma_wait3A_1064] : memref<32x6x128xi32, #tpu.memory_space<hbm>> -> memref<1x6x128xi32, #tpu.memory_space<hbm>>
      %dma_wait3A_1066 = tpu.memref_squeeze %dma_wait3A_1065 : memref<1x6x128xi32, #tpu.memory_space<hbm>> -> memref<6x128xi32, #tpu.memory_space<hbm>>
      %dma_wait3A_1067 = arith.constant 0 : i32
      %dma_wait3A_1068 = arith.constant 0 : i32
      %dma_wait3A_1069 = tpu.memref_slice %arg4[%add3A, %dma_wait3A_1067, %dma_wait3A_1068] : memref<32x6x128xi32, #tpu.memory_space<hbm>> -> memref<1x6x128xi32, #tpu.memory_space<hbm>>
      %dma_wait3A_1070 = tpu.memref_squeeze %dma_wait3A_1069 : memref<1x6x128xi32, #tpu.memory_space<hbm>> -> memref<6x128xi32, #tpu.memory_space<hbm>>
      tpu.wait_dma2 semaphore(%run_scoped3A : memref<!tpu.dma_semaphore, #tpu.memory_space<semaphore_mem>>) src(%dma_wait3A_1070 : memref<6x128xi32, #tpu.memory_space<hbm>>) dst(%arg10 : memref<6x128xi32, #tpu.memory_space<vmem>>)
      tpu.yield
    }) : () -> ()
    "tpu.region"() ({
      %run_scoped3A = tpu.sem_alloc : memref<!tpu.dma_semaphore, #tpu.memory_space<semaphore_mem>>
      %dma_start3A_1055 = arith.constant 0 : i32
      %dma_start3A_1056 = arith.constant 0 : i32
      %dma_start3A_1057 = tpu.memref_slice %arg5[%add3A, %dma_start3A_1055, %dma_start3A_1056] : memref<32x18x128xi32, #tpu.memory_space<hbm>> -> memref<1x18x128xi32, #tpu.memory_space<hbm>>
      %dma_start3A_1058 = tpu.memref_squeeze %dma_start3A_1057 : memref<1x18x128xi32, #tpu.memory_space<hbm>> -> memref<18x128xi32, #tpu.memory_space<hbm>>
      %dma_start3A_1059 = arith.constant 0 : i32
      %dma_start3A_1060 = arith.constant 0 : i32
      %dma_start3A_1061 = tpu.memref_slice %arg5[%add3A, %dma_start3A_1059, %dma_start3A_1060] : memref<32x18x128xi32, #tpu.memory_space<hbm>> -> memref<1x18x128xi32, #tpu.memory_space<hbm>>
      %dma_start3A_1062 = tpu.memref_squeeze %dma_start3A_1061 : memref<1x18x128xi32, #tpu.memory_space<hbm>> -> memref<18x128xi32, #tpu.memory_space<hbm>>
      tpu.enqueue_dma source(%dma_start3A_1062 : memref<18x128xi32, #tpu.memory_space<hbm>>) target(%arg11 : memref<18x128xi32, #tpu.memory_space<vmem>>) target_semaphore(%run_scoped3A : memref<!tpu.dma_semaphore, #tpu.memory_space<semaphore_mem>>)
      %dma_wait3A_1063 = arith.constant 0 : i32
      %dma_wait3A_1064 = arith.constant 0 : i32
      %dma_wait3A_1065 = tpu.memref_slice %arg5[%add3A, %dma_wait3A_1063, %dma_wait3A_1064] : memref<32x18x128xi32, #tpu.memory_space<hbm>> -> memref<1x18x128xi32, #tpu.memory_space<hbm>>
      %dma_wait3A_1066 = tpu.memref_squeeze %dma_wait3A_1065 : memref<1x18x128xi32, #tpu.memory_space<hbm>> -> memref<18x128xi32, #tpu.memory_space<hbm>>
      %dma_wait3A_1067 = arith.constant 0 : i32
      %dma_wait3A_1068 = arith.constant 0 : i32
      %dma_wait3A_1069 = tpu.memref_slice %arg5[%add3A, %dma_wait3A_1067, %dma_wait3A_1068] : memref<32x18x128xi32, #tpu.memory_space<hbm>> -> memref<1x18x128xi32, #tpu.memory_space<hbm>>
      %dma_wait3A_1070 = tpu.memref_squeeze %dma_wait3A_1069 : memref<1x18x128xi32, #tpu.memory_space<hbm>> -> memref<18x128xi32, #tpu.memory_space<hbm>>
      tpu.wait_dma2 semaphore(%run_scoped3A : memref<!tpu.dma_semaphore, #tpu.memory_space<semaphore_mem>>) src(%dma_wait3A_1070 : memref<18x128xi32, #tpu.memory_space<hbm>>) dst(%arg11 : memref<18x128xi32, #tpu.memory_space<vmem>>)
      tpu.yield
    }) : () -> ()
    %mul3A_1 = arith.constant 384 : i32
    %mul3A_2 = arith.muli %add3A, %mul3A_1 : i32
    %add3A_3 = arith.constant 0 : i32
    %add3A_4 = arith.addi %mul3A_2, %add3A_3 : i32
    %mul3A_5 = arith.constant 384 : i32
    %mul3A_6 = arith.muli %add3A, %mul3A_5 : i32
    %add3A_7 = arith.constant 128 : i32
    %add3A_8 = arith.addi %mul3A_6, %add3A_7 : i32
    %mul3A_9 = arith.constant 384 : i32
    %mul3A_10 = arith.muli %add3A, %mul3A_9 : i32
    %add3A_11 = arith.constant 256 : i32
    %add3A_12 = arith.addi %mul3A_10, %add3A_11 : i32
    %mul3A_13 = arith.constant 384 : i32
    %mul3A_14 = arith.muli %add3A, %mul3A_13 : i32
    %add3A_15 = arith.constant 0 : i32
    %add3A_16 = arith.addi %mul3A_14, %add3A_15 : i32
    %mul3A_17 = arith.constant 384 : i32
    %mul3A_18 = arith.muli %add3A, %mul3A_17 : i32
    %add3A_19 = arith.constant 128 : i32
    %add3A_20 = arith.addi %mul3A_18, %add3A_19 : i32
    %mul3A_21 = arith.constant 384 : i32
    %mul3A_22 = arith.muli %add3A, %mul3A_21 : i32
    %add3A_23 = arith.constant 256 : i32
    %add3A_24 = arith.addi %mul3A_22, %add3A_23 : i32
    %mul3A_25 = arith.constant 384 : i32
    %mul3A_26 = arith.muli %add3A, %mul3A_25 : i32
    %add3A_27 = arith.constant 0 : i32
    %add3A_28 = arith.addi %mul3A_26, %add3A_27 : i32
    %mul3A_29 = arith.constant 384 : i32
    %mul3A_30 = arith.muli %add3A, %mul3A_29 : i32
    %add3A_31 = arith.constant 128 : i32
    %add3A_32 = arith.addi %mul3A_30, %add3A_31 : i32
    %mul3A_33 = arith.constant 384 : i32
    %mul3A_34 = arith.muli %add3A, %mul3A_33 : i32
    %add3A_35 = arith.constant 256 : i32
    %add3A_36 = arith.addi %mul3A_34, %add3A_35 : i32
    %mul3A_37 = arith.constant 1920 : i32
    %mul3A_38 = arith.muli %add3A, %mul3A_37 : i32
    %add3A_39 = arith.constant 0 : i32
    %add3A_40 = arith.addi %mul3A_38, %add3A_39 : i32
    %mul3A_41 = arith.constant 1920 : i32
    %mul3A_42 = arith.muli %add3A, %mul3A_41 : i32
    %add3A_43 = arith.constant 128 : i32
    %add3A_44 = arith.addi %mul3A_42, %add3A_43 : i32
    %mul3A_45 = arith.constant 1920 : i32
    %mul3A_46 = arith.muli %add3A, %mul3A_45 : i32
    %add3A_47 = arith.constant 256 : i32
    %add3A_48 = arith.addi %mul3A_46, %add3A_47 : i32
    %mul3A_49 = arith.constant 1920 : i32
    %mul3A_50 = arith.muli %add3A, %mul3A_49 : i32
    %add3A_51 = arith.constant 384 : i32
    %add3A_52 = arith.addi %mul3A_50, %add3A_51 : i32
    %mul3A_53 = arith.constant 1920 : i32
    %mul3A_54 = arith.muli %add3A, %mul3A_53 : i32
    %add3A_55 = arith.constant 512 : i32
    %add3A_56 = arith.addi %mul3A_54, %add3A_55 : i32
    %mul3A_57 = arith.constant 1920 : i32
    %mul3A_58 = arith.muli %add3A, %mul3A_57 : i32
    %add3A_59 = arith.constant 640 : i32
    %add3A_60 = arith.addi %mul3A_58, %add3A_59 : i32
    %mul3A_61 = arith.constant 1920 : i32
    %mul3A_62 = arith.muli %add3A, %mul3A_61 : i32
    %add3A_63 = arith.constant 768 : i32
    %add3A_64 = arith.addi %mul3A_62, %add3A_63 : i32
    %mul3A_65 = arith.constant 1920 : i32
    %mul3A_66 = arith.muli %add3A, %mul3A_65 : i32
    %add3A_67 = arith.constant 896 : i32
    %add3A_68 = arith.addi %mul3A_66, %add3A_67 : i32
    %mul3A_69 = arith.constant 1920 : i32
    %mul3A_70 = arith.muli %add3A, %mul3A_69 : i32
    %add3A_71 = arith.constant 1024 : i32
    %add3A_72 = arith.addi %mul3A_70, %add3A_71 : i32
    %mul3A_73 = arith.constant 1920 : i32
    %mul3A_74 = arith.muli %add3A, %mul3A_73 : i32
    %add3A_75 = arith.constant 1152 : i32
    %add3A_76 = arith.addi %mul3A_74, %add3A_75 : i32
    %mul3A_77 = arith.constant 1920 : i32
    %mul3A_78 = arith.muli %add3A, %mul3A_77 : i32
    %add3A_79 = arith.constant 1280 : i32
    %add3A_80 = arith.addi %mul3A_78, %add3A_79 : i32
    %mul3A_81 = arith.constant 1920 : i32
    %mul3A_82 = arith.muli %add3A, %mul3A_81 : i32
    %add3A_83 = arith.constant 1408 : i32
    %add3A_84 = arith.addi %mul3A_82, %add3A_83 : i32
    %mul3A_85 = arith.constant 1920 : i32
    %mul3A_86 = arith.muli %add3A, %mul3A_85 : i32
    %add3A_87 = arith.constant 1536 : i32
    %add3A_88 = arith.addi %mul3A_86, %add3A_87 : i32
    %mul3A_89 = arith.constant 1920 : i32
    %mul3A_90 = arith.muli %add3A, %mul3A_89 : i32
    %add3A_91 = arith.constant 1664 : i32
    %add3A_92 = arith.addi %mul3A_90, %add3A_91 : i32
    %mul3A_93 = arith.constant 1920 : i32
    %mul3A_94 = arith.muli %add3A, %mul3A_93 : i32
    %add3A_95 = arith.constant 1792 : i32
    %add3A_96 = arith.addi %mul3A_94, %add3A_95 : i32
    %dma_start3A = arith.constant 0 : i32
    %dma_start3A_97 = arith.constant 0 : i32
    %dma_start3A_98 = arith.constant 0 : i32
    %dma_start3A_99 = tpu.memref_slice %arg12[%dma_start3A_97, %dma_start3A_98] : memref<768x128xf32, #tpu.memory_space<vmem>> -> memref<128x128xf32, #tpu.memory_space<vmem>>
    %dma_start3A_100 = arith.constant 0 : i32
    %dma_start3A_101 = tpu.memref_slice %arg10[%dma_start3A, %dma_start3A_100] : memref<6x128xi32, #tpu.memory_space<vmem>> -> memref<1x128xi32, #tpu.memory_space<vmem>>
    %dma_start3A_102 = tpu.memref_squeeze %dma_start3A_101 : memref<1x128xi32, #tpu.memory_space<vmem>> -> memref<128xi32, #tpu.memory_space<vmem>>
    %dma_start3A_103 = arith.constant 0 : i32
    %dma_start3A_104 = arith.constant 0 : i32
    %dma_start3A_105 = tpu.memref_slice %arg2[%dma_start3A_103, %dma_start3A_104] : memref<100000x128xf32, #tpu.memory_space<hbm>> -> memref<100000x128xf32, #tpu.memory_space<hbm>>
    tpu.enqueue_indirect_dma source(%dma_start3A_105 : memref<100000x128xf32, #tpu.memory_space<hbm>>) target(%dma_start3A_99 : memref<128x128xf32, #tpu.memory_space<vmem>>) offsets(%dma_start3A_102 : memref<128xi32, #tpu.memory_space<vmem>>) semaphore(%arg13 : memref<!tpu.dma_semaphore, #tpu.memory_space<semaphore_mem>>)
    %dma_start3A_106 = arith.constant 1 : i32
    %dma_start3A_107 = arith.constant 128 : i32
    %dma_start3A_108 = arith.constant 0 : i32
    %dma_start3A_109 = tpu.memref_slice %arg12[%dma_start3A_107, %dma_start3A_108] : memref<768x128xf32, #tpu.memory_space<vmem>> -> memref<128x128xf32, #tpu.memory_space<vmem>>
    %dma_start3A_110 = arith.constant 0 : i32
    %dma_start3A_111 = tpu.memref_slice %arg10[%dma_start3A_106, %dma_start3A_110] : memref<6x128xi32, #tpu.memory_space<vmem>> -> memref<1x128xi32, #tpu.memory_space<vmem>>
    %dma_start3A_112 = tpu.memref_squeeze %dma_start3A_111 : memref<1x128xi32, #tpu.memory_space<vmem>> -> memref<128xi32, #tpu.memory_space<vmem>>
    %dma_start3A_113 = arith.constant 0 : i32
    %dma_start3A_114 = arith.constant 0 : i32
    %dma_start3A_115 = tpu.memref_slice %arg2[%dma_start3A_113, %dma_start3A_114] : memref<100000x128xf32, #tpu.memory_space<hbm>> -> memref<100000x128xf32, #tpu.memory_space<hbm>>
    tpu.enqueue_indirect_dma source(%dma_start3A_115 : memref<100000x128xf32, #tpu.memory_space<hbm>>) target(%dma_start3A_109 : memref<128x128xf32, #tpu.memory_space<vmem>>) offsets(%dma_start3A_112 : memref<128xi32, #tpu.memory_space<vmem>>) semaphore(%arg14 : memref<!tpu.dma_semaphore, #tpu.memory_space<semaphore_mem>>)
    %dma_start3A_116 = arith.constant 2 : i32
    %dma_start3A_117 = arith.constant 256 : i32
    %dma_start3A_118 = arith.constant 0 : i32
    %dma_start3A_119 = tpu.memref_slice %arg12[%dma_start3A_117, %dma_start3A_118] : memref<768x128xf32, #tpu.memory_space<vmem>> -> memref<128x128xf32, #tpu.memory_space<vmem>>
    %dma_start3A_120 = arith.constant 0 : i32
    %dma_start3A_121 = tpu.memref_slice %arg10[%dma_start3A_116, %dma_start3A_120] : memref<6x128xi32, #tpu.memory_space<vmem>> -> memref<1x128xi32, #tpu.memory_space<vmem>>
    %dma_start3A_122 = tpu.memref_squeeze %dma_start3A_121 : memref<1x128xi32, #tpu.memory_space<vmem>> -> memref<128xi32, #tpu.memory_space<vmem>>
    %dma_start3A_123 = arith.constant 0 : i32
    %dma_start3A_124 = arith.constant 0 : i32
    %dma_start3A_125 = tpu.memref_slice %arg2[%dma_start3A_123, %dma_start3A_124] : memref<100000x128xf32, #tpu.memory_space<hbm>> -> memref<100000x128xf32, #tpu.memory_space<hbm>>
    tpu.enqueue_indirect_dma source(%dma_start3A_125 : memref<100000x128xf32, #tpu.memory_space<hbm>>) target(%dma_start3A_119 : memref<128x128xf32, #tpu.memory_space<vmem>>) offsets(%dma_start3A_122 : memref<128xi32, #tpu.memory_space<vmem>>) semaphore(%arg15 : memref<!tpu.dma_semaphore, #tpu.memory_space<semaphore_mem>>)
    %dma_start3A_126 = arith.constant 3 : i32
    %dma_start3A_127 = arith.constant 384 : i32
    %dma_start3A_128 = arith.constant 0 : i32
    %dma_start3A_129 = tpu.memref_slice %arg12[%dma_start3A_127, %dma_start3A_128] : memref<768x128xf32, #tpu.memory_space<vmem>> -> memref<128x128xf32, #tpu.memory_space<vmem>>
    %dma_start3A_130 = arith.constant 0 : i32
    %dma_start3A_131 = tpu.memref_slice %arg10[%dma_start3A_126, %dma_start3A_130] : memref<6x128xi32, #tpu.memory_space<vmem>> -> memref<1x128xi32, #tpu.memory_space<vmem>>
    %dma_start3A_132 = tpu.memref_squeeze %dma_start3A_131 : memref<1x128xi32, #tpu.memory_space<vmem>> -> memref<128xi32, #tpu.memory_space<vmem>>
    %dma_start3A_133 = arith.constant 0 : i32
    %dma_start3A_134 = arith.constant 0 : i32
    %dma_start3A_135 = tpu.memref_slice %arg2[%dma_start3A_133, %dma_start3A_134] : memref<100000x128xf32, #tpu.memory_space<hbm>> -> memref<100000x128xf32, #tpu.memory_space<hbm>>
    tpu.enqueue_indirect_dma source(%dma_start3A_135 : memref<100000x128xf32, #tpu.memory_space<hbm>>) target(%dma_start3A_129 : memref<128x128xf32, #tpu.memory_space<vmem>>) offsets(%dma_start3A_132 : memref<128xi32, #tpu.memory_space<vmem>>) semaphore(%arg16 : memref<!tpu.dma_semaphore, #tpu.memory_space<semaphore_mem>>)
    %dma_start3A_136 = arith.constant 4 : i32
    %dma_start3A_137 = arith.constant 512 : i32
    %dma_start3A_138 = arith.constant 0 : i32
    %dma_start3A_139 = tpu.memref_slice %arg12[%dma_start3A_137, %dma_start3A_138] : memref<768x128xf32, #tpu.memory_space<vmem>> -> memref<128x128xf32, #tpu.memory_space<vmem>>
    %dma_start3A_140 = arith.constant 0 : i32
    %dma_start3A_141 = tpu.memref_slice %arg10[%dma_start3A_136, %dma_start3A_140] : memref<6x128xi32, #tpu.memory_space<vmem>> -> memref<1x128xi32, #tpu.memory_space<vmem>>
    %dma_start3A_142 = tpu.memref_squeeze %dma_start3A_141 : memref<1x128xi32, #tpu.memory_space<vmem>> -> memref<128xi32, #tpu.memory_space<vmem>>
    %dma_start3A_143 = arith.constant 0 : i32
    %dma_start3A_144 = arith.constant 0 : i32
    %dma_start3A_145 = tpu.memref_slice %arg2[%dma_start3A_143, %dma_start3A_144] : memref<100000x128xf32, #tpu.memory_space<hbm>> -> memref<100000x128xf32, #tpu.memory_space<hbm>>
    tpu.enqueue_indirect_dma source(%dma_start3A_145 : memref<100000x128xf32, #tpu.memory_space<hbm>>) target(%dma_start3A_139 : memref<128x128xf32, #tpu.memory_space<vmem>>) offsets(%dma_start3A_142 : memref<128xi32, #tpu.memory_space<vmem>>) semaphore(%arg17 : memref<!tpu.dma_semaphore, #tpu.memory_space<semaphore_mem>>)
    %dma_wait3A = arith.constant 0 : i32
    %dma_wait3A_146 = arith.constant 0 : i32
    %dma_wait3A_147 = arith.constant 0 : i32
    %dma_wait3A_148 = tpu.memref_slice %arg12[%dma_wait3A_146, %dma_wait3A_147] : memref<768x128xf32, #tpu.memory_space<vmem>> -> memref<128x128xf32, #tpu.memory_space<vmem>>
    %dma_wait3A_149 = arith.constant 0 : i32
    %dma_wait3A_150 = tpu.memref_slice %arg10[%dma_wait3A, %dma_wait3A_149] : memref<6x128xi32, #tpu.memory_space<vmem>> -> memref<1x128xi32, #tpu.memory_space<vmem>>
    %dma_wait3A_151 = tpu.memref_squeeze %dma_wait3A_150 : memref<1x128xi32, #tpu.memory_space<vmem>> -> memref<128xi32, #tpu.memory_space<vmem>>
    %dma_wait3A_152 = arith.constant 0 : i32
    %dma_wait3A_153 = arith.constant 0 : i32
    %dma_wait3A_154 = tpu.memref_slice %arg2[%dma_wait3A_152, %dma_wait3A_153] : memref<100000x128xf32, #tpu.memory_space<hbm>> -> memref<100000x128xf32, #tpu.memory_space<hbm>>
    tpu.wait_indirect_dma semaphore(%arg13 : memref<!tpu.dma_semaphore, #tpu.memory_space<semaphore_mem>>) src(%dma_wait3A_154 : memref<100000x128xf32, #tpu.memory_space<hbm>>) dst(%dma_wait3A_148 : memref<128x128xf32, #tpu.memory_space<vmem>>)
    %dma_start3A_155 = arith.constant 0 : i32
    %dma_start3A_156 = arith.constant 0 : i32
    %dma_start3A_157 = tpu.memref_slice %arg12[%dma_start3A_155, %dma_start3A_156] : memref<768x128xf32, #tpu.memory_space<vmem>> -> memref<128x128xf32, #tpu.memory_space<vmem>>
    %dma_start3A_158 = arith.constant 0 : i32
    %dma_start3A_159 = tpu.memref_slice %arg6[%add3A_4, %dma_start3A_158] : memref<12288x128xf32, #tpu.memory_space<hbm>> -> memref<128x128xf32, #tpu.memory_space<hbm>>
    %dma_start3A_160 = arith.constant 0 : i32
    %dma_start3A_161 = tpu.memref_slice %arg6[%add3A_4, %dma_start3A_160] : memref<12288x128xf32, #tpu.memory_space<hbm>> -> memref<128x128xf32, #tpu.memory_space<hbm>>
    %dma_start3A_162 = arith.constant 0 : i32
    %dma_start3A_163 = arith.constant 0 : i32
    %dma_start3A_164 = tpu.memref_slice %arg12[%dma_start3A_162, %dma_start3A_163] : memref<768x128xf32, #tpu.memory_space<vmem>> -> memref<128x128xf32, #tpu.memory_space<vmem>>
    tpu.enqueue_dma source(%dma_start3A_164 : memref<128x128xf32, #tpu.memory_space<vmem>>) target(%dma_start3A_161 : memref<128x128xf32, #tpu.memory_space<hbm>>) target_semaphore(%arg19 : memref<!tpu.dma_semaphore, #tpu.memory_space<semaphore_mem>>)
    %dma_start3A_165 = arith.constant 5 : i32
    %dma_start3A_166 = arith.constant 640 : i32
    %dma_start3A_167 = arith.constant 0 : i32
    %dma_start3A_168 = tpu.memref_slice %arg12[%dma_start3A_166, %dma_start3A_167] : memref<768x128xf32, #tpu.memory_space<vmem>> -> memref<128x128xf32, #tpu.memory_space<vmem>>
    %dma_start3A_169 = arith.constant 0 : i32
    %dma_start3A_170 = tpu.memref_slice %arg10[%dma_start3A_165, %dma_start3A_169] : memref<6x128xi32, #tpu.memory_space<vmem>> -> memref<1x128xi32, #tpu.memory_space<vmem>>
    %dma_start3A_171 = tpu.memref_squeeze %dma_start3A_170 : memref<1x128xi32, #tpu.memory_space<vmem>> -> memref<128xi32, #tpu.memory_space<vmem>>
    %dma_start3A_172 = arith.constant 0 : i32
    %dma_start3A_173 = arith.constant 0 : i32
    %dma_start3A_174 = tpu.memref_slice %arg2[%dma_start3A_172, %dma_start3A_173] : memref<100000x128xf32, #tpu.memory_space<hbm>> -> memref<100000x128xf32, #tpu.memory_space<hbm>>
    tpu.enqueue_indirect_dma source(%dma_start3A_174 : memref<100000x128xf32, #tpu.memory_space<hbm>>) target(%dma_start3A_168 : memref<128x128xf32, #tpu.memory_space<vmem>>) offsets(%dma_start3A_171 : memref<128xi32, #tpu.memory_space<vmem>>) semaphore(%arg18 : memref<!tpu.dma_semaphore, #tpu.memory_space<semaphore_mem>>)
    %dma_wait3A_175 = arith.constant 1 : i32
    %dma_wait3A_176 = arith.constant 128 : i32
    %dma_wait3A_177 = arith.constant 0 : i32
    %dma_wait3A_178 = tpu.memref_slice %arg12[%dma_wait3A_176, %dma_wait3A_177] : memref<768x128xf32, #tpu.memory_space<vmem>> -> memref<128x128xf32, #tpu.memory_space<vmem>>
    %dma_wait3A_179 = arith.constant 0 : i32
    %dma_wait3A_180 = tpu.memref_slice %arg10[%dma_wait3A_175, %dma_wait3A_179] : memref<6x128xi32, #tpu.memory_space<vmem>> -> memref<1x128xi32, #tpu.memory_space<vmem>>
    %dma_wait3A_181 = tpu.memref_squeeze %dma_wait3A_180 : memref<1x128xi32, #tpu.memory_space<vmem>> -> memref<128xi32, #tpu.memory_space<vmem>>
    %dma_wait3A_182 = arith.constant 0 : i32
    %dma_wait3A_183 = arith.constant 0 : i32
    %dma_wait3A_184 = tpu.memref_slice %arg2[%dma_wait3A_182, %dma_wait3A_183] : memref<100000x128xf32, #tpu.memory_space<hbm>> -> memref<100000x128xf32, #tpu.memory_space<hbm>>
    tpu.wait_indirect_dma semaphore(%arg14 : memref<!tpu.dma_semaphore, #tpu.memory_space<semaphore_mem>>) src(%dma_wait3A_184 : memref<100000x128xf32, #tpu.memory_space<hbm>>) dst(%dma_wait3A_178 : memref<128x128xf32, #tpu.memory_space<vmem>>)
    %dma_start3A_185 = arith.constant 128 : i32
    %dma_start3A_186 = arith.constant 0 : i32
    %dma_start3A_187 = tpu.memref_slice %arg12[%dma_start3A_185, %dma_start3A_186] : memref<768x128xf32, #tpu.memory_space<vmem>> -> memref<128x128xf32, #tpu.memory_space<vmem>>
    %dma_start3A_188 = arith.constant 0 : i32
    %dma_start3A_189 = tpu.memref_slice %arg6[%add3A_8, %dma_start3A_188] : memref<12288x128xf32, #tpu.memory_space<hbm>> -> memref<128x128xf32, #tpu.memory_space<hbm>>
    %dma_start3A_190 = arith.constant 0 : i32
    %dma_start3A_191 = tpu.memref_slice %arg6[%add3A_8, %dma_start3A_190] : memref<12288x128xf32, #tpu.memory_space<hbm>> -> memref<128x128xf32, #tpu.memory_space<hbm>>
    %dma_start3A_192 = arith.constant 128 : i32
    %dma_start3A_193 = arith.constant 0 : i32
    %dma_start3A_194 = tpu.memref_slice %arg12[%dma_start3A_192, %dma_start3A_193] : memref<768x128xf32, #tpu.memory_space<vmem>> -> memref<128x128xf32, #tpu.memory_space<vmem>>
    tpu.enqueue_dma source(%dma_start3A_194 : memref<128x128xf32, #tpu.memory_space<vmem>>) target(%dma_start3A_191 : memref<128x128xf32, #tpu.memory_space<hbm>>) target_semaphore(%arg20 : memref<!tpu.dma_semaphore, #tpu.memory_space<semaphore_mem>>)
    %dma_wait3A_195 = arith.constant 0 : i32
    %dma_wait3A_196 = arith.constant 0 : i32
    %dma_wait3A_197 = tpu.memref_slice %arg12[%dma_wait3A_195, %dma_wait3A_196] : memref<768x128xf32, #tpu.memory_space<vmem>> -> memref<128x128xf32, #tpu.memory_space<vmem>>
    %dma_wait3A_198 = arith.constant 0 : i32
    %dma_wait3A_199 = tpu.memref_slice %arg6[%add3A_4, %dma_wait3A_198] : memref<12288x128xf32, #tpu.memory_space<hbm>> -> memref<128x128xf32, #tpu.memory_space<hbm>>
    %dma_wait3A_200 = arith.constant 0 : i32
    %dma_wait3A_201 = tpu.memref_slice %arg6[%add3A_4, %dma_wait3A_200] : memref<12288x128xf32, #tpu.memory_space<hbm>> -> memref<128x128xf32, #tpu.memory_space<hbm>>
    %dma_wait3A_202 = arith.constant 0 : i32
    %dma_wait3A_203 = arith.constant 0 : i32
    %dma_wait3A_204 = tpu.memref_slice %arg12[%dma_wait3A_202, %dma_wait3A_203] : memref<768x128xf32, #tpu.memory_space<vmem>> -> memref<128x128xf32, #tpu.memory_space<vmem>>
    tpu.wait_dma2 semaphore(%arg19 : memref<!tpu.dma_semaphore, #tpu.memory_space<semaphore_mem>>) src(%dma_wait3A_204 : memref<128x128xf32, #tpu.memory_space<vmem>>) dst(%dma_wait3A_201 : memref<128x128xf32, #tpu.memory_space<hbm>>)
    %dma_start3A_205 = arith.constant 0 : i32
    %dma_start3A_206 = arith.constant 0 : i32
    %dma_start3A_207 = arith.constant 0 : i32
    %dma_start3A_208 = tpu.memref_slice %arg12[%dma_start3A_206, %dma_start3A_207] : memref<768x128xf32, #tpu.memory_space<vmem>> -> memref<128x128xf32, #tpu.memory_space<vmem>>
    %dma_start3A_209 = arith.constant 0 : i32
    %dma_start3A_210 = tpu.memref_slice %arg11[%dma_start3A_205, %dma_start3A_209] : memref<18x128xi32, #tpu.memory_space<vmem>> -> memref<1x128xi32, #tpu.memory_space<vmem>>
    %dma_start3A_211 = tpu.memref_squeeze %dma_start3A_210 : memref<1x128xi32, #tpu.memory_space<vmem>> -> memref<128xi32, #tpu.memory_space<vmem>>
    %dma_start3A_212 = arith.constant 0 : i32
    %dma_start3A_213 = arith.constant 0 : i32
    %dma_start3A_214 = tpu.memref_slice %arg3[%dma_start3A_212, %dma_start3A_213] : memref<100000x128xf32, #tpu.memory_space<hbm>> -> memref<100000x128xf32, #tpu.memory_space<hbm>>
    tpu.enqueue_indirect_dma source(%dma_start3A_214 : memref<100000x128xf32, #tpu.memory_space<hbm>>) target(%dma_start3A_208 : memref<128x128xf32, #tpu.memory_space<vmem>>) offsets(%dma_start3A_211 : memref<128xi32, #tpu.memory_space<vmem>>) semaphore(%arg13 : memref<!tpu.dma_semaphore, #tpu.memory_space<semaphore_mem>>)
    %dma_wait3A_215 = arith.constant 2 : i32
    %dma_wait3A_216 = arith.constant 256 : i32
    %dma_wait3A_217 = arith.constant 0 : i32
    %dma_wait3A_218 = tpu.memref_slice %arg12[%dma_wait3A_216, %dma_wait3A_217] : memref<768x128xf32, #tpu.memory_space<vmem>> -> memref<128x128xf32, #tpu.memory_space<vmem>>
    %dma_wait3A_219 = arith.constant 0 : i32
    %dma_wait3A_220 = tpu.memref_slice %arg10[%dma_wait3A_215, %dma_wait3A_219] : memref<6x128xi32, #tpu.memory_space<vmem>> -> memref<1x128xi32, #tpu.memory_space<vmem>>
    %dma_wait3A_221 = tpu.memref_squeeze %dma_wait3A_220 : memref<1x128xi32, #tpu.memory_space<vmem>> -> memref<128xi32, #tpu.memory_space<vmem>>
    %dma_wait3A_222 = arith.constant 0 : i32
    %dma_wait3A_223 = arith.constant 0 : i32
    %dma_wait3A_224 = tpu.memref_slice %arg2[%dma_wait3A_222, %dma_wait3A_223] : memref<100000x128xf32, #tpu.memory_space<hbm>> -> memref<100000x128xf32, #tpu.memory_space<hbm>>
    tpu.wait_indirect_dma semaphore(%arg15 : memref<!tpu.dma_semaphore, #tpu.memory_space<semaphore_mem>>) src(%dma_wait3A_224 : memref<100000x128xf32, #tpu.memory_space<hbm>>) dst(%dma_wait3A_218 : memref<128x128xf32, #tpu.memory_space<vmem>>)
    %dma_start3A_225 = arith.constant 256 : i32
    %dma_start3A_226 = arith.constant 0 : i32
    %dma_start3A_227 = tpu.memref_slice %arg12[%dma_start3A_225, %dma_start3A_226] : memref<768x128xf32, #tpu.memory_space<vmem>> -> memref<128x128xf32, #tpu.memory_space<vmem>>
    %dma_start3A_228 = arith.constant 0 : i32
    %dma_start3A_229 = tpu.memref_slice %arg6[%add3A_12, %dma_start3A_228] : memref<12288x128xf32, #tpu.memory_space<hbm>> -> memref<128x128xf32, #tpu.memory_space<hbm>>
    %dma_start3A_230 = arith.constant 0 : i32
    %dma_start3A_231 = tpu.memref_slice %arg6[%add3A_12, %dma_start3A_230] : memref<12288x128xf32, #tpu.memory_space<hbm>> -> memref<128x128xf32, #tpu.memory_space<hbm>>
    %dma_start3A_232 = arith.constant 256 : i32
    %dma_start3A_233 = arith.constant 0 : i32
    %dma_start3A_234 = tpu.memref_slice %arg12[%dma_start3A_232, %dma_start3A_233] : memref<768x128xf32, #tpu.memory_space<vmem>> -> memref<128x128xf32, #tpu.memory_space<vmem>>
    tpu.enqueue_dma source(%dma_start3A_234 : memref<128x128xf32, #tpu.memory_space<vmem>>) target(%dma_start3A_231 : memref<128x128xf32, #tpu.memory_space<hbm>>) target_semaphore(%arg21 : memref<!tpu.dma_semaphore, #tpu.memory_space<semaphore_mem>>)
    %dma_wait3A_235 = arith.constant 128 : i32
    %dma_wait3A_236 = arith.constant 0 : i32
    %dma_wait3A_237 = tpu.memref_slice %arg12[%dma_wait3A_235, %dma_wait3A_236] : memref<768x128xf32, #tpu.memory_space<vmem>> -> memref<128x128xf32, #tpu.memory_space<vmem>>
    %dma_wait3A_238 = arith.constant 0 : i32
    %dma_wait3A_239 = tpu.memref_slice %arg6[%add3A_8, %dma_wait3A_238] : memref<12288x128xf32, #tpu.memory_space<hbm>> -> memref<128x128xf32, #tpu.memory_space<hbm>>
    %dma_wait3A_240 = arith.constant 0 : i32
    %dma_wait3A_241 = tpu.memref_slice %arg6[%add3A_8, %dma_wait3A_240] : memref<12288x128xf32, #tpu.memory_space<hbm>> -> memref<128x128xf32, #tpu.memory_space<hbm>>
    %dma_wait3A_242 = arith.constant 128 : i32
    %dma_wait3A_243 = arith.constant 0 : i32
    %dma_wait3A_244 = tpu.memref_slice %arg12[%dma_wait3A_242, %dma_wait3A_243] : memref<768x128xf32, #tpu.memory_space<vmem>> -> memref<128x128xf32, #tpu.memory_space<vmem>>
    tpu.wait_dma2 semaphore(%arg20 : memref<!tpu.dma_semaphore, #tpu.memory_space<semaphore_mem>>) src(%dma_wait3A_244 : memref<128x128xf32, #tpu.memory_space<vmem>>) dst(%dma_wait3A_241 : memref<128x128xf32, #tpu.memory_space<hbm>>)
    %dma_start3A_245 = arith.constant 1 : i32
    %dma_start3A_246 = arith.constant 128 : i32
    %dma_start3A_247 = arith.constant 0 : i32
    %dma_start3A_248 = tpu.memref_slice %arg12[%dma_start3A_246, %dma_start3A_247] : memref<768x128xf32, #tpu.memory_space<vmem>> -> memref<128x128xf32, #tpu.memory_space<vmem>>
    %dma_start3A_249 = arith.constant 0 : i32
    %dma_start3A_250 = tpu.memref_slice %arg11[%dma_start3A_245, %dma_start3A_249] : memref<18x128xi32, #tpu.memory_space<vmem>> -> memref<1x128xi32, #tpu.memory_space<vmem>>
    %dma_start3A_251 = tpu.memref_squeeze %dma_start3A_250 : memref<1x128xi32, #tpu.memory_space<vmem>> -> memref<128xi32, #tpu.memory_space<vmem>>
    %dma_start3A_252 = arith.constant 0 : i32
    %dma_start3A_253 = arith.constant 0 : i32
    %dma_start3A_254 = tpu.memref_slice %arg3[%dma_start3A_252, %dma_start3A_253] : memref<100000x128xf32, #tpu.memory_space<hbm>> -> memref<100000x128xf32, #tpu.memory_space<hbm>>
    tpu.enqueue_indirect_dma source(%dma_start3A_254 : memref<100000x128xf32, #tpu.memory_space<hbm>>) target(%dma_start3A_248 : memref<128x128xf32, #tpu.memory_space<vmem>>) offsets(%dma_start3A_251 : memref<128xi32, #tpu.memory_space<vmem>>) semaphore(%arg14 : memref<!tpu.dma_semaphore, #tpu.memory_space<semaphore_mem>>)
    %dma_wait3A_255 = arith.constant 3 : i32
    %dma_wait3A_256 = arith.constant 384 : i32
    %dma_wait3A_257 = arith.constant 0 : i32
    %dma_wait3A_258 = tpu.memref_slice %arg12[%dma_wait3A_256, %dma_wait3A_257] : memref<768x128xf32, #tpu.memory_space<vmem>> -> memref<128x128xf32, #tpu.memory_space<vmem>>
    %dma_wait3A_259 = arith.constant 0 : i32
    %dma_wait3A_260 = tpu.memref_slice %arg10[%dma_wait3A_255, %dma_wait3A_259] : memref<6x128xi32, #tpu.memory_space<vmem>> -> memref<1x128xi32, #tpu.memory_space<vmem>>
    %dma_wait3A_261 = tpu.memref_squeeze %dma_wait3A_260 : memref<1x128xi32, #tpu.memory_space<vmem>> -> memref<128xi32, #tpu.memory_space<vmem>>
    %dma_wait3A_262 = arith.constant 0 : i32
    %dma_wait3A_263 = arith.constant 0 : i32
    %dma_wait3A_264 = tpu.memref_slice %arg2[%dma_wait3A_262, %dma_wait3A_263] : memref<100000x128xf32, #tpu.memory_space<hbm>> -> memref<100000x128xf32, #tpu.memory_space<hbm>>
    tpu.wait_indirect_dma semaphore(%arg16 : memref<!tpu.dma_semaphore, #tpu.memory_space<semaphore_mem>>) src(%dma_wait3A_264 : memref<100000x128xf32, #tpu.memory_space<hbm>>) dst(%dma_wait3A_258 : memref<128x128xf32, #tpu.memory_space<vmem>>)
    %dma_start3A_265 = arith.constant 384 : i32
    %dma_start3A_266 = arith.constant 0 : i32
    %dma_start3A_267 = tpu.memref_slice %arg12[%dma_start3A_265, %dma_start3A_266] : memref<768x128xf32, #tpu.memory_space<vmem>> -> memref<128x128xf32, #tpu.memory_space<vmem>>
    %dma_start3A_268 = arith.constant 0 : i32
    %dma_start3A_269 = tpu.memref_slice %arg7[%add3A_16, %dma_start3A_268] : memref<12288x128xf32, #tpu.memory_space<hbm>> -> memref<128x128xf32, #tpu.memory_space<hbm>>
    %dma_start3A_270 = arith.constant 0 : i32
    %dma_start3A_271 = tpu.memref_slice %arg7[%add3A_16, %dma_start3A_270] : memref<12288x128xf32, #tpu.memory_space<hbm>> -> memref<128x128xf32, #tpu.memory_space<hbm>>
    %dma_start3A_272 = arith.constant 384 : i32
    %dma_start3A_273 = arith.constant 0 : i32
    %dma_start3A_274 = tpu.memref_slice %arg12[%dma_start3A_272, %dma_start3A_273] : memref<768x128xf32, #tpu.memory_space<vmem>> -> memref<128x128xf32, #tpu.memory_space<vmem>>
    tpu.enqueue_dma source(%dma_start3A_274 : memref<128x128xf32, #tpu.memory_space<vmem>>) target(%dma_start3A_271 : memref<128x128xf32, #tpu.memory_space<hbm>>) target_semaphore(%arg22 : memref<!tpu.dma_semaphore, #tpu.memory_space<semaphore_mem>>)
    %dma_wait3A_275 = arith.constant 256 : i32
    %dma_wait3A_276 = arith.constant 0 : i32
    %dma_wait3A_277 = tpu.memref_slice %arg12[%dma_wait3A_275, %dma_wait3A_276] : memref<768x128xf32, #tpu.memory_space<vmem>> -> memref<128x128xf32, #tpu.memory_space<vmem>>
    %dma_wait3A_278 = arith.constant 0 : i32
    %dma_wait3A_279 = tpu.memref_slice %arg6[%add3A_12, %dma_wait3A_278] : memref<12288x128xf32, #tpu.memory_space<hbm>> -> memref<128x128xf32, #tpu.memory_space<hbm>>
    %dma_wait3A_280 = arith.constant 0 : i32
    %dma_wait3A_281 = tpu.memref_slice %arg6[%add3A_12, %dma_wait3A_280] : memref<12288x128xf32, #tpu.memory_space<hbm>> -> memref<128x128xf32, #tpu.memory_space<hbm>>
    %dma_wait3A_282 = arith.constant 256 : i32
    %dma_wait3A_283 = arith.constant 0 : i32
    %dma_wait3A_284 = tpu.memref_slice %arg12[%dma_wait3A_282, %dma_wait3A_283] : memref<768x128xf32, #tpu.memory_space<vmem>> -> memref<128x128xf32, #tpu.memory_space<vmem>>
    tpu.wait_dma2 semaphore(%arg21 : memref<!tpu.dma_semaphore, #tpu.memory_space<semaphore_mem>>) src(%dma_wait3A_284 : memref<128x128xf32, #tpu.memory_space<vmem>>) dst(%dma_wait3A_281 : memref<128x128xf32, #tpu.memory_space<hbm>>)
    %dma_start3A_285 = arith.constant 2 : i32
    %dma_start3A_286 = arith.constant 256 : i32
    %dma_start3A_287 = arith.constant 0 : i32
    %dma_start3A_288 = tpu.memref_slice %arg12[%dma_start3A_286, %dma_start3A_287] : memref<768x128xf32, #tpu.memory_space<vmem>> -> memref<128x128xf32, #tpu.memory_space<vmem>>
    %dma_start3A_289 = arith.constant 0 : i32
    %dma_start3A_290 = tpu.memref_slice %arg11[%dma_start3A_285, %dma_start3A_289] : memref<18x128xi32, #tpu.memory_space<vmem>> -> memref<1x128xi32, #tpu.memory_space<vmem>>
    %dma_start3A_291 = tpu.memref_squeeze %dma_start3A_290 : memref<1x128xi32, #tpu.memory_space<vmem>> -> memref<128xi32, #tpu.memory_space<vmem>>
    %dma_start3A_292 = arith.constant 0 : i32
    %dma_start3A_293 = arith.constant 0 : i32
    %dma_start3A_294 = tpu.memref_slice %arg3[%dma_start3A_292, %dma_start3A_293] : memref<100000x128xf32, #tpu.memory_space<hbm>> -> memref<100000x128xf32, #tpu.memory_space<hbm>>
    tpu.enqueue_indirect_dma source(%dma_start3A_294 : memref<100000x128xf32, #tpu.memory_space<hbm>>) target(%dma_start3A_288 : memref<128x128xf32, #tpu.memory_space<vmem>>) offsets(%dma_start3A_291 : memref<128xi32, #tpu.memory_space<vmem>>) semaphore(%arg15 : memref<!tpu.dma_semaphore, #tpu.memory_space<semaphore_mem>>)
    %dma_wait3A_295 = arith.constant 4 : i32
    %dma_wait3A_296 = arith.constant 512 : i32
    %dma_wait3A_297 = arith.constant 0 : i32
    %dma_wait3A_298 = tpu.memref_slice %arg12[%dma_wait3A_296, %dma_wait3A_297] : memref<768x128xf32, #tpu.memory_space<vmem>> -> memref<128x128xf32, #tpu.memory_space<vmem>>
    %dma_wait3A_299 = arith.constant 0 : i32
    %dma_wait3A_300 = tpu.memref_slice %arg10[%dma_wait3A_295, %dma_wait3A_299] : memref<6x128xi32, #tpu.memory_space<vmem>> -> memref<1x128xi32, #tpu.memory_space<vmem>>
    %dma_wait3A_301 = tpu.memref_squeeze %dma_wait3A_300 : memref<1x128xi32, #tpu.memory_space<vmem>> -> memref<128xi32, #tpu.memory_space<vmem>>
    %dma_wait3A_302 = arith.constant 0 : i32
    %dma_wait3A_303 = arith.constant 0 : i32
    %dma_wait3A_304 = tpu.memref_slice %arg2[%dma_wait3A_302, %dma_wait3A_303] : memref<100000x128xf32, #tpu.memory_space<hbm>> -> memref<100000x128xf32, #tpu.memory_space<hbm>>
    tpu.wait_indirect_dma semaphore(%arg17 : memref<!tpu.dma_semaphore, #tpu.memory_space<semaphore_mem>>) src(%dma_wait3A_304 : memref<100000x128xf32, #tpu.memory_space<hbm>>) dst(%dma_wait3A_298 : memref<128x128xf32, #tpu.memory_space<vmem>>)
    %dma_start3A_305 = arith.constant 512 : i32
    %dma_start3A_306 = arith.constant 0 : i32
    %dma_start3A_307 = tpu.memref_slice %arg12[%dma_start3A_305, %dma_start3A_306] : memref<768x128xf32, #tpu.memory_space<vmem>> -> memref<128x128xf32, #tpu.memory_space<vmem>>
    %dma_start3A_308 = arith.constant 0 : i32
    %dma_start3A_309 = tpu.memref_slice %arg7[%add3A_20, %dma_start3A_308] : memref<12288x128xf32, #tpu.memory_space<hbm>> -> memref<128x128xf32, #tpu.memory_space<hbm>>
    %dma_start3A_310 = arith.constant 0 : i32
    %dma_start3A_311 = tpu.memref_slice %arg7[%add3A_20, %dma_start3A_310] : memref<12288x128xf32, #tpu.memory_space<hbm>> -> memref<128x128xf32, #tpu.memory_space<hbm>>
    %dma_start3A_312 = arith.constant 512 : i32
    %dma_start3A_313 = arith.constant 0 : i32
    %dma_start3A_314 = tpu.memref_slice %arg12[%dma_start3A_312, %dma_start3A_313] : memref<768x128xf32, #tpu.memory_space<vmem>> -> memref<128x128xf32, #tpu.memory_space<vmem>>
    tpu.enqueue_dma source(%dma_start3A_314 : memref<128x128xf32, #tpu.memory_space<vmem>>) target(%dma_start3A_311 : memref<128x128xf32, #tpu.memory_space<hbm>>) target_semaphore(%arg23 : memref<!tpu.dma_semaphore, #tpu.memory_space<semaphore_mem>>)
    %dma_wait3A_315 = arith.constant 384 : i32
    %dma_wait3A_316 = arith.constant 0 : i32
    %dma_wait3A_317 = tpu.memref_slice %arg12[%dma_wait3A_315, %dma_wait3A_316] : memref<768x128xf32, #tpu.memory_space<vmem>> -> memref<128x128xf32, #tpu.memory_space<vmem>>
    %dma_wait3A_318 = arith.constant 0 : i32
    %dma_wait3A_319 = tpu.memref_slice %arg7[%add3A_16, %dma_wait3A_318] : memref<12288x128xf32, #tpu.memory_space<hbm>> -> memref<128x128xf32, #tpu.memory_space<hbm>>
    %dma_wait3A_320 = arith.constant 0 : i32
    %dma_wait3A_321 = tpu.memref_slice %arg7[%add3A_16, %dma_wait3A_320] : memref<12288x128xf32, #tpu.memory_space<hbm>> -> memref<128x128xf32, #tpu.memory_space<hbm>>
    %dma_wait3A_322 = arith.constant 384 : i32
    %dma_wait3A_323 = arith.constant 0 : i32
    %dma_wait3A_324 = tpu.memref_slice %arg12[%dma_wait3A_322, %dma_wait3A_323] : memref<768x128xf32, #tpu.memory_space<vmem>> -> memref<128x128xf32, #tpu.memory_space<vmem>>
    tpu.wait_dma2 semaphore(%arg22 : memref<!tpu.dma_semaphore, #tpu.memory_space<semaphore_mem>>) src(%dma_wait3A_324 : memref<128x128xf32, #tpu.memory_space<vmem>>) dst(%dma_wait3A_321 : memref<128x128xf32, #tpu.memory_space<hbm>>)
    %dma_start3A_325 = arith.constant 3 : i32
    %dma_start3A_326 = arith.constant 384 : i32
    %dma_start3A_327 = arith.constant 0 : i32
    %dma_start3A_328 = tpu.memref_slice %arg12[%dma_start3A_326, %dma_start3A_327] : memref<768x128xf32, #tpu.memory_space<vmem>> -> memref<128x128xf32, #tpu.memory_space<vmem>>
    %dma_start3A_329 = arith.constant 0 : i32
    %dma_start3A_330 = tpu.memref_slice %arg11[%dma_start3A_325, %dma_start3A_329] : memref<18x128xi32, #tpu.memory_space<vmem>> -> memref<1x128xi32, #tpu.memory_space<vmem>>
    %dma_start3A_331 = tpu.memref_squeeze %dma_start3A_330 : memref<1x128xi32, #tpu.memory_space<vmem>> -> memref<128xi32, #tpu.memory_space<vmem>>
    %dma_start3A_332 = arith.constant 0 : i32
    %dma_start3A_333 = arith.constant 0 : i32
    %dma_start3A_334 = tpu.memref_slice %arg3[%dma_start3A_332, %dma_start3A_333] : memref<100000x128xf32, #tpu.memory_space<hbm>> -> memref<100000x128xf32, #tpu.memory_space<hbm>>
    tpu.enqueue_indirect_dma source(%dma_start3A_334 : memref<100000x128xf32, #tpu.memory_space<hbm>>) target(%dma_start3A_328 : memref<128x128xf32, #tpu.memory_space<vmem>>) offsets(%dma_start3A_331 : memref<128xi32, #tpu.memory_space<vmem>>) semaphore(%arg16 : memref<!tpu.dma_semaphore, #tpu.memory_space<semaphore_mem>>)
    %dma_wait3A_335 = arith.constant 5 : i32
    %dma_wait3A_336 = arith.constant 640 : i32
    %dma_wait3A_337 = arith.constant 0 : i32
    %dma_wait3A_338 = tpu.memref_slice %arg12[%dma_wait3A_336, %dma_wait3A_337] : memref<768x128xf32, #tpu.memory_space<vmem>> -> memref<128x128xf32, #tpu.memory_space<vmem>>
    %dma_wait3A_339 = arith.constant 0 : i32
    %dma_wait3A_340 = tpu.memref_slice %arg10[%dma_wait3A_335, %dma_wait3A_339] : memref<6x128xi32, #tpu.memory_space<vmem>> -> memref<1x128xi32, #tpu.memory_space<vmem>>
    %dma_wait3A_341 = tpu.memref_squeeze %dma_wait3A_340 : memref<1x128xi32, #tpu.memory_space<vmem>> -> memref<128xi32, #tpu.memory_space<vmem>>
    %dma_wait3A_342 = arith.constant 0 : i32
    %dma_wait3A_343 = arith.constant 0 : i32
    %dma_wait3A_344 = tpu.memref_slice %arg2[%dma_wait3A_342, %dma_wait3A_343] : memref<100000x128xf32, #tpu.memory_space<hbm>> -> memref<100000x128xf32, #tpu.memory_space<hbm>>
    tpu.wait_indirect_dma semaphore(%arg18 : memref<!tpu.dma_semaphore, #tpu.memory_space<semaphore_mem>>) src(%dma_wait3A_344 : memref<100000x128xf32, #tpu.memory_space<hbm>>) dst(%dma_wait3A_338 : memref<128x128xf32, #tpu.memory_space<vmem>>)
    %dma_start3A_345 = arith.constant 640 : i32
    %dma_start3A_346 = arith.constant 0 : i32
    %dma_start3A_347 = tpu.memref_slice %arg12[%dma_start3A_345, %dma_start3A_346] : memref<768x128xf32, #tpu.memory_space<vmem>> -> memref<128x128xf32, #tpu.memory_space<vmem>>
    %dma_start3A_348 = arith.constant 0 : i32
    %dma_start3A_349 = tpu.memref_slice %arg7[%add3A_24, %dma_start3A_348] : memref<12288x128xf32, #tpu.memory_space<hbm>> -> memref<128x128xf32, #tpu.memory_space<hbm>>
    %dma_start3A_350 = arith.constant 0 : i32
    %dma_start3A_351 = tpu.memref_slice %arg7[%add3A_24, %dma_start3A_350] : memref<12288x128xf32, #tpu.memory_space<hbm>> -> memref<128x128xf32, #tpu.memory_space<hbm>>
    %dma_start3A_352 = arith.constant 640 : i32
    %dma_start3A_353 = arith.constant 0 : i32
    %dma_start3A_354 = tpu.memref_slice %arg12[%dma_start3A_352, %dma_start3A_353] : memref<768x128xf32, #tpu.memory_space<vmem>> -> memref<128x128xf32, #tpu.memory_space<vmem>>
    tpu.enqueue_dma source(%dma_start3A_354 : memref<128x128xf32, #tpu.memory_space<vmem>>) target(%dma_start3A_351 : memref<128x128xf32, #tpu.memory_space<hbm>>) target_semaphore(%arg24 : memref<!tpu.dma_semaphore, #tpu.memory_space<semaphore_mem>>)
    %dma_wait3A_355 = arith.constant 512 : i32
    %dma_wait3A_356 = arith.constant 0 : i32
    %dma_wait3A_357 = tpu.memref_slice %arg12[%dma_wait3A_355, %dma_wait3A_356] : memref<768x128xf32, #tpu.memory_space<vmem>> -> memref<128x128xf32, #tpu.memory_space<vmem>>
    %dma_wait3A_358 = arith.constant 0 : i32
    %dma_wait3A_359 = tpu.memref_slice %arg7[%add3A_20, %dma_wait3A_358] : memref<12288x128xf32, #tpu.memory_space<hbm>> -> memref<128x128xf32, #tpu.memory_space<hbm>>
    %dma_wait3A_360 = arith.constant 0 : i32
    %dma_wait3A_361 = tpu.memref_slice %arg7[%add3A_20, %dma_wait3A_360] : memref<12288x128xf32, #tpu.memory_space<hbm>> -> memref<128x128xf32, #tpu.memory_space<hbm>>
    %dma_wait3A_362 = arith.constant 512 : i32
    %dma_wait3A_363 = arith.constant 0 : i32
    %dma_wait3A_364 = tpu.memref_slice %arg12[%dma_wait3A_362, %dma_wait3A_363] : memref<768x128xf32, #tpu.memory_space<vmem>> -> memref<128x128xf32, #tpu.memory_space<vmem>>
    tpu.wait_dma2 semaphore(%arg23 : memref<!tpu.dma_semaphore, #tpu.memory_space<semaphore_mem>>) src(%dma_wait3A_364 : memref<128x128xf32, #tpu.memory_space<vmem>>) dst(%dma_wait3A_361 : memref<128x128xf32, #tpu.memory_space<hbm>>)
    %dma_start3A_365 = arith.constant 4 : i32
    %dma_start3A_366 = arith.constant 512 : i32
    %dma_start3A_367 = arith.constant 0 : i32
    %dma_start3A_368 = tpu.memref_slice %arg12[%dma_start3A_366, %dma_start3A_367] : memref<768x128xf32, #tpu.memory_space<vmem>> -> memref<128x128xf32, #tpu.memory_space<vmem>>
    %dma_start3A_369 = arith.constant 0 : i32
    %dma_start3A_370 = tpu.memref_slice %arg11[%dma_start3A_365, %dma_start3A_369] : memref<18x128xi32, #tpu.memory_space<vmem>> -> memref<1x128xi32, #tpu.memory_space<vmem>>
    %dma_start3A_371 = tpu.memref_squeeze %dma_start3A_370 : memref<1x128xi32, #tpu.memory_space<vmem>> -> memref<128xi32, #tpu.memory_space<vmem>>
    %dma_start3A_372 = arith.constant 0 : i32
    %dma_start3A_373 = arith.constant 0 : i32
    %dma_start3A_374 = tpu.memref_slice %arg3[%dma_start3A_372, %dma_start3A_373] : memref<100000x128xf32, #tpu.memory_space<hbm>> -> memref<100000x128xf32, #tpu.memory_space<hbm>>
    tpu.enqueue_indirect_dma source(%dma_start3A_374 : memref<100000x128xf32, #tpu.memory_space<hbm>>) target(%dma_start3A_368 : memref<128x128xf32, #tpu.memory_space<vmem>>) offsets(%dma_start3A_371 : memref<128xi32, #tpu.memory_space<vmem>>) semaphore(%arg17 : memref<!tpu.dma_semaphore, #tpu.memory_space<semaphore_mem>>)
    %dma_wait3A_375 = arith.constant 0 : i32
    %dma_wait3A_376 = arith.constant 0 : i32
    %dma_wait3A_377 = arith.constant 0 : i32
    %dma_wait3A_378 = tpu.memref_slice %arg12[%dma_wait3A_376, %dma_wait3A_377] : memref<768x128xf32, #tpu.memory_space<vmem>> -> memref<128x128xf32, #tpu.memory_space<vmem>>
    %dma_wait3A_379 = arith.constant 0 : i32
    %dma_wait3A_380 = tpu.memref_slice %arg11[%dma_wait3A_375, %dma_wait3A_379] : memref<18x128xi32, #tpu.memory_space<vmem>> -> memref<1x128xi32, #tpu.memory_space<vmem>>
    %dma_wait3A_381 = tpu.memref_squeeze %dma_wait3A_380 : memref<1x128xi32, #tpu.memory_space<vmem>> -> memref<128xi32, #tpu.memory_space<vmem>>
    %dma_wait3A_382 = arith.constant 0 : i32
    %dma_wait3A_383 = arith.constant 0 : i32
    %dma_wait3A_384 = tpu.memref_slice %arg3[%dma_wait3A_382, %dma_wait3A_383] : memref<100000x128xf32, #tpu.memory_space<hbm>> -> memref<100000x128xf32, #tpu.memory_space<hbm>>
    tpu.wait_indirect_dma semaphore(%arg13 : memref<!tpu.dma_semaphore, #tpu.memory_space<semaphore_mem>>) src(%dma_wait3A_384 : memref<100000x128xf32, #tpu.memory_space<hbm>>) dst(%dma_wait3A_378 : memref<128x128xf32, #tpu.memory_space<vmem>>)
    %dma_start3A_385 = arith.constant 0 : i32
    %dma_start3A_386 = arith.constant 0 : i32
    %dma_start3A_387 = tpu.memref_slice %arg12[%dma_start3A_385, %dma_start3A_386] : memref<768x128xf32, #tpu.memory_space<vmem>> -> memref<128x128xf32, #tpu.memory_space<vmem>>
    %dma_start3A_388 = arith.constant 0 : i32
    %dma_start3A_389 = tpu.memref_slice %arg8[%add3A_28, %dma_start3A_388] : memref<12288x128xf32, #tpu.memory_space<hbm>> -> memref<128x128xf32, #tpu.memory_space<hbm>>
    %dma_start3A_390 = arith.constant 0 : i32
    %dma_start3A_391 = tpu.memref_slice %arg8[%add3A_28, %dma_start3A_390] : memref<12288x128xf32, #tpu.memory_space<hbm>> -> memref<128x128xf32, #tpu.memory_space<hbm>>
    %dma_start3A_392 = arith.constant 0 : i32
    %dma_start3A_393 = arith.constant 0 : i32
    %dma_start3A_394 = tpu.memref_slice %arg12[%dma_start3A_392, %dma_start3A_393] : memref<768x128xf32, #tpu.memory_space<vmem>> -> memref<128x128xf32, #tpu.memory_space<vmem>>
    tpu.enqueue_dma source(%dma_start3A_394 : memref<128x128xf32, #tpu.memory_space<vmem>>) target(%dma_start3A_391 : memref<128x128xf32, #tpu.memory_space<hbm>>) target_semaphore(%arg19 : memref<!tpu.dma_semaphore, #tpu.memory_space<semaphore_mem>>)
    %dma_wait3A_395 = arith.constant 640 : i32
    %dma_wait3A_396 = arith.constant 0 : i32
    %dma_wait3A_397 = tpu.memref_slice %arg12[%dma_wait3A_395, %dma_wait3A_396] : memref<768x128xf32, #tpu.memory_space<vmem>> -> memref<128x128xf32, #tpu.memory_space<vmem>>
    %dma_wait3A_398 = arith.constant 0 : i32
    %dma_wait3A_399 = tpu.memref_slice %arg7[%add3A_24, %dma_wait3A_398] : memref<12288x128xf32, #tpu.memory_space<hbm>> -> memref<128x128xf32, #tpu.memory_space<hbm>>
    %dma_wait3A_400 = arith.constant 0 : i32
    %dma_wait3A_401 = tpu.memref_slice %arg7[%add3A_24, %dma_wait3A_400] : memref<12288x128xf32, #tpu.memory_space<hbm>> -> memref<128x128xf32, #tpu.memory_space<hbm>>
    %dma_wait3A_402 = arith.constant 640 : i32
    %dma_wait3A_403 = arith.constant 0 : i32
    %dma_wait3A_404 = tpu.memref_slice %arg12[%dma_wait3A_402, %dma_wait3A_403] : memref<768x128xf32, #tpu.memory_space<vmem>> -> memref<128x128xf32, #tpu.memory_space<vmem>>
    tpu.wait_dma2 semaphore(%arg24 : memref<!tpu.dma_semaphore, #tpu.memory_space<semaphore_mem>>) src(%dma_wait3A_404 : memref<128x128xf32, #tpu.memory_space<vmem>>) dst(%dma_wait3A_401 : memref<128x128xf32, #tpu.memory_space<hbm>>)
    %dma_start3A_405 = arith.constant 5 : i32
    %dma_start3A_406 = arith.constant 640 : i32
    %dma_start3A_407 = arith.constant 0 : i32
    %dma_start3A_408 = tpu.memref_slice %arg12[%dma_start3A_406, %dma_start3A_407] : memref<768x128xf32, #tpu.memory_space<vmem>> -> memref<128x128xf32, #tpu.memory_space<vmem>>
    %dma_start3A_409 = arith.constant 0 : i32
    %dma_start3A_410 = tpu.memref_slice %arg11[%dma_start3A_405, %dma_start3A_409] : memref<18x128xi32, #tpu.memory_space<vmem>> -> memref<1x128xi32, #tpu.memory_space<vmem>>
    %dma_start3A_411 = tpu.memref_squeeze %dma_start3A_410 : memref<1x128xi32, #tpu.memory_space<vmem>> -> memref<128xi32, #tpu.memory_space<vmem>>
    %dma_start3A_412 = arith.constant 0 : i32
    %dma_start3A_413 = arith.constant 0 : i32
    %dma_start3A_414 = tpu.memref_slice %arg3[%dma_start3A_412, %dma_start3A_413] : memref<100000x128xf32, #tpu.memory_space<hbm>> -> memref<100000x128xf32, #tpu.memory_space<hbm>>
    tpu.enqueue_indirect_dma source(%dma_start3A_414 : memref<100000x128xf32, #tpu.memory_space<hbm>>) target(%dma_start3A_408 : memref<128x128xf32, #tpu.memory_space<vmem>>) offsets(%dma_start3A_411 : memref<128xi32, #tpu.memory_space<vmem>>) semaphore(%arg18 : memref<!tpu.dma_semaphore, #tpu.memory_space<semaphore_mem>>)
    %dma_wait3A_415 = arith.constant 1 : i32
    %dma_wait3A_416 = arith.constant 128 : i32
    %dma_wait3A_417 = arith.constant 0 : i32
    %dma_wait3A_418 = tpu.memref_slice %arg12[%dma_wait3A_416, %dma_wait3A_417] : memref<768x128xf32, #tpu.memory_space<vmem>> -> memref<128x128xf32, #tpu.memory_space<vmem>>
    %dma_wait3A_419 = arith.constant 0 : i32
    %dma_wait3A_420 = tpu.memref_slice %arg11[%dma_wait3A_415, %dma_wait3A_419] : memref<18x128xi32, #tpu.memory_space<vmem>> -> memref<1x128xi32, #tpu.memory_space<vmem>>
    %dma_wait3A_421 = tpu.memref_squeeze %dma_wait3A_420 : memref<1x128xi32, #tpu.memory_space<vmem>> -> memref<128xi32, #tpu.memory_space<vmem>>
    %dma_wait3A_422 = arith.constant 0 : i32
    %dma_wait3A_423 = arith.constant 0 : i32
    %dma_wait3A_424 = tpu.memref_slice %arg3[%dma_wait3A_422, %dma_wait3A_423] : memref<100000x128xf32, #tpu.memory_space<hbm>> -> memref<100000x128xf32, #tpu.memory_space<hbm>>
    tpu.wait_indirect_dma semaphore(%arg14 : memref<!tpu.dma_semaphore, #tpu.memory_space<semaphore_mem>>) src(%dma_wait3A_424 : memref<100000x128xf32, #tpu.memory_space<hbm>>) dst(%dma_wait3A_418 : memref<128x128xf32, #tpu.memory_space<vmem>>)
    %dma_start3A_425 = arith.constant 128 : i32
    %dma_start3A_426 = arith.constant 0 : i32
    %dma_start3A_427 = tpu.memref_slice %arg12[%dma_start3A_425, %dma_start3A_426] : memref<768x128xf32, #tpu.memory_space<vmem>> -> memref<128x128xf32, #tpu.memory_space<vmem>>
    %dma_start3A_428 = arith.constant 0 : i32
    %dma_start3A_429 = tpu.memref_slice %arg8[%add3A_32, %dma_start3A_428] : memref<12288x128xf32, #tpu.memory_space<hbm>> -> memref<128x128xf32, #tpu.memory_space<hbm>>
    %dma_start3A_430 = arith.constant 0 : i32
    %dma_start3A_431 = tpu.memref_slice %arg8[%add3A_32, %dma_start3A_430] : memref<12288x128xf32, #tpu.memory_space<hbm>> -> memref<128x128xf32, #tpu.memory_space<hbm>>
    %dma_start3A_432 = arith.constant 128 : i32
    %dma_start3A_433 = arith.constant 0 : i32
    %dma_start3A_434 = tpu.memref_slice %arg12[%dma_start3A_432, %dma_start3A_433] : memref<768x128xf32, #tpu.memory_space<vmem>> -> memref<128x128xf32, #tpu.memory_space<vmem>>
    tpu.enqueue_dma source(%dma_start3A_434 : memref<128x128xf32, #tpu.memory_space<vmem>>) target(%dma_start3A_431 : memref<128x128xf32, #tpu.memory_space<hbm>>) target_semaphore(%arg20 : memref<!tpu.dma_semaphore, #tpu.memory_space<semaphore_mem>>)
    %dma_wait3A_435 = arith.constant 0 : i32
    %dma_wait3A_436 = arith.constant 0 : i32
    %dma_wait3A_437 = tpu.memref_slice %arg12[%dma_wait3A_435, %dma_wait3A_436] : memref<768x128xf32, #tpu.memory_space<vmem>> -> memref<128x128xf32, #tpu.memory_space<vmem>>
    %dma_wait3A_438 = arith.constant 0 : i32
    %dma_wait3A_439 = tpu.memref_slice %arg8[%add3A_28, %dma_wait3A_438] : memref<12288x128xf32, #tpu.memory_space<hbm>> -> memref<128x128xf32, #tpu.memory_space<hbm>>
    %dma_wait3A_440 = arith.constant 0 : i32
    %dma_wait3A_441 = tpu.memref_slice %arg8[%add3A_28, %dma_wait3A_440] : memref<12288x128xf32, #tpu.memory_space<hbm>> -> memref<128x128xf32, #tpu.memory_space<hbm>>
    %dma_wait3A_442 = arith.constant 0 : i32
    %dma_wait3A_443 = arith.constant 0 : i32
    %dma_wait3A_444 = tpu.memref_slice %arg12[%dma_wait3A_442, %dma_wait3A_443] : memref<768x128xf32, #tpu.memory_space<vmem>> -> memref<128x128xf32, #tpu.memory_space<vmem>>
    tpu.wait_dma2 semaphore(%arg19 : memref<!tpu.dma_semaphore, #tpu.memory_space<semaphore_mem>>) src(%dma_wait3A_444 : memref<128x128xf32, #tpu.memory_space<vmem>>) dst(%dma_wait3A_441 : memref<128x128xf32, #tpu.memory_space<hbm>>)
    %dma_start3A_445 = arith.constant 6 : i32
    %dma_start3A_446 = arith.constant 0 : i32
    %dma_start3A_447 = arith.constant 0 : i32
    %dma_start3A_448 = tpu.memref_slice %arg12[%dma_start3A_446, %dma_start3A_447] : memref<768x128xf32, #tpu.memory_space<vmem>> -> memref<128x128xf32, #tpu.memory_space<vmem>>
    %dma_start3A_449 = arith.constant 0 : i32
    %dma_start3A_450 = tpu.memref_slice %arg11[%dma_start3A_445, %dma_start3A_449] : memref<18x128xi32, #tpu.memory_space<vmem>> -> memref<1x128xi32, #tpu.memory_space<vmem>>
    %dma_start3A_451 = tpu.memref_squeeze %dma_start3A_450 : memref<1x128xi32, #tpu.memory_space<vmem>> -> memref<128xi32, #tpu.memory_space<vmem>>
    %dma_start3A_452 = arith.constant 0 : i32
    %dma_start3A_453 = arith.constant 0 : i32
    %dma_start3A_454 = tpu.memref_slice %arg3[%dma_start3A_452, %dma_start3A_453] : memref<100000x128xf32, #tpu.memory_space<hbm>> -> memref<100000x128xf32, #tpu.memory_space<hbm>>
    tpu.enqueue_indirect_dma source(%dma_start3A_454 : memref<100000x128xf32, #tpu.memory_space<hbm>>) target(%dma_start3A_448 : memref<128x128xf32, #tpu.memory_space<vmem>>) offsets(%dma_start3A_451 : memref<128xi32, #tpu.memory_space<vmem>>) semaphore(%arg13 : memref<!tpu.dma_semaphore, #tpu.memory_space<semaphore_mem>>)
    %dma_wait3A_455 = arith.constant 2 : i32
    %dma_wait3A_456 = arith.constant 256 : i32
    %dma_wait3A_457 = arith.constant 0 : i32
    %dma_wait3A_458 = tpu.memref_slice %arg12[%dma_wait3A_456, %dma_wait3A_457] : memref<768x128xf32, #tpu.memory_space<vmem>> -> memref<128x128xf32, #tpu.memory_space<vmem>>
    %dma_wait3A_459 = arith.constant 0 : i32
    %dma_wait3A_460 = tpu.memref_slice %arg11[%dma_wait3A_455, %dma_wait3A_459] : memref<18x128xi32, #tpu.memory_space<vmem>> -> memref<1x128xi32, #tpu.memory_space<vmem>>
    %dma_wait3A_461 = tpu.memref_squeeze %dma_wait3A_460 : memref<1x128xi32, #tpu.memory_space<vmem>> -> memref<128xi32, #tpu.memory_space<vmem>>
    %dma_wait3A_462 = arith.constant 0 : i32
    %dma_wait3A_463 = arith.constant 0 : i32
    %dma_wait3A_464 = tpu.memref_slice %arg3[%dma_wait3A_462, %dma_wait3A_463] : memref<100000x128xf32, #tpu.memory_space<hbm>> -> memref<100000x128xf32, #tpu.memory_space<hbm>>
    tpu.wait_indirect_dma semaphore(%arg15 : memref<!tpu.dma_semaphore, #tpu.memory_space<semaphore_mem>>) src(%dma_wait3A_464 : memref<100000x128xf32, #tpu.memory_space<hbm>>) dst(%dma_wait3A_458 : memref<128x128xf32, #tpu.memory_space<vmem>>)
    %dma_start3A_465 = arith.constant 256 : i32
    %dma_start3A_466 = arith.constant 0 : i32
    %dma_start3A_467 = tpu.memref_slice %arg12[%dma_start3A_465, %dma_start3A_466] : memref<768x128xf32, #tpu.memory_space<vmem>> -> memref<128x128xf32, #tpu.memory_space<vmem>>
    %dma_start3A_468 = arith.constant 0 : i32
    %dma_start3A_469 = tpu.memref_slice %arg8[%add3A_36, %dma_start3A_468] : memref<12288x128xf32, #tpu.memory_space<hbm>> -> memref<128x128xf32, #tpu.memory_space<hbm>>
    %dma_start3A_470 = arith.constant 0 : i32
    %dma_start3A_471 = tpu.memref_slice %arg8[%add3A_36, %dma_start3A_470] : memref<12288x128xf32, #tpu.memory_space<hbm>> -> memref<128x128xf32, #tpu.memory_space<hbm>>
    %dma_start3A_472 = arith.constant 256 : i32
    %dma_start3A_473 = arith.constant 0 : i32
    %dma_start3A_474 = tpu.memref_slice %arg12[%dma_start3A_472, %dma_start3A_473] : memref<768x128xf32, #tpu.memory_space<vmem>> -> memref<128x128xf32, #tpu.memory_space<vmem>>
    tpu.enqueue_dma source(%dma_start3A_474 : memref<128x128xf32, #tpu.memory_space<vmem>>) target(%dma_start3A_471 : memref<128x128xf32, #tpu.memory_space<hbm>>) target_semaphore(%arg21 : memref<!tpu.dma_semaphore, #tpu.memory_space<semaphore_mem>>)
    %dma_wait3A_475 = arith.constant 128 : i32
    %dma_wait3A_476 = arith.constant 0 : i32
    %dma_wait3A_477 = tpu.memref_slice %arg12[%dma_wait3A_475, %dma_wait3A_476] : memref<768x128xf32, #tpu.memory_space<vmem>> -> memref<128x128xf32, #tpu.memory_space<vmem>>
    %dma_wait3A_478 = arith.constant 0 : i32
    %dma_wait3A_479 = tpu.memref_slice %arg8[%add3A_32, %dma_wait3A_478] : memref<12288x128xf32, #tpu.memory_space<hbm>> -> memref<128x128xf32, #tpu.memory_space<hbm>>
    %dma_wait3A_480 = arith.constant 0 : i32
    %dma_wait3A_481 = tpu.memref_slice %arg8[%add3A_32, %dma_wait3A_480] : memref<12288x128xf32, #tpu.memory_space<hbm>> -> memref<128x128xf32, #tpu.memory_space<hbm>>
    %dma_wait3A_482 = arith.constant 128 : i32
    %dma_wait3A_483 = arith.constant 0 : i32
    %dma_wait3A_484 = tpu.memref_slice %arg12[%dma_wait3A_482, %dma_wait3A_483] : memref<768x128xf32, #tpu.memory_space<vmem>> -> memref<128x128xf32, #tpu.memory_space<vmem>>
    tpu.wait_dma2 semaphore(%arg20 : memref<!tpu.dma_semaphore, #tpu.memory_space<semaphore_mem>>) src(%dma_wait3A_484 : memref<128x128xf32, #tpu.memory_space<vmem>>) dst(%dma_wait3A_481 : memref<128x128xf32, #tpu.memory_space<hbm>>)
    %dma_start3A_485 = arith.constant 7 : i32
    %dma_start3A_486 = arith.constant 128 : i32
    %dma_start3A_487 = arith.constant 0 : i32
    %dma_start3A_488 = tpu.memref_slice %arg12[%dma_start3A_486, %dma_start3A_487] : memref<768x128xf32, #tpu.memory_space<vmem>> -> memref<128x128xf32, #tpu.memory_space<vmem>>
    %dma_start3A_489 = arith.constant 0 : i32
    %dma_start3A_490 = tpu.memref_slice %arg11[%dma_start3A_485, %dma_start3A_489] : memref<18x128xi32, #tpu.memory_space<vmem>> -> memref<1x128xi32, #tpu.memory_space<vmem>>
    %dma_start3A_491 = tpu.memref_squeeze %dma_start3A_490 : memref<1x128xi32, #tpu.memory_space<vmem>> -> memref<128xi32, #tpu.memory_space<vmem>>
    %dma_start3A_492 = arith.constant 0 : i32
    %dma_start3A_493 = arith.constant 0 : i32
    %dma_start3A_494 = tpu.memref_slice %arg3[%dma_start3A_492, %dma_start3A_493] : memref<100000x128xf32, #tpu.memory_space<hbm>> -> memref<100000x128xf32, #tpu.memory_space<hbm>>
    tpu.enqueue_indirect_dma source(%dma_start3A_494 : memref<100000x128xf32, #tpu.memory_space<hbm>>) target(%dma_start3A_488 : memref<128x128xf32, #tpu.memory_space<vmem>>) offsets(%dma_start3A_491 : memref<128xi32, #tpu.memory_space<vmem>>) semaphore(%arg14 : memref<!tpu.dma_semaphore, #tpu.memory_space<semaphore_mem>>)
    %dma_wait3A_495 = arith.constant 3 : i32
    %dma_wait3A_496 = arith.constant 384 : i32
    %dma_wait3A_497 = arith.constant 0 : i32
    %dma_wait3A_498 = tpu.memref_slice %arg12[%dma_wait3A_496, %dma_wait3A_497] : memref<768x128xf32, #tpu.memory_space<vmem>> -> memref<128x128xf32, #tpu.memory_space<vmem>>
    %dma_wait3A_499 = arith.constant 0 : i32
    %dma_wait3A_500 = tpu.memref_slice %arg11[%dma_wait3A_495, %dma_wait3A_499] : memref<18x128xi32, #tpu.memory_space<vmem>> -> memref<1x128xi32, #tpu.memory_space<vmem>>
    %dma_wait3A_501 = tpu.memref_squeeze %dma_wait3A_500 : memref<1x128xi32, #tpu.memory_space<vmem>> -> memref<128xi32, #tpu.memory_space<vmem>>
    %dma_wait3A_502 = arith.constant 0 : i32
    %dma_wait3A_503 = arith.constant 0 : i32
    %dma_wait3A_504 = tpu.memref_slice %arg3[%dma_wait3A_502, %dma_wait3A_503] : memref<100000x128xf32, #tpu.memory_space<hbm>> -> memref<100000x128xf32, #tpu.memory_space<hbm>>
    tpu.wait_indirect_dma semaphore(%arg16 : memref<!tpu.dma_semaphore, #tpu.memory_space<semaphore_mem>>) src(%dma_wait3A_504 : memref<100000x128xf32, #tpu.memory_space<hbm>>) dst(%dma_wait3A_498 : memref<128x128xf32, #tpu.memory_space<vmem>>)
    %dma_start3A_505 = arith.constant 384 : i32
    %dma_start3A_506 = arith.constant 0 : i32
    %dma_start3A_507 = tpu.memref_slice %arg12[%dma_start3A_505, %dma_start3A_506] : memref<768x128xf32, #tpu.memory_space<vmem>> -> memref<128x128xf32, #tpu.memory_space<vmem>>
    %dma_start3A_508 = arith.constant 0 : i32
    %dma_start3A_509 = tpu.memref_slice %arg9[%add3A_40, %dma_start3A_508] : memref<61440x128xf32, #tpu.memory_space<hbm>> -> memref<128x128xf32, #tpu.memory_space<hbm>>
    %dma_start3A_510 = arith.constant 0 : i32
    %dma_start3A_511 = tpu.memref_slice %arg9[%add3A_40, %dma_start3A_510] : memref<61440x128xf32, #tpu.memory_space<hbm>> -> memref<128x128xf32, #tpu.memory_space<hbm>>
    %dma_start3A_512 = arith.constant 384 : i32
    %dma_start3A_513 = arith.constant 0 : i32
    %dma_start3A_514 = tpu.memref_slice %arg12[%dma_start3A_512, %dma_start3A_513] : memref<768x128xf32, #tpu.memory_space<vmem>> -> memref<128x128xf32, #tpu.memory_space<vmem>>
    tpu.enqueue_dma source(%dma_start3A_514 : memref<128x128xf32, #tpu.memory_space<vmem>>) target(%dma_start3A_511 : memref<128x128xf32, #tpu.memory_space<hbm>>) target_semaphore(%arg22 : memref<!tpu.dma_semaphore, #tpu.memory_space<semaphore_mem>>)
    %dma_wait3A_515 = arith.constant 256 : i32
    %dma_wait3A_516 = arith.constant 0 : i32
    %dma_wait3A_517 = tpu.memref_slice %arg12[%dma_wait3A_515, %dma_wait3A_516] : memref<768x128xf32, #tpu.memory_space<vmem>> -> memref<128x128xf32, #tpu.memory_space<vmem>>
    %dma_wait3A_518 = arith.constant 0 : i32
    %dma_wait3A_519 = tpu.memref_slice %arg8[%add3A_36, %dma_wait3A_518] : memref<12288x128xf32, #tpu.memory_space<hbm>> -> memref<128x128xf32, #tpu.memory_space<hbm>>
    %dma_wait3A_520 = arith.constant 0 : i32
    %dma_wait3A_521 = tpu.memref_slice %arg8[%add3A_36, %dma_wait3A_520] : memref<12288x128xf32, #tpu.memory_space<hbm>> -> memref<128x128xf32, #tpu.memory_space<hbm>>
    %dma_wait3A_522 = arith.constant 256 : i32
    %dma_wait3A_523 = arith.constant 0 : i32
    %dma_wait3A_524 = tpu.memref_slice %arg12[%dma_wait3A_522, %dma_wait3A_523] : memref<768x128xf32, #tpu.memory_space<vmem>> -> memref<128x128xf32, #tpu.memory_space<vmem>>
    tpu.wait_dma2 semaphore(%arg21 : memref<!tpu.dma_semaphore, #tpu.memory_space<semaphore_mem>>) src(%dma_wait3A_524 : memref<128x128xf32, #tpu.memory_space<vmem>>) dst(%dma_wait3A_521 : memref<128x128xf32, #tpu.memory_space<hbm>>)
    %dma_start3A_525 = arith.constant 8 : i32
    %dma_start3A_526 = arith.constant 256 : i32
    %dma_start3A_527 = arith.constant 0 : i32
    %dma_start3A_528 = tpu.memref_slice %arg12[%dma_start3A_526, %dma_start3A_527] : memref<768x128xf32, #tpu.memory_space<vmem>> -> memref<128x128xf32, #tpu.memory_space<vmem>>
    %dma_start3A_529 = arith.constant 0 : i32
    %dma_start3A_530 = tpu.memref_slice %arg11[%dma_start3A_525, %dma_start3A_529] : memref<18x128xi32, #tpu.memory_space<vmem>> -> memref<1x128xi32, #tpu.memory_space<vmem>>
    %dma_start3A_531 = tpu.memref_squeeze %dma_start3A_530 : memref<1x128xi32, #tpu.memory_space<vmem>> -> memref<128xi32, #tpu.memory_space<vmem>>
    %dma_start3A_532 = arith.constant 0 : i32
    %dma_start3A_533 = arith.constant 0 : i32
    %dma_start3A_534 = tpu.memref_slice %arg3[%dma_start3A_532, %dma_start3A_533] : memref<100000x128xf32, #tpu.memory_space<hbm>> -> memref<100000x128xf32, #tpu.memory_space<hbm>>
    tpu.enqueue_indirect_dma source(%dma_start3A_534 : memref<100000x128xf32, #tpu.memory_space<hbm>>) target(%dma_start3A_528 : memref<128x128xf32, #tpu.memory_space<vmem>>) offsets(%dma_start3A_531 : memref<128xi32, #tpu.memory_space<vmem>>) semaphore(%arg15 : memref<!tpu.dma_semaphore, #tpu.memory_space<semaphore_mem>>)
    %dma_wait3A_535 = arith.constant 4 : i32
    %dma_wait3A_536 = arith.constant 512 : i32
    %dma_wait3A_537 = arith.constant 0 : i32
    %dma_wait3A_538 = tpu.memref_slice %arg12[%dma_wait3A_536, %dma_wait3A_537] : memref<768x128xf32, #tpu.memory_space<vmem>> -> memref<128x128xf32, #tpu.memory_space<vmem>>
    %dma_wait3A_539 = arith.constant 0 : i32
    %dma_wait3A_540 = tpu.memref_slice %arg11[%dma_wait3A_535, %dma_wait3A_539] : memref<18x128xi32, #tpu.memory_space<vmem>> -> memref<1x128xi32, #tpu.memory_space<vmem>>
    %dma_wait3A_541 = tpu.memref_squeeze %dma_wait3A_540 : memref<1x128xi32, #tpu.memory_space<vmem>> -> memref<128xi32, #tpu.memory_space<vmem>>
    %dma_wait3A_542 = arith.constant 0 : i32
    %dma_wait3A_543 = arith.constant 0 : i32
    %dma_wait3A_544 = tpu.memref_slice %arg3[%dma_wait3A_542, %dma_wait3A_543] : memref<100000x128xf32, #tpu.memory_space<hbm>> -> memref<100000x128xf32, #tpu.memory_space<hbm>>
    tpu.wait_indirect_dma semaphore(%arg17 : memref<!tpu.dma_semaphore, #tpu.memory_space<semaphore_mem>>) src(%dma_wait3A_544 : memref<100000x128xf32, #tpu.memory_space<hbm>>) dst(%dma_wait3A_538 : memref<128x128xf32, #tpu.memory_space<vmem>>)
    %dma_start3A_545 = arith.constant 512 : i32
    %dma_start3A_546 = arith.constant 0 : i32
    %dma_start3A_547 = tpu.memref_slice %arg12[%dma_start3A_545, %dma_start3A_546] : memref<768x128xf32, #tpu.memory_space<vmem>> -> memref<128x128xf32, #tpu.memory_space<vmem>>
    %dma_start3A_548 = arith.constant 0 : i32
    %dma_start3A_549 = tpu.memref_slice %arg9[%add3A_44, %dma_start3A_548] : memref<61440x128xf32, #tpu.memory_space<hbm>> -> memref<128x128xf32, #tpu.memory_space<hbm>>
    %dma_start3A_550 = arith.constant 0 : i32
    %dma_start3A_551 = tpu.memref_slice %arg9[%add3A_44, %dma_start3A_550] : memref<61440x128xf32, #tpu.memory_space<hbm>> -> memref<128x128xf32, #tpu.memory_space<hbm>>
    %dma_start3A_552 = arith.constant 512 : i32
    %dma_start3A_553 = arith.constant 0 : i32
    %dma_start3A_554 = tpu.memref_slice %arg12[%dma_start3A_552, %dma_start3A_553] : memref<768x128xf32, #tpu.memory_space<vmem>> -> memref<128x128xf32, #tpu.memory_space<vmem>>
    tpu.enqueue_dma source(%dma_start3A_554 : memref<128x128xf32, #tpu.memory_space<vmem>>) target(%dma_start3A_551 : memref<128x128xf32, #tpu.memory_space<hbm>>) target_semaphore(%arg23 : memref<!tpu.dma_semaphore, #tpu.memory_space<semaphore_mem>>)
    %dma_wait3A_555 = arith.constant 384 : i32
    %dma_wait3A_556 = arith.constant 0 : i32
    %dma_wait3A_557 = tpu.memref_slice %arg12[%dma_wait3A_555, %dma_wait3A_556] : memref<768x128xf32, #tpu.memory_space<vmem>> -> memref<128x128xf32, #tpu.memory_space<vmem>>
    %dma_wait3A_558 = arith.constant 0 : i32
    %dma_wait3A_559 = tpu.memref_slice %arg9[%add3A_40, %dma_wait3A_558] : memref<61440x128xf32, #tpu.memory_space<hbm>> -> memref<128x128xf32, #tpu.memory_space<hbm>>
    %dma_wait3A_560 = arith.constant 0 : i32
    %dma_wait3A_561 = tpu.memref_slice %arg9[%add3A_40, %dma_wait3A_560] : memref<61440x128xf32, #tpu.memory_space<hbm>> -> memref<128x128xf32, #tpu.memory_space<hbm>>
    %dma_wait3A_562 = arith.constant 384 : i32
    %dma_wait3A_563 = arith.constant 0 : i32
    %dma_wait3A_564 = tpu.memref_slice %arg12[%dma_wait3A_562, %dma_wait3A_563] : memref<768x128xf32, #tpu.memory_space<vmem>> -> memref<128x128xf32, #tpu.memory_space<vmem>>
    tpu.wait_dma2 semaphore(%arg22 : memref<!tpu.dma_semaphore, #tpu.memory_space<semaphore_mem>>) src(%dma_wait3A_564 : memref<128x128xf32, #tpu.memory_space<vmem>>) dst(%dma_wait3A_561 : memref<128x128xf32, #tpu.memory_space<hbm>>)
    %dma_start3A_565 = arith.constant 9 : i32
    %dma_start3A_566 = arith.constant 384 : i32
    %dma_start3A_567 = arith.constant 0 : i32
    %dma_start3A_568 = tpu.memref_slice %arg12[%dma_start3A_566, %dma_start3A_567] : memref<768x128xf32, #tpu.memory_space<vmem>> -> memref<128x128xf32, #tpu.memory_space<vmem>>
    %dma_start3A_569 = arith.constant 0 : i32
    %dma_start3A_570 = tpu.memref_slice %arg11[%dma_start3A_565, %dma_start3A_569] : memref<18x128xi32, #tpu.memory_space<vmem>> -> memref<1x128xi32, #tpu.memory_space<vmem>>
    %dma_start3A_571 = tpu.memref_squeeze %dma_start3A_570 : memref<1x128xi32, #tpu.memory_space<vmem>> -> memref<128xi32, #tpu.memory_space<vmem>>
    %dma_start3A_572 = arith.constant 0 : i32
    %dma_start3A_573 = arith.constant 0 : i32
    %dma_start3A_574 = tpu.memref_slice %arg3[%dma_start3A_572, %dma_start3A_573] : memref<100000x128xf32, #tpu.memory_space<hbm>> -> memref<100000x128xf32, #tpu.memory_space<hbm>>
    tpu.enqueue_indirect_dma source(%dma_start3A_574 : memref<100000x128xf32, #tpu.memory_space<hbm>>) target(%dma_start3A_568 : memref<128x128xf32, #tpu.memory_space<vmem>>) offsets(%dma_start3A_571 : memref<128xi32, #tpu.memory_space<vmem>>) semaphore(%arg16 : memref<!tpu.dma_semaphore, #tpu.memory_space<semaphore_mem>>)
    %dma_wait3A_575 = arith.constant 5 : i32
    %dma_wait3A_576 = arith.constant 640 : i32
    %dma_wait3A_577 = arith.constant 0 : i32
    %dma_wait3A_578 = tpu.memref_slice %arg12[%dma_wait3A_576, %dma_wait3A_577] : memref<768x128xf32, #tpu.memory_space<vmem>> -> memref<128x128xf32, #tpu.memory_space<vmem>>
    %dma_wait3A_579 = arith.constant 0 : i32
    %dma_wait3A_580 = tpu.memref_slice %arg11[%dma_wait3A_575, %dma_wait3A_579] : memref<18x128xi32, #tpu.memory_space<vmem>> -> memref<1x128xi32, #tpu.memory_space<vmem>>
    %dma_wait3A_581 = tpu.memref_squeeze %dma_wait3A_580 : memref<1x128xi32, #tpu.memory_space<vmem>> -> memref<128xi32, #tpu.memory_space<vmem>>
    %dma_wait3A_582 = arith.constant 0 : i32
    %dma_wait3A_583 = arith.constant 0 : i32
    %dma_wait3A_584 = tpu.memref_slice %arg3[%dma_wait3A_582, %dma_wait3A_583] : memref<100000x128xf32, #tpu.memory_space<hbm>> -> memref<100000x128xf32, #tpu.memory_space<hbm>>
    tpu.wait_indirect_dma semaphore(%arg18 : memref<!tpu.dma_semaphore, #tpu.memory_space<semaphore_mem>>) src(%dma_wait3A_584 : memref<100000x128xf32, #tpu.memory_space<hbm>>) dst(%dma_wait3A_578 : memref<128x128xf32, #tpu.memory_space<vmem>>)
    %dma_start3A_585 = arith.constant 640 : i32
    %dma_start3A_586 = arith.constant 0 : i32
    %dma_start3A_587 = tpu.memref_slice %arg12[%dma_start3A_585, %dma_start3A_586] : memref<768x128xf32, #tpu.memory_space<vmem>> -> memref<128x128xf32, #tpu.memory_space<vmem>>
    %dma_start3A_588 = arith.constant 0 : i32
    %dma_start3A_589 = tpu.memref_slice %arg9[%add3A_48, %dma_start3A_588] : memref<61440x128xf32, #tpu.memory_space<hbm>> -> memref<128x128xf32, #tpu.memory_space<hbm>>
    %dma_start3A_590 = arith.constant 0 : i32
    %dma_start3A_591 = tpu.memref_slice %arg9[%add3A_48, %dma_start3A_590] : memref<61440x128xf32, #tpu.memory_space<hbm>> -> memref<128x128xf32, #tpu.memory_space<hbm>>
    %dma_start3A_592 = arith.constant 640 : i32
    %dma_start3A_593 = arith.constant 0 : i32
    %dma_start3A_594 = tpu.memref_slice %arg12[%dma_start3A_592, %dma_start3A_593] : memref<768x128xf32, #tpu.memory_space<vmem>> -> memref<128x128xf32, #tpu.memory_space<vmem>>
    tpu.enqueue_dma source(%dma_start3A_594 : memref<128x128xf32, #tpu.memory_space<vmem>>) target(%dma_start3A_591 : memref<128x128xf32, #tpu.memory_space<hbm>>) target_semaphore(%arg24 : memref<!tpu.dma_semaphore, #tpu.memory_space<semaphore_mem>>)
    %dma_wait3A_595 = arith.constant 512 : i32
    %dma_wait3A_596 = arith.constant 0 : i32
    %dma_wait3A_597 = tpu.memref_slice %arg12[%dma_wait3A_595, %dma_wait3A_596] : memref<768x128xf32, #tpu.memory_space<vmem>> -> memref<128x128xf32, #tpu.memory_space<vmem>>
    %dma_wait3A_598 = arith.constant 0 : i32
    %dma_wait3A_599 = tpu.memref_slice %arg9[%add3A_44, %dma_wait3A_598] : memref<61440x128xf32, #tpu.memory_space<hbm>> -> memref<128x128xf32, #tpu.memory_space<hbm>>
    %dma_wait3A_600 = arith.constant 0 : i32
    %dma_wait3A_601 = tpu.memref_slice %arg9[%add3A_44, %dma_wait3A_600] : memref<61440x128xf32, #tpu.memory_space<hbm>> -> memref<128x128xf32, #tpu.memory_space<hbm>>
    %dma_wait3A_602 = arith.constant 512 : i32
    %dma_wait3A_603 = arith.constant 0 : i32
    %dma_wait3A_604 = tpu.memref_slice %arg12[%dma_wait3A_602, %dma_wait3A_603] : memref<768x128xf32, #tpu.memory_space<vmem>> -> memref<128x128xf32, #tpu.memory_space<vmem>>
    tpu.wait_dma2 semaphore(%arg23 : memref<!tpu.dma_semaphore, #tpu.memory_space<semaphore_mem>>) src(%dma_wait3A_604 : memref<128x128xf32, #tpu.memory_space<vmem>>) dst(%dma_wait3A_601 : memref<128x128xf32, #tpu.memory_space<hbm>>)
    %dma_start3A_605 = arith.constant 10 : i32
    %dma_start3A_606 = arith.constant 512 : i32
    %dma_start3A_607 = arith.constant 0 : i32
    %dma_start3A_608 = tpu.memref_slice %arg12[%dma_start3A_606, %dma_start3A_607] : memref<768x128xf32, #tpu.memory_space<vmem>> -> memref<128x128xf32, #tpu.memory_space<vmem>>
    %dma_start3A_609 = arith.constant 0 : i32
    %dma_start3A_610 = tpu.memref_slice %arg11[%dma_start3A_605, %dma_start3A_609] : memref<18x128xi32, #tpu.memory_space<vmem>> -> memref<1x128xi32, #tpu.memory_space<vmem>>
    %dma_start3A_611 = tpu.memref_squeeze %dma_start3A_610 : memref<1x128xi32, #tpu.memory_space<vmem>> -> memref<128xi32, #tpu.memory_space<vmem>>
    %dma_start3A_612 = arith.constant 0 : i32
    %dma_start3A_613 = arith.constant 0 : i32
    %dma_start3A_614 = tpu.memref_slice %arg3[%dma_start3A_612, %dma_start3A_613] : memref<100000x128xf32, #tpu.memory_space<hbm>> -> memref<100000x128xf32, #tpu.memory_space<hbm>>
    tpu.enqueue_indirect_dma source(%dma_start3A_614 : memref<100000x128xf32, #tpu.memory_space<hbm>>) target(%dma_start3A_608 : memref<128x128xf32, #tpu.memory_space<vmem>>) offsets(%dma_start3A_611 : memref<128xi32, #tpu.memory_space<vmem>>) semaphore(%arg17 : memref<!tpu.dma_semaphore, #tpu.memory_space<semaphore_mem>>)
    %dma_wait3A_615 = arith.constant 6 : i32
    %dma_wait3A_616 = arith.constant 0 : i32
    %dma_wait3A_617 = arith.constant 0 : i32
    %dma_wait3A_618 = tpu.memref_slice %arg12[%dma_wait3A_616, %dma_wait3A_617] : memref<768x128xf32, #tpu.memory_space<vmem>> -> memref<128x128xf32, #tpu.memory_space<vmem>>
    %dma_wait3A_619 = arith.constant 0 : i32
    %dma_wait3A_620 = tpu.memref_slice %arg11[%dma_wait3A_615, %dma_wait3A_619] : memref<18x128xi32, #tpu.memory_space<vmem>> -> memref<1x128xi32, #tpu.memory_space<vmem>>
    %dma_wait3A_621 = tpu.memref_squeeze %dma_wait3A_620 : memref<1x128xi32, #tpu.memory_space<vmem>> -> memref<128xi32, #tpu.memory_space<vmem>>
    %dma_wait3A_622 = arith.constant 0 : i32
    %dma_wait3A_623 = arith.constant 0 : i32
    %dma_wait3A_624 = tpu.memref_slice %arg3[%dma_wait3A_622, %dma_wait3A_623] : memref<100000x128xf32, #tpu.memory_space<hbm>> -> memref<100000x128xf32, #tpu.memory_space<hbm>>
    tpu.wait_indirect_dma semaphore(%arg13 : memref<!tpu.dma_semaphore, #tpu.memory_space<semaphore_mem>>) src(%dma_wait3A_624 : memref<100000x128xf32, #tpu.memory_space<hbm>>) dst(%dma_wait3A_618 : memref<128x128xf32, #tpu.memory_space<vmem>>)
    %dma_start3A_625 = arith.constant 0 : i32
    %dma_start3A_626 = arith.constant 0 : i32
    %dma_start3A_627 = tpu.memref_slice %arg12[%dma_start3A_625, %dma_start3A_626] : memref<768x128xf32, #tpu.memory_space<vmem>> -> memref<128x128xf32, #tpu.memory_space<vmem>>
    %dma_start3A_628 = arith.constant 0 : i32
    %dma_start3A_629 = tpu.memref_slice %arg9[%add3A_52, %dma_start3A_628] : memref<61440x128xf32, #tpu.memory_space<hbm>> -> memref<128x128xf32, #tpu.memory_space<hbm>>
    %dma_start3A_630 = arith.constant 0 : i32
    %dma_start3A_631 = tpu.memref_slice %arg9[%add3A_52, %dma_start3A_630] : memref<61440x128xf32, #tpu.memory_space<hbm>> -> memref<128x128xf32, #tpu.memory_space<hbm>>
    %dma_start3A_632 = arith.constant 0 : i32
    %dma_start3A_633 = arith.constant 0 : i32
    %dma_start3A_634 = tpu.memref_slice %arg12[%dma_start3A_632, %dma_start3A_633] : memref<768x128xf32, #tpu.memory_space<vmem>> -> memref<128x128xf32, #tpu.memory_space<vmem>>
    tpu.enqueue_dma source(%dma_start3A_634 : memref<128x128xf32, #tpu.memory_space<vmem>>) target(%dma_start3A_631 : memref<128x128xf32, #tpu.memory_space<hbm>>) target_semaphore(%arg19 : memref<!tpu.dma_semaphore, #tpu.memory_space<semaphore_mem>>)
    %dma_wait3A_635 = arith.constant 640 : i32
    %dma_wait3A_636 = arith.constant 0 : i32
    %dma_wait3A_637 = tpu.memref_slice %arg12[%dma_wait3A_635, %dma_wait3A_636] : memref<768x128xf32, #tpu.memory_space<vmem>> -> memref<128x128xf32, #tpu.memory_space<vmem>>
    %dma_wait3A_638 = arith.constant 0 : i32
    %dma_wait3A_639 = tpu.memref_slice %arg9[%add3A_48, %dma_wait3A_638] : memref<61440x128xf32, #tpu.memory_space<hbm>> -> memref<128x128xf32, #tpu.memory_space<hbm>>
    %dma_wait3A_640 = arith.constant 0 : i32
    %dma_wait3A_641 = tpu.memref_slice %arg9[%add3A_48, %dma_wait3A_640] : memref<61440x128xf32, #tpu.memory_space<hbm>> -> memref<128x128xf32, #tpu.memory_space<hbm>>
    %dma_wait3A_642 = arith.constant 640 : i32
    %dma_wait3A_643 = arith.constant 0 : i32
    %dma_wait3A_644 = tpu.memref_slice %arg12[%dma_wait3A_642, %dma_wait3A_643] : memref<768x128xf32, #tpu.memory_space<vmem>> -> memref<128x128xf32, #tpu.memory_space<vmem>>
    tpu.wait_dma2 semaphore(%arg24 : memref<!tpu.dma_semaphore, #tpu.memory_space<semaphore_mem>>) src(%dma_wait3A_644 : memref<128x128xf32, #tpu.memory_space<vmem>>) dst(%dma_wait3A_641 : memref<128x128xf32, #tpu.memory_space<hbm>>)
    %dma_start3A_645 = arith.constant 11 : i32
    %dma_start3A_646 = arith.constant 640 : i32
    %dma_start3A_647 = arith.constant 0 : i32
    %dma_start3A_648 = tpu.memref_slice %arg12[%dma_start3A_646, %dma_start3A_647] : memref<768x128xf32, #tpu.memory_space<vmem>> -> memref<128x128xf32, #tpu.memory_space<vmem>>
    %dma_start3A_649 = arith.constant 0 : i32
    %dma_start3A_650 = tpu.memref_slice %arg11[%dma_start3A_645, %dma_start3A_649] : memref<18x128xi32, #tpu.memory_space<vmem>> -> memref<1x128xi32, #tpu.memory_space<vmem>>
    %dma_start3A_651 = tpu.memref_squeeze %dma_start3A_650 : memref<1x128xi32, #tpu.memory_space<vmem>> -> memref<128xi32, #tpu.memory_space<vmem>>
    %dma_start3A_652 = arith.constant 0 : i32
    %dma_start3A_653 = arith.constant 0 : i32
    %dma_start3A_654 = tpu.memref_slice %arg3[%dma_start3A_652, %dma_start3A_653] : memref<100000x128xf32, #tpu.memory_space<hbm>> -> memref<100000x128xf32, #tpu.memory_space<hbm>>
    tpu.enqueue_indirect_dma source(%dma_start3A_654 : memref<100000x128xf32, #tpu.memory_space<hbm>>) target(%dma_start3A_648 : memref<128x128xf32, #tpu.memory_space<vmem>>) offsets(%dma_start3A_651 : memref<128xi32, #tpu.memory_space<vmem>>) semaphore(%arg18 : memref<!tpu.dma_semaphore, #tpu.memory_space<semaphore_mem>>)
    %dma_wait3A_655 = arith.constant 7 : i32
    %dma_wait3A_656 = arith.constant 128 : i32
    %dma_wait3A_657 = arith.constant 0 : i32
    %dma_wait3A_658 = tpu.memref_slice %arg12[%dma_wait3A_656, %dma_wait3A_657] : memref<768x128xf32, #tpu.memory_space<vmem>> -> memref<128x128xf32, #tpu.memory_space<vmem>>
    %dma_wait3A_659 = arith.constant 0 : i32
    %dma_wait3A_660 = tpu.memref_slice %arg11[%dma_wait3A_655, %dma_wait3A_659] : memref<18x128xi32, #tpu.memory_space<vmem>> -> memref<1x128xi32, #tpu.memory_space<vmem>>
    %dma_wait3A_661 = tpu.memref_squeeze %dma_wait3A_660 : memref<1x128xi32, #tpu.memory_space<vmem>> -> memref<128xi32, #tpu.memory_space<vmem>>
    %dma_wait3A_662 = arith.constant 0 : i32
    %dma_wait3A_663 = arith.constant 0 : i32
    %dma_wait3A_664 = tpu.memref_slice %arg3[%dma_wait3A_662, %dma_wait3A_663] : memref<100000x128xf32, #tpu.memory_space<hbm>> -> memref<100000x128xf32, #tpu.memory_space<hbm>>
    tpu.wait_indirect_dma semaphore(%arg14 : memref<!tpu.dma_semaphore, #tpu.memory_space<semaphore_mem>>) src(%dma_wait3A_664 : memref<100000x128xf32, #tpu.memory_space<hbm>>) dst(%dma_wait3A_658 : memref<128x128xf32, #tpu.memory_space<vmem>>)
    %dma_start3A_665 = arith.constant 128 : i32
    %dma_start3A_666 = arith.constant 0 : i32
    %dma_start3A_667 = tpu.memref_slice %arg12[%dma_start3A_665, %dma_start3A_666] : memref<768x128xf32, #tpu.memory_space<vmem>> -> memref<128x128xf32, #tpu.memory_space<vmem>>
    %dma_start3A_668 = arith.constant 0 : i32
    %dma_start3A_669 = tpu.memref_slice %arg9[%add3A_56, %dma_start3A_668] : memref<61440x128xf32, #tpu.memory_space<hbm>> -> memref<128x128xf32, #tpu.memory_space<hbm>>
    %dma_start3A_670 = arith.constant 0 : i32
    %dma_start3A_671 = tpu.memref_slice %arg9[%add3A_56, %dma_start3A_670] : memref<61440x128xf32, #tpu.memory_space<hbm>> -> memref<128x128xf32, #tpu.memory_space<hbm>>
    %dma_start3A_672 = arith.constant 128 : i32
    %dma_start3A_673 = arith.constant 0 : i32
    %dma_start3A_674 = tpu.memref_slice %arg12[%dma_start3A_672, %dma_start3A_673] : memref<768x128xf32, #tpu.memory_space<vmem>> -> memref<128x128xf32, #tpu.memory_space<vmem>>
    tpu.enqueue_dma source(%dma_start3A_674 : memref<128x128xf32, #tpu.memory_space<vmem>>) target(%dma_start3A_671 : memref<128x128xf32, #tpu.memory_space<hbm>>) target_semaphore(%arg20 : memref<!tpu.dma_semaphore, #tpu.memory_space<semaphore_mem>>)
    %dma_wait3A_675 = arith.constant 0 : i32
    %dma_wait3A_676 = arith.constant 0 : i32
    %dma_wait3A_677 = tpu.memref_slice %arg12[%dma_wait3A_675, %dma_wait3A_676] : memref<768x128xf32, #tpu.memory_space<vmem>> -> memref<128x128xf32, #tpu.memory_space<vmem>>
    %dma_wait3A_678 = arith.constant 0 : i32
    %dma_wait3A_679 = tpu.memref_slice %arg9[%add3A_52, %dma_wait3A_678] : memref<61440x128xf32, #tpu.memory_space<hbm>> -> memref<128x128xf32, #tpu.memory_space<hbm>>
    %dma_wait3A_680 = arith.constant 0 : i32
    %dma_wait3A_681 = tpu.memref_slice %arg9[%add3A_52, %dma_wait3A_680] : memref<61440x128xf32, #tpu.memory_space<hbm>> -> memref<128x128xf32, #tpu.memory_space<hbm>>
    %dma_wait3A_682 = arith.constant 0 : i32
    %dma_wait3A_683 = arith.constant 0 : i32
    %dma_wait3A_684 = tpu.memref_slice %arg12[%dma_wait3A_682, %dma_wait3A_683] : memref<768x128xf32, #tpu.memory_space<vmem>> -> memref<128x128xf32, #tpu.memory_space<vmem>>
    tpu.wait_dma2 semaphore(%arg19 : memref<!tpu.dma_semaphore, #tpu.memory_space<semaphore_mem>>) src(%dma_wait3A_684 : memref<128x128xf32, #tpu.memory_space<vmem>>) dst(%dma_wait3A_681 : memref<128x128xf32, #tpu.memory_space<hbm>>)
    %dma_start3A_685 = arith.constant 12 : i32
    %dma_start3A_686 = arith.constant 0 : i32
    %dma_start3A_687 = arith.constant 0 : i32
    %dma_start3A_688 = tpu.memref_slice %arg12[%dma_start3A_686, %dma_start3A_687] : memref<768x128xf32, #tpu.memory_space<vmem>> -> memref<128x128xf32, #tpu.memory_space<vmem>>
    %dma_start3A_689 = arith.constant 0 : i32
    %dma_start3A_690 = tpu.memref_slice %arg11[%dma_start3A_685, %dma_start3A_689] : memref<18x128xi32, #tpu.memory_space<vmem>> -> memref<1x128xi32, #tpu.memory_space<vmem>>
    %dma_start3A_691 = tpu.memref_squeeze %dma_start3A_690 : memref<1x128xi32, #tpu.memory_space<vmem>> -> memref<128xi32, #tpu.memory_space<vmem>>
    %dma_start3A_692 = arith.constant 0 : i32
    %dma_start3A_693 = arith.constant 0 : i32
    %dma_start3A_694 = tpu.memref_slice %arg3[%dma_start3A_692, %dma_start3A_693] : memref<100000x128xf32, #tpu.memory_space<hbm>> -> memref<100000x128xf32, #tpu.memory_space<hbm>>
    tpu.enqueue_indirect_dma source(%dma_start3A_694 : memref<100000x128xf32, #tpu.memory_space<hbm>>) target(%dma_start3A_688 : memref<128x128xf32, #tpu.memory_space<vmem>>) offsets(%dma_start3A_691 : memref<128xi32, #tpu.memory_space<vmem>>) semaphore(%arg13 : memref<!tpu.dma_semaphore, #tpu.memory_space<semaphore_mem>>)
    %dma_wait3A_695 = arith.constant 8 : i32
    %dma_wait3A_696 = arith.constant 256 : i32
    %dma_wait3A_697 = arith.constant 0 : i32
    %dma_wait3A_698 = tpu.memref_slice %arg12[%dma_wait3A_696, %dma_wait3A_697] : memref<768x128xf32, #tpu.memory_space<vmem>> -> memref<128x128xf32, #tpu.memory_space<vmem>>
    %dma_wait3A_699 = arith.constant 0 : i32
    %dma_wait3A_700 = tpu.memref_slice %arg11[%dma_wait3A_695, %dma_wait3A_699] : memref<18x128xi32, #tpu.memory_space<vmem>> -> memref<1x128xi32, #tpu.memory_space<vmem>>
    %dma_wait3A_701 = tpu.memref_squeeze %dma_wait3A_700 : memref<1x128xi32, #tpu.memory_space<vmem>> -> memref<128xi32, #tpu.memory_space<vmem>>
    %dma_wait3A_702 = arith.constant 0 : i32
    %dma_wait3A_703 = arith.constant 0 : i32
    %dma_wait3A_704 = tpu.memref_slice %arg3[%dma_wait3A_702, %dma_wait3A_703] : memref<100000x128xf32, #tpu.memory_space<hbm>> -> memref<100000x128xf32, #tpu.memory_space<hbm>>
    tpu.wait_indirect_dma semaphore(%arg15 : memref<!tpu.dma_semaphore, #tpu.memory_space<semaphore_mem>>) src(%dma_wait3A_704 : memref<100000x128xf32, #tpu.memory_space<hbm>>) dst(%dma_wait3A_698 : memref<128x128xf32, #tpu.memory_space<vmem>>)
    %dma_start3A_705 = arith.constant 256 : i32
    %dma_start3A_706 = arith.constant 0 : i32
    %dma_start3A_707 = tpu.memref_slice %arg12[%dma_start3A_705, %dma_start3A_706] : memref<768x128xf32, #tpu.memory_space<vmem>> -> memref<128x128xf32, #tpu.memory_space<vmem>>
    %dma_start3A_708 = arith.constant 0 : i32
    %dma_start3A_709 = tpu.memref_slice %arg9[%add3A_60, %dma_start3A_708] : memref<61440x128xf32, #tpu.memory_space<hbm>> -> memref<128x128xf32, #tpu.memory_space<hbm>>
    %dma_start3A_710 = arith.constant 0 : i32
    %dma_start3A_711 = tpu.memref_slice %arg9[%add3A_60, %dma_start3A_710] : memref<61440x128xf32, #tpu.memory_space<hbm>> -> memref<128x128xf32, #tpu.memory_space<hbm>>
    %dma_start3A_712 = arith.constant 256 : i32
    %dma_start3A_713 = arith.constant 0 : i32
    %dma_start3A_714 = tpu.memref_slice %arg12[%dma_start3A_712, %dma_start3A_713] : memref<768x128xf32, #tpu.memory_space<vmem>> -> memref<128x128xf32, #tpu.memory_space<vmem>>
    tpu.enqueue_dma source(%dma_start3A_714 : memref<128x128xf32, #tpu.memory_space<vmem>>) target(%dma_start3A_711 : memref<128x128xf32, #tpu.memory_space<hbm>>) target_semaphore(%arg21 : memref<!tpu.dma_semaphore, #tpu.memory_space<semaphore_mem>>)
    %dma_wait3A_715 = arith.constant 128 : i32
    %dma_wait3A_716 = arith.constant 0 : i32
    %dma_wait3A_717 = tpu.memref_slice %arg12[%dma_wait3A_715, %dma_wait3A_716] : memref<768x128xf32, #tpu.memory_space<vmem>> -> memref<128x128xf32, #tpu.memory_space<vmem>>
    %dma_wait3A_718 = arith.constant 0 : i32
    %dma_wait3A_719 = tpu.memref_slice %arg9[%add3A_56, %dma_wait3A_718] : memref<61440x128xf32, #tpu.memory_space<hbm>> -> memref<128x128xf32, #tpu.memory_space<hbm>>
    %dma_wait3A_720 = arith.constant 0 : i32
    %dma_wait3A_721 = tpu.memref_slice %arg9[%add3A_56, %dma_wait3A_720] : memref<61440x128xf32, #tpu.memory_space<hbm>> -> memref<128x128xf32, #tpu.memory_space<hbm>>
    %dma_wait3A_722 = arith.constant 128 : i32
    %dma_wait3A_723 = arith.constant 0 : i32
    %dma_wait3A_724 = tpu.memref_slice %arg12[%dma_wait3A_722, %dma_wait3A_723] : memref<768x128xf32, #tpu.memory_space<vmem>> -> memref<128x128xf32, #tpu.memory_space<vmem>>
    tpu.wait_dma2 semaphore(%arg20 : memref<!tpu.dma_semaphore, #tpu.memory_space<semaphore_mem>>) src(%dma_wait3A_724 : memref<128x128xf32, #tpu.memory_space<vmem>>) dst(%dma_wait3A_721 : memref<128x128xf32, #tpu.memory_space<hbm>>)
    %dma_start3A_725 = arith.constant 13 : i32
    %dma_start3A_726 = arith.constant 128 : i32
    %dma_start3A_727 = arith.constant 0 : i32
    %dma_start3A_728 = tpu.memref_slice %arg12[%dma_start3A_726, %dma_start3A_727] : memref<768x128xf32, #tpu.memory_space<vmem>> -> memref<128x128xf32, #tpu.memory_space<vmem>>
    %dma_start3A_729 = arith.constant 0 : i32
    %dma_start3A_730 = tpu.memref_slice %arg11[%dma_start3A_725, %dma_start3A_729] : memref<18x128xi32, #tpu.memory_space<vmem>> -> memref<1x128xi32, #tpu.memory_space<vmem>>
    %dma_start3A_731 = tpu.memref_squeeze %dma_start3A_730 : memref<1x128xi32, #tpu.memory_space<vmem>> -> memref<128xi32, #tpu.memory_space<vmem>>
    %dma_start3A_732 = arith.constant 0 : i32
    %dma_start3A_733 = arith.constant 0 : i32
    %dma_start3A_734 = tpu.memref_slice %arg3[%dma_start3A_732, %dma_start3A_733] : memref<100000x128xf32, #tpu.memory_space<hbm>> -> memref<100000x128xf32, #tpu.memory_space<hbm>>
    tpu.enqueue_indirect_dma source(%dma_start3A_734 : memref<100000x128xf32, #tpu.memory_space<hbm>>) target(%dma_start3A_728 : memref<128x128xf32, #tpu.memory_space<vmem>>) offsets(%dma_start3A_731 : memref<128xi32, #tpu.memory_space<vmem>>) semaphore(%arg14 : memref<!tpu.dma_semaphore, #tpu.memory_space<semaphore_mem>>)
    %dma_wait3A_735 = arith.constant 9 : i32
    %dma_wait3A_736 = arith.constant 384 : i32
    %dma_wait3A_737 = arith.constant 0 : i32
    %dma_wait3A_738 = tpu.memref_slice %arg12[%dma_wait3A_736, %dma_wait3A_737] : memref<768x128xf32, #tpu.memory_space<vmem>> -> memref<128x128xf32, #tpu.memory_space<vmem>>
    %dma_wait3A_739 = arith.constant 0 : i32
    %dma_wait3A_740 = tpu.memref_slice %arg11[%dma_wait3A_735, %dma_wait3A_739] : memref<18x128xi32, #tpu.memory_space<vmem>> -> memref<1x128xi32, #tpu.memory_space<vmem>>
    %dma_wait3A_741 = tpu.memref_squeeze %dma_wait3A_740 : memref<1x128xi32, #tpu.memory_space<vmem>> -> memref<128xi32, #tpu.memory_space<vmem>>
    %dma_wait3A_742 = arith.constant 0 : i32
    %dma_wait3A_743 = arith.constant 0 : i32
    %dma_wait3A_744 = tpu.memref_slice %arg3[%dma_wait3A_742, %dma_wait3A_743] : memref<100000x128xf32, #tpu.memory_space<hbm>> -> memref<100000x128xf32, #tpu.memory_space<hbm>>
    tpu.wait_indirect_dma semaphore(%arg16 : memref<!tpu.dma_semaphore, #tpu.memory_space<semaphore_mem>>) src(%dma_wait3A_744 : memref<100000x128xf32, #tpu.memory_space<hbm>>) dst(%dma_wait3A_738 : memref<128x128xf32, #tpu.memory_space<vmem>>)
    %dma_start3A_745 = arith.constant 384 : i32
    %dma_start3A_746 = arith.constant 0 : i32
    %dma_start3A_747 = tpu.memref_slice %arg12[%dma_start3A_745, %dma_start3A_746] : memref<768x128xf32, #tpu.memory_space<vmem>> -> memref<128x128xf32, #tpu.memory_space<vmem>>
    %dma_start3A_748 = arith.constant 0 : i32
    %dma_start3A_749 = tpu.memref_slice %arg9[%add3A_64, %dma_start3A_748] : memref<61440x128xf32, #tpu.memory_space<hbm>> -> memref<128x128xf32, #tpu.memory_space<hbm>>
    %dma_start3A_750 = arith.constant 0 : i32
    %dma_start3A_751 = tpu.memref_slice %arg9[%add3A_64, %dma_start3A_750] : memref<61440x128xf32, #tpu.memory_space<hbm>> -> memref<128x128xf32, #tpu.memory_space<hbm>>
    %dma_start3A_752 = arith.constant 384 : i32
    %dma_start3A_753 = arith.constant 0 : i32
    %dma_start3A_754 = tpu.memref_slice %arg12[%dma_start3A_752, %dma_start3A_753] : memref<768x128xf32, #tpu.memory_space<vmem>> -> memref<128x128xf32, #tpu.memory_space<vmem>>
    tpu.enqueue_dma source(%dma_start3A_754 : memref<128x128xf32, #tpu.memory_space<vmem>>) target(%dma_start3A_751 : memref<128x128xf32, #tpu.memory_space<hbm>>) target_semaphore(%arg22 : memref<!tpu.dma_semaphore, #tpu.memory_space<semaphore_mem>>)
    %dma_wait3A_755 = arith.constant 256 : i32
    %dma_wait3A_756 = arith.constant 0 : i32
    %dma_wait3A_757 = tpu.memref_slice %arg12[%dma_wait3A_755, %dma_wait3A_756] : memref<768x128xf32, #tpu.memory_space<vmem>> -> memref<128x128xf32, #tpu.memory_space<vmem>>
    %dma_wait3A_758 = arith.constant 0 : i32
    %dma_wait3A_759 = tpu.memref_slice %arg9[%add3A_60, %dma_wait3A_758] : memref<61440x128xf32, #tpu.memory_space<hbm>> -> memref<128x128xf32, #tpu.memory_space<hbm>>
    %dma_wait3A_760 = arith.constant 0 : i32
    %dma_wait3A_761 = tpu.memref_slice %arg9[%add3A_60, %dma_wait3A_760] : memref<61440x128xf32, #tpu.memory_space<hbm>> -> memref<128x128xf32, #tpu.memory_space<hbm>>
    %dma_wait3A_762 = arith.constant 256 : i32
    %dma_wait3A_763 = arith.constant 0 : i32
    %dma_wait3A_764 = tpu.memref_slice %arg12[%dma_wait3A_762, %dma_wait3A_763] : memref<768x128xf32, #tpu.memory_space<vmem>> -> memref<128x128xf32, #tpu.memory_space<vmem>>
    tpu.wait_dma2 semaphore(%arg21 : memref<!tpu.dma_semaphore, #tpu.memory_space<semaphore_mem>>) src(%dma_wait3A_764 : memref<128x128xf32, #tpu.memory_space<vmem>>) dst(%dma_wait3A_761 : memref<128x128xf32, #tpu.memory_space<hbm>>)
    %dma_start3A_765 = arith.constant 14 : i32
    %dma_start3A_766 = arith.constant 256 : i32
    %dma_start3A_767 = arith.constant 0 : i32
    %dma_start3A_768 = tpu.memref_slice %arg12[%dma_start3A_766, %dma_start3A_767] : memref<768x128xf32, #tpu.memory_space<vmem>> -> memref<128x128xf32, #tpu.memory_space<vmem>>
    %dma_start3A_769 = arith.constant 0 : i32
    %dma_start3A_770 = tpu.memref_slice %arg11[%dma_start3A_765, %dma_start3A_769] : memref<18x128xi32, #tpu.memory_space<vmem>> -> memref<1x128xi32, #tpu.memory_space<vmem>>
    %dma_start3A_771 = tpu.memref_squeeze %dma_start3A_770 : memref<1x128xi32, #tpu.memory_space<vmem>> -> memref<128xi32, #tpu.memory_space<vmem>>
    %dma_start3A_772 = arith.constant 0 : i32
    %dma_start3A_773 = arith.constant 0 : i32
    %dma_start3A_774 = tpu.memref_slice %arg3[%dma_start3A_772, %dma_start3A_773] : memref<100000x128xf32, #tpu.memory_space<hbm>> -> memref<100000x128xf32, #tpu.memory_space<hbm>>
    tpu.enqueue_indirect_dma source(%dma_start3A_774 : memref<100000x128xf32, #tpu.memory_space<hbm>>) target(%dma_start3A_768 : memref<128x128xf32, #tpu.memory_space<vmem>>) offsets(%dma_start3A_771 : memref<128xi32, #tpu.memory_space<vmem>>) semaphore(%arg15 : memref<!tpu.dma_semaphore, #tpu.memory_space<semaphore_mem>>)
    %dma_wait3A_775 = arith.constant 10 : i32
    %dma_wait3A_776 = arith.constant 512 : i32
    %dma_wait3A_777 = arith.constant 0 : i32
    %dma_wait3A_778 = tpu.memref_slice %arg12[%dma_wait3A_776, %dma_wait3A_777] : memref<768x128xf32, #tpu.memory_space<vmem>> -> memref<128x128xf32, #tpu.memory_space<vmem>>
    %dma_wait3A_779 = arith.constant 0 : i32
    %dma_wait3A_780 = tpu.memref_slice %arg11[%dma_wait3A_775, %dma_wait3A_779] : memref<18x128xi32, #tpu.memory_space<vmem>> -> memref<1x128xi32, #tpu.memory_space<vmem>>
    %dma_wait3A_781 = tpu.memref_squeeze %dma_wait3A_780 : memref<1x128xi32, #tpu.memory_space<vmem>> -> memref<128xi32, #tpu.memory_space<vmem>>
    %dma_wait3A_782 = arith.constant 0 : i32
    %dma_wait3A_783 = arith.constant 0 : i32
    %dma_wait3A_784 = tpu.memref_slice %arg3[%dma_wait3A_782, %dma_wait3A_783] : memref<100000x128xf32, #tpu.memory_space<hbm>> -> memref<100000x128xf32, #tpu.memory_space<hbm>>
    tpu.wait_indirect_dma semaphore(%arg17 : memref<!tpu.dma_semaphore, #tpu.memory_space<semaphore_mem>>) src(%dma_wait3A_784 : memref<100000x128xf32, #tpu.memory_space<hbm>>) dst(%dma_wait3A_778 : memref<128x128xf32, #tpu.memory_space<vmem>>)
    %dma_start3A_785 = arith.constant 512 : i32
    %dma_start3A_786 = arith.constant 0 : i32
    %dma_start3A_787 = tpu.memref_slice %arg12[%dma_start3A_785, %dma_start3A_786] : memref<768x128xf32, #tpu.memory_space<vmem>> -> memref<128x128xf32, #tpu.memory_space<vmem>>
    %dma_start3A_788 = arith.constant 0 : i32
    %dma_start3A_789 = tpu.memref_slice %arg9[%add3A_68, %dma_start3A_788] : memref<61440x128xf32, #tpu.memory_space<hbm>> -> memref<128x128xf32, #tpu.memory_space<hbm>>
    %dma_start3A_790 = arith.constant 0 : i32
    %dma_start3A_791 = tpu.memref_slice %arg9[%add3A_68, %dma_start3A_790] : memref<61440x128xf32, #tpu.memory_space<hbm>> -> memref<128x128xf32, #tpu.memory_space<hbm>>
    %dma_start3A_792 = arith.constant 512 : i32
    %dma_start3A_793 = arith.constant 0 : i32
    %dma_start3A_794 = tpu.memref_slice %arg12[%dma_start3A_792, %dma_start3A_793] : memref<768x128xf32, #tpu.memory_space<vmem>> -> memref<128x128xf32, #tpu.memory_space<vmem>>
    tpu.enqueue_dma source(%dma_start3A_794 : memref<128x128xf32, #tpu.memory_space<vmem>>) target(%dma_start3A_791 : memref<128x128xf32, #tpu.memory_space<hbm>>) target_semaphore(%arg23 : memref<!tpu.dma_semaphore, #tpu.memory_space<semaphore_mem>>)
    %dma_wait3A_795 = arith.constant 384 : i32
    %dma_wait3A_796 = arith.constant 0 : i32
    %dma_wait3A_797 = tpu.memref_slice %arg12[%dma_wait3A_795, %dma_wait3A_796] : memref<768x128xf32, #tpu.memory_space<vmem>> -> memref<128x128xf32, #tpu.memory_space<vmem>>
    %dma_wait3A_798 = arith.constant 0 : i32
    %dma_wait3A_799 = tpu.memref_slice %arg9[%add3A_64, %dma_wait3A_798] : memref<61440x128xf32, #tpu.memory_space<hbm>> -> memref<128x128xf32, #tpu.memory_space<hbm>>
    %dma_wait3A_800 = arith.constant 0 : i32
    %dma_wait3A_801 = tpu.memref_slice %arg9[%add3A_64, %dma_wait3A_800] : memref<61440x128xf32, #tpu.memory_space<hbm>> -> memref<128x128xf32, #tpu.memory_space<hbm>>
    %dma_wait3A_802 = arith.constant 384 : i32
    %dma_wait3A_803 = arith.constant 0 : i32
    %dma_wait3A_804 = tpu.memref_slice %arg12[%dma_wait3A_802, %dma_wait3A_803] : memref<768x128xf32, #tpu.memory_space<vmem>> -> memref<128x128xf32, #tpu.memory_space<vmem>>
    tpu.wait_dma2 semaphore(%arg22 : memref<!tpu.dma_semaphore, #tpu.memory_space<semaphore_mem>>) src(%dma_wait3A_804 : memref<128x128xf32, #tpu.memory_space<vmem>>) dst(%dma_wait3A_801 : memref<128x128xf32, #tpu.memory_space<hbm>>)
    %dma_start3A_805 = arith.constant 15 : i32
    %dma_start3A_806 = arith.constant 384 : i32
    %dma_start3A_807 = arith.constant 0 : i32
    %dma_start3A_808 = tpu.memref_slice %arg12[%dma_start3A_806, %dma_start3A_807] : memref<768x128xf32, #tpu.memory_space<vmem>> -> memref<128x128xf32, #tpu.memory_space<vmem>>
    %dma_start3A_809 = arith.constant 0 : i32
    %dma_start3A_810 = tpu.memref_slice %arg11[%dma_start3A_805, %dma_start3A_809] : memref<18x128xi32, #tpu.memory_space<vmem>> -> memref<1x128xi32, #tpu.memory_space<vmem>>
    %dma_start3A_811 = tpu.memref_squeeze %dma_start3A_810 : memref<1x128xi32, #tpu.memory_space<vmem>> -> memref<128xi32, #tpu.memory_space<vmem>>
    %dma_start3A_812 = arith.constant 0 : i32
    %dma_start3A_813 = arith.constant 0 : i32
    %dma_start3A_814 = tpu.memref_slice %arg3[%dma_start3A_812, %dma_start3A_813] : memref<100000x128xf32, #tpu.memory_space<hbm>> -> memref<100000x128xf32, #tpu.memory_space<hbm>>
    tpu.enqueue_indirect_dma source(%dma_start3A_814 : memref<100000x128xf32, #tpu.memory_space<hbm>>) target(%dma_start3A_808 : memref<128x128xf32, #tpu.memory_space<vmem>>) offsets(%dma_start3A_811 : memref<128xi32, #tpu.memory_space<vmem>>) semaphore(%arg16 : memref<!tpu.dma_semaphore, #tpu.memory_space<semaphore_mem>>)
    %dma_wait3A_815 = arith.constant 11 : i32
    %dma_wait3A_816 = arith.constant 640 : i32
    %dma_wait3A_817 = arith.constant 0 : i32
    %dma_wait3A_818 = tpu.memref_slice %arg12[%dma_wait3A_816, %dma_wait3A_817] : memref<768x128xf32, #tpu.memory_space<vmem>> -> memref<128x128xf32, #tpu.memory_space<vmem>>
    %dma_wait3A_819 = arith.constant 0 : i32
    %dma_wait3A_820 = tpu.memref_slice %arg11[%dma_wait3A_815, %dma_wait3A_819] : memref<18x128xi32, #tpu.memory_space<vmem>> -> memref<1x128xi32, #tpu.memory_space<vmem>>
    %dma_wait3A_821 = tpu.memref_squeeze %dma_wait3A_820 : memref<1x128xi32, #tpu.memory_space<vmem>> -> memref<128xi32, #tpu.memory_space<vmem>>
    %dma_wait3A_822 = arith.constant 0 : i32
    %dma_wait3A_823 = arith.constant 0 : i32
    %dma_wait3A_824 = tpu.memref_slice %arg3[%dma_wait3A_822, %dma_wait3A_823] : memref<100000x128xf32, #tpu.memory_space<hbm>> -> memref<100000x128xf32, #tpu.memory_space<hbm>>
    tpu.wait_indirect_dma semaphore(%arg18 : memref<!tpu.dma_semaphore, #tpu.memory_space<semaphore_mem>>) src(%dma_wait3A_824 : memref<100000x128xf32, #tpu.memory_space<hbm>>) dst(%dma_wait3A_818 : memref<128x128xf32, #tpu.memory_space<vmem>>)
    %dma_start3A_825 = arith.constant 640 : i32
    %dma_start3A_826 = arith.constant 0 : i32
    %dma_start3A_827 = tpu.memref_slice %arg12[%dma_start3A_825, %dma_start3A_826] : memref<768x128xf32, #tpu.memory_space<vmem>> -> memref<128x128xf32, #tpu.memory_space<vmem>>
    %dma_start3A_828 = arith.constant 0 : i32
    %dma_start3A_829 = tpu.memref_slice %arg9[%add3A_72, %dma_start3A_828] : memref<61440x128xf32, #tpu.memory_space<hbm>> -> memref<128x128xf32, #tpu.memory_space<hbm>>
    %dma_start3A_830 = arith.constant 0 : i32
    %dma_start3A_831 = tpu.memref_slice %arg9[%add3A_72, %dma_start3A_830] : memref<61440x128xf32, #tpu.memory_space<hbm>> -> memref<128x128xf32, #tpu.memory_space<hbm>>
    %dma_start3A_832 = arith.constant 640 : i32
    %dma_start3A_833 = arith.constant 0 : i32
    %dma_start3A_834 = tpu.memref_slice %arg12[%dma_start3A_832, %dma_start3A_833] : memref<768x128xf32, #tpu.memory_space<vmem>> -> memref<128x128xf32, #tpu.memory_space<vmem>>
    tpu.enqueue_dma source(%dma_start3A_834 : memref<128x128xf32, #tpu.memory_space<vmem>>) target(%dma_start3A_831 : memref<128x128xf32, #tpu.memory_space<hbm>>) target_semaphore(%arg24 : memref<!tpu.dma_semaphore, #tpu.memory_space<semaphore_mem>>)
    %dma_wait3A_835 = arith.constant 512 : i32
    %dma_wait3A_836 = arith.constant 0 : i32
    %dma_wait3A_837 = tpu.memref_slice %arg12[%dma_wait3A_835, %dma_wait3A_836] : memref<768x128xf32, #tpu.memory_space<vmem>> -> memref<128x128xf32, #tpu.memory_space<vmem>>
    %dma_wait3A_838 = arith.constant 0 : i32
    %dma_wait3A_839 = tpu.memref_slice %arg9[%add3A_68, %dma_wait3A_838] : memref<61440x128xf32, #tpu.memory_space<hbm>> -> memref<128x128xf32, #tpu.memory_space<hbm>>
    %dma_wait3A_840 = arith.constant 0 : i32
    %dma_wait3A_841 = tpu.memref_slice %arg9[%add3A_68, %dma_wait3A_840] : memref<61440x128xf32, #tpu.memory_space<hbm>> -> memref<128x128xf32, #tpu.memory_space<hbm>>
    %dma_wait3A_842 = arith.constant 512 : i32
    %dma_wait3A_843 = arith.constant 0 : i32
    %dma_wait3A_844 = tpu.memref_slice %arg12[%dma_wait3A_842, %dma_wait3A_843] : memref<768x128xf32, #tpu.memory_space<vmem>> -> memref<128x128xf32, #tpu.memory_space<vmem>>
    tpu.wait_dma2 semaphore(%arg23 : memref<!tpu.dma_semaphore, #tpu.memory_space<semaphore_mem>>) src(%dma_wait3A_844 : memref<128x128xf32, #tpu.memory_space<vmem>>) dst(%dma_wait3A_841 : memref<128x128xf32, #tpu.memory_space<hbm>>)
    %dma_start3A_845 = arith.constant 16 : i32
    %dma_start3A_846 = arith.constant 512 : i32
    %dma_start3A_847 = arith.constant 0 : i32
    %dma_start3A_848 = tpu.memref_slice %arg12[%dma_start3A_846, %dma_start3A_847] : memref<768x128xf32, #tpu.memory_space<vmem>> -> memref<128x128xf32, #tpu.memory_space<vmem>>
    %dma_start3A_849 = arith.constant 0 : i32
    %dma_start3A_850 = tpu.memref_slice %arg11[%dma_start3A_845, %dma_start3A_849] : memref<18x128xi32, #tpu.memory_space<vmem>> -> memref<1x128xi32, #tpu.memory_space<vmem>>
    %dma_start3A_851 = tpu.memref_squeeze %dma_start3A_850 : memref<1x128xi32, #tpu.memory_space<vmem>> -> memref<128xi32, #tpu.memory_space<vmem>>
    %dma_start3A_852 = arith.constant 0 : i32
    %dma_start3A_853 = arith.constant 0 : i32
    %dma_start3A_854 = tpu.memref_slice %arg3[%dma_start3A_852, %dma_start3A_853] : memref<100000x128xf32, #tpu.memory_space<hbm>> -> memref<100000x128xf32, #tpu.memory_space<hbm>>
    tpu.enqueue_indirect_dma source(%dma_start3A_854 : memref<100000x128xf32, #tpu.memory_space<hbm>>) target(%dma_start3A_848 : memref<128x128xf32, #tpu.memory_space<vmem>>) offsets(%dma_start3A_851 : memref<128xi32, #tpu.memory_space<vmem>>) semaphore(%arg17 : memref<!tpu.dma_semaphore, #tpu.memory_space<semaphore_mem>>)
    %dma_wait3A_855 = arith.constant 12 : i32
    %dma_wait3A_856 = arith.constant 0 : i32
    %dma_wait3A_857 = arith.constant 0 : i32
    %dma_wait3A_858 = tpu.memref_slice %arg12[%dma_wait3A_856, %dma_wait3A_857] : memref<768x128xf32, #tpu.memory_space<vmem>> -> memref<128x128xf32, #tpu.memory_space<vmem>>
    %dma_wait3A_859 = arith.constant 0 : i32
    %dma_wait3A_860 = tpu.memref_slice %arg11[%dma_wait3A_855, %dma_wait3A_859] : memref<18x128xi32, #tpu.memory_space<vmem>> -> memref<1x128xi32, #tpu.memory_space<vmem>>
    %dma_wait3A_861 = tpu.memref_squeeze %dma_wait3A_860 : memref<1x128xi32, #tpu.memory_space<vmem>> -> memref<128xi32, #tpu.memory_space<vmem>>
    %dma_wait3A_862 = arith.constant 0 : i32
    %dma_wait3A_863 = arith.constant 0 : i32
    %dma_wait3A_864 = tpu.memref_slice %arg3[%dma_wait3A_862, %dma_wait3A_863] : memref<100000x128xf32, #tpu.memory_space<hbm>> -> memref<100000x128xf32, #tpu.memory_space<hbm>>
    tpu.wait_indirect_dma semaphore(%arg13 : memref<!tpu.dma_semaphore, #tpu.memory_space<semaphore_mem>>) src(%dma_wait3A_864 : memref<100000x128xf32, #tpu.memory_space<hbm>>) dst(%dma_wait3A_858 : memref<128x128xf32, #tpu.memory_space<vmem>>)
    %dma_start3A_865 = arith.constant 0 : i32
    %dma_start3A_866 = arith.constant 0 : i32
    %dma_start3A_867 = tpu.memref_slice %arg12[%dma_start3A_865, %dma_start3A_866] : memref<768x128xf32, #tpu.memory_space<vmem>> -> memref<128x128xf32, #tpu.memory_space<vmem>>
    %dma_start3A_868 = arith.constant 0 : i32
    %dma_start3A_869 = tpu.memref_slice %arg9[%add3A_76, %dma_start3A_868] : memref<61440x128xf32, #tpu.memory_space<hbm>> -> memref<128x128xf32, #tpu.memory_space<hbm>>
    %dma_start3A_870 = arith.constant 0 : i32
    %dma_start3A_871 = tpu.memref_slice %arg9[%add3A_76, %dma_start3A_870] : memref<61440x128xf32, #tpu.memory_space<hbm>> -> memref<128x128xf32, #tpu.memory_space<hbm>>
    %dma_start3A_872 = arith.constant 0 : i32
    %dma_start3A_873 = arith.constant 0 : i32
    %dma_start3A_874 = tpu.memref_slice %arg12[%dma_start3A_872, %dma_start3A_873] : memref<768x128xf32, #tpu.memory_space<vmem>> -> memref<128x128xf32, #tpu.memory_space<vmem>>
    tpu.enqueue_dma source(%dma_start3A_874 : memref<128x128xf32, #tpu.memory_space<vmem>>) target(%dma_start3A_871 : memref<128x128xf32, #tpu.memory_space<hbm>>) target_semaphore(%arg19 : memref<!tpu.dma_semaphore, #tpu.memory_space<semaphore_mem>>)
    %dma_wait3A_875 = arith.constant 640 : i32
    %dma_wait3A_876 = arith.constant 0 : i32
    %dma_wait3A_877 = tpu.memref_slice %arg12[%dma_wait3A_875, %dma_wait3A_876] : memref<768x128xf32, #tpu.memory_space<vmem>> -> memref<128x128xf32, #tpu.memory_space<vmem>>
    %dma_wait3A_878 = arith.constant 0 : i32
    %dma_wait3A_879 = tpu.memref_slice %arg9[%add3A_72, %dma_wait3A_878] : memref<61440x128xf32, #tpu.memory_space<hbm>> -> memref<128x128xf32, #tpu.memory_space<hbm>>
    %dma_wait3A_880 = arith.constant 0 : i32
    %dma_wait3A_881 = tpu.memref_slice %arg9[%add3A_72, %dma_wait3A_880] : memref<61440x128xf32, #tpu.memory_space<hbm>> -> memref<128x128xf32, #tpu.memory_space<hbm>>
    %dma_wait3A_882 = arith.constant 640 : i32
    %dma_wait3A_883 = arith.constant 0 : i32
    %dma_wait3A_884 = tpu.memref_slice %arg12[%dma_wait3A_882, %dma_wait3A_883] : memref<768x128xf32, #tpu.memory_space<vmem>> -> memref<128x128xf32, #tpu.memory_space<vmem>>
    tpu.wait_dma2 semaphore(%arg24 : memref<!tpu.dma_semaphore, #tpu.memory_space<semaphore_mem>>) src(%dma_wait3A_884 : memref<128x128xf32, #tpu.memory_space<vmem>>) dst(%dma_wait3A_881 : memref<128x128xf32, #tpu.memory_space<hbm>>)
    %dma_start3A_885 = arith.constant 17 : i32
    %dma_start3A_886 = arith.constant 640 : i32
    %dma_start3A_887 = arith.constant 0 : i32
    %dma_start3A_888 = tpu.memref_slice %arg12[%dma_start3A_886, %dma_start3A_887] : memref<768x128xf32, #tpu.memory_space<vmem>> -> memref<128x128xf32, #tpu.memory_space<vmem>>
    %dma_start3A_889 = arith.constant 0 : i32
    %dma_start3A_890 = tpu.memref_slice %arg11[%dma_start3A_885, %dma_start3A_889] : memref<18x128xi32, #tpu.memory_space<vmem>> -> memref<1x128xi32, #tpu.memory_space<vmem>>
    %dma_start3A_891 = tpu.memref_squeeze %dma_start3A_890 : memref<1x128xi32, #tpu.memory_space<vmem>> -> memref<128xi32, #tpu.memory_space<vmem>>
    %dma_start3A_892 = arith.constant 0 : i32
    %dma_start3A_893 = arith.constant 0 : i32
    %dma_start3A_894 = tpu.memref_slice %arg3[%dma_start3A_892, %dma_start3A_893] : memref<100000x128xf32, #tpu.memory_space<hbm>> -> memref<100000x128xf32, #tpu.memory_space<hbm>>
    tpu.enqueue_indirect_dma source(%dma_start3A_894 : memref<100000x128xf32, #tpu.memory_space<hbm>>) target(%dma_start3A_888 : memref<128x128xf32, #tpu.memory_space<vmem>>) offsets(%dma_start3A_891 : memref<128xi32, #tpu.memory_space<vmem>>) semaphore(%arg18 : memref<!tpu.dma_semaphore, #tpu.memory_space<semaphore_mem>>)
    %dma_wait3A_895 = arith.constant 13 : i32
    %dma_wait3A_896 = arith.constant 128 : i32
    %dma_wait3A_897 = arith.constant 0 : i32
    %dma_wait3A_898 = tpu.memref_slice %arg12[%dma_wait3A_896, %dma_wait3A_897] : memref<768x128xf32, #tpu.memory_space<vmem>> -> memref<128x128xf32, #tpu.memory_space<vmem>>
    %dma_wait3A_899 = arith.constant 0 : i32
    %dma_wait3A_900 = tpu.memref_slice %arg11[%dma_wait3A_895, %dma_wait3A_899] : memref<18x128xi32, #tpu.memory_space<vmem>> -> memref<1x128xi32, #tpu.memory_space<vmem>>
    %dma_wait3A_901 = tpu.memref_squeeze %dma_wait3A_900 : memref<1x128xi32, #tpu.memory_space<vmem>> -> memref<128xi32, #tpu.memory_space<vmem>>
    %dma_wait3A_902 = arith.constant 0 : i32
    %dma_wait3A_903 = arith.constant 0 : i32
    %dma_wait3A_904 = tpu.memref_slice %arg3[%dma_wait3A_902, %dma_wait3A_903] : memref<100000x128xf32, #tpu.memory_space<hbm>> -> memref<100000x128xf32, #tpu.memory_space<hbm>>
    tpu.wait_indirect_dma semaphore(%arg14 : memref<!tpu.dma_semaphore, #tpu.memory_space<semaphore_mem>>) src(%dma_wait3A_904 : memref<100000x128xf32, #tpu.memory_space<hbm>>) dst(%dma_wait3A_898 : memref<128x128xf32, #tpu.memory_space<vmem>>)
    %dma_start3A_905 = arith.constant 128 : i32
    %dma_start3A_906 = arith.constant 0 : i32
    %dma_start3A_907 = tpu.memref_slice %arg12[%dma_start3A_905, %dma_start3A_906] : memref<768x128xf32, #tpu.memory_space<vmem>> -> memref<128x128xf32, #tpu.memory_space<vmem>>
    %dma_start3A_908 = arith.constant 0 : i32
    %dma_start3A_909 = tpu.memref_slice %arg9[%add3A_80, %dma_start3A_908] : memref<61440x128xf32, #tpu.memory_space<hbm>> -> memref<128x128xf32, #tpu.memory_space<hbm>>
    %dma_start3A_910 = arith.constant 0 : i32
    %dma_start3A_911 = tpu.memref_slice %arg9[%add3A_80, %dma_start3A_910] : memref<61440x128xf32, #tpu.memory_space<hbm>> -> memref<128x128xf32, #tpu.memory_space<hbm>>
    %dma_start3A_912 = arith.constant 128 : i32
    %dma_start3A_913 = arith.constant 0 : i32
    %dma_start3A_914 = tpu.memref_slice %arg12[%dma_start3A_912, %dma_start3A_913] : memref<768x128xf32, #tpu.memory_space<vmem>> -> memref<128x128xf32, #tpu.memory_space<vmem>>
    tpu.enqueue_dma source(%dma_start3A_914 : memref<128x128xf32, #tpu.memory_space<vmem>>) target(%dma_start3A_911 : memref<128x128xf32, #tpu.memory_space<hbm>>) target_semaphore(%arg20 : memref<!tpu.dma_semaphore, #tpu.memory_space<semaphore_mem>>)
    %dma_wait3A_915 = arith.constant 14 : i32
    %dma_wait3A_916 = arith.constant 256 : i32
    %dma_wait3A_917 = arith.constant 0 : i32
    %dma_wait3A_918 = tpu.memref_slice %arg12[%dma_wait3A_916, %dma_wait3A_917] : memref<768x128xf32, #tpu.memory_space<vmem>> -> memref<128x128xf32, #tpu.memory_space<vmem>>
    %dma_wait3A_919 = arith.constant 0 : i32
    %dma_wait3A_920 = tpu.memref_slice %arg11[%dma_wait3A_915, %dma_wait3A_919] : memref<18x128xi32, #tpu.memory_space<vmem>> -> memref<1x128xi32, #tpu.memory_space<vmem>>
    %dma_wait3A_921 = tpu.memref_squeeze %dma_wait3A_920 : memref<1x128xi32, #tpu.memory_space<vmem>> -> memref<128xi32, #tpu.memory_space<vmem>>
    %dma_wait3A_922 = arith.constant 0 : i32
    %dma_wait3A_923 = arith.constant 0 : i32
    %dma_wait3A_924 = tpu.memref_slice %arg3[%dma_wait3A_922, %dma_wait3A_923] : memref<100000x128xf32, #tpu.memory_space<hbm>> -> memref<100000x128xf32, #tpu.memory_space<hbm>>
    tpu.wait_indirect_dma semaphore(%arg15 : memref<!tpu.dma_semaphore, #tpu.memory_space<semaphore_mem>>) src(%dma_wait3A_924 : memref<100000x128xf32, #tpu.memory_space<hbm>>) dst(%dma_wait3A_918 : memref<128x128xf32, #tpu.memory_space<vmem>>)
    %dma_start3A_925 = arith.constant 256 : i32
    %dma_start3A_926 = arith.constant 0 : i32
    %dma_start3A_927 = tpu.memref_slice %arg12[%dma_start3A_925, %dma_start3A_926] : memref<768x128xf32, #tpu.memory_space<vmem>> -> memref<128x128xf32, #tpu.memory_space<vmem>>
    %dma_start3A_928 = arith.constant 0 : i32
    %dma_start3A_929 = tpu.memref_slice %arg9[%add3A_84, %dma_start3A_928] : memref<61440x128xf32, #tpu.memory_space<hbm>> -> memref<128x128xf32, #tpu.memory_space<hbm>>
    %dma_start3A_930 = arith.constant 0 : i32
    %dma_start3A_931 = tpu.memref_slice %arg9[%add3A_84, %dma_start3A_930] : memref<61440x128xf32, #tpu.memory_space<hbm>> -> memref<128x128xf32, #tpu.memory_space<hbm>>
    %dma_start3A_932 = arith.constant 256 : i32
    %dma_start3A_933 = arith.constant 0 : i32
    %dma_start3A_934 = tpu.memref_slice %arg12[%dma_start3A_932, %dma_start3A_933] : memref<768x128xf32, #tpu.memory_space<vmem>> -> memref<128x128xf32, #tpu.memory_space<vmem>>
    tpu.enqueue_dma source(%dma_start3A_934 : memref<128x128xf32, #tpu.memory_space<vmem>>) target(%dma_start3A_931 : memref<128x128xf32, #tpu.memory_space<hbm>>) target_semaphore(%arg21 : memref<!tpu.dma_semaphore, #tpu.memory_space<semaphore_mem>>)
    %dma_wait3A_935 = arith.constant 15 : i32
    %dma_wait3A_936 = arith.constant 384 : i32
    %dma_wait3A_937 = arith.constant 0 : i32
    %dma_wait3A_938 = tpu.memref_slice %arg12[%dma_wait3A_936, %dma_wait3A_937] : memref<768x128xf32, #tpu.memory_space<vmem>> -> memref<128x128xf32, #tpu.memory_space<vmem>>
    %dma_wait3A_939 = arith.constant 0 : i32
    %dma_wait3A_940 = tpu.memref_slice %arg11[%dma_wait3A_935, %dma_wait3A_939] : memref<18x128xi32, #tpu.memory_space<vmem>> -> memref<1x128xi32, #tpu.memory_space<vmem>>
    %dma_wait3A_941 = tpu.memref_squeeze %dma_wait3A_940 : memref<1x128xi32, #tpu.memory_space<vmem>> -> memref<128xi32, #tpu.memory_space<vmem>>
    %dma_wait3A_942 = arith.constant 0 : i32
    %dma_wait3A_943 = arith.constant 0 : i32
    %dma_wait3A_944 = tpu.memref_slice %arg3[%dma_wait3A_942, %dma_wait3A_943] : memref<100000x128xf32, #tpu.memory_space<hbm>> -> memref<100000x128xf32, #tpu.memory_space<hbm>>
    tpu.wait_indirect_dma semaphore(%arg16 : memref<!tpu.dma_semaphore, #tpu.memory_space<semaphore_mem>>) src(%dma_wait3A_944 : memref<100000x128xf32, #tpu.memory_space<hbm>>) dst(%dma_wait3A_938 : memref<128x128xf32, #tpu.memory_space<vmem>>)
    %dma_start3A_945 = arith.constant 384 : i32
    %dma_start3A_946 = arith.constant 0 : i32
    %dma_start3A_947 = tpu.memref_slice %arg12[%dma_start3A_945, %dma_start3A_946] : memref<768x128xf32, #tpu.memory_space<vmem>> -> memref<128x128xf32, #tpu.memory_space<vmem>>
    %dma_start3A_948 = arith.constant 0 : i32
    %dma_start3A_949 = tpu.memref_slice %arg9[%add3A_88, %dma_start3A_948] : memref<61440x128xf32, #tpu.memory_space<hbm>> -> memref<128x128xf32, #tpu.memory_space<hbm>>
    %dma_start3A_950 = arith.constant 0 : i32
    %dma_start3A_951 = tpu.memref_slice %arg9[%add3A_88, %dma_start3A_950] : memref<61440x128xf32, #tpu.memory_space<hbm>> -> memref<128x128xf32, #tpu.memory_space<hbm>>
    %dma_start3A_952 = arith.constant 384 : i32
    %dma_start3A_953 = arith.constant 0 : i32
    %dma_start3A_954 = tpu.memref_slice %arg12[%dma_start3A_952, %dma_start3A_953] : memref<768x128xf32, #tpu.memory_space<vmem>> -> memref<128x128xf32, #tpu.memory_space<vmem>>
    tpu.enqueue_dma source(%dma_start3A_954 : memref<128x128xf32, #tpu.memory_space<vmem>>) target(%dma_start3A_951 : memref<128x128xf32, #tpu.memory_space<hbm>>) target_semaphore(%arg22 : memref<!tpu.dma_semaphore, #tpu.memory_space<semaphore_mem>>)
    %dma_wait3A_955 = arith.constant 16 : i32
    %dma_wait3A_956 = arith.constant 512 : i32
    %dma_wait3A_957 = arith.constant 0 : i32
    %dma_wait3A_958 = tpu.memref_slice %arg12[%dma_wait3A_956, %dma_wait3A_957] : memref<768x128xf32, #tpu.memory_space<vmem>> -> memref<128x128xf32, #tpu.memory_space<vmem>>
    %dma_wait3A_959 = arith.constant 0 : i32
    %dma_wait3A_960 = tpu.memref_slice %arg11[%dma_wait3A_955, %dma_wait3A_959] : memref<18x128xi32, #tpu.memory_space<vmem>> -> memref<1x128xi32, #tpu.memory_space<vmem>>
    %dma_wait3A_961 = tpu.memref_squeeze %dma_wait3A_960 : memref<1x128xi32, #tpu.memory_space<vmem>> -> memref<128xi32, #tpu.memory_space<vmem>>
    %dma_wait3A_962 = arith.constant 0 : i32
    %dma_wait3A_963 = arith.constant 0 : i32
    %dma_wait3A_964 = tpu.memref_slice %arg3[%dma_wait3A_962, %dma_wait3A_963] : memref<100000x128xf32, #tpu.memory_space<hbm>> -> memref<100000x128xf32, #tpu.memory_space<hbm>>
    tpu.wait_indirect_dma semaphore(%arg17 : memref<!tpu.dma_semaphore, #tpu.memory_space<semaphore_mem>>) src(%dma_wait3A_964 : memref<100000x128xf32, #tpu.memory_space<hbm>>) dst(%dma_wait3A_958 : memref<128x128xf32, #tpu.memory_space<vmem>>)
    %dma_start3A_965 = arith.constant 512 : i32
    %dma_start3A_966 = arith.constant 0 : i32
    %dma_start3A_967 = tpu.memref_slice %arg12[%dma_start3A_965, %dma_start3A_966] : memref<768x128xf32, #tpu.memory_space<vmem>> -> memref<128x128xf32, #tpu.memory_space<vmem>>
    %dma_start3A_968 = arith.constant 0 : i32
    %dma_start3A_969 = tpu.memref_slice %arg9[%add3A_92, %dma_start3A_968] : memref<61440x128xf32, #tpu.memory_space<hbm>> -> memref<128x128xf32, #tpu.memory_space<hbm>>
    %dma_start3A_970 = arith.constant 0 : i32
    %dma_start3A_971 = tpu.memref_slice %arg9[%add3A_92, %dma_start3A_970] : memref<61440x128xf32, #tpu.memory_space<hbm>> -> memref<128x128xf32, #tpu.memory_space<hbm>>
    %dma_start3A_972 = arith.constant 512 : i32
    %dma_start3A_973 = arith.constant 0 : i32
    %dma_start3A_974 = tpu.memref_slice %arg12[%dma_start3A_972, %dma_start3A_973] : memref<768x128xf32, #tpu.memory_space<vmem>> -> memref<128x128xf32, #tpu.memory_space<vmem>>
    tpu.enqueue_dma source(%dma_start3A_974 : memref<128x128xf32, #tpu.memory_space<vmem>>) target(%dma_start3A_971 : memref<128x128xf32, #tpu.memory_space<hbm>>) target_semaphore(%arg23 : memref<!tpu.dma_semaphore, #tpu.memory_space<semaphore_mem>>)
    %dma_wait3A_975 = arith.constant 17 : i32
    %dma_wait3A_976 = arith.constant 640 : i32
    %dma_wait3A_977 = arith.constant 0 : i32
    %dma_wait3A_978 = tpu.memref_slice %arg12[%dma_wait3A_976, %dma_wait3A_977] : memref<768x128xf32, #tpu.memory_space<vmem>> -> memref<128x128xf32, #tpu.memory_space<vmem>>
    %dma_wait3A_979 = arith.constant 0 : i32
    %dma_wait3A_980 = tpu.memref_slice %arg11[%dma_wait3A_975, %dma_wait3A_979] : memref<18x128xi32, #tpu.memory_space<vmem>> -> memref<1x128xi32, #tpu.memory_space<vmem>>
    %dma_wait3A_981 = tpu.memref_squeeze %dma_wait3A_980 : memref<1x128xi32, #tpu.memory_space<vmem>> -> memref<128xi32, #tpu.memory_space<vmem>>
    %dma_wait3A_982 = arith.constant 0 : i32
    %dma_wait3A_983 = arith.constant 0 : i32
    %dma_wait3A_984 = tpu.memref_slice %arg3[%dma_wait3A_982, %dma_wait3A_983] : memref<100000x128xf32, #tpu.memory_space<hbm>> -> memref<100000x128xf32, #tpu.memory_space<hbm>>
    tpu.wait_indirect_dma semaphore(%arg18 : memref<!tpu.dma_semaphore, #tpu.memory_space<semaphore_mem>>) src(%dma_wait3A_984 : memref<100000x128xf32, #tpu.memory_space<hbm>>) dst(%dma_wait3A_978 : memref<128x128xf32, #tpu.memory_space<vmem>>)
    %dma_start3A_985 = arith.constant 640 : i32
    %dma_start3A_986 = arith.constant 0 : i32
    %dma_start3A_987 = tpu.memref_slice %arg12[%dma_start3A_985, %dma_start3A_986] : memref<768x128xf32, #tpu.memory_space<vmem>> -> memref<128x128xf32, #tpu.memory_space<vmem>>
    %dma_start3A_988 = arith.constant 0 : i32
    %dma_start3A_989 = tpu.memref_slice %arg9[%add3A_96, %dma_start3A_988] : memref<61440x128xf32, #tpu.memory_space<hbm>> -> memref<128x128xf32, #tpu.memory_space<hbm>>
    %dma_start3A_990 = arith.constant 0 : i32
    %dma_start3A_991 = tpu.memref_slice %arg9[%add3A_96, %dma_start3A_990] : memref<61440x128xf32, #tpu.memory_space<hbm>> -> memref<128x128xf32, #tpu.memory_space<hbm>>
    %dma_start3A_992 = arith.constant 640 : i32
    %dma_start3A_993 = arith.constant 0 : i32
    %dma_start3A_994 = tpu.memref_slice %arg12[%dma_start3A_992, %dma_start3A_993] : memref<768x128xf32, #tpu.memory_space<vmem>> -> memref<128x128xf32, #tpu.memory_space<vmem>>
    tpu.enqueue_dma source(%dma_start3A_994 : memref<128x128xf32, #tpu.memory_space<vmem>>) target(%dma_start3A_991 : memref<128x128xf32, #tpu.memory_space<hbm>>) target_semaphore(%arg24 : memref<!tpu.dma_semaphore, #tpu.memory_space<semaphore_mem>>)
    %dma_wait3A_995 = arith.constant 0 : i32
    %dma_wait3A_996 = arith.constant 0 : i32
    %dma_wait3A_997 = tpu.memref_slice %arg12[%dma_wait3A_995, %dma_wait3A_996] : memref<768x128xf32, #tpu.memory_space<vmem>> -> memref<128x128xf32, #tpu.memory_space<vmem>>
    %dma_wait3A_998 = arith.constant 0 : i32
    %dma_wait3A_999 = tpu.memref_slice %arg9[%add3A_76, %dma_wait3A_998] : memref<61440x128xf32, #tpu.memory_space<hbm>> -> memref<128x128xf32, #tpu.memory_space<hbm>>
    %dma_wait3A_1000 = arith.constant 0 : i32
    %dma_wait3A_1001 = tpu.memref_slice %arg9[%add3A_76, %dma_wait3A_1000] : memref<61440x128xf32, #tpu.memory_space<hbm>> -> memref<128x128xf32, #tpu.memory_space<hbm>>
    %dma_wait3A_1002 = arith.constant 0 : i32
    %dma_wait3A_1003 = arith.constant 0 : i32
    %dma_wait3A_1004 = tpu.memref_slice %arg12[%dma_wait3A_1002, %dma_wait3A_1003] : memref<768x128xf32, #tpu.memory_space<vmem>> -> memref<128x128xf32, #tpu.memory_space<vmem>>
    tpu.wait_dma2 semaphore(%arg19 : memref<!tpu.dma_semaphore, #tpu.memory_space<semaphore_mem>>) src(%dma_wait3A_1004 : memref<128x128xf32, #tpu.memory_space<vmem>>) dst(%dma_wait3A_1001 : memref<128x128xf32, #tpu.memory_space<hbm>>)
    %dma_wait3A_1005 = arith.constant 128 : i32
    %dma_wait3A_1006 = arith.constant 0 : i32
    %dma_wait3A_1007 = tpu.memref_slice %arg12[%dma_wait3A_1005, %dma_wait3A_1006] : memref<768x128xf32, #tpu.memory_space<vmem>> -> memref<128x128xf32, #tpu.memory_space<vmem>>
    %dma_wait3A_1008 = arith.constant 0 : i32
    %dma_wait3A_1009 = tpu.memref_slice %arg9[%add3A_80, %dma_wait3A_1008] : memref<61440x128xf32, #tpu.memory_space<hbm>> -> memref<128x128xf32, #tpu.memory_space<hbm>>
    %dma_wait3A_1010 = arith.constant 0 : i32
    %dma_wait3A_1011 = tpu.memref_slice %arg9[%add3A_80, %dma_wait3A_1010] : memref<61440x128xf32, #tpu.memory_space<hbm>> -> memref<128x128xf32, #tpu.memory_space<hbm>>
    %dma_wait3A_1012 = arith.constant 128 : i32
    %dma_wait3A_1013 = arith.constant 0 : i32
    %dma_wait3A_1014 = tpu.memref_slice %arg12[%dma_wait3A_1012, %dma_wait3A_1013] : memref<768x128xf32, #tpu.memory_space<vmem>> -> memref<128x128xf32, #tpu.memory_space<vmem>>
    tpu.wait_dma2 semaphore(%arg20 : memref<!tpu.dma_semaphore, #tpu.memory_space<semaphore_mem>>) src(%dma_wait3A_1014 : memref<128x128xf32, #tpu.memory_space<vmem>>) dst(%dma_wait3A_1011 : memref<128x128xf32, #tpu.memory_space<hbm>>)
    %dma_wait3A_1015 = arith.constant 256 : i32
    %dma_wait3A_1016 = arith.constant 0 : i32
    %dma_wait3A_1017 = tpu.memref_slice %arg12[%dma_wait3A_1015, %dma_wait3A_1016] : memref<768x128xf32, #tpu.memory_space<vmem>> -> memref<128x128xf32, #tpu.memory_space<vmem>>
    %dma_wait3A_1018 = arith.constant 0 : i32
    %dma_wait3A_1019 = tpu.memref_slice %arg9[%add3A_84, %dma_wait3A_1018] : memref<61440x128xf32, #tpu.memory_space<hbm>> -> memref<128x128xf32, #tpu.memory_space<hbm>>
    %dma_wait3A_1020 = arith.constant 0 : i32
    %dma_wait3A_1021 = tpu.memref_slice %arg9[%add3A_84, %dma_wait3A_1020] : memref<61440x128xf32, #tpu.memory_space<hbm>> -> memref<128x128xf32, #tpu.memory_space<hbm>>
    %dma_wait3A_1022 = arith.constant 256 : i32
    %dma_wait3A_1023 = arith.constant 0 : i32
    %dma_wait3A_1024 = tpu.memref_slice %arg12[%dma_wait3A_1022, %dma_wait3A_1023] : memref<768x128xf32, #tpu.memory_space<vmem>> -> memref<128x128xf32, #tpu.memory_space<vmem>>
    tpu.wait_dma2 semaphore(%arg21 : memref<!tpu.dma_semaphore, #tpu.memory_space<semaphore_mem>>) src(%dma_wait3A_1024 : memref<128x128xf32, #tpu.memory_space<vmem>>) dst(%dma_wait3A_1021 : memref<128x128xf32, #tpu.memory_space<hbm>>)
    %dma_wait3A_1025 = arith.constant 384 : i32
    %dma_wait3A_1026 = arith.constant 0 : i32
    %dma_wait3A_1027 = tpu.memref_slice %arg12[%dma_wait3A_1025, %dma_wait3A_1026] : memref<768x128xf32, #tpu.memory_space<vmem>> -> memref<128x128xf32, #tpu.memory_space<vmem>>
    %dma_wait3A_1028 = arith.constant 0 : i32
    %dma_wait3A_1029 = tpu.memref_slice %arg9[%add3A_88, %dma_wait3A_1028] : memref<61440x128xf32, #tpu.memory_space<hbm>> -> memref<128x128xf32, #tpu.memory_space<hbm>>
    %dma_wait3A_1030 = arith.constant 0 : i32
    %dma_wait3A_1031 = tpu.memref_slice %arg9[%add3A_88, %dma_wait3A_1030] : memref<61440x128xf32, #tpu.memory_space<hbm>> -> memref<128x128xf32, #tpu.memory_space<hbm>>
    %dma_wait3A_1032 = arith.constant 384 : i32
    %dma_wait3A_1033 = arith.constant 0 : i32
    %dma_wait3A_1034 = tpu.memref_slice %arg12[%dma_wait3A_1032, %dma_wait3A_1033] : memref<768x128xf32, #tpu.memory_space<vmem>> -> memref<128x128xf32, #tpu.memory_space<vmem>>
    tpu.wait_dma2 semaphore(%arg22 : memref<!tpu.dma_semaphore, #tpu.memory_space<semaphore_mem>>) src(%dma_wait3A_1034 : memref<128x128xf32, #tpu.memory_space<vmem>>) dst(%dma_wait3A_1031 : memref<128x128xf32, #tpu.memory_space<hbm>>)
    %dma_wait3A_1035 = arith.constant 512 : i32
    %dma_wait3A_1036 = arith.constant 0 : i32
    %dma_wait3A_1037 = tpu.memref_slice %arg12[%dma_wait3A_1035, %dma_wait3A_1036] : memref<768x128xf32, #tpu.memory_space<vmem>> -> memref<128x128xf32, #tpu.memory_space<vmem>>
    %dma_wait3A_1038 = arith.constant 0 : i32
    %dma_wait3A_1039 = tpu.memref_slice %arg9[%add3A_92, %dma_wait3A_1038] : memref<61440x128xf32, #tpu.memory_space<hbm>> -> memref<128x128xf32, #tpu.memory_space<hbm>>
    %dma_wait3A_1040 = arith.constant 0 : i32
    %dma_wait3A_1041 = tpu.memref_slice %arg9[%add3A_92, %dma_wait3A_1040] : memref<61440x128xf32, #tpu.memory_space<hbm>> -> memref<128x128xf32, #tpu.memory_space<hbm>>
    %dma_wait3A_1042 = arith.constant 512 : i32
    %dma_wait3A_1043 = arith.constant 0 : i32
    %dma_wait3A_1044 = tpu.memref_slice %arg12[%dma_wait3A_1042, %dma_wait3A_1043] : memref<768x128xf32, #tpu.memory_space<vmem>> -> memref<128x128xf32, #tpu.memory_space<vmem>>
    tpu.wait_dma2 semaphore(%arg23 : memref<!tpu.dma_semaphore, #tpu.memory_space<semaphore_mem>>) src(%dma_wait3A_1044 : memref<128x128xf32, #tpu.memory_space<vmem>>) dst(%dma_wait3A_1041 : memref<128x128xf32, #tpu.memory_space<hbm>>)
    %dma_wait3A_1045 = arith.constant 640 : i32
    %dma_wait3A_1046 = arith.constant 0 : i32
    %dma_wait3A_1047 = tpu.memref_slice %arg12[%dma_wait3A_1045, %dma_wait3A_1046] : memref<768x128xf32, #tpu.memory_space<vmem>> -> memref<128x128xf32, #tpu.memory_space<vmem>>
    %dma_wait3A_1048 = arith.constant 0 : i32
    %dma_wait3A_1049 = tpu.memref_slice %arg9[%add3A_96, %dma_wait3A_1048] : memref<61440x128xf32, #tpu.memory_space<hbm>> -> memref<128x128xf32, #tpu.memory_space<hbm>>
    %dma_wait3A_1050 = arith.constant 0 : i32
    %dma_wait3A_1051 = tpu.memref_slice %arg9[%add3A_96, %dma_wait3A_1050] : memref<61440x128xf32, #tpu.memory_space<hbm>> -> memref<128x128xf32, #tpu.memory_space<hbm>>
    %dma_wait3A_1052 = arith.constant 640 : i32
    %dma_wait3A_1053 = arith.constant 0 : i32
    %dma_wait3A_1054 = tpu.memref_slice %arg12[%dma_wait3A_1052, %dma_wait3A_1053] : memref<768x128xf32, #tpu.memory_space<vmem>> -> memref<128x128xf32, #tpu.memory_space<vmem>>
    tpu.wait_dma2 semaphore(%arg24 : memref<!tpu.dma_semaphore, #tpu.memory_space<semaphore_mem>>) src(%dma_wait3A_1054 : memref<128x128xf32, #tpu.memory_space<vmem>>) dst(%dma_wait3A_1051 : memref<128x128xf32, #tpu.memory_space<hbm>>)
    return
  }
}

#map = affine_map<(d0, d1) -> (0, 0)>
#map1 = affine_map<(d0, d1) -> (0, 0, 0)>
module attributes {stable_mosaic.version = 14 : i64} {
  func.func @gk(%arg0: i32, %arg1: i32, %arg2: memref<100000x128xf32, #tpu.memory_space<hbm>>, %arg3: memref<100000x128xf32, #tpu.memory_space<hbm>>, %arg4: memref<32x2x128xi32, #tpu.memory_space<hbm>>, %arg5: memref<32x6x128xi32, #tpu.memory_space<hbm>>, %arg6: memref<4096x128xf32, #tpu.memory_space<hbm>>, %arg7: memref<4096x128xf32, #tpu.memory_space<hbm>>, %arg8: memref<4096x128xf32, #tpu.memory_space<hbm>>, %arg9: memref<20480x128xf32, #tpu.memory_space<hbm>>, %arg10: memref<2x128xi32, #tpu.memory_space<vmem>>, %arg11: memref<6x128xi32, #tpu.memory_space<vmem>>, %arg12: memref<768x128xf32, #tpu.memory_space<vmem>>, %arg13: memref<!tpu.dma_semaphore, #tpu.memory_space<semaphore_mem>>, %arg14: memref<!tpu.dma_semaphore, #tpu.memory_space<semaphore_mem>>, %arg15: memref<!tpu.dma_semaphore, #tpu.memory_space<semaphore_mem>>, %arg16: memref<!tpu.dma_semaphore, #tpu.memory_space<semaphore_mem>>, %arg17: memref<!tpu.dma_semaphore, #tpu.memory_space<semaphore_mem>>, %arg18: memref<!tpu.dma_semaphore, #tpu.memory_space<semaphore_mem>>, %arg19: memref<!tpu.dma_semaphore, #tpu.memory_space<semaphore_mem>>, %arg20: memref<!tpu.dma_semaphore, #tpu.memory_space<semaphore_mem>>, %arg21: memref<!tpu.dma_semaphore, #tpu.memory_space<semaphore_mem>>, %arg22: memref<!tpu.dma_semaphore, #tpu.memory_space<semaphore_mem>>, %arg23: memref<!tpu.dma_semaphore, #tpu.memory_space<semaphore_mem>>, %arg24: memref<!tpu.dma_semaphore, #tpu.memory_space<semaphore_mem>>) attributes {dimension_semantics = [#tpu.dimension_semantics<core_parallel>, #tpu.dimension_semantics<subcore_parallel>], iteration_bounds = array<i64: 2, 16>, scalar_prefetch = 0 : i64, scratch_operands = 15 : i64, tpu.core_type = #tpu.core_type<sc_vector_subcore>, window_params = [{transform_indices = #map}, {transform_indices = #map}, {transform_indices = #map1}, {transform_indices = #map1}, {transform_indices = #map}, {transform_indices = #map}, {transform_indices = #map}, {transform_indices = #map}]} {
    %mul3A = arith.constant 2 : i32
    %mul3A_0 = arith.muli %arg1, %mul3A : i32
    %add3A = arith.addi %mul3A_0, %arg0 : i32
    "tpu.region"() ({
      %run_scoped3A = tpu.sem_alloc : memref<!tpu.dma_semaphore, #tpu.memory_space<semaphore_mem>>
      %dma_start3A_351 = arith.constant 0 : i32
      %dma_start3A_352 = arith.constant 0 : i32
      %dma_start3A_353 = tpu.memref_slice %arg4[%add3A, %dma_start3A_351, %dma_start3A_352] : memref<32x2x128xi32, #tpu.memory_space<hbm>> -> memref<1x2x128xi32, #tpu.memory_space<hbm>>
      %dma_start3A_354 = tpu.memref_squeeze %dma_start3A_353 : memref<1x2x128xi32, #tpu.memory_space<hbm>> -> memref<2x128xi32, #tpu.memory_space<hbm>>
      %dma_start3A_355 = arith.constant 0 : i32
      %dma_start3A_356 = arith.constant 0 : i32
      %dma_start3A_357 = tpu.memref_slice %arg4[%add3A, %dma_start3A_355, %dma_start3A_356] : memref<32x2x128xi32, #tpu.memory_space<hbm>> -> memref<1x2x128xi32, #tpu.memory_space<hbm>>
      %dma_start3A_358 = tpu.memref_squeeze %dma_start3A_357 : memref<1x2x128xi32, #tpu.memory_space<hbm>> -> memref<2x128xi32, #tpu.memory_space<hbm>>
      tpu.enqueue_dma source(%dma_start3A_358 : memref<2x128xi32, #tpu.memory_space<hbm>>) target(%arg10 : memref<2x128xi32, #tpu.memory_space<vmem>>) target_semaphore(%run_scoped3A : memref<!tpu.dma_semaphore, #tpu.memory_space<semaphore_mem>>)
      %dma_wait3A_359 = arith.constant 0 : i32
      %dma_wait3A_360 = arith.constant 0 : i32
      %dma_wait3A_361 = tpu.memref_slice %arg4[%add3A, %dma_wait3A_359, %dma_wait3A_360] : memref<32x2x128xi32, #tpu.memory_space<hbm>> -> memref<1x2x128xi32, #tpu.memory_space<hbm>>
      %dma_wait3A_362 = tpu.memref_squeeze %dma_wait3A_361 : memref<1x2x128xi32, #tpu.memory_space<hbm>> -> memref<2x128xi32, #tpu.memory_space<hbm>>
      %dma_wait3A_363 = arith.constant 0 : i32
      %dma_wait3A_364 = arith.constant 0 : i32
      %dma_wait3A_365 = tpu.memref_slice %arg4[%add3A, %dma_wait3A_363, %dma_wait3A_364] : memref<32x2x128xi32, #tpu.memory_space<hbm>> -> memref<1x2x128xi32, #tpu.memory_space<hbm>>
      %dma_wait3A_366 = tpu.memref_squeeze %dma_wait3A_365 : memref<1x2x128xi32, #tpu.memory_space<hbm>> -> memref<2x128xi32, #tpu.memory_space<hbm>>
      tpu.wait_dma2 semaphore(%run_scoped3A : memref<!tpu.dma_semaphore, #tpu.memory_space<semaphore_mem>>) src(%dma_wait3A_366 : memref<2x128xi32, #tpu.memory_space<hbm>>) dst(%arg10 : memref<2x128xi32, #tpu.memory_space<vmem>>)
      tpu.yield
    }) : () -> ()
    "tpu.region"() ({
      %run_scoped3A = tpu.sem_alloc : memref<!tpu.dma_semaphore, #tpu.memory_space<semaphore_mem>>
      %dma_start3A_351 = arith.constant 0 : i32
      %dma_start3A_352 = arith.constant 0 : i32
      %dma_start3A_353 = tpu.memref_slice %arg5[%add3A, %dma_start3A_351, %dma_start3A_352] : memref<32x6x128xi32, #tpu.memory_space<hbm>> -> memref<1x6x128xi32, #tpu.memory_space<hbm>>
      %dma_start3A_354 = tpu.memref_squeeze %dma_start3A_353 : memref<1x6x128xi32, #tpu.memory_space<hbm>> -> memref<6x128xi32, #tpu.memory_space<hbm>>
      %dma_start3A_355 = arith.constant 0 : i32
      %dma_start3A_356 = arith.constant 0 : i32
      %dma_start3A_357 = tpu.memref_slice %arg5[%add3A, %dma_start3A_355, %dma_start3A_356] : memref<32x6x128xi32, #tpu.memory_space<hbm>> -> memref<1x6x128xi32, #tpu.memory_space<hbm>>
      %dma_start3A_358 = tpu.memref_squeeze %dma_start3A_357 : memref<1x6x128xi32, #tpu.memory_space<hbm>> -> memref<6x128xi32, #tpu.memory_space<hbm>>
      tpu.enqueue_dma source(%dma_start3A_358 : memref<6x128xi32, #tpu.memory_space<hbm>>) target(%arg11 : memref<6x128xi32, #tpu.memory_space<vmem>>) target_semaphore(%run_scoped3A : memref<!tpu.dma_semaphore, #tpu.memory_space<semaphore_mem>>)
      %dma_wait3A_359 = arith.constant 0 : i32
      %dma_wait3A_360 = arith.constant 0 : i32
      %dma_wait3A_361 = tpu.memref_slice %arg5[%add3A, %dma_wait3A_359, %dma_wait3A_360] : memref<32x6x128xi32, #tpu.memory_space<hbm>> -> memref<1x6x128xi32, #tpu.memory_space<hbm>>
      %dma_wait3A_362 = tpu.memref_squeeze %dma_wait3A_361 : memref<1x6x128xi32, #tpu.memory_space<hbm>> -> memref<6x128xi32, #tpu.memory_space<hbm>>
      %dma_wait3A_363 = arith.constant 0 : i32
      %dma_wait3A_364 = arith.constant 0 : i32
      %dma_wait3A_365 = tpu.memref_slice %arg5[%add3A, %dma_wait3A_363, %dma_wait3A_364] : memref<32x6x128xi32, #tpu.memory_space<hbm>> -> memref<1x6x128xi32, #tpu.memory_space<hbm>>
      %dma_wait3A_366 = tpu.memref_squeeze %dma_wait3A_365 : memref<1x6x128xi32, #tpu.memory_space<hbm>> -> memref<6x128xi32, #tpu.memory_space<hbm>>
      tpu.wait_dma2 semaphore(%run_scoped3A : memref<!tpu.dma_semaphore, #tpu.memory_space<semaphore_mem>>) src(%dma_wait3A_366 : memref<6x128xi32, #tpu.memory_space<hbm>>) dst(%arg11 : memref<6x128xi32, #tpu.memory_space<vmem>>)
      tpu.yield
    }) : () -> ()
    %mul3A_1 = arith.constant 128 : i32
    %mul3A_2 = arith.muli %add3A, %mul3A_1 : i32
    %add3A_3 = arith.constant 0 : i32
    %add3A_4 = arith.addi %mul3A_2, %add3A_3 : i32
    %mul3A_5 = arith.constant 128 : i32
    %mul3A_6 = arith.muli %add3A, %mul3A_5 : i32
    %add3A_7 = arith.constant 0 : i32
    %add3A_8 = arith.addi %mul3A_6, %add3A_7 : i32
    %mul3A_9 = arith.constant 128 : i32
    %mul3A_10 = arith.muli %add3A, %mul3A_9 : i32
    %add3A_11 = arith.constant 0 : i32
    %add3A_12 = arith.addi %mul3A_10, %add3A_11 : i32
    %mul3A_13 = arith.constant 640 : i32
    %mul3A_14 = arith.muli %add3A, %mul3A_13 : i32
    %add3A_15 = arith.constant 0 : i32
    %add3A_16 = arith.addi %mul3A_14, %add3A_15 : i32
    %mul3A_17 = arith.constant 640 : i32
    %mul3A_18 = arith.muli %add3A, %mul3A_17 : i32
    %add3A_19 = arith.constant 128 : i32
    %add3A_20 = arith.addi %mul3A_18, %add3A_19 : i32
    %mul3A_21 = arith.constant 640 : i32
    %mul3A_22 = arith.muli %add3A, %mul3A_21 : i32
    %add3A_23 = arith.constant 256 : i32
    %add3A_24 = arith.addi %mul3A_22, %add3A_23 : i32
    %mul3A_25 = arith.constant 640 : i32
    %mul3A_26 = arith.muli %add3A, %mul3A_25 : i32
    %add3A_27 = arith.constant 384 : i32
    %add3A_28 = arith.addi %mul3A_26, %add3A_27 : i32
    %mul3A_29 = arith.constant 640 : i32
    %mul3A_30 = arith.muli %add3A, %mul3A_29 : i32
    %add3A_31 = arith.constant 512 : i32
    %add3A_32 = arith.addi %mul3A_30, %add3A_31 : i32
    %dma_start3A = arith.constant 0 : i32
    %dma_start3A_33 = arith.constant 0 : i32
    %dma_start3A_34 = arith.constant 0 : i32
    %dma_start3A_35 = tpu.memref_slice %arg12[%dma_start3A_33, %dma_start3A_34] : memref<768x128xf32, #tpu.memory_space<vmem>> -> memref<128x128xf32, #tpu.memory_space<vmem>>
    %dma_start3A_36 = arith.constant 0 : i32
    %dma_start3A_37 = tpu.memref_slice %arg10[%dma_start3A, %dma_start3A_36] : memref<2x128xi32, #tpu.memory_space<vmem>> -> memref<1x128xi32, #tpu.memory_space<vmem>>
    %dma_start3A_38 = tpu.memref_squeeze %dma_start3A_37 : memref<1x128xi32, #tpu.memory_space<vmem>> -> memref<128xi32, #tpu.memory_space<vmem>>
    %dma_start3A_39 = arith.constant 0 : i32
    %dma_start3A_40 = arith.constant 0 : i32
    %dma_start3A_41 = tpu.memref_slice %arg2[%dma_start3A_39, %dma_start3A_40] : memref<100000x128xf32, #tpu.memory_space<hbm>> -> memref<100000x128xf32, #tpu.memory_space<hbm>>
    tpu.enqueue_indirect_dma source(%dma_start3A_41 : memref<100000x128xf32, #tpu.memory_space<hbm>>) target(%dma_start3A_35 : memref<128x128xf32, #tpu.memory_space<vmem>>) offsets(%dma_start3A_38 : memref<128xi32, #tpu.memory_space<vmem>>) semaphore(%arg13 : memref<!tpu.dma_semaphore, #tpu.memory_space<semaphore_mem>>)
    %dma_start3A_42 = arith.constant 1 : i32
    %dma_start3A_43 = arith.constant 128 : i32
    %dma_start3A_44 = arith.constant 0 : i32
    %dma_start3A_45 = tpu.memref_slice %arg12[%dma_start3A_43, %dma_start3A_44] : memref<768x128xf32, #tpu.memory_space<vmem>> -> memref<128x128xf32, #tpu.memory_space<vmem>>
    %dma_start3A_46 = arith.constant 0 : i32
    %dma_start3A_47 = tpu.memref_slice %arg10[%dma_start3A_42, %dma_start3A_46] : memref<2x128xi32, #tpu.memory_space<vmem>> -> memref<1x128xi32, #tpu.memory_space<vmem>>
    %dma_start3A_48 = tpu.memref_squeeze %dma_start3A_47 : memref<1x128xi32, #tpu.memory_space<vmem>> -> memref<128xi32, #tpu.memory_space<vmem>>
    %dma_start3A_49 = arith.constant 0 : i32
    %dma_start3A_50 = arith.constant 0 : i32
    %dma_start3A_51 = tpu.memref_slice %arg2[%dma_start3A_49, %dma_start3A_50] : memref<100000x128xf32, #tpu.memory_space<hbm>> -> memref<100000x128xf32, #tpu.memory_space<hbm>>
    tpu.enqueue_indirect_dma source(%dma_start3A_51 : memref<100000x128xf32, #tpu.memory_space<hbm>>) target(%dma_start3A_45 : memref<128x128xf32, #tpu.memory_space<vmem>>) offsets(%dma_start3A_48 : memref<128xi32, #tpu.memory_space<vmem>>) semaphore(%arg14 : memref<!tpu.dma_semaphore, #tpu.memory_space<semaphore_mem>>)
    %dma_start3A_52 = arith.constant 0 : i32
    %dma_start3A_53 = arith.constant 256 : i32
    %dma_start3A_54 = arith.constant 0 : i32
    %dma_start3A_55 = tpu.memref_slice %arg12[%dma_start3A_53, %dma_start3A_54] : memref<768x128xf32, #tpu.memory_space<vmem>> -> memref<128x128xf32, #tpu.memory_space<vmem>>
    %dma_start3A_56 = arith.constant 0 : i32
    %dma_start3A_57 = tpu.memref_slice %arg11[%dma_start3A_52, %dma_start3A_56] : memref<6x128xi32, #tpu.memory_space<vmem>> -> memref<1x128xi32, #tpu.memory_space<vmem>>
    %dma_start3A_58 = tpu.memref_squeeze %dma_start3A_57 : memref<1x128xi32, #tpu.memory_space<vmem>> -> memref<128xi32, #tpu.memory_space<vmem>>
    %dma_start3A_59 = arith.constant 0 : i32
    %dma_start3A_60 = arith.constant 0 : i32
    %dma_start3A_61 = tpu.memref_slice %arg3[%dma_start3A_59, %dma_start3A_60] : memref<100000x128xf32, #tpu.memory_space<hbm>> -> memref<100000x128xf32, #tpu.memory_space<hbm>>
    tpu.enqueue_indirect_dma source(%dma_start3A_61 : memref<100000x128xf32, #tpu.memory_space<hbm>>) target(%dma_start3A_55 : memref<128x128xf32, #tpu.memory_space<vmem>>) offsets(%dma_start3A_58 : memref<128xi32, #tpu.memory_space<vmem>>) semaphore(%arg15 : memref<!tpu.dma_semaphore, #tpu.memory_space<semaphore_mem>>)
    %dma_start3A_62 = arith.constant 1 : i32
    %dma_start3A_63 = arith.constant 384 : i32
    %dma_start3A_64 = arith.constant 0 : i32
    %dma_start3A_65 = tpu.memref_slice %arg12[%dma_start3A_63, %dma_start3A_64] : memref<768x128xf32, #tpu.memory_space<vmem>> -> memref<128x128xf32, #tpu.memory_space<vmem>>
    %dma_start3A_66 = arith.constant 0 : i32
    %dma_start3A_67 = tpu.memref_slice %arg11[%dma_start3A_62, %dma_start3A_66] : memref<6x128xi32, #tpu.memory_space<vmem>> -> memref<1x128xi32, #tpu.memory_space<vmem>>
    %dma_start3A_68 = tpu.memref_squeeze %dma_start3A_67 : memref<1x128xi32, #tpu.memory_space<vmem>> -> memref<128xi32, #tpu.memory_space<vmem>>
    %dma_start3A_69 = arith.constant 0 : i32
    %dma_start3A_70 = arith.constant 0 : i32
    %dma_start3A_71 = tpu.memref_slice %arg3[%dma_start3A_69, %dma_start3A_70] : memref<100000x128xf32, #tpu.memory_space<hbm>> -> memref<100000x128xf32, #tpu.memory_space<hbm>>
    tpu.enqueue_indirect_dma source(%dma_start3A_71 : memref<100000x128xf32, #tpu.memory_space<hbm>>) target(%dma_start3A_65 : memref<128x128xf32, #tpu.memory_space<vmem>>) offsets(%dma_start3A_68 : memref<128xi32, #tpu.memory_space<vmem>>) semaphore(%arg16 : memref<!tpu.dma_semaphore, #tpu.memory_space<semaphore_mem>>)
    %dma_start3A_72 = arith.constant 2 : i32
    %dma_start3A_73 = arith.constant 512 : i32
    %dma_start3A_74 = arith.constant 0 : i32
    %dma_start3A_75 = tpu.memref_slice %arg12[%dma_start3A_73, %dma_start3A_74] : memref<768x128xf32, #tpu.memory_space<vmem>> -> memref<128x128xf32, #tpu.memory_space<vmem>>
    %dma_start3A_76 = arith.constant 0 : i32
    %dma_start3A_77 = tpu.memref_slice %arg11[%dma_start3A_72, %dma_start3A_76] : memref<6x128xi32, #tpu.memory_space<vmem>> -> memref<1x128xi32, #tpu.memory_space<vmem>>
    %dma_start3A_78 = tpu.memref_squeeze %dma_start3A_77 : memref<1x128xi32, #tpu.memory_space<vmem>> -> memref<128xi32, #tpu.memory_space<vmem>>
    %dma_start3A_79 = arith.constant 0 : i32
    %dma_start3A_80 = arith.constant 0 : i32
    %dma_start3A_81 = tpu.memref_slice %arg3[%dma_start3A_79, %dma_start3A_80] : memref<100000x128xf32, #tpu.memory_space<hbm>> -> memref<100000x128xf32, #tpu.memory_space<hbm>>
    tpu.enqueue_indirect_dma source(%dma_start3A_81 : memref<100000x128xf32, #tpu.memory_space<hbm>>) target(%dma_start3A_75 : memref<128x128xf32, #tpu.memory_space<vmem>>) offsets(%dma_start3A_78 : memref<128xi32, #tpu.memory_space<vmem>>) semaphore(%arg17 : memref<!tpu.dma_semaphore, #tpu.memory_space<semaphore_mem>>)
    %dma_wait3A = arith.constant 0 : i32
    %dma_wait3A_82 = arith.constant 0 : i32
    %dma_wait3A_83 = arith.constant 0 : i32
    %dma_wait3A_84 = tpu.memref_slice %arg12[%dma_wait3A_82, %dma_wait3A_83] : memref<768x128xf32, #tpu.memory_space<vmem>> -> memref<128x128xf32, #tpu.memory_space<vmem>>
    %dma_wait3A_85 = arith.constant 0 : i32
    %dma_wait3A_86 = tpu.memref_slice %arg10[%dma_wait3A, %dma_wait3A_85] : memref<2x128xi32, #tpu.memory_space<vmem>> -> memref<1x128xi32, #tpu.memory_space<vmem>>
    %dma_wait3A_87 = tpu.memref_squeeze %dma_wait3A_86 : memref<1x128xi32, #tpu.memory_space<vmem>> -> memref<128xi32, #tpu.memory_space<vmem>>
    %dma_wait3A_88 = arith.constant 0 : i32
    %dma_wait3A_89 = arith.constant 0 : i32
    %dma_wait3A_90 = tpu.memref_slice %arg2[%dma_wait3A_88, %dma_wait3A_89] : memref<100000x128xf32, #tpu.memory_space<hbm>> -> memref<100000x128xf32, #tpu.memory_space<hbm>>
    tpu.wait_indirect_dma semaphore(%arg13 : memref<!tpu.dma_semaphore, #tpu.memory_space<semaphore_mem>>) src(%dma_wait3A_90 : memref<100000x128xf32, #tpu.memory_space<hbm>>) dst(%dma_wait3A_84 : memref<128x128xf32, #tpu.memory_space<vmem>>)
    %dma_start3A_91 = arith.constant 0 : i32
    %dma_start3A_92 = arith.constant 0 : i32
    %dma_start3A_93 = tpu.memref_slice %arg12[%dma_start3A_91, %dma_start3A_92] : memref<768x128xf32, #tpu.memory_space<vmem>> -> memref<128x128xf32, #tpu.memory_space<vmem>>
    %dma_start3A_94 = arith.constant 0 : i32
    %dma_start3A_95 = tpu.memref_slice %arg6[%add3A_4, %dma_start3A_94] : memref<4096x128xf32, #tpu.memory_space<hbm>> -> memref<128x128xf32, #tpu.memory_space<hbm>>
    %dma_start3A_96 = arith.constant 0 : i32
    %dma_start3A_97 = tpu.memref_slice %arg6[%add3A_4, %dma_start3A_96] : memref<4096x128xf32, #tpu.memory_space<hbm>> -> memref<128x128xf32, #tpu.memory_space<hbm>>
    %dma_start3A_98 = arith.constant 0 : i32
    %dma_start3A_99 = arith.constant 0 : i32
    %dma_start3A_100 = tpu.memref_slice %arg12[%dma_start3A_98, %dma_start3A_99] : memref<768x128xf32, #tpu.memory_space<vmem>> -> memref<128x128xf32, #tpu.memory_space<vmem>>
    tpu.enqueue_dma source(%dma_start3A_100 : memref<128x128xf32, #tpu.memory_space<vmem>>) target(%dma_start3A_97 : memref<128x128xf32, #tpu.memory_space<hbm>>) target_semaphore(%arg19 : memref<!tpu.dma_semaphore, #tpu.memory_space<semaphore_mem>>)
    %dma_start3A_101 = arith.constant 3 : i32
    %dma_start3A_102 = arith.constant 640 : i32
    %dma_start3A_103 = arith.constant 0 : i32
    %dma_start3A_104 = tpu.memref_slice %arg12[%dma_start3A_102, %dma_start3A_103] : memref<768x128xf32, #tpu.memory_space<vmem>> -> memref<128x128xf32, #tpu.memory_space<vmem>>
    %dma_start3A_105 = arith.constant 0 : i32
    %dma_start3A_106 = tpu.memref_slice %arg11[%dma_start3A_101, %dma_start3A_105] : memref<6x128xi32, #tpu.memory_space<vmem>> -> memref<1x128xi32, #tpu.memory_space<vmem>>
    %dma_start3A_107 = tpu.memref_squeeze %dma_start3A_106 : memref<1x128xi32, #tpu.memory_space<vmem>> -> memref<128xi32, #tpu.memory_space<vmem>>
    %dma_start3A_108 = arith.constant 0 : i32
    %dma_start3A_109 = arith.constant 0 : i32
    %dma_start3A_110 = tpu.memref_slice %arg3[%dma_start3A_108, %dma_start3A_109] : memref<100000x128xf32, #tpu.memory_space<hbm>> -> memref<100000x128xf32, #tpu.memory_space<hbm>>
    tpu.enqueue_indirect_dma source(%dma_start3A_110 : memref<100000x128xf32, #tpu.memory_space<hbm>>) target(%dma_start3A_104 : memref<128x128xf32, #tpu.memory_space<vmem>>) offsets(%dma_start3A_107 : memref<128xi32, #tpu.memory_space<vmem>>) semaphore(%arg18 : memref<!tpu.dma_semaphore, #tpu.memory_space<semaphore_mem>>)
    %dma_wait3A_111 = arith.constant 1 : i32
    %dma_wait3A_112 = arith.constant 128 : i32
    %dma_wait3A_113 = arith.constant 0 : i32
    %dma_wait3A_114 = tpu.memref_slice %arg12[%dma_wait3A_112, %dma_wait3A_113] : memref<768x128xf32, #tpu.memory_space<vmem>> -> memref<128x128xf32, #tpu.memory_space<vmem>>
    %dma_wait3A_115 = arith.constant 0 : i32
    %dma_wait3A_116 = tpu.memref_slice %arg10[%dma_wait3A_111, %dma_wait3A_115] : memref<2x128xi32, #tpu.memory_space<vmem>> -> memref<1x128xi32, #tpu.memory_space<vmem>>
    %dma_wait3A_117 = tpu.memref_squeeze %dma_wait3A_116 : memref<1x128xi32, #tpu.memory_space<vmem>> -> memref<128xi32, #tpu.memory_space<vmem>>
    %dma_wait3A_118 = arith.constant 0 : i32
    %dma_wait3A_119 = arith.constant 0 : i32
    %dma_wait3A_120 = tpu.memref_slice %arg2[%dma_wait3A_118, %dma_wait3A_119] : memref<100000x128xf32, #tpu.memory_space<hbm>> -> memref<100000x128xf32, #tpu.memory_space<hbm>>
    tpu.wait_indirect_dma semaphore(%arg14 : memref<!tpu.dma_semaphore, #tpu.memory_space<semaphore_mem>>) src(%dma_wait3A_120 : memref<100000x128xf32, #tpu.memory_space<hbm>>) dst(%dma_wait3A_114 : memref<128x128xf32, #tpu.memory_space<vmem>>)
    %dma_start3A_121 = arith.constant 128 : i32
    %dma_start3A_122 = arith.constant 0 : i32
    %dma_start3A_123 = tpu.memref_slice %arg12[%dma_start3A_121, %dma_start3A_122] : memref<768x128xf32, #tpu.memory_space<vmem>> -> memref<128x128xf32, #tpu.memory_space<vmem>>
    %dma_start3A_124 = arith.constant 0 : i32
    %dma_start3A_125 = tpu.memref_slice %arg7[%add3A_8, %dma_start3A_124] : memref<4096x128xf32, #tpu.memory_space<hbm>> -> memref<128x128xf32, #tpu.memory_space<hbm>>
    %dma_start3A_126 = arith.constant 0 : i32
    %dma_start3A_127 = tpu.memref_slice %arg7[%add3A_8, %dma_start3A_126] : memref<4096x128xf32, #tpu.memory_space<hbm>> -> memref<128x128xf32, #tpu.memory_space<hbm>>
    %dma_start3A_128 = arith.constant 128 : i32
    %dma_start3A_129 = arith.constant 0 : i32
    %dma_start3A_130 = tpu.memref_slice %arg12[%dma_start3A_128, %dma_start3A_129] : memref<768x128xf32, #tpu.memory_space<vmem>> -> memref<128x128xf32, #tpu.memory_space<vmem>>
    tpu.enqueue_dma source(%dma_start3A_130 : memref<128x128xf32, #tpu.memory_space<vmem>>) target(%dma_start3A_127 : memref<128x128xf32, #tpu.memory_space<hbm>>) target_semaphore(%arg20 : memref<!tpu.dma_semaphore, #tpu.memory_space<semaphore_mem>>)
    %dma_wait3A_131 = arith.constant 0 : i32
    %dma_wait3A_132 = arith.constant 0 : i32
    %dma_wait3A_133 = tpu.memref_slice %arg12[%dma_wait3A_131, %dma_wait3A_132] : memref<768x128xf32, #tpu.memory_space<vmem>> -> memref<128x128xf32, #tpu.memory_space<vmem>>
    %dma_wait3A_134 = arith.constant 0 : i32
    %dma_wait3A_135 = tpu.memref_slice %arg6[%add3A_4, %dma_wait3A_134] : memref<4096x128xf32, #tpu.memory_space<hbm>> -> memref<128x128xf32, #tpu.memory_space<hbm>>
    %dma_wait3A_136 = arith.constant 0 : i32
    %dma_wait3A_137 = tpu.memref_slice %arg6[%add3A_4, %dma_wait3A_136] : memref<4096x128xf32, #tpu.memory_space<hbm>> -> memref<128x128xf32, #tpu.memory_space<hbm>>
    %dma_wait3A_138 = arith.constant 0 : i32
    %dma_wait3A_139 = arith.constant 0 : i32
    %dma_wait3A_140 = tpu.memref_slice %arg12[%dma_wait3A_138, %dma_wait3A_139] : memref<768x128xf32, #tpu.memory_space<vmem>> -> memref<128x128xf32, #tpu.memory_space<vmem>>
    tpu.wait_dma2 semaphore(%arg19 : memref<!tpu.dma_semaphore, #tpu.memory_space<semaphore_mem>>) src(%dma_wait3A_140 : memref<128x128xf32, #tpu.memory_space<vmem>>) dst(%dma_wait3A_137 : memref<128x128xf32, #tpu.memory_space<hbm>>)
    %dma_start3A_141 = arith.constant 4 : i32
    %dma_start3A_142 = arith.constant 0 : i32
    %dma_start3A_143 = arith.constant 0 : i32
    %dma_start3A_144 = tpu.memref_slice %arg12[%dma_start3A_142, %dma_start3A_143] : memref<768x128xf32, #tpu.memory_space<vmem>> -> memref<128x128xf32, #tpu.memory_space<vmem>>
    %dma_start3A_145 = arith.constant 0 : i32
    %dma_start3A_146 = tpu.memref_slice %arg11[%dma_start3A_141, %dma_start3A_145] : memref<6x128xi32, #tpu.memory_space<vmem>> -> memref<1x128xi32, #tpu.memory_space<vmem>>
    %dma_start3A_147 = tpu.memref_squeeze %dma_start3A_146 : memref<1x128xi32, #tpu.memory_space<vmem>> -> memref<128xi32, #tpu.memory_space<vmem>>
    %dma_start3A_148 = arith.constant 0 : i32
    %dma_start3A_149 = arith.constant 0 : i32
    %dma_start3A_150 = tpu.memref_slice %arg3[%dma_start3A_148, %dma_start3A_149] : memref<100000x128xf32, #tpu.memory_space<hbm>> -> memref<100000x128xf32, #tpu.memory_space<hbm>>
    tpu.enqueue_indirect_dma source(%dma_start3A_150 : memref<100000x128xf32, #tpu.memory_space<hbm>>) target(%dma_start3A_144 : memref<128x128xf32, #tpu.memory_space<vmem>>) offsets(%dma_start3A_147 : memref<128xi32, #tpu.memory_space<vmem>>) semaphore(%arg13 : memref<!tpu.dma_semaphore, #tpu.memory_space<semaphore_mem>>)
    %dma_wait3A_151 = arith.constant 0 : i32
    %dma_wait3A_152 = arith.constant 256 : i32
    %dma_wait3A_153 = arith.constant 0 : i32
    %dma_wait3A_154 = tpu.memref_slice %arg12[%dma_wait3A_152, %dma_wait3A_153] : memref<768x128xf32, #tpu.memory_space<vmem>> -> memref<128x128xf32, #tpu.memory_space<vmem>>
    %dma_wait3A_155 = arith.constant 0 : i32
    %dma_wait3A_156 = tpu.memref_slice %arg11[%dma_wait3A_151, %dma_wait3A_155] : memref<6x128xi32, #tpu.memory_space<vmem>> -> memref<1x128xi32, #tpu.memory_space<vmem>>
    %dma_wait3A_157 = tpu.memref_squeeze %dma_wait3A_156 : memref<1x128xi32, #tpu.memory_space<vmem>> -> memref<128xi32, #tpu.memory_space<vmem>>
    %dma_wait3A_158 = arith.constant 0 : i32
    %dma_wait3A_159 = arith.constant 0 : i32
    %dma_wait3A_160 = tpu.memref_slice %arg3[%dma_wait3A_158, %dma_wait3A_159] : memref<100000x128xf32, #tpu.memory_space<hbm>> -> memref<100000x128xf32, #tpu.memory_space<hbm>>
    tpu.wait_indirect_dma semaphore(%arg15 : memref<!tpu.dma_semaphore, #tpu.memory_space<semaphore_mem>>) src(%dma_wait3A_160 : memref<100000x128xf32, #tpu.memory_space<hbm>>) dst(%dma_wait3A_154 : memref<128x128xf32, #tpu.memory_space<vmem>>)
    %dma_start3A_161 = arith.constant 256 : i32
    %dma_start3A_162 = arith.constant 0 : i32
    %dma_start3A_163 = tpu.memref_slice %arg12[%dma_start3A_161, %dma_start3A_162] : memref<768x128xf32, #tpu.memory_space<vmem>> -> memref<128x128xf32, #tpu.memory_space<vmem>>
    %dma_start3A_164 = arith.constant 0 : i32
    %dma_start3A_165 = tpu.memref_slice %arg8[%add3A_12, %dma_start3A_164] : memref<4096x128xf32, #tpu.memory_space<hbm>> -> memref<128x128xf32, #tpu.memory_space<hbm>>
    %dma_start3A_166 = arith.constant 0 : i32
    %dma_start3A_167 = tpu.memref_slice %arg8[%add3A_12, %dma_start3A_166] : memref<4096x128xf32, #tpu.memory_space<hbm>> -> memref<128x128xf32, #tpu.memory_space<hbm>>
    %dma_start3A_168 = arith.constant 256 : i32
    %dma_start3A_169 = arith.constant 0 : i32
    %dma_start3A_170 = tpu.memref_slice %arg12[%dma_start3A_168, %dma_start3A_169] : memref<768x128xf32, #tpu.memory_space<vmem>> -> memref<128x128xf32, #tpu.memory_space<vmem>>
    tpu.enqueue_dma source(%dma_start3A_170 : memref<128x128xf32, #tpu.memory_space<vmem>>) target(%dma_start3A_167 : memref<128x128xf32, #tpu.memory_space<hbm>>) target_semaphore(%arg21 : memref<!tpu.dma_semaphore, #tpu.memory_space<semaphore_mem>>)
    %dma_wait3A_171 = arith.constant 128 : i32
    %dma_wait3A_172 = arith.constant 0 : i32
    %dma_wait3A_173 = tpu.memref_slice %arg12[%dma_wait3A_171, %dma_wait3A_172] : memref<768x128xf32, #tpu.memory_space<vmem>> -> memref<128x128xf32, #tpu.memory_space<vmem>>
    %dma_wait3A_174 = arith.constant 0 : i32
    %dma_wait3A_175 = tpu.memref_slice %arg7[%add3A_8, %dma_wait3A_174] : memref<4096x128xf32, #tpu.memory_space<hbm>> -> memref<128x128xf32, #tpu.memory_space<hbm>>
    %dma_wait3A_176 = arith.constant 0 : i32
    %dma_wait3A_177 = tpu.memref_slice %arg7[%add3A_8, %dma_wait3A_176] : memref<4096x128xf32, #tpu.memory_space<hbm>> -> memref<128x128xf32, #tpu.memory_space<hbm>>
    %dma_wait3A_178 = arith.constant 128 : i32
    %dma_wait3A_179 = arith.constant 0 : i32
    %dma_wait3A_180 = tpu.memref_slice %arg12[%dma_wait3A_178, %dma_wait3A_179] : memref<768x128xf32, #tpu.memory_space<vmem>> -> memref<128x128xf32, #tpu.memory_space<vmem>>
    tpu.wait_dma2 semaphore(%arg20 : memref<!tpu.dma_semaphore, #tpu.memory_space<semaphore_mem>>) src(%dma_wait3A_180 : memref<128x128xf32, #tpu.memory_space<vmem>>) dst(%dma_wait3A_177 : memref<128x128xf32, #tpu.memory_space<hbm>>)
    %dma_start3A_181 = arith.constant 5 : i32
    %dma_start3A_182 = arith.constant 128 : i32
    %dma_start3A_183 = arith.constant 0 : i32
    %dma_start3A_184 = tpu.memref_slice %arg12[%dma_start3A_182, %dma_start3A_183] : memref<768x128xf32, #tpu.memory_space<vmem>> -> memref<128x128xf32, #tpu.memory_space<vmem>>
    %dma_start3A_185 = arith.constant 0 : i32
    %dma_start3A_186 = tpu.memref_slice %arg11[%dma_start3A_181, %dma_start3A_185] : memref<6x128xi32, #tpu.memory_space<vmem>> -> memref<1x128xi32, #tpu.memory_space<vmem>>
    %dma_start3A_187 = tpu.memref_squeeze %dma_start3A_186 : memref<1x128xi32, #tpu.memory_space<vmem>> -> memref<128xi32, #tpu.memory_space<vmem>>
    %dma_start3A_188 = arith.constant 0 : i32
    %dma_start3A_189 = arith.constant 0 : i32
    %dma_start3A_190 = tpu.memref_slice %arg3[%dma_start3A_188, %dma_start3A_189] : memref<100000x128xf32, #tpu.memory_space<hbm>> -> memref<100000x128xf32, #tpu.memory_space<hbm>>
    tpu.enqueue_indirect_dma source(%dma_start3A_190 : memref<100000x128xf32, #tpu.memory_space<hbm>>) target(%dma_start3A_184 : memref<128x128xf32, #tpu.memory_space<vmem>>) offsets(%dma_start3A_187 : memref<128xi32, #tpu.memory_space<vmem>>) semaphore(%arg14 : memref<!tpu.dma_semaphore, #tpu.memory_space<semaphore_mem>>)
    %dma_wait3A_191 = arith.constant 1 : i32
    %dma_wait3A_192 = arith.constant 384 : i32
    %dma_wait3A_193 = arith.constant 0 : i32
    %dma_wait3A_194 = tpu.memref_slice %arg12[%dma_wait3A_192, %dma_wait3A_193] : memref<768x128xf32, #tpu.memory_space<vmem>> -> memref<128x128xf32, #tpu.memory_space<vmem>>
    %dma_wait3A_195 = arith.constant 0 : i32
    %dma_wait3A_196 = tpu.memref_slice %arg11[%dma_wait3A_191, %dma_wait3A_195] : memref<6x128xi32, #tpu.memory_space<vmem>> -> memref<1x128xi32, #tpu.memory_space<vmem>>
    %dma_wait3A_197 = tpu.memref_squeeze %dma_wait3A_196 : memref<1x128xi32, #tpu.memory_space<vmem>> -> memref<128xi32, #tpu.memory_space<vmem>>
    %dma_wait3A_198 = arith.constant 0 : i32
    %dma_wait3A_199 = arith.constant 0 : i32
    %dma_wait3A_200 = tpu.memref_slice %arg3[%dma_wait3A_198, %dma_wait3A_199] : memref<100000x128xf32, #tpu.memory_space<hbm>> -> memref<100000x128xf32, #tpu.memory_space<hbm>>
    tpu.wait_indirect_dma semaphore(%arg16 : memref<!tpu.dma_semaphore, #tpu.memory_space<semaphore_mem>>) src(%dma_wait3A_200 : memref<100000x128xf32, #tpu.memory_space<hbm>>) dst(%dma_wait3A_194 : memref<128x128xf32, #tpu.memory_space<vmem>>)
    %dma_start3A_201 = arith.constant 384 : i32
    %dma_start3A_202 = arith.constant 0 : i32
    %dma_start3A_203 = tpu.memref_slice %arg12[%dma_start3A_201, %dma_start3A_202] : memref<768x128xf32, #tpu.memory_space<vmem>> -> memref<128x128xf32, #tpu.memory_space<vmem>>
    %dma_start3A_204 = arith.constant 0 : i32
    %dma_start3A_205 = tpu.memref_slice %arg9[%add3A_16, %dma_start3A_204] : memref<20480x128xf32, #tpu.memory_space<hbm>> -> memref<128x128xf32, #tpu.memory_space<hbm>>
    %dma_start3A_206 = arith.constant 0 : i32
    %dma_start3A_207 = tpu.memref_slice %arg9[%add3A_16, %dma_start3A_206] : memref<20480x128xf32, #tpu.memory_space<hbm>> -> memref<128x128xf32, #tpu.memory_space<hbm>>
    %dma_start3A_208 = arith.constant 384 : i32
    %dma_start3A_209 = arith.constant 0 : i32
    %dma_start3A_210 = tpu.memref_slice %arg12[%dma_start3A_208, %dma_start3A_209] : memref<768x128xf32, #tpu.memory_space<vmem>> -> memref<128x128xf32, #tpu.memory_space<vmem>>
    tpu.enqueue_dma source(%dma_start3A_210 : memref<128x128xf32, #tpu.memory_space<vmem>>) target(%dma_start3A_207 : memref<128x128xf32, #tpu.memory_space<hbm>>) target_semaphore(%arg22 : memref<!tpu.dma_semaphore, #tpu.memory_space<semaphore_mem>>)
    %dma_wait3A_211 = arith.constant 2 : i32
    %dma_wait3A_212 = arith.constant 512 : i32
    %dma_wait3A_213 = arith.constant 0 : i32
    %dma_wait3A_214 = tpu.memref_slice %arg12[%dma_wait3A_212, %dma_wait3A_213] : memref<768x128xf32, #tpu.memory_space<vmem>> -> memref<128x128xf32, #tpu.memory_space<vmem>>
    %dma_wait3A_215 = arith.constant 0 : i32
    %dma_wait3A_216 = tpu.memref_slice %arg11[%dma_wait3A_211, %dma_wait3A_215] : memref<6x128xi32, #tpu.memory_space<vmem>> -> memref<1x128xi32, #tpu.memory_space<vmem>>
    %dma_wait3A_217 = tpu.memref_squeeze %dma_wait3A_216 : memref<1x128xi32, #tpu.memory_space<vmem>> -> memref<128xi32, #tpu.memory_space<vmem>>
    %dma_wait3A_218 = arith.constant 0 : i32
    %dma_wait3A_219 = arith.constant 0 : i32
    %dma_wait3A_220 = tpu.memref_slice %arg3[%dma_wait3A_218, %dma_wait3A_219] : memref<100000x128xf32, #tpu.memory_space<hbm>> -> memref<100000x128xf32, #tpu.memory_space<hbm>>
    tpu.wait_indirect_dma semaphore(%arg17 : memref<!tpu.dma_semaphore, #tpu.memory_space<semaphore_mem>>) src(%dma_wait3A_220 : memref<100000x128xf32, #tpu.memory_space<hbm>>) dst(%dma_wait3A_214 : memref<128x128xf32, #tpu.memory_space<vmem>>)
    %dma_start3A_221 = arith.constant 512 : i32
    %dma_start3A_222 = arith.constant 0 : i32
    %dma_start3A_223 = tpu.memref_slice %arg12[%dma_start3A_221, %dma_start3A_222] : memref<768x128xf32, #tpu.memory_space<vmem>> -> memref<128x128xf32, #tpu.memory_space<vmem>>
    %dma_start3A_224 = arith.constant 0 : i32
    %dma_start3A_225 = tpu.memref_slice %arg9[%add3A_20, %dma_start3A_224] : memref<20480x128xf32, #tpu.memory_space<hbm>> -> memref<128x128xf32, #tpu.memory_space<hbm>>
    %dma_start3A_226 = arith.constant 0 : i32
    %dma_start3A_227 = tpu.memref_slice %arg9[%add3A_20, %dma_start3A_226] : memref<20480x128xf32, #tpu.memory_space<hbm>> -> memref<128x128xf32, #tpu.memory_space<hbm>>
    %dma_start3A_228 = arith.constant 512 : i32
    %dma_start3A_229 = arith.constant 0 : i32
    %dma_start3A_230 = tpu.memref_slice %arg12[%dma_start3A_228, %dma_start3A_229] : memref<768x128xf32, #tpu.memory_space<vmem>> -> memref<128x128xf32, #tpu.memory_space<vmem>>
    tpu.enqueue_dma source(%dma_start3A_230 : memref<128x128xf32, #tpu.memory_space<vmem>>) target(%dma_start3A_227 : memref<128x128xf32, #tpu.memory_space<hbm>>) target_semaphore(%arg23 : memref<!tpu.dma_semaphore, #tpu.memory_space<semaphore_mem>>)
    %dma_wait3A_231 = arith.constant 3 : i32
    %dma_wait3A_232 = arith.constant 640 : i32
    %dma_wait3A_233 = arith.constant 0 : i32
    %dma_wait3A_234 = tpu.memref_slice %arg12[%dma_wait3A_232, %dma_wait3A_233] : memref<768x128xf32, #tpu.memory_space<vmem>> -> memref<128x128xf32, #tpu.memory_space<vmem>>
    %dma_wait3A_235 = arith.constant 0 : i32
    %dma_wait3A_236 = tpu.memref_slice %arg11[%dma_wait3A_231, %dma_wait3A_235] : memref<6x128xi32, #tpu.memory_space<vmem>> -> memref<1x128xi32, #tpu.memory_space<vmem>>
    %dma_wait3A_237 = tpu.memref_squeeze %dma_wait3A_236 : memref<1x128xi32, #tpu.memory_space<vmem>> -> memref<128xi32, #tpu.memory_space<vmem>>
    %dma_wait3A_238 = arith.constant 0 : i32
    %dma_wait3A_239 = arith.constant 0 : i32
    %dma_wait3A_240 = tpu.memref_slice %arg3[%dma_wait3A_238, %dma_wait3A_239] : memref<100000x128xf32, #tpu.memory_space<hbm>> -> memref<100000x128xf32, #tpu.memory_space<hbm>>
    tpu.wait_indirect_dma semaphore(%arg18 : memref<!tpu.dma_semaphore, #tpu.memory_space<semaphore_mem>>) src(%dma_wait3A_240 : memref<100000x128xf32, #tpu.memory_space<hbm>>) dst(%dma_wait3A_234 : memref<128x128xf32, #tpu.memory_space<vmem>>)
    %dma_start3A_241 = arith.constant 640 : i32
    %dma_start3A_242 = arith.constant 0 : i32
    %dma_start3A_243 = tpu.memref_slice %arg12[%dma_start3A_241, %dma_start3A_242] : memref<768x128xf32, #tpu.memory_space<vmem>> -> memref<128x128xf32, #tpu.memory_space<vmem>>
    %dma_start3A_244 = arith.constant 0 : i32
    %dma_start3A_245 = tpu.memref_slice %arg9[%add3A_24, %dma_start3A_244] : memref<20480x128xf32, #tpu.memory_space<hbm>> -> memref<128x128xf32, #tpu.memory_space<hbm>>
    %dma_start3A_246 = arith.constant 0 : i32
    %dma_start3A_247 = tpu.memref_slice %arg9[%add3A_24, %dma_start3A_246] : memref<20480x128xf32, #tpu.memory_space<hbm>> -> memref<128x128xf32, #tpu.memory_space<hbm>>
    %dma_start3A_248 = arith.constant 640 : i32
    %dma_start3A_249 = arith.constant 0 : i32
    %dma_start3A_250 = tpu.memref_slice %arg12[%dma_start3A_248, %dma_start3A_249] : memref<768x128xf32, #tpu.memory_space<vmem>> -> memref<128x128xf32, #tpu.memory_space<vmem>>
    tpu.enqueue_dma source(%dma_start3A_250 : memref<128x128xf32, #tpu.memory_space<vmem>>) target(%dma_start3A_247 : memref<128x128xf32, #tpu.memory_space<hbm>>) target_semaphore(%arg24 : memref<!tpu.dma_semaphore, #tpu.memory_space<semaphore_mem>>)
    %dma_wait3A_251 = arith.constant 4 : i32
    %dma_wait3A_252 = arith.constant 0 : i32
    %dma_wait3A_253 = arith.constant 0 : i32
    %dma_wait3A_254 = tpu.memref_slice %arg12[%dma_wait3A_252, %dma_wait3A_253] : memref<768x128xf32, #tpu.memory_space<vmem>> -> memref<128x128xf32, #tpu.memory_space<vmem>>
    %dma_wait3A_255 = arith.constant 0 : i32
    %dma_wait3A_256 = tpu.memref_slice %arg11[%dma_wait3A_251, %dma_wait3A_255] : memref<6x128xi32, #tpu.memory_space<vmem>> -> memref<1x128xi32, #tpu.memory_space<vmem>>
    %dma_wait3A_257 = tpu.memref_squeeze %dma_wait3A_256 : memref<1x128xi32, #tpu.memory_space<vmem>> -> memref<128xi32, #tpu.memory_space<vmem>>
    %dma_wait3A_258 = arith.constant 0 : i32
    %dma_wait3A_259 = arith.constant 0 : i32
    %dma_wait3A_260 = tpu.memref_slice %arg3[%dma_wait3A_258, %dma_wait3A_259] : memref<100000x128xf32, #tpu.memory_space<hbm>> -> memref<100000x128xf32, #tpu.memory_space<hbm>>
    tpu.wait_indirect_dma semaphore(%arg13 : memref<!tpu.dma_semaphore, #tpu.memory_space<semaphore_mem>>) src(%dma_wait3A_260 : memref<100000x128xf32, #tpu.memory_space<hbm>>) dst(%dma_wait3A_254 : memref<128x128xf32, #tpu.memory_space<vmem>>)
    %dma_start3A_261 = arith.constant 0 : i32
    %dma_start3A_262 = arith.constant 0 : i32
    %dma_start3A_263 = tpu.memref_slice %arg12[%dma_start3A_261, %dma_start3A_262] : memref<768x128xf32, #tpu.memory_space<vmem>> -> memref<128x128xf32, #tpu.memory_space<vmem>>
    %dma_start3A_264 = arith.constant 0 : i32
    %dma_start3A_265 = tpu.memref_slice %arg9[%add3A_28, %dma_start3A_264] : memref<20480x128xf32, #tpu.memory_space<hbm>> -> memref<128x128xf32, #tpu.memory_space<hbm>>
    %dma_start3A_266 = arith.constant 0 : i32
    %dma_start3A_267 = tpu.memref_slice %arg9[%add3A_28, %dma_start3A_266] : memref<20480x128xf32, #tpu.memory_space<hbm>> -> memref<128x128xf32, #tpu.memory_space<hbm>>
    %dma_start3A_268 = arith.constant 0 : i32
    %dma_start3A_269 = arith.constant 0 : i32
    %dma_start3A_270 = tpu.memref_slice %arg12[%dma_start3A_268, %dma_start3A_269] : memref<768x128xf32, #tpu.memory_space<vmem>> -> memref<128x128xf32, #tpu.memory_space<vmem>>
    tpu.enqueue_dma source(%dma_start3A_270 : memref<128x128xf32, #tpu.memory_space<vmem>>) target(%dma_start3A_267 : memref<128x128xf32, #tpu.memory_space<hbm>>) target_semaphore(%arg19 : memref<!tpu.dma_semaphore, #tpu.memory_space<semaphore_mem>>)
    %dma_wait3A_271 = arith.constant 5 : i32
    %dma_wait3A_272 = arith.constant 128 : i32
    %dma_wait3A_273 = arith.constant 0 : i32
    %dma_wait3A_274 = tpu.memref_slice %arg12[%dma_wait3A_272, %dma_wait3A_273] : memref<768x128xf32, #tpu.memory_space<vmem>> -> memref<128x128xf32, #tpu.memory_space<vmem>>
    %dma_wait3A_275 = arith.constant 0 : i32
    %dma_wait3A_276 = tpu.memref_slice %arg11[%dma_wait3A_271, %dma_wait3A_275] : memref<6x128xi32, #tpu.memory_space<vmem>> -> memref<1x128xi32, #tpu.memory_space<vmem>>
    %dma_wait3A_277 = tpu.memref_squeeze %dma_wait3A_276 : memref<1x128xi32, #tpu.memory_space<vmem>> -> memref<128xi32, #tpu.memory_space<vmem>>
    %dma_wait3A_278 = arith.constant 0 : i32
    %dma_wait3A_279 = arith.constant 0 : i32
    %dma_wait3A_280 = tpu.memref_slice %arg3[%dma_wait3A_278, %dma_wait3A_279] : memref<100000x128xf32, #tpu.memory_space<hbm>> -> memref<100000x128xf32, #tpu.memory_space<hbm>>
    tpu.wait_indirect_dma semaphore(%arg14 : memref<!tpu.dma_semaphore, #tpu.memory_space<semaphore_mem>>) src(%dma_wait3A_280 : memref<100000x128xf32, #tpu.memory_space<hbm>>) dst(%dma_wait3A_274 : memref<128x128xf32, #tpu.memory_space<vmem>>)
    %dma_start3A_281 = arith.constant 128 : i32
    %dma_start3A_282 = arith.constant 0 : i32
    %dma_start3A_283 = tpu.memref_slice %arg12[%dma_start3A_281, %dma_start3A_282] : memref<768x128xf32, #tpu.memory_space<vmem>> -> memref<128x128xf32, #tpu.memory_space<vmem>>
    %dma_start3A_284 = arith.constant 0 : i32
    %dma_start3A_285 = tpu.memref_slice %arg9[%add3A_32, %dma_start3A_284] : memref<20480x128xf32, #tpu.memory_space<hbm>> -> memref<128x128xf32, #tpu.memory_space<hbm>>
    %dma_start3A_286 = arith.constant 0 : i32
    %dma_start3A_287 = tpu.memref_slice %arg9[%add3A_32, %dma_start3A_286] : memref<20480x128xf32, #tpu.memory_space<hbm>> -> memref<128x128xf32, #tpu.memory_space<hbm>>
    %dma_start3A_288 = arith.constant 128 : i32
    %dma_start3A_289 = arith.constant 0 : i32
    %dma_start3A_290 = tpu.memref_slice %arg12[%dma_start3A_288, %dma_start3A_289] : memref<768x128xf32, #tpu.memory_space<vmem>> -> memref<128x128xf32, #tpu.memory_space<vmem>>
    tpu.enqueue_dma source(%dma_start3A_290 : memref<128x128xf32, #tpu.memory_space<vmem>>) target(%dma_start3A_287 : memref<128x128xf32, #tpu.memory_space<hbm>>) target_semaphore(%arg20 : memref<!tpu.dma_semaphore, #tpu.memory_space<semaphore_mem>>)
    %dma_wait3A_291 = arith.constant 256 : i32
    %dma_wait3A_292 = arith.constant 0 : i32
    %dma_wait3A_293 = tpu.memref_slice %arg12[%dma_wait3A_291, %dma_wait3A_292] : memref<768x128xf32, #tpu.memory_space<vmem>> -> memref<128x128xf32, #tpu.memory_space<vmem>>
    %dma_wait3A_294 = arith.constant 0 : i32
    %dma_wait3A_295 = tpu.memref_slice %arg8[%add3A_12, %dma_wait3A_294] : memref<4096x128xf32, #tpu.memory_space<hbm>> -> memref<128x128xf32, #tpu.memory_space<hbm>>
    %dma_wait3A_296 = arith.constant 0 : i32
    %dma_wait3A_297 = tpu.memref_slice %arg8[%add3A_12, %dma_wait3A_296] : memref<4096x128xf32, #tpu.memory_space<hbm>> -> memref<128x128xf32, #tpu.memory_space<hbm>>
    %dma_wait3A_298 = arith.constant 256 : i32
    %dma_wait3A_299 = arith.constant 0 : i32
    %dma_wait3A_300 = tpu.memref_slice %arg12[%dma_wait3A_298, %dma_wait3A_299] : memref<768x128xf32, #tpu.memory_space<vmem>> -> memref<128x128xf32, #tpu.memory_space<vmem>>
    tpu.wait_dma2 semaphore(%arg21 : memref<!tpu.dma_semaphore, #tpu.memory_space<semaphore_mem>>) src(%dma_wait3A_300 : memref<128x128xf32, #tpu.memory_space<vmem>>) dst(%dma_wait3A_297 : memref<128x128xf32, #tpu.memory_space<hbm>>)
    %dma_wait3A_301 = arith.constant 384 : i32
    %dma_wait3A_302 = arith.constant 0 : i32
    %dma_wait3A_303 = tpu.memref_slice %arg12[%dma_wait3A_301, %dma_wait3A_302] : memref<768x128xf32, #tpu.memory_space<vmem>> -> memref<128x128xf32, #tpu.memory_space<vmem>>
    %dma_wait3A_304 = arith.constant 0 : i32
    %dma_wait3A_305 = tpu.memref_slice %arg9[%add3A_16, %dma_wait3A_304] : memref<20480x128xf32, #tpu.memory_space<hbm>> -> memref<128x128xf32, #tpu.memory_space<hbm>>
    %dma_wait3A_306 = arith.constant 0 : i32
    %dma_wait3A_307 = tpu.memref_slice %arg9[%add3A_16, %dma_wait3A_306] : memref<20480x128xf32, #tpu.memory_space<hbm>> -> memref<128x128xf32, #tpu.memory_space<hbm>>
    %dma_wait3A_308 = arith.constant 384 : i32
    %dma_wait3A_309 = arith.constant 0 : i32
    %dma_wait3A_310 = tpu.memref_slice %arg12[%dma_wait3A_308, %dma_wait3A_309] : memref<768x128xf32, #tpu.memory_space<vmem>> -> memref<128x128xf32, #tpu.memory_space<vmem>>
    tpu.wait_dma2 semaphore(%arg22 : memref<!tpu.dma_semaphore, #tpu.memory_space<semaphore_mem>>) src(%dma_wait3A_310 : memref<128x128xf32, #tpu.memory_space<vmem>>) dst(%dma_wait3A_307 : memref<128x128xf32, #tpu.memory_space<hbm>>)
    %dma_wait3A_311 = arith.constant 512 : i32
    %dma_wait3A_312 = arith.constant 0 : i32
    %dma_wait3A_313 = tpu.memref_slice %arg12[%dma_wait3A_311, %dma_wait3A_312] : memref<768x128xf32, #tpu.memory_space<vmem>> -> memref<128x128xf32, #tpu.memory_space<vmem>>
    %dma_wait3A_314 = arith.constant 0 : i32
    %dma_wait3A_315 = tpu.memref_slice %arg9[%add3A_20, %dma_wait3A_314] : memref<20480x128xf32, #tpu.memory_space<hbm>> -> memref<128x128xf32, #tpu.memory_space<hbm>>
    %dma_wait3A_316 = arith.constant 0 : i32
    %dma_wait3A_317 = tpu.memref_slice %arg9[%add3A_20, %dma_wait3A_316] : memref<20480x128xf32, #tpu.memory_space<hbm>> -> memref<128x128xf32, #tpu.memory_space<hbm>>
    %dma_wait3A_318 = arith.constant 512 : i32
    %dma_wait3A_319 = arith.constant 0 : i32
    %dma_wait3A_320 = tpu.memref_slice %arg12[%dma_wait3A_318, %dma_wait3A_319] : memref<768x128xf32, #tpu.memory_space<vmem>> -> memref<128x128xf32, #tpu.memory_space<vmem>>
    tpu.wait_dma2 semaphore(%arg23 : memref<!tpu.dma_semaphore, #tpu.memory_space<semaphore_mem>>) src(%dma_wait3A_320 : memref<128x128xf32, #tpu.memory_space<vmem>>) dst(%dma_wait3A_317 : memref<128x128xf32, #tpu.memory_space<hbm>>)
    %dma_wait3A_321 = arith.constant 640 : i32
    %dma_wait3A_322 = arith.constant 0 : i32
    %dma_wait3A_323 = tpu.memref_slice %arg12[%dma_wait3A_321, %dma_wait3A_322] : memref<768x128xf32, #tpu.memory_space<vmem>> -> memref<128x128xf32, #tpu.memory_space<vmem>>
    %dma_wait3A_324 = arith.constant 0 : i32
    %dma_wait3A_325 = tpu.memref_slice %arg9[%add3A_24, %dma_wait3A_324] : memref<20480x128xf32, #tpu.memory_space<hbm>> -> memref<128x128xf32, #tpu.memory_space<hbm>>
    %dma_wait3A_326 = arith.constant 0 : i32
    %dma_wait3A_327 = tpu.memref_slice %arg9[%add3A_24, %dma_wait3A_326] : memref<20480x128xf32, #tpu.memory_space<hbm>> -> memref<128x128xf32, #tpu.memory_space<hbm>>
    %dma_wait3A_328 = arith.constant 640 : i32
    %dma_wait3A_329 = arith.constant 0 : i32
    %dma_wait3A_330 = tpu.memref_slice %arg12[%dma_wait3A_328, %dma_wait3A_329] : memref<768x128xf32, #tpu.memory_space<vmem>> -> memref<128x128xf32, #tpu.memory_space<vmem>>
    tpu.wait_dma2 semaphore(%arg24 : memref<!tpu.dma_semaphore, #tpu.memory_space<semaphore_mem>>) src(%dma_wait3A_330 : memref<128x128xf32, #tpu.memory_space<vmem>>) dst(%dma_wait3A_327 : memref<128x128xf32, #tpu.memory_space<hbm>>)
    %dma_wait3A_331 = arith.constant 0 : i32
    %dma_wait3A_332 = arith.constant 0 : i32
    %dma_wait3A_333 = tpu.memref_slice %arg12[%dma_wait3A_331, %dma_wait3A_332] : memref<768x128xf32, #tpu.memory_space<vmem>> -> memref<128x128xf32, #tpu.memory_space<vmem>>
    %dma_wait3A_334 = arith.constant 0 : i32
    %dma_wait3A_335 = tpu.memref_slice %arg9[%add3A_28, %dma_wait3A_334] : memref<20480x128xf32, #tpu.memory_space<hbm>> -> memref<128x128xf32, #tpu.memory_space<hbm>>
    %dma_wait3A_336 = arith.constant 0 : i32
    %dma_wait3A_337 = tpu.memref_slice %arg9[%add3A_28, %dma_wait3A_336] : memref<20480x128xf32, #tpu.memory_space<hbm>> -> memref<128x128xf32, #tpu.memory_space<hbm>>
    %dma_wait3A_338 = arith.constant 0 : i32
    %dma_wait3A_339 = arith.constant 0 : i32
    %dma_wait3A_340 = tpu.memref_slice %arg12[%dma_wait3A_338, %dma_wait3A_339] : memref<768x128xf32, #tpu.memory_space<vmem>> -> memref<128x128xf32, #tpu.memory_space<vmem>>
    tpu.wait_dma2 semaphore(%arg19 : memref<!tpu.dma_semaphore, #tpu.memory_space<semaphore_mem>>) src(%dma_wait3A_340 : memref<128x128xf32, #tpu.memory_space<vmem>>) dst(%dma_wait3A_337 : memref<128x128xf32, #tpu.memory_space<hbm>>)
    %dma_wait3A_341 = arith.constant 128 : i32
    %dma_wait3A_342 = arith.constant 0 : i32
    %dma_wait3A_343 = tpu.memref_slice %arg12[%dma_wait3A_341, %dma_wait3A_342] : memref<768x128xf32, #tpu.memory_space<vmem>> -> memref<128x128xf32, #tpu.memory_space<vmem>>
    %dma_wait3A_344 = arith.constant 0 : i32
    %dma_wait3A_345 = tpu.memref_slice %arg9[%add3A_32, %dma_wait3A_344] : memref<20480x128xf32, #tpu.memory_space<hbm>> -> memref<128x128xf32, #tpu.memory_space<hbm>>
    %dma_wait3A_346 = arith.constant 0 : i32
    %dma_wait3A_347 = tpu.memref_slice %arg9[%add3A_32, %dma_wait3A_346] : memref<20480x128xf32, #tpu.memory_space<hbm>> -> memref<128x128xf32, #tpu.memory_space<hbm>>
    %dma_wait3A_348 = arith.constant 128 : i32
    %dma_wait3A_349 = arith.constant 0 : i32
    %dma_wait3A_350 = tpu.memref_slice %arg12[%dma_wait3A_348, %dma_wait3A_349] : memref<768x128xf32, #tpu.memory_space<vmem>> -> memref<128x128xf32, #tpu.memory_space<vmem>>
    tpu.wait_dma2 semaphore(%arg20 : memref<!tpu.dma_semaphore, #tpu.memory_space<semaphore_mem>>) src(%dma_wait3A_350 : memref<128x128xf32, #tpu.memory_space<vmem>>) dst(%dma_wait3A_347 : memref<128x128xf32, #tpu.memory_space<hbm>>)
    return
  }
}

module attributes {stable_mosaic.version = 14 : i64} {
  func.func @body(%arg0: i32, %arg1: memref<1024x128xf32, #tpu.memory_space<vmem>>, %arg2: memref<1024x128xf32, #tpu.memory_space<vmem>>, %arg3: memref<1024x128xf32, #tpu.memory_space<vmem>>, %arg4: memref<5x1024x128xf32, #tpu.memory_space<vmem>>, %arg5: memref<16x128xf32, #tpu.memory_space<vmem>>, %arg6: memref<16384x16xf32, #tpu.memory_space<any>>, %arg7: memref<16384x16xf32, #tpu.memory_space<any>>, %arg8: memref<1024x16xf32, #tpu.memory_space<vmem>>, %arg9: memref<1024x16xf32, #tpu.memory_space<vmem>>, %arg10: memref<1x1xf32, #tpu.memory_space<smem>>) attributes {dimension_semantics = [#tpu.dimension_semantics<arbitrary>], iteration_bounds = array<i64: 4>, scalar_prefetch = 0 : i64, scratch_operands = 0 : i64, tpu.core_type = #tpu.core_type<tc>, window_params = [{transform_indices = @transform_0, window_bounds = array<i64: 1024, 128>}, {transform_indices = @transform_1, window_bounds = array<i64: 1024, 128>}, {transform_indices = @transform_2, window_bounds = array<i64: 1024, 128>}, {transform_indices = @transform_3, window_bounds = array<i64: 5, 1024, 128>}, {pipeline_mode = #tpu.pipeline_mode<synchronous>, transform_indices = @transform_4, window_bounds = array<i64: 16, 128>}, {}, {}, {transform_indices = @transform_7, window_bounds = array<i64: 1024, 16>}, {transform_indices = @transform_8, window_bounds = array<i64: 1024, 16>}, {transform_indices = @transform_9, window_bounds = array<i64: 1, 1>}]} {
    %get3A = arith.constant 0 : index
    %get3A_0 = arith.constant 0 : index
    %get3A_1 = vector.load %arg5[%get3A, %get3A_0] : memref<16x128xf32, #tpu.memory_space<vmem>>, vector<16x128xf32>
    %get3A_2 = arith.constant 0 : index
    %get3A_3 = arith.constant 0 : index
    %get3A_4 = vector.load %arg1[%get3A_2, %get3A_3] : memref<1024x128xf32, #tpu.memory_space<vmem>>, vector<1024x128xf32>
    %get3A_5 = arith.constant 0 : index
    %get3A_6 = arith.constant 0 : index
    %get3A_7 = vector.load %arg2[%get3A_5, %get3A_6] : memref<1024x128xf32, #tpu.memory_space<vmem>>, vector<1024x128xf32>
    %mul3A = arith.mulf %get3A_4, %get3A_7 : vector<1024x128xf32>
    %dot_general3A = arith.constant dense<0.000000e+00> : vector<1024x16xf32>
    %dot_general3A_8 = tpu.matmul %mul3A, %get3A_1, %dot_general3A {dimension_numbers = #tpu.dot_dimension_numbers<[1], [1], [0], [0], [0, 0, 1, 0], [], []>, transpose_lhs_hint = false} : vector<1024x128xf32>, vector<16x128xf32>, vector<1024x16xf32> -> vector<1024x16xf32>
    %dot_general3A_9 = arith.constant dense<0.000000e+00> : vector<1024x16xf32>
    %dot_general3A_10 = tpu.matmul %get3A_4, %get3A_1, %dot_general3A_9 {dimension_numbers = #tpu.dot_dimension_numbers<[1], [1], [0], [0], [0, 0, 1, 0], [], []>, transpose_lhs_hint = false} : vector<1024x128xf32>, vector<16x128xf32>, vector<1024x16xf32> -> vector<1024x16xf32>
    %reduce_max3A = arith.constant dense<0xFF800000> : vector<1024xf32>
    %reduce_max3A_11 = vector.multi_reduction <maximumf>, %dot_general3A_10, %reduce_max3A [1] : vector<1024x16xf32> to vector<1024xf32>
    %max3A = arith.constant 0xFF800000 : f32
    %max3A_12 = vector.broadcast %max3A : f32 to vector<1024xf32>
    %max3A_13 = arith.maximumf %max3A_12, %reduce_max3A_11 : vector<1024xf32>
    %broadcast_in_dim3A = vector.shape_cast %max3A_13 : vector<1024xf32> to vector<1024x1xf32>
    %sub3A = vector.broadcast %broadcast_in_dim3A : vector<1024x1xf32> to vector<1024x16xf32>
    %sub3A_14 = arith.subf %dot_general3A_10, %sub3A : vector<1024x16xf32>
    %exp3A = math.exp %sub3A_14 : vector<1024x16xf32>
    %reduce_sum3A = arith.constant dense<0.000000e+00> : vector<1024xf32>
    %reduce_sum3A_15 = vector.multi_reduction <add>, %exp3A, %reduce_sum3A [1] : vector<1024x16xf32> to vector<1024xf32>
    %broadcast_in_dim3A_16 = vector.shape_cast %reduce_sum3A_15 : vector<1024xf32> to vector<1024x1xf32>
    %div3A = vector.broadcast %broadcast_in_dim3A_16 : vector<1024x1xf32> to vector<1024x16xf32>
    %div3A_17 = arith.divf %exp3A, %div3A : vector<1024x16xf32>
    %swap3A = arith.constant 0 : index
    %swap3A_18 = arith.constant 0 : index
    %swap3A_19 = vector.load %arg9[%swap3A, %swap3A_18] : memref<1024x16xf32, #tpu.memory_space<vmem>>, vector<1024x16xf32>
    tpu.vector_store %arg9[%swap3A, %swap3A_18], %div3A_17 {strides = array<i32>} : memref<1024x16xf32, #tpu.memory_space<vmem>>, vector<1024x16xf32>,
    %reduce_max3A_20 = arith.constant dense<0xFF800000> : vector<1024xf32>
    %reduce_max3A_21 = vector.multi_reduction <maximumf>, %dot_general3A_8, %reduce_max3A_20 [1] : vector<1024x16xf32> to vector<1024xf32>
    %max3A_22 = arith.constant 0xFF800000 : f32
    %max3A_23 = vector.broadcast %max3A_22 : f32 to vector<1024xf32>
    %max3A_24 = arith.maximumf %max3A_23, %reduce_max3A_21 : vector<1024xf32>
    %broadcast_in_dim3A_25 = vector.shape_cast %max3A_24 : vector<1024xf32> to vector<1024x1xf32>
    %sub3A_26 = vector.broadcast %broadcast_in_dim3A_25 : vector<1024x1xf32> to vector<1024x16xf32>
    %sub3A_27 = arith.subf %dot_general3A_8, %sub3A_26 : vector<1024x16xf32>
    %exp3A_28 = math.exp %sub3A_27 : vector<1024x16xf32>
    %reduce_sum3A_29 = arith.constant dense<0.000000e+00> : vector<1024xf32>
    %reduce_sum3A_30 = vector.multi_reduction <add>, %exp3A_28, %reduce_sum3A_29 [1] : vector<1024x16xf32> to vector<1024xf32>
    %broadcast_in_dim3A_31 = vector.shape_cast %reduce_sum3A_30 : vector<1024xf32> to vector<1024x1xf32>
    %div3A_32 = vector.broadcast %broadcast_in_dim3A_31 : vector<1024x1xf32> to vector<1024x16xf32>
    %div3A_33 = arith.divf %exp3A_28, %div3A_32 : vector<1024x16xf32>
    %swap3A_34 = arith.constant 0 : index
    %swap3A_35 = arith.constant 0 : index
    %swap3A_36 = vector.load %arg8[%swap3A_34, %swap3A_35] : memref<1024x16xf32, #tpu.memory_space<vmem>>, vector<1024x16xf32>
    tpu.vector_store %arg8[%swap3A_34, %swap3A_35], %div3A_33 {strides = array<i32>} : memref<1024x16xf32, #tpu.memory_space<vmem>>, vector<1024x16xf32>,
    %dot_general3A_37 = arith.constant dense<0.000000e+00> : vector<1024x128xf32>
    %dot_general3A_38 = tpu.matmul %dot_general3A_8, %get3A_1, %dot_general3A_37 {dimension_numbers = #tpu.dot_dimension_numbers<[1], [0], [0], [1], [0, 0, 1, 1], [], []>, transpose_lhs_hint = false} : vector<1024x16xf32>, vector<16x128xf32>, vector<1024x128xf32> -> vector<1024x128xf32>
    %get3A_39 = arith.constant 0 : index
    %get3A_40 = arith.constant 0 : index
    %get3A_41 = vector.load %arg3[%get3A_39, %get3A_40] : memref<1024x128xf32, #tpu.memory_space<vmem>>, vector<1024x128xf32>
    %mul3A_42 = arith.mulf %get3A_41, %dot_general3A_38 : vector<1024x128xf32>
    %reduce_sum3A_43 = arith.constant dense<0.000000e+00> : vector<1024xf32>
    %reduce_sum3A_44 = vector.multi_reduction <add>, %mul3A_42, %reduce_sum3A_43 [1] : vector<1024x128xf32> to vector<1024xf32>
    %min3A = arith.constant 0.000000e+00 : f32
    %min3A_45 = vector.broadcast %min3A : f32 to vector<1024xf32>
    %min3A_46 = arith.minimumf %reduce_sum3A_44, %min3A_45 : vector<1024xf32>
    %abs3A = math.absf %reduce_sum3A_44 : vector<1024xf32>
    %neg3A = arith.constant 0.000000e+00 : f32
    %neg3A_47 = vector.broadcast %neg3A : f32 to vector<1024xf32>
    %neg3A_48 = arith.subf %neg3A_47, %abs3A : vector<1024xf32>
    %exp3A_49 = math.exp %neg3A_48 : vector<1024xf32>
    %add3A = arith.constant 1.000000e+00 : f32
    %add3A_50 = vector.broadcast %add3A : f32 to vector<1024xf32>
    %add3A_51 = arith.addf %add3A_50, %exp3A_49 : vector<1024xf32>
    %log3A = math.log %add3A_51 : vector<1024xf32>
    %sub3A_52 = arith.subf %min3A_46, %log3A : vector<1024xf32>
    %reduce_sum3A_53 = vector.shape_cast %sub3A_52 : vector<1024xf32> to vector<1x1024xf32>
    %reduce_sum3A_54 = arith.constant dense<0.000000e+00> : vector<1xf32>
    %reduce_sum3A_55 = vector.multi_reduction <add>, %reduce_sum3A_53, %reduce_sum3A_54 [1] : vector<1x1024xf32> to vector<1xf32>
    %reduce_sum3A_56 = vector.shape_cast %reduce_sum3A_55 : vector<1xf32> to vector<1x1xf32>
    %reduce_sum3A_57 = vector.extract %reduce_sum3A_56[0, 0] : f32 from vector<1x1xf32>
    %get3A_58 = arith.constant 0 : index
    %get3A_59 = arith.constant 0 : index
    %get3A_60 = arith.constant 0 : index
    %get3A_61 = vector.load %arg4[%get3A_58, %get3A_59, %get3A_60] : memref<5x1024x128xf32, #tpu.memory_space<vmem>>, vector<1x1024x128xf32>
    %get3A_62 = vector.shape_cast %get3A_61 : vector<1x1024x128xf32> to vector<1024x128xf32>
    %mul3A_63 = arith.mulf %get3A_62, %dot_general3A_38 : vector<1024x128xf32>
    %reduce_sum3A_64 = arith.constant dense<0.000000e+00> : vector<1024xf32>
    %reduce_sum3A_65 = vector.multi_reduction <add>, %mul3A_63, %reduce_sum3A_64 [1] : vector<1024x128xf32> to vector<1024xf32>
    %neg3A_66 = arith.constant 0.000000e+00 : f32
    %neg3A_67 = vector.broadcast %neg3A_66 : f32 to vector<1024xf32>
    %neg3A_68 = arith.subf %neg3A_67, %reduce_sum3A_65 : vector<1024xf32>
    %min3A_69 = arith.constant 0.000000e+00 : f32
    %min3A_70 = vector.broadcast %min3A_69 : f32 to vector<1024xf32>
    %min3A_71 = arith.minimumf %neg3A_68, %min3A_70 : vector<1024xf32>
    %abs3A_72 = math.absf %neg3A_68 : vector<1024xf32>
    %neg3A_73 = arith.constant 0.000000e+00 : f32
    %neg3A_74 = vector.broadcast %neg3A_73 : f32 to vector<1024xf32>
    %neg3A_75 = arith.subf %neg3A_74, %abs3A_72 : vector<1024xf32>
    %exp3A_76 = math.exp %neg3A_75 : vector<1024xf32>
    %add3A_77 = arith.constant 1.000000e+00 : f32
    %add3A_78 = vector.broadcast %add3A_77 : f32 to vector<1024xf32>
    %add3A_79 = arith.addf %add3A_78, %exp3A_76 : vector<1024xf32>
    %log3A_80 = math.log %add3A_79 : vector<1024xf32>
    %sub3A_81 = arith.subf %min3A_71, %log3A_80 : vector<1024xf32>
    %reduce_sum3A_82 = vector.shape_cast %sub3A_81 : vector<1024xf32> to vector<1x1024xf32>
    %reduce_sum3A_83 = arith.constant dense<0.000000e+00> : vector<1xf32>
    %reduce_sum3A_84 = vector.multi_reduction <add>, %reduce_sum3A_82, %reduce_sum3A_83 [1] : vector<1x1024xf32> to vector<1xf32>
    %reduce_sum3A_85 = vector.shape_cast %reduce_sum3A_84 : vector<1xf32> to vector<1x1xf32>
    %reduce_sum3A_86 = vector.extract %reduce_sum3A_85[0, 0] : f32 from vector<1x1xf32>
    %add3A_87 = arith.addf %reduce_sum3A_57, %reduce_sum3A_86 : f32
    %get3A_88 = arith.constant 1 : index
    %get3A_89 = arith.constant 0 : index
    %get3A_90 = arith.constant 0 : index
    %get3A_91 = vector.load %arg4[%get3A_88, %get3A_89, %get3A_90] : memref<5x1024x128xf32, #tpu.memory_space<vmem>>, vector<1x1024x128xf32>
    %get3A_92 = vector.shape_cast %get3A_91 : vector<1x1024x128xf32> to vector<1024x128xf32>
    %mul3A_93 = arith.mulf %get3A_92, %dot_general3A_38 : vector<1024x128xf32>
    %reduce_sum3A_94 = arith.constant dense<0.000000e+00> : vector<1024xf32>
    %reduce_sum3A_95 = vector.multi_reduction <add>, %mul3A_93, %reduce_sum3A_94 [1] : vector<1024x128xf32> to vector<1024xf32>
    %neg3A_96 = arith.constant 0.000000e+00 : f32
    %neg3A_97 = vector.broadcast %neg3A_96 : f32 to vector<1024xf32>
    %neg3A_98 = arith.subf %neg3A_97, %reduce_sum3A_95 : vector<1024xf32>
    %min3A_99 = arith.constant 0.000000e+00 : f32
    %min3A_100 = vector.broadcast %min3A_99 : f32 to vector<1024xf32>
    %min3A_101 = arith.minimumf %neg3A_98, %min3A_100 : vector<1024xf32>
    %abs3A_102 = math.absf %neg3A_98 : vector<1024xf32>
    %neg3A_103 = arith.constant 0.000000e+00 : f32
    %neg3A_104 = vector.broadcast %neg3A_103 : f32 to vector<1024xf32>
    %neg3A_105 = arith.subf %neg3A_104, %abs3A_102 : vector<1024xf32>
    %exp3A_106 = math.exp %neg3A_105 : vector<1024xf32>
    %add3A_107 = arith.constant 1.000000e+00 : f32
    %add3A_108 = vector.broadcast %add3A_107 : f32 to vector<1024xf32>
    %add3A_109 = arith.addf %add3A_108, %exp3A_106 : vector<1024xf32>
    %log3A_110 = math.log %add3A_109 : vector<1024xf32>
    %sub3A_111 = arith.subf %min3A_101, %log3A_110 : vector<1024xf32>
    %reduce_sum3A_112 = vector.shape_cast %sub3A_111 : vector<1024xf32> to vector<1x1024xf32>
    %reduce_sum3A_113 = arith.constant dense<0.000000e+00> : vector<1xf32>
    %reduce_sum3A_114 = vector.multi_reduction <add>, %reduce_sum3A_112, %reduce_sum3A_113 [1] : vector<1x1024xf32> to vector<1xf32>
    %reduce_sum3A_115 = vector.shape_cast %reduce_sum3A_114 : vector<1xf32> to vector<1x1xf32>
    %reduce_sum3A_116 = vector.extract %reduce_sum3A_115[0, 0] : f32 from vector<1x1xf32>
    %add3A_117 = arith.addf %add3A_87, %reduce_sum3A_116 : f32
    %get3A_118 = arith.constant 2 : index
    %get3A_119 = arith.constant 0 : index
    %get3A_120 = arith.constant 0 : index
    %get3A_121 = vector.load %arg4[%get3A_118, %get3A_119, %get3A_120] : memref<5x1024x128xf32, #tpu.memory_space<vmem>>, vector<1x1024x128xf32>
    %get3A_122 = vector.shape_cast %get3A_121 : vector<1x1024x128xf32> to vector<1024x128xf32>
    %mul3A_123 = arith.mulf %get3A_122, %dot_general3A_38 : vector<1024x128xf32>
    %reduce_sum3A_124 = arith.constant dense<0.000000e+00> : vector<1024xf32>
    %reduce_sum3A_125 = vector.multi_reduction <add>, %mul3A_123, %reduce_sum3A_124 [1] : vector<1024x128xf32> to vector<1024xf32>
    %neg3A_126 = arith.constant 0.000000e+00 : f32
    %neg3A_127 = vector.broadcast %neg3A_126 : f32 to vector<1024xf32>
    %neg3A_128 = arith.subf %neg3A_127, %reduce_sum3A_125 : vector<1024xf32>
    %min3A_129 = arith.constant 0.000000e+00 : f32
    %min3A_130 = vector.broadcast %min3A_129 : f32 to vector<1024xf32>
    %min3A_131 = arith.minimumf %neg3A_128, %min3A_130 : vector<1024xf32>
    %abs3A_132 = math.absf %neg3A_128 : vector<1024xf32>
    %neg3A_133 = arith.constant 0.000000e+00 : f32
    %neg3A_134 = vector.broadcast %neg3A_133 : f32 to vector<1024xf32>
    %neg3A_135 = arith.subf %neg3A_134, %abs3A_132 : vector<1024xf32>
    %exp3A_136 = math.exp %neg3A_135 : vector<1024xf32>
    %add3A_137 = arith.constant 1.000000e+00 : f32
    %add3A_138 = vector.broadcast %add3A_137 : f32 to vector<1024xf32>
    %add3A_139 = arith.addf %add3A_138, %exp3A_136 : vector<1024xf32>
    %log3A_140 = math.log %add3A_139 : vector<1024xf32>
    %sub3A_141 = arith.subf %min3A_131, %log3A_140 : vector<1024xf32>
    %reduce_sum3A_142 = vector.shape_cast %sub3A_141 : vector<1024xf32> to vector<1x1024xf32>
    %reduce_sum3A_143 = arith.constant dense<0.000000e+00> : vector<1xf32>
    %reduce_sum3A_144 = vector.multi_reduction <add>, %reduce_sum3A_142, %reduce_sum3A_143 [1] : vector<1x1024xf32> to vector<1xf32>
    %reduce_sum3A_145 = vector.shape_cast %reduce_sum3A_144 : vector<1xf32> to vector<1x1xf32>
    %reduce_sum3A_146 = vector.extract %reduce_sum3A_145[0, 0] : f32 from vector<1x1xf32>
    %add3A_147 = arith.addf %add3A_117, %reduce_sum3A_146 : f32
    %get3A_148 = arith.constant 3 : index
    %get3A_149 = arith.constant 0 : index
    %get3A_150 = arith.constant 0 : index
    %get3A_151 = vector.load %arg4[%get3A_148, %get3A_149, %get3A_150] : memref<5x1024x128xf32, #tpu.memory_space<vmem>>, vector<1x1024x128xf32>
    %get3A_152 = vector.shape_cast %get3A_151 : vector<1x1024x128xf32> to vector<1024x128xf32>
    %mul3A_153 = arith.mulf %get3A_152, %dot_general3A_38 : vector<1024x128xf32>
    %reduce_sum3A_154 = arith.constant dense<0.000000e+00> : vector<1024xf32>
    %reduce_sum3A_155 = vector.multi_reduction <add>, %mul3A_153, %reduce_sum3A_154 [1] : vector<1024x128xf32> to vector<1024xf32>
    %neg3A_156 = arith.constant 0.000000e+00 : f32
    %neg3A_157 = vector.broadcast %neg3A_156 : f32 to vector<1024xf32>
    %neg3A_158 = arith.subf %neg3A_157, %reduce_sum3A_155 : vector<1024xf32>
    %min3A_159 = arith.constant 0.000000e+00 : f32
    %min3A_160 = vector.broadcast %min3A_159 : f32 to vector<1024xf32>
    %min3A_161 = arith.minimumf %neg3A_158, %min3A_160 : vector<1024xf32>
    %abs3A_162 = math.absf %neg3A_158 : vector<1024xf32>
    %neg3A_163 = arith.constant 0.000000e+00 : f32
    %neg3A_164 = vector.broadcast %neg3A_163 : f32 to vector<1024xf32>
    %neg3A_165 = arith.subf %neg3A_164, %abs3A_162 : vector<1024xf32>
    %exp3A_166 = math.exp %neg3A_165 : vector<1024xf32>
    %add3A_167 = arith.constant 1.000000e+00 : f32
    %add3A_168 = vector.broadcast %add3A_167 : f32 to vector<1024xf32>
    %add3A_169 = arith.addf %add3A_168, %exp3A_166 : vector<1024xf32>
    %log3A_170 = math.log %add3A_169 : vector<1024xf32>
    %sub3A_171 = arith.subf %min3A_161, %log3A_170 : vector<1024xf32>
    %reduce_sum3A_172 = vector.shape_cast %sub3A_171 : vector<1024xf32> to vector<1x1024xf32>
    %reduce_sum3A_173 = arith.constant dense<0.000000e+00> : vector<1xf32>
    %reduce_sum3A_174 = vector.multi_reduction <add>, %reduce_sum3A_172, %reduce_sum3A_173 [1] : vector<1x1024xf32> to vector<1xf32>
    %reduce_sum3A_175 = vector.shape_cast %reduce_sum3A_174 : vector<1xf32> to vector<1x1xf32>
    %reduce_sum3A_176 = vector.extract %reduce_sum3A_175[0, 0] : f32 from vector<1x1xf32>
    %add3A_177 = arith.addf %add3A_147, %reduce_sum3A_176 : f32
    %get3A_178 = arith.constant 4 : index
    %get3A_179 = arith.constant 0 : index
    %get3A_180 = arith.constant 0 : index
    %get3A_181 = vector.load %arg4[%get3A_178, %get3A_179, %get3A_180] : memref<5x1024x128xf32, #tpu.memory_space<vmem>>, vector<1x1024x128xf32>
    %get3A_182 = vector.shape_cast %get3A_181 : vector<1x1024x128xf32> to vector<1024x128xf32>
    %mul3A_183 = arith.mulf %get3A_182, %dot_general3A_38 : vector<1024x128xf32>
    %reduce_sum3A_184 = arith.constant dense<0.000000e+00> : vector<1024xf32>
    %reduce_sum3A_185 = vector.multi_reduction <add>, %mul3A_183, %reduce_sum3A_184 [1] : vector<1024x128xf32> to vector<1024xf32>
    %neg3A_186 = arith.constant 0.000000e+00 : f32
    %neg3A_187 = vector.broadcast %neg3A_186 : f32 to vector<1024xf32>
    %neg3A_188 = arith.subf %neg3A_187, %reduce_sum3A_185 : vector<1024xf32>
    %min3A_189 = arith.constant 0.000000e+00 : f32
    %min3A_190 = vector.broadcast %min3A_189 : f32 to vector<1024xf32>
    %min3A_191 = arith.minimumf %neg3A_188, %min3A_190 : vector<1024xf32>
    %abs3A_192 = math.absf %neg3A_188 : vector<1024xf32>
    %neg3A_193 = arith.constant 0.000000e+00 : f32
    %neg3A_194 = vector.broadcast %neg3A_193 : f32 to vector<1024xf32>
    %neg3A_195 = arith.subf %neg3A_194, %abs3A_192 : vector<1024xf32>
    %exp3A_196 = math.exp %neg3A_195 : vector<1024xf32>
    %add3A_197 = arith.constant 1.000000e+00 : f32
    %add3A_198 = vector.broadcast %add3A_197 : f32 to vector<1024xf32>
    %add3A_199 = arith.addf %add3A_198, %exp3A_196 : vector<1024xf32>
    %log3A_200 = math.log %add3A_199 : vector<1024xf32>
    %sub3A_201 = arith.subf %min3A_191, %log3A_200 : vector<1024xf32>
    %reduce_sum3A_202 = vector.shape_cast %sub3A_201 : vector<1024xf32> to vector<1x1024xf32>
    %reduce_sum3A_203 = arith.constant dense<0.000000e+00> : vector<1xf32>
    %reduce_sum3A_204 = vector.multi_reduction <add>, %reduce_sum3A_202, %reduce_sum3A_203 [1] : vector<1x1024xf32> to vector<1xf32>
    %reduce_sum3A_205 = vector.shape_cast %reduce_sum3A_204 : vector<1xf32> to vector<1x1xf32>
    %reduce_sum3A_206 = vector.extract %reduce_sum3A_205[0, 0] : f32 from vector<1x1xf32>
    %add3A_207 = arith.addf %add3A_177, %reduce_sum3A_206 : f32
    %eq3A = arith.constant 0 : i32
    %eq3A_208 = arith.cmpi eq, %arg0, %eq3A : i32
    %convert_element_type3A = arith.extui %eq3A_208 : i1 to i32
    %cond3A = arith.constant 0 : i32
    %cond3A_209 = arith.cmpi ne, %convert_element_type3A, %cond3A : i32
    scf.if %cond3A_209 {
      %swap3A_217 = arith.constant 0.000000e+00 : f32
      %swap3A_218 = arith.constant 0 : index
      %swap3A_219 = arith.constant 0 : index
      %swap3A_220 = memref.load %arg10[%swap3A_218, %swap3A_219] : memref<1x1xf32, #tpu.memory_space<smem>>
      memref.store %swap3A_217, %arg10[%swap3A_218, %swap3A_219] : memref<1x1xf32, #tpu.memory_space<smem>>
    } else {
    }
    %get3A_210 = arith.constant 0 : index
    %get3A_211 = arith.constant 0 : index
    %get3A_212 = memref.load %arg10[%get3A_210, %get3A_211] : memref<1x1xf32, #tpu.memory_space<smem>>
    %add3A_213 = arith.addf %get3A_212, %add3A_207 : f32
    %swap3A_214 = arith.constant 0 : index
    %swap3A_215 = arith.constant 0 : index
    %swap3A_216 = memref.load %arg10[%swap3A_214, %swap3A_215] : memref<1x1xf32, #tpu.memory_space<smem>>
    memref.store %add3A_213, %arg10[%swap3A_214, %swap3A_215] : memref<1x1xf32, #tpu.memory_space<smem>>
    return
  }
  func.func @transform_0(%arg0: i32) -> (i32, i32) {
    %c0_i32 = arith.constant 0 : i32
    %c0_i32_0 = arith.constant 0 : i32
    return %arg0, %c0_i32 : i32, i32
  }
  func.func @transform_1(%arg0: i32) -> (i32, i32) {
    %c0_i32 = arith.constant 0 : i32
    %c0_i32_0 = arith.constant 0 : i32
    return %arg0, %c0_i32 : i32, i32
  }
  func.func @transform_2(%arg0: i32) -> (i32, i32) {
    %c0_i32 = arith.constant 0 : i32
    %c0_i32_0 = arith.constant 0 : i32
    return %arg0, %c0_i32 : i32, i32
  }
  func.func @transform_3(%arg0: i32) -> (i32, i32, i32) {
    %c0_i32 = arith.constant 0 : i32
    %c0_i32_0 = arith.constant 0 : i32
    %c0_i32_1 = arith.constant 0 : i32
    return %c0_i32, %arg0, %c0_i32_0 : i32, i32, i32
  }
  func.func @transform_4(%arg0: i32) -> (i32, i32) {
    %c0_i32 = arith.constant 0 : i32
    %c0_i32_0 = arith.constant 0 : i32
    %c0_i32_1 = arith.constant 0 : i32
    return %c0_i32, %c0_i32_0 : i32, i32
  }
  func.func @transform_7(%arg0: i32) -> (i32, i32) {
    %add3A = arith.constant 12 : i32
    %add3A_0 = arith.addi %arg0, %add3A : i32
    %c0_i32 = arith.constant 0 : i32
    %c0_i32_1 = arith.constant 0 : i32
    return %add3A_0, %c0_i32 : i32, i32
  }
  func.func @transform_8(%arg0: i32) -> (i32, i32) {
    %add3A = arith.constant 12 : i32
    %add3A_0 = arith.addi %arg0, %add3A : i32
    %c0_i32 = arith.constant 0 : i32
    %c0_i32_1 = arith.constant 0 : i32
    return %add3A_0, %c0_i32 : i32, i32
  }
  func.func @transform_9(%arg0: i32) -> (i32, i32) {
    %c0_i32 = arith.constant 0 : i32
    %c0_i32_0 = arith.constant 0 : i32
    %c0_i32_1 = arith.constant 0 : i32
    return %c0_i32, %c0_i32_0 : i32, i32
  }
}

module attributes {stable_mosaic.version = 14 : i64} {
  func.func @body(%arg0: i32, %arg1: memref<1024x128xf32, #tpu.memory_space<vmem>>, %arg2: memref<1024x128xf32, #tpu.memory_space<vmem>>, %arg3: memref<1024x128xf32, #tpu.memory_space<vmem>>, %arg4: memref<5x1024x128xf32, #tpu.memory_space<vmem>>, %arg5: memref<16x128xf32, #tpu.memory_space<vmem>>, %arg6: memref<1024x16xf32, #tpu.memory_space<vmem>>, %arg7: memref<1024x16xf32, #tpu.memory_space<vmem>>, %arg8: memref<1x1xf32, #tpu.memory_space<smem>>) attributes {dimension_semantics = [#tpu.dimension_semantics<arbitrary>], iteration_bounds = array<i64: 12>, scalar_prefetch = 0 : i64, scratch_operands = 0 : i64, tpu.core_type = #tpu.core_type<tc>, window_params = [{transform_indices = @transform_0, window_bounds = array<i64: 1024, 128>}, {transform_indices = @transform_1, window_bounds = array<i64: 1024, 128>}, {transform_indices = @transform_2, window_bounds = array<i64: 1024, 128>}, {transform_indices = @transform_3, window_bounds = array<i64: 5, 1024, 128>}, {pipeline_mode = #tpu.pipeline_mode<synchronous>, transform_indices = @transform_4, window_bounds = array<i64: 16, 128>}, {transform_indices = @transform_5, window_bounds = array<i64: 1024, 16>}, {transform_indices = @transform_6, window_bounds = array<i64: 1024, 16>}, {transform_indices = @transform_7, window_bounds = array<i64: 1, 1>}]} {
    %get3A = arith.constant 0 : index
    %get3A_0 = arith.constant 0 : index
    %get3A_1 = vector.load %arg5[%get3A, %get3A_0] : memref<16x128xf32, #tpu.memory_space<vmem>>, vector<16x128xf32>
    %get3A_2 = arith.constant 0 : index
    %get3A_3 = arith.constant 0 : index
    %get3A_4 = vector.load %arg1[%get3A_2, %get3A_3] : memref<1024x128xf32, #tpu.memory_space<vmem>>, vector<1024x128xf32>
    %get3A_5 = arith.constant 0 : index
    %get3A_6 = arith.constant 0 : index
    %get3A_7 = vector.load %arg2[%get3A_5, %get3A_6] : memref<1024x128xf32, #tpu.memory_space<vmem>>, vector<1024x128xf32>
    %mul3A = arith.mulf %get3A_4, %get3A_7 : vector<1024x128xf32>
    %dot_general3A = arith.constant dense<0.000000e+00> : vector<1024x16xf32>
    %dot_general3A_8 = tpu.matmul %mul3A, %get3A_1, %dot_general3A {dimension_numbers = #tpu.dot_dimension_numbers<[1], [1], [0], [0], [0, 0, 1, 0], [], []>, transpose_lhs_hint = false} : vector<1024x128xf32>, vector<16x128xf32>, vector<1024x16xf32> -> vector<1024x16xf32>
    %dot_general3A_9 = arith.constant dense<0.000000e+00> : vector<1024x16xf32>
    %dot_general3A_10 = tpu.matmul %get3A_4, %get3A_1, %dot_general3A_9 {dimension_numbers = #tpu.dot_dimension_numbers<[1], [1], [0], [0], [0, 0, 1, 0], [], []>, transpose_lhs_hint = false} : vector<1024x128xf32>, vector<16x128xf32>, vector<1024x16xf32> -> vector<1024x16xf32>
    %reduce_max3A = arith.constant dense<0xFF800000> : vector<1024xf32>
    %reduce_max3A_11 = vector.multi_reduction <maximumf>, %dot_general3A_10, %reduce_max3A [1] : vector<1024x16xf32> to vector<1024xf32>
    %max3A = arith.constant 0xFF800000 : f32
    %max3A_12 = vector.broadcast %max3A : f32 to vector<1024xf32>
    %max3A_13 = arith.maximumf %max3A_12, %reduce_max3A_11 : vector<1024xf32>
    %broadcast_in_dim3A = vector.shape_cast %max3A_13 : vector<1024xf32> to vector<1024x1xf32>
    %sub3A = vector.broadcast %broadcast_in_dim3A : vector<1024x1xf32> to vector<1024x16xf32>
    %sub3A_14 = arith.subf %dot_general3A_10, %sub3A : vector<1024x16xf32>
    %exp3A = math.exp %sub3A_14 : vector<1024x16xf32>
    %reduce_sum3A = arith.constant dense<0.000000e+00> : vector<1024xf32>
    %reduce_sum3A_15 = vector.multi_reduction <add>, %exp3A, %reduce_sum3A [1] : vector<1024x16xf32> to vector<1024xf32>
    %broadcast_in_dim3A_16 = vector.shape_cast %reduce_sum3A_15 : vector<1024xf32> to vector<1024x1xf32>
    %div3A = vector.broadcast %broadcast_in_dim3A_16 : vector<1024x1xf32> to vector<1024x16xf32>
    %div3A_17 = arith.divf %exp3A, %div3A : vector<1024x16xf32>
    %swap3A = arith.constant 0 : index
    %swap3A_18 = arith.constant 0 : index
    %swap3A_19 = vector.load %arg7[%swap3A, %swap3A_18] : memref<1024x16xf32, #tpu.memory_space<vmem>>, vector<1024x16xf32>
    tpu.vector_store %arg7[%swap3A, %swap3A_18], %div3A_17 {strides = array<i32>} : memref<1024x16xf32, #tpu.memory_space<vmem>>, vector<1024x16xf32>,
    %reduce_max3A_20 = arith.constant dense<0xFF800000> : vector<1024xf32>
    %reduce_max3A_21 = vector.multi_reduction <maximumf>, %dot_general3A_8, %reduce_max3A_20 [1] : vector<1024x16xf32> to vector<1024xf32>
    %max3A_22 = arith.constant 0xFF800000 : f32
    %max3A_23 = vector.broadcast %max3A_22 : f32 to vector<1024xf32>
    %max3A_24 = arith.maximumf %max3A_23, %reduce_max3A_21 : vector<1024xf32>
    %broadcast_in_dim3A_25 = vector.shape_cast %max3A_24 : vector<1024xf32> to vector<1024x1xf32>
    %sub3A_26 = vector.broadcast %broadcast_in_dim3A_25 : vector<1024x1xf32> to vector<1024x16xf32>
    %sub3A_27 = arith.subf %dot_general3A_8, %sub3A_26 : vector<1024x16xf32>
    %exp3A_28 = math.exp %sub3A_27 : vector<1024x16xf32>
    %reduce_sum3A_29 = arith.constant dense<0.000000e+00> : vector<1024xf32>
    %reduce_sum3A_30 = vector.multi_reduction <add>, %exp3A_28, %reduce_sum3A_29 [1] : vector<1024x16xf32> to vector<1024xf32>
    %broadcast_in_dim3A_31 = vector.shape_cast %reduce_sum3A_30 : vector<1024xf32> to vector<1024x1xf32>
    %div3A_32 = vector.broadcast %broadcast_in_dim3A_31 : vector<1024x1xf32> to vector<1024x16xf32>
    %div3A_33 = arith.divf %exp3A_28, %div3A_32 : vector<1024x16xf32>
    %swap3A_34 = arith.constant 0 : index
    %swap3A_35 = arith.constant 0 : index
    %swap3A_36 = vector.load %arg6[%swap3A_34, %swap3A_35] : memref<1024x16xf32, #tpu.memory_space<vmem>>, vector<1024x16xf32>
    tpu.vector_store %arg6[%swap3A_34, %swap3A_35], %div3A_33 {strides = array<i32>} : memref<1024x16xf32, #tpu.memory_space<vmem>>, vector<1024x16xf32>,
    %dot_general3A_37 = arith.constant dense<0.000000e+00> : vector<1024x128xf32>
    %dot_general3A_38 = tpu.matmul %dot_general3A_8, %get3A_1, %dot_general3A_37 {dimension_numbers = #tpu.dot_dimension_numbers<[1], [0], [0], [1], [0, 0, 1, 1], [], []>, transpose_lhs_hint = false} : vector<1024x16xf32>, vector<16x128xf32>, vector<1024x128xf32> -> vector<1024x128xf32>
    %get3A_39 = arith.constant 0 : index
    %get3A_40 = arith.constant 0 : index
    %get3A_41 = vector.load %arg3[%get3A_39, %get3A_40] : memref<1024x128xf32, #tpu.memory_space<vmem>>, vector<1024x128xf32>
    %mul3A_42 = arith.mulf %get3A_41, %dot_general3A_38 : vector<1024x128xf32>
    %reduce_sum3A_43 = arith.constant dense<0.000000e+00> : vector<1024xf32>
    %reduce_sum3A_44 = vector.multi_reduction <add>, %mul3A_42, %reduce_sum3A_43 [1] : vector<1024x128xf32> to vector<1024xf32>
    %min3A = arith.constant 0.000000e+00 : f32
    %min3A_45 = vector.broadcast %min3A : f32 to vector<1024xf32>
    %min3A_46 = arith.minimumf %reduce_sum3A_44, %min3A_45 : vector<1024xf32>
    %abs3A = math.absf %reduce_sum3A_44 : vector<1024xf32>
    %neg3A = arith.constant 0.000000e+00 : f32
    %neg3A_47 = vector.broadcast %neg3A : f32 to vector<1024xf32>
    %neg3A_48 = arith.subf %neg3A_47, %abs3A : vector<1024xf32>
    %exp3A_49 = math.exp %neg3A_48 : vector<1024xf32>
    %add3A = arith.constant 1.000000e+00 : f32
    %add3A_50 = vector.broadcast %add3A : f32 to vector<1024xf32>
    %add3A_51 = arith.addf %add3A_50, %exp3A_49 : vector<1024xf32>
    %log3A = math.log %add3A_51 : vector<1024xf32>
    %sub3A_52 = arith.subf %min3A_46, %log3A : vector<1024xf32>
    %reduce_sum3A_53 = vector.shape_cast %sub3A_52 : vector<1024xf32> to vector<1x1024xf32>
    %reduce_sum3A_54 = arith.constant dense<0.000000e+00> : vector<1xf32>
    %reduce_sum3A_55 = vector.multi_reduction <add>, %reduce_sum3A_53, %reduce_sum3A_54 [1] : vector<1x1024xf32> to vector<1xf32>
    %reduce_sum3A_56 = vector.shape_cast %reduce_sum3A_55 : vector<1xf32> to vector<1x1xf32>
    %reduce_sum3A_57 = vector.extract %reduce_sum3A_56[0, 0] : f32 from vector<1x1xf32>
    %get3A_58 = arith.constant 0 : index
    %get3A_59 = arith.constant 0 : index
    %get3A_60 = arith.constant 0 : index
    %get3A_61 = vector.load %arg4[%get3A_58, %get3A_59, %get3A_60] : memref<5x1024x128xf32, #tpu.memory_space<vmem>>, vector<1x1024x128xf32>
    %get3A_62 = vector.shape_cast %get3A_61 : vector<1x1024x128xf32> to vector<1024x128xf32>
    %mul3A_63 = arith.mulf %get3A_62, %dot_general3A_38 : vector<1024x128xf32>
    %reduce_sum3A_64 = arith.constant dense<0.000000e+00> : vector<1024xf32>
    %reduce_sum3A_65 = vector.multi_reduction <add>, %mul3A_63, %reduce_sum3A_64 [1] : vector<1024x128xf32> to vector<1024xf32>
    %neg3A_66 = arith.constant 0.000000e+00 : f32
    %neg3A_67 = vector.broadcast %neg3A_66 : f32 to vector<1024xf32>
    %neg3A_68 = arith.subf %neg3A_67, %reduce_sum3A_65 : vector<1024xf32>
    %min3A_69 = arith.constant 0.000000e+00 : f32
    %min3A_70 = vector.broadcast %min3A_69 : f32 to vector<1024xf32>
    %min3A_71 = arith.minimumf %neg3A_68, %min3A_70 : vector<1024xf32>
    %abs3A_72 = math.absf %neg3A_68 : vector<1024xf32>
    %neg3A_73 = arith.constant 0.000000e+00 : f32
    %neg3A_74 = vector.broadcast %neg3A_73 : f32 to vector<1024xf32>
    %neg3A_75 = arith.subf %neg3A_74, %abs3A_72 : vector<1024xf32>
    %exp3A_76 = math.exp %neg3A_75 : vector<1024xf32>
    %add3A_77 = arith.constant 1.000000e+00 : f32
    %add3A_78 = vector.broadcast %add3A_77 : f32 to vector<1024xf32>
    %add3A_79 = arith.addf %add3A_78, %exp3A_76 : vector<1024xf32>
    %log3A_80 = math.log %add3A_79 : vector<1024xf32>
    %sub3A_81 = arith.subf %min3A_71, %log3A_80 : vector<1024xf32>
    %reduce_sum3A_82 = vector.shape_cast %sub3A_81 : vector<1024xf32> to vector<1x1024xf32>
    %reduce_sum3A_83 = arith.constant dense<0.000000e+00> : vector<1xf32>
    %reduce_sum3A_84 = vector.multi_reduction <add>, %reduce_sum3A_82, %reduce_sum3A_83 [1] : vector<1x1024xf32> to vector<1xf32>
    %reduce_sum3A_85 = vector.shape_cast %reduce_sum3A_84 : vector<1xf32> to vector<1x1xf32>
    %reduce_sum3A_86 = vector.extract %reduce_sum3A_85[0, 0] : f32 from vector<1x1xf32>
    %add3A_87 = arith.addf %reduce_sum3A_57, %reduce_sum3A_86 : f32
    %get3A_88 = arith.constant 1 : index
    %get3A_89 = arith.constant 0 : index
    %get3A_90 = arith.constant 0 : index
    %get3A_91 = vector.load %arg4[%get3A_88, %get3A_89, %get3A_90] : memref<5x1024x128xf32, #tpu.memory_space<vmem>>, vector<1x1024x128xf32>
    %get3A_92 = vector.shape_cast %get3A_91 : vector<1x1024x128xf32> to vector<1024x128xf32>
    %mul3A_93 = arith.mulf %get3A_92, %dot_general3A_38 : vector<1024x128xf32>
    %reduce_sum3A_94 = arith.constant dense<0.000000e+00> : vector<1024xf32>
    %reduce_sum3A_95 = vector.multi_reduction <add>, %mul3A_93, %reduce_sum3A_94 [1] : vector<1024x128xf32> to vector<1024xf32>
    %neg3A_96 = arith.constant 0.000000e+00 : f32
    %neg3A_97 = vector.broadcast %neg3A_96 : f32 to vector<1024xf32>
    %neg3A_98 = arith.subf %neg3A_97, %reduce_sum3A_95 : vector<1024xf32>
    %min3A_99 = arith.constant 0.000000e+00 : f32
    %min3A_100 = vector.broadcast %min3A_99 : f32 to vector<1024xf32>
    %min3A_101 = arith.minimumf %neg3A_98, %min3A_100 : vector<1024xf32>
    %abs3A_102 = math.absf %neg3A_98 : vector<1024xf32>
    %neg3A_103 = arith.constant 0.000000e+00 : f32
    %neg3A_104 = vector.broadcast %neg3A_103 : f32 to vector<1024xf32>
    %neg3A_105 = arith.subf %neg3A_104, %abs3A_102 : vector<1024xf32>
    %exp3A_106 = math.exp %neg3A_105 : vector<1024xf32>
    %add3A_107 = arith.constant 1.000000e+00 : f32
    %add3A_108 = vector.broadcast %add3A_107 : f32 to vector<1024xf32>
    %add3A_109 = arith.addf %add3A_108, %exp3A_106 : vector<1024xf32>
    %log3A_110 = math.log %add3A_109 : vector<1024xf32>
    %sub3A_111 = arith.subf %min3A_101, %log3A_110 : vector<1024xf32>
    %reduce_sum3A_112 = vector.shape_cast %sub3A_111 : vector<1024xf32> to vector<1x1024xf32>
    %reduce_sum3A_113 = arith.constant dense<0.000000e+00> : vector<1xf32>
    %reduce_sum3A_114 = vector.multi_reduction <add>, %reduce_sum3A_112, %reduce_sum3A_113 [1] : vector<1x1024xf32> to vector<1xf32>
    %reduce_sum3A_115 = vector.shape_cast %reduce_sum3A_114 : vector<1xf32> to vector<1x1xf32>
    %reduce_sum3A_116 = vector.extract %reduce_sum3A_115[0, 0] : f32 from vector<1x1xf32>
    %add3A_117 = arith.addf %add3A_87, %reduce_sum3A_116 : f32
    %get3A_118 = arith.constant 2 : index
    %get3A_119 = arith.constant 0 : index
    %get3A_120 = arith.constant 0 : index
    %get3A_121 = vector.load %arg4[%get3A_118, %get3A_119, %get3A_120] : memref<5x1024x128xf32, #tpu.memory_space<vmem>>, vector<1x1024x128xf32>
    %get3A_122 = vector.shape_cast %get3A_121 : vector<1x1024x128xf32> to vector<1024x128xf32>
    %mul3A_123 = arith.mulf %get3A_122, %dot_general3A_38 : vector<1024x128xf32>
    %reduce_sum3A_124 = arith.constant dense<0.000000e+00> : vector<1024xf32>
    %reduce_sum3A_125 = vector.multi_reduction <add>, %mul3A_123, %reduce_sum3A_124 [1] : vector<1024x128xf32> to vector<1024xf32>
    %neg3A_126 = arith.constant 0.000000e+00 : f32
    %neg3A_127 = vector.broadcast %neg3A_126 : f32 to vector<1024xf32>
    %neg3A_128 = arith.subf %neg3A_127, %reduce_sum3A_125 : vector<1024xf32>
    %min3A_129 = arith.constant 0.000000e+00 : f32
    %min3A_130 = vector.broadcast %min3A_129 : f32 to vector<1024xf32>
    %min3A_131 = arith.minimumf %neg3A_128, %min3A_130 : vector<1024xf32>
    %abs3A_132 = math.absf %neg3A_128 : vector<1024xf32>
    %neg3A_133 = arith.constant 0.000000e+00 : f32
    %neg3A_134 = vector.broadcast %neg3A_133 : f32 to vector<1024xf32>
    %neg3A_135 = arith.subf %neg3A_134, %abs3A_132 : vector<1024xf32>
    %exp3A_136 = math.exp %neg3A_135 : vector<1024xf32>
    %add3A_137 = arith.constant 1.000000e+00 : f32
    %add3A_138 = vector.broadcast %add3A_137 : f32 to vector<1024xf32>
    %add3A_139 = arith.addf %add3A_138, %exp3A_136 : vector<1024xf32>
    %log3A_140 = math.log %add3A_139 : vector<1024xf32>
    %sub3A_141 = arith.subf %min3A_131, %log3A_140 : vector<1024xf32>
    %reduce_sum3A_142 = vector.shape_cast %sub3A_141 : vector<1024xf32> to vector<1x1024xf32>
    %reduce_sum3A_143 = arith.constant dense<0.000000e+00> : vector<1xf32>
    %reduce_sum3A_144 = vector.multi_reduction <add>, %reduce_sum3A_142, %reduce_sum3A_143 [1] : vector<1x1024xf32> to vector<1xf32>
    %reduce_sum3A_145 = vector.shape_cast %reduce_sum3A_144 : vector<1xf32> to vector<1x1xf32>
    %reduce_sum3A_146 = vector.extract %reduce_sum3A_145[0, 0] : f32 from vector<1x1xf32>
    %add3A_147 = arith.addf %add3A_117, %reduce_sum3A_146 : f32
    %get3A_148 = arith.constant 3 : index
    %get3A_149 = arith.constant 0 : index
    %get3A_150 = arith.constant 0 : index
    %get3A_151 = vector.load %arg4[%get3A_148, %get3A_149, %get3A_150] : memref<5x1024x128xf32, #tpu.memory_space<vmem>>, vector<1x1024x128xf32>
    %get3A_152 = vector.shape_cast %get3A_151 : vector<1x1024x128xf32> to vector<1024x128xf32>
    %mul3A_153 = arith.mulf %get3A_152, %dot_general3A_38 : vector<1024x128xf32>
    %reduce_sum3A_154 = arith.constant dense<0.000000e+00> : vector<1024xf32>
    %reduce_sum3A_155 = vector.multi_reduction <add>, %mul3A_153, %reduce_sum3A_154 [1] : vector<1024x128xf32> to vector<1024xf32>
    %neg3A_156 = arith.constant 0.000000e+00 : f32
    %neg3A_157 = vector.broadcast %neg3A_156 : f32 to vector<1024xf32>
    %neg3A_158 = arith.subf %neg3A_157, %reduce_sum3A_155 : vector<1024xf32>
    %min3A_159 = arith.constant 0.000000e+00 : f32
    %min3A_160 = vector.broadcast %min3A_159 : f32 to vector<1024xf32>
    %min3A_161 = arith.minimumf %neg3A_158, %min3A_160 : vector<1024xf32>
    %abs3A_162 = math.absf %neg3A_158 : vector<1024xf32>
    %neg3A_163 = arith.constant 0.000000e+00 : f32
    %neg3A_164 = vector.broadcast %neg3A_163 : f32 to vector<1024xf32>
    %neg3A_165 = arith.subf %neg3A_164, %abs3A_162 : vector<1024xf32>
    %exp3A_166 = math.exp %neg3A_165 : vector<1024xf32>
    %add3A_167 = arith.constant 1.000000e+00 : f32
    %add3A_168 = vector.broadcast %add3A_167 : f32 to vector<1024xf32>
    %add3A_169 = arith.addf %add3A_168, %exp3A_166 : vector<1024xf32>
    %log3A_170 = math.log %add3A_169 : vector<1024xf32>
    %sub3A_171 = arith.subf %min3A_161, %log3A_170 : vector<1024xf32>
    %reduce_sum3A_172 = vector.shape_cast %sub3A_171 : vector<1024xf32> to vector<1x1024xf32>
    %reduce_sum3A_173 = arith.constant dense<0.000000e+00> : vector<1xf32>
    %reduce_sum3A_174 = vector.multi_reduction <add>, %reduce_sum3A_172, %reduce_sum3A_173 [1] : vector<1x1024xf32> to vector<1xf32>
    %reduce_sum3A_175 = vector.shape_cast %reduce_sum3A_174 : vector<1xf32> to vector<1x1xf32>
    %reduce_sum3A_176 = vector.extract %reduce_sum3A_175[0, 0] : f32 from vector<1x1xf32>
    %add3A_177 = arith.addf %add3A_147, %reduce_sum3A_176 : f32
    %get3A_178 = arith.constant 4 : index
    %get3A_179 = arith.constant 0 : index
    %get3A_180 = arith.constant 0 : index
    %get3A_181 = vector.load %arg4[%get3A_178, %get3A_179, %get3A_180] : memref<5x1024x128xf32, #tpu.memory_space<vmem>>, vector<1x1024x128xf32>
    %get3A_182 = vector.shape_cast %get3A_181 : vector<1x1024x128xf32> to vector<1024x128xf32>
    %mul3A_183 = arith.mulf %get3A_182, %dot_general3A_38 : vector<1024x128xf32>
    %reduce_sum3A_184 = arith.constant dense<0.000000e+00> : vector<1024xf32>
    %reduce_sum3A_185 = vector.multi_reduction <add>, %mul3A_183, %reduce_sum3A_184 [1] : vector<1024x128xf32> to vector<1024xf32>
    %neg3A_186 = arith.constant 0.000000e+00 : f32
    %neg3A_187 = vector.broadcast %neg3A_186 : f32 to vector<1024xf32>
    %neg3A_188 = arith.subf %neg3A_187, %reduce_sum3A_185 : vector<1024xf32>
    %min3A_189 = arith.constant 0.000000e+00 : f32
    %min3A_190 = vector.broadcast %min3A_189 : f32 to vector<1024xf32>
    %min3A_191 = arith.minimumf %neg3A_188, %min3A_190 : vector<1024xf32>
    %abs3A_192 = math.absf %neg3A_188 : vector<1024xf32>
    %neg3A_193 = arith.constant 0.000000e+00 : f32
    %neg3A_194 = vector.broadcast %neg3A_193 : f32 to vector<1024xf32>
    %neg3A_195 = arith.subf %neg3A_194, %abs3A_192 : vector<1024xf32>
    %exp3A_196 = math.exp %neg3A_195 : vector<1024xf32>
    %add3A_197 = arith.constant 1.000000e+00 : f32
    %add3A_198 = vector.broadcast %add3A_197 : f32 to vector<1024xf32>
    %add3A_199 = arith.addf %add3A_198, %exp3A_196 : vector<1024xf32>
    %log3A_200 = math.log %add3A_199 : vector<1024xf32>
    %sub3A_201 = arith.subf %min3A_191, %log3A_200 : vector<1024xf32>
    %reduce_sum3A_202 = vector.shape_cast %sub3A_201 : vector<1024xf32> to vector<1x1024xf32>
    %reduce_sum3A_203 = arith.constant dense<0.000000e+00> : vector<1xf32>
    %reduce_sum3A_204 = vector.multi_reduction <add>, %reduce_sum3A_202, %reduce_sum3A_203 [1] : vector<1x1024xf32> to vector<1xf32>
    %reduce_sum3A_205 = vector.shape_cast %reduce_sum3A_204 : vector<1xf32> to vector<1x1xf32>
    %reduce_sum3A_206 = vector.extract %reduce_sum3A_205[0, 0] : f32 from vector<1x1xf32>
    %add3A_207 = arith.addf %add3A_177, %reduce_sum3A_206 : f32
    %eq3A = arith.constant 0 : i32
    %eq3A_208 = arith.cmpi eq, %arg0, %eq3A : i32
    %convert_element_type3A = arith.extui %eq3A_208 : i1 to i32
    %cond3A = arith.constant 0 : i32
    %cond3A_209 = arith.cmpi ne, %convert_element_type3A, %cond3A : i32
    scf.if %cond3A_209 {
      %swap3A_217 = arith.constant 0.000000e+00 : f32
      %swap3A_218 = arith.constant 0 : index
      %swap3A_219 = arith.constant 0 : index
      %swap3A_220 = memref.load %arg8[%swap3A_218, %swap3A_219] : memref<1x1xf32, #tpu.memory_space<smem>>
      memref.store %swap3A_217, %arg8[%swap3A_218, %swap3A_219] : memref<1x1xf32, #tpu.memory_space<smem>>
    } else {
    }
    %get3A_210 = arith.constant 0 : index
    %get3A_211 = arith.constant 0 : index
    %get3A_212 = memref.load %arg8[%get3A_210, %get3A_211] : memref<1x1xf32, #tpu.memory_space<smem>>
    %add3A_213 = arith.addf %get3A_212, %add3A_207 : f32
    %swap3A_214 = arith.constant 0 : index
    %swap3A_215 = arith.constant 0 : index
    %swap3A_216 = memref.load %arg8[%swap3A_214, %swap3A_215] : memref<1x1xf32, #tpu.memory_space<smem>>
    memref.store %add3A_213, %arg8[%swap3A_214, %swap3A_215] : memref<1x1xf32, #tpu.memory_space<smem>>
    return
  }
  func.func @transform_0(%arg0: i32) -> (i32, i32) {
    %c0_i32 = arith.constant 0 : i32
    %c0_i32_0 = arith.constant 0 : i32
    return %arg0, %c0_i32 : i32, i32
  }
  func.func @transform_1(%arg0: i32) -> (i32, i32) {
    %c0_i32 = arith.constant 0 : i32
    %c0_i32_0 = arith.constant 0 : i32
    return %arg0, %c0_i32 : i32, i32
  }
  func.func @transform_2(%arg0: i32) -> (i32, i32) {
    %c0_i32 = arith.constant 0 : i32
    %c0_i32_0 = arith.constant 0 : i32
    return %arg0, %c0_i32 : i32, i32
  }
  func.func @transform_3(%arg0: i32) -> (i32, i32, i32) {
    %c0_i32 = arith.constant 0 : i32
    %c0_i32_0 = arith.constant 0 : i32
    %c0_i32_1 = arith.constant 0 : i32
    return %c0_i32, %arg0, %c0_i32_0 : i32, i32, i32
  }
  func.func @transform_4(%arg0: i32) -> (i32, i32) {
    %c0_i32 = arith.constant 0 : i32
    %c0_i32_0 = arith.constant 0 : i32
    %c0_i32_1 = arith.constant 0 : i32
    return %c0_i32, %c0_i32_0 : i32, i32
  }
  func.func @transform_5(%arg0: i32) -> (i32, i32) {
    %add3A = arith.constant 0 : i32
    %add3A_0 = arith.addi %arg0, %add3A : i32
    %c0_i32 = arith.constant 0 : i32
    %c0_i32_1 = arith.constant 0 : i32
    return %add3A_0, %c0_i32 : i32, i32
  }
  func.func @transform_6(%arg0: i32) -> (i32, i32) {
    %add3A = arith.constant 0 : i32
    %add3A_0 = arith.addi %arg0, %add3A : i32
    %c0_i32 = arith.constant 0 : i32
    %c0_i32_1 = arith.constant 0 : i32
    return %add3A_0, %c0_i32 : i32, i32
  }
  func.func @transform_7(%arg0: i32) -> (i32, i32) {
    %c0_i32 = arith.constant 0 : i32
    %c0_i32_0 = arith.constant 0 : i32
    %c0_i32_1 = arith.constant 0 : i32
    return %c0_i32, %c0_i32_0 : i32, i32
  }
}

</mosaic_0001>

<sc_bundles>
// kernel: kernel.6.cloned.1.call-start
scs
__scs_entry_jumppad:
0x0: {  	(pc) =	sbr.rel $0x88, $3  }
0x1: {  	(tag) =	ssettag $0x0;
	lr =	simm.s32 $0x1  }
0x2: {  	[smem:$0x3F9B] =	sst lr;
	_ =	strace $0xD0000000  }
0x3: {  	_ = 	snop  }
0x4: {  	_ = 	snop  }
0x5: {  	_ = 	snop  }
0x6: {  	_ = 	snop  }
0x7: {  	_ = 	snop  }
__scs_overlays_trampoline_lowered:
0x8: {  	[smem:$0x3FAA] =	sst s0  }
0x9: {  	[smem:$0x3FAB] =	sst s1  }
0xa: {  	[smem:$0x3FAC] =	sst s2  }
0xb: {  	[smem:$0x3FAD] =	sst s3  }
0xc: {  	[smem:$0x3FAE] =	sst s4  }
0xd: {  	[smem:$0x3FAF] =	sst s5  }
0xe: {  	[smem:$0x3FB0] =	sst s6  }
0xf: {  	[smem:$0x3FB1] =	sst s7  }
0x10: {  	[smem:$0x3FB2] =	sst s8  }
0x11: {  	[smem:$0x3FB3] =	sst s9;
	s0 =	simm.s32 @!p0 $0x0  }
0x12: {  	s1 =	sld [smem:$0x3F99];
	s0 =	simm.s32 @p0 $0x1  }
0x13: {  	[smem:$0x3FB4] =	sst s0;
	s0 =	simm.s32 @!p1 $0x0  }
0x14: {  	s2 =	sld [smem:$0x3F98];
	s0 =	simm.s32 @p1 $0x1  }
0x15: {  	[smem:$0x3FB5] =	sst s0;
	s0 =	simm.s32 @!p2 $0x0  }
0x16: {  	s3 =	sld [smem:$0x3FDB];
	s0 =	simm.s32 @p2 $0x1  }
0x17: {  	s4 =	simm.s32 $0x1BF5;
	[smem:$0x3FB7] =	sst s0  }
0x18: {  	s0 =	sld [smem:$0x3F9A];
	_ =	swait.ge [sflag:s4], $0x0  }
0x19: {  	s7 =	sld [smem:$0x3F9B]  }
0x1a: {  	s8 =	sadd.s32 $0xFFFFE003, lr  }
0x1b: {  	s9 =	sadd.s32 $0xFFFFFEF7, lr;
	s5 =	simm.s32 $0xFFFFFFFF;
	p2 =	slt.u32 s8, $0xFFFFF086  }
0x1c: {  	p1 =	slt.u32 s9, $0xF7A;
	s5 =	simm.s32 @!p2 $0x0  }
0x1d: {  	s5 =	simm.s32 @p1 $0x1;
	p0 =	seq.s32 s7, s2  }
0x1e: {  	s7 =	smul.u32 @!p0 $0xF7A, s2;
	p2 =	seq.s32 @!p0 s5, $0x0  }
0x1f: {  	s9 =	smul.u32 $0xF7A, s1;
	s8 =	simm.s32 @!p0 $0x1BF5;
	p2 =	por !p2, p0  }
0x20: {  	[sflag:s8] =	ssyncset.s32 @!p0 $0xFFFFF086;
	s6 =	sadd.s32 @!p0 s3, s7;
	s7 =	simm.s32 @!p0 $0x108  }
0x21: {  	s3 =	sadd.s32 s3, s9;
	s6 =	sadd.s32 @!p0 $0x88, s6;
	s7 =	simm.s32 @p2 $0x1082  }
0x22: {  	[simem:s7], [sflag:s8] =	dma.local @!p0 [hbm:s6], $0xF7A  }
0x23: {  	s9 =	sor.u32 $0xD0000000, s2;
	s6 =	simm.s32 $0x108;
	_ =	swait.ge @!p0 [sflag:s8], $0x0  }
0x24: {  	s3 =	sadd.s32 $0x88, s3;
	s6 =	simm.s32 @!p1 $0x1082;
	[sflag:s4] =	ssyncset.s32 $0xFFFFF086  }
0x25: {  	[simem:s6], [sflag:s4] =	dma.local [hbm:s3], $0xF7A  }
0x26: {  	[smem:$0x3F9B] =	sst s1;
	(tag) =	ssettag s2;
	_ =	strace s9  }
0x27: {  	s1 =	sld [smem:$0x3FAB]  }
0x28: {  	s2 =	sld [smem:$0x3FAC]  }
0x29: {  	s4 =	sld [smem:$0x3FAE]  }
0x2a: {  	p0 =	seq.s32 s5, $0x0;
	s5 =	sld [smem:$0x3FAF]  }
0x2b: {  	s6 =	sld [smem:$0x3FB0]  }
0x2c: {  	s7 =	sld [smem:$0x3FB1]  }
0x2d: {  	s3 =	simm.s32 $0x108;
	s8 =	sld [smem:$0x3FB2]  }
0x2e: {  	s3 =	simm.s32 @!p0 $0x1082;
	s9 =	sld [smem:$0x3FB3]  }
0x2f: {  	lr =	sadd.s32 s0, s3;
	s0 =	sld [smem:$0x3FAA]  }
0x30: {  	s3 =	sld [smem:$0x3FAD]  }
0x31: {  	[smem:$0x3FB6] =	sst s10  }
0x32: {  	s10 =	sld [smem:$0x3FB4];
	_ =	sdelay $0x3  }
0x33: {  	p0 =	seq.s32 s10, $0x1;
	s10 =	sld [smem:$0x3FB6];
	_ =	sdelay $0x3  }
0x34: {  	[smem:$0x3FB6] =	sst s10  }
0x35: {  	s10 =	sld [smem:$0x3FB5];
	_ =	sdelay $0x3  }
0x36: {  	p1 =	seq.s32 s10, $0x1;
	s10 =	sld [smem:$0x3FB6];
	_ =	sdelay $0x3  }
0x37: {  	[smem:$0x3FB6] =	sst s10  }
0x38: {  	s10 =	sld [smem:$0x3FB7]  }
0x39: {  	_ = 	snop;
	(pc) =	sbr.ind lr, $3  }
0x3a: {  	_ = 	snop  }
0x3b: {  	_ = 	snop  }
0x3c: {  	p2 =	seq.s32 s10, $0x1;
	s10 =	sld [smem:$0x3FB6]  }
0x3d: {  	_ =	shalt  }
0x3e: {  	_ =	shalt  }
0x3f: {  	_ =	shalt  }
0x40: {  	_ =	shalt  }
0x41: {  	_ =	shalt  }
0x42: {  	_ =	shalt  }
0x43: {  	_ =	shalt  }
0x44: {  	_ =	shalt  }
0x45: {  	_ =	shalt  }
0x46: {  	_ =	shalt  }
0x47: {  	_ =	shalt  }
0x48: {  	_ =	shalt  }
0x49: {  	_ =	shalt  }
0x4a: {  	_ =	shalt  }
0x4b: {  	_ =	shalt  }
0x4c: {  	_ =	shalt  }
0x4d: {  	_ =	shalt  }
0x4e: {  	_ =	shalt  }
0x4f: {  	_ =	shalt  }
0x50: {  	_ =	shalt  }
0x51: {  	_ =	shalt  }
0x52: {  	_ =	shalt  }
0x53: {  	_ =	shalt  }
0x54: {  	_ =	shalt  }
0x55: {  	_ =	shalt  }
0x56: {  	_ =	shalt  }
0x57: {  	_ =	shalt  }
0x58: {  	_ =	shalt  }
0x59: {  	_ =	shalt  }
0x5a: {  	_ =	shalt  }
0x5b: {  	_ =	shalt  }
0x5c: {  	_ =	shalt  }
0x5d: {  	_ =	shalt  }
0x5e: {  	_ =	shalt  }
0x5f: {  	_ =	shalt  }
0x60: {  	_ =	shalt  }
0x61: {  	_ =	shalt  }
0x62: {  	_ =	shalt  }
0x63: {  	_ =	shalt  }
0x64: {  	_ =	shalt  }
0x65: {  	_ =	shalt  }
0x66: {  	_ =	shalt  }
0x67: {  	_ =	shalt  }
0x68: {  	_ =	shalt  }
0x69: {  	_ =	shalt  }
0x6a: {  	_ =	shalt  }
0x6b: {  	_ =	shalt  }
0x6c: {  	_ =	shalt  }
0x6d: {  	_ =	shalt  }
0x6e: {  	_ =	shalt  }
0x6f: {  	_ =	shalt  }
0x70: {  	_ =	shalt  }
0x71: {  	_ =	shalt  }
0x72: {  	_ =	shalt  }
0x73: {  	_ =	shalt  }
0x74: {  	_ =	shalt  }
0x75: {  	_ =	shalt  }
0x76: {  	_ =	shalt  }
0x77: {  	_ =	shalt  }
0x78: {  	_ =	shalt  }
0x79: {  	_ =	shalt  }
0x7a: {  	_ =	shalt  }
0x7b: {  	_ =	shalt  }
0x7c: {  	_ =	shalt  }
0x7d: {  	_ =	shalt  }
0x7e: {  	_ =	shalt  }
0x7f: {  	_ =	shalt  }
0x80: {  	_ =	shalt  }
0x81: {  	_ =	shalt  }
0x82: {  	_ =	shalt  }
0x83: {  	_ =	shalt  }
0x84: {  	_ =	shalt  }
0x85: {  	_ =	shalt  }
0x86: {  	_ =	shalt  }
0x87: {  	_ =	shalt  }
.Lfunc_end0:
.L_simem_size_0:
called_computation_lowered:
.L_overlay_start_0:
0x88: {  	s2 =	sld [smem:$0x3FD9]  }
0x89: {  	s3 =	sld [smem:$0x3FFE];
	_ =	sdelay $0x1  }
0x8a: {  	s1 =	srdreg.scid  }
0x8b: {  	s0 =	sand.u32 $0x1, s1  }
0x8c: {  	s14 =	sshll.u32 s0, $0xA;
	s2 =	sadd.s32 s3, s2  }
0x8d: {  	s2 =	sadd.s32 s2, s14  }
0x8e: {  	[smem:$0x3FC2] =	sst s2  }
0x8f: {  	_ = 	snop  }
0x90: {  	s2 =	sld [smem:$0x3FD0];
	_ =	sdelay $0x1  }
0x91: {  	s15 =	sld [smem:$0x3FC6]  }
0x92: {  	s5 =	simm.s32 $0xB;
	s6 =	simm.s32 $0x10;
	s4 =	sld [smem:$0x3FC5]  }
0x93: {  	[smem:s6], [sflag:s5] =	dma.local [hbm:s2], $0x1  }
0x94: {  	_ =	swait.eq [sflag:s5], $0x1  }
0x95: {  	[sflag:s5] =	ssyncset.done $0x0  }
0x96: {  	s16 =	sld [smem:$0x11];
	[sflag:s5] =	ssyncadd.s32 $0xFFFFFFFF  }
0x97: {  	s17 =	sld [smem:$0x12];
	(tm) =	ssettm $0x1  }
0x98: {  	s18 =	sld [smem:$0x3FFB];
	_ =	sdelay $0x3  }
0x99: {  	_ =	strace s18  }
0x9a: {  	s6 =	sld [smem:$0x3FFC];
	_ =	sdelay $0x3  }
0x9b: {  	_ =	strace s6  }
0x9c: {  	s6 =	sld [smem:$0x3FFD];
	_ =	sdelay $0x3  }
0x9d: {  	_ =	strace s6  }
0x9e: {  	_ =	strace $0x8FFFFFFF  }
0x9f: {  	s19 =	sld [smem:$0x3FDB];
	_ =	sdelay $0x1  }
0xa0: {  	s7 =	simm.s32 $_scs_section_size  }
0xa1: {  	s8 =	simm.s32 $_size__tile_overlayer_lowered;
	s9 =	simm.s32 $_tile_overlayer_lowered  }
0xa2: {  	s22 =	simm.s32 $0x1BFF;
	s21 =	sshll.u32 s9, $0x1;
	s6 =	sadd.s32 s7, s19  }
0xa3: {  	s10 =	simm.s32 $0x0;
	s20 =	sshll.u32 s8, $0x1;
	s8 =	sadd.s32 s21, s6  }
0xa4: {  	[timem:s10], [sflag:s22] =	dma.local [hbm:s8], s20  }
0xa5: {  	_ =	swait.ge [sflag:s22], s20  }
0xa6: {  	s7 =	ssub.s32 $0x0, s20;
	[sflag:s22] =	ssyncset.done $0x0  }
0xa7: {  	[sflag:s22] =	ssyncadd.s32 s7;
	_ =	sdelay $0x1  }
0xa8: {  	s23 =	simm.s32 $0x1B8B  }
0xa9: {  	_ =	swait.ge [sflag:s23], $0x1  }
0xaa: {  	[sflag:s23] =	ssyncset.done $0x0  }
0xab: {  	s25 =	simm.s32 $0x1B8E;
	s24 =	sld [smem:$0x3FFE];
	[sflag:s23] =	ssyncadd.s32 $0xFFFFFFFF  }
0xac: {  	s26 =	simm.s32 $execute0_lowered;
	[smem:$0x3FD2] =	sst s25  }
0xad: {  	s8 =	sshll.u32 s26, $0x1;
	_ =	strace $0x80000046;
	[dreg:$0x1] =	wrdreg $0xFFFFFFFF  }
0xae: {  	s28 =	simm.s32 $_size_execute0_lowered;
	s6 =	sadd.s32 s6, s8;
	[dreg:$0x0] =	wrdreg $0x0  }
0xaf: {  	s8 =	sshll.u32 s28, $0x1;
	[dreg:$0x2] =	wrdreg s6  }
0xb0: {  	[dreg:$0x3] =	wrdreg s8  }
0xb1: {  	[dreg:$0x4] =	wrdreg $0xC0  }
0xb2: {  	_ =	task [dreg:s10], $0x5FFFF  }
0xb3: {  	[dreg:$0x1] =	wrdreg $0xFFFFFFFF  }
0xb4: {  	[dreg:$0x0] =	wrdreg $0x60  }
0xb5: {  	[dreg:$0x2] =	wrdreg s15  }
0xb6: {  	[dreg:$0x3] =	wrdreg s4  }
0xb7: {  	[dreg:$0x4] =	wrdreg s16  }
0xb8: {  	[dreg:$0x5] =	wrdreg s17  }
0xb9: {  	[dreg:$0x6] =	wrdreg s24  }
0xba: {  	[dreg:$0x7] =	wrdreg $0x9  }
0xbb: {  	_ =	task.clear_ibuf [dreg:s10], $0x8FFFF;
	_ =	strace $0x90000046  }
0xbc: {  	s29 =	simm.s32 $0x9;
	_ =	strace $0x80000048  }
0xbd: {  	_ =	swait.ge [sflag:s29], $0x1  }
0xbe: {  	[sflag:s29] =	ssyncadd.s32 $0xFFFFFFFF  }
0xbf: {  	_ =	strace $0x90000048  }
0xc0: {  	_ =	sfence  }
0xc1: {  	s30 =	sld [smem:$0x0];
	_ =	sdelay $0x2  }
0xc2: {  	s31 =	sshll.u32 s1, $0xD;
	s1 =	sshrl.u32 s1, $0x2  }
0xc3: {  	s3 =	sand.u32 $0x4000, s31;
	s1 =	sadd.s32 s1, s30  }
0xc4: {  	s0 =	sor.u32 s3, s0;
	s1 =	sshll.u32 s1, $0x11  }
0xc5: {  	s0 =	sor.u32 s1, s0  }
0xc6: {  	s0 =	sadd.s32 $0x8F2B, s0  }
0xc7: {  	[sflag:s0] =	ssyncadd.remote.s32 $0x1  }
0xc8: {  	_ =	sfence.sel $0xFFFF  }
0xc9: {  	[dreg:$0x0] =	wrdreg $0xFFFFFFFF;
	(pc) =	sbr.abs _section_cstart, $3  }
0xca: {  	[dreg:$0x1] =	wrdreg $0xFFFFFFFF  }
0xcb: {  	_ =	task.clear_ibuf [dreg:s10], $0x2FFFF;
	_ =	strace $0x9FFFFFFF  }
0xcc: {  	(tm) =	ssettm $0x7FFFFFFF  }
0xcd: {  	_ =	shalt  }
tec
execute0_lowered:
.L_overlay_start_1:
0x0: {  	(tag) =	ssettag $0x1  }
0x1: {  	s28 =	rddreg [dreg:$0x0]  }
0x2: {  	s3 =	rddreg [dreg:$0x1]  }
0x3: {  	s0 =	rddreg [dreg:$0x2]  }
0x4: {  	s4 =	rddreg [dreg:$0x3];
	s1 =	srdreg.scid  }
0x5: {  	s23 =	stileid.u32;
	s5 =	rddreg [dreg:$0x4];
	s2 =	simm.s32 $0x0  }
0x6: {  	s1 =	sand.u32 $0x1, s1;
	s6 =	sshll.u32 s23, $0x1;
	[smem:$0x7FF] =	sst s2  }
0x7: {  	s10 =	sadd.s32 $0x2600, s5;
	s15 =	sadd.s32 $0x32600, s5;
	s6 =	sor.u32 s1, s6  }
0x8: {  	s18 =	sadd.s32 $0x62600, s5;
	s7 =	smul.u32 $0x180, s6;
	s8 =	sshll.u32 s6, $0x7  }
0x9: {  	_ =	strace $0x80000047;
	s26 =	smul.u32 $0x1800, s6;
	s0 =	sadd.s32 s0, s8  }
0xa: {  	s9 =	smul.u32 $0xC000, s6;
	[dreg:$0x6] =	wrdreg s0;
	s7 =	sadd.s32 s4, s7  }
0xb: {  	s22 =	smul.u32 $0x3C000, s6;
	s12 =	sadd.s32 s10, s26;
	[dreg:$0x7] =	wrdreg s7  }
0xc: {  	s6 =	smul.u32 $0x7800, s6;
	s17 =	sadd.s32 s15, s26;
	[dreg:$0x8] =	wrdreg s12  }
0xd: {  	s5 =	sadd.s32 $0x92600, s5;
	s21 =	sadd.s32 s18, s26;
	[dreg:$0xb] =	wrdreg s17  }
0xe: {  	s11 =	sshrl.u32 s9, $0x3;
	s6 =	sadd.s32 s5, s6;
	[dreg:$0xe] =	wrdreg s21  }
0xf: {  	s26 =	sshrl.u32 s22, $0x3;
	s22 =	simm.s32 $0x100;
	[dreg:$0x11] =	wrdreg s6  }
0x10: {  	s13 =	sadd.s32 $0x800, s11;
	[smem:$0x7EE] =	sst s22;
	s22 =	simm.s32 $0x880  }
0x11: {  	s4 =	sadd.s32 $0x1000, s11;
	s14 =	sadd.s32 s10, s13;
	[smem:$0x7FA] =	sst s22  }
0x12: {  	s16 =	sadd.s32 s10, s4;
	[dreg:$0x9] =	wrdreg s14  }
0x13: {  	s19 =	sadd.s32 s15, s13;
	[dreg:$0xa] =	wrdreg s16  }
0x14: {  	s20 =	sadd.s32 s15, s4;
	[dreg:$0xc] =	wrdreg s19  }
0x15: {  	s24 =	sadd.s32 s18, s13;
	[dreg:$0xd] =	wrdreg s20  }
0x16: {  	s25 =	sadd.s32 s18, s4;
	[dreg:$0xf] =	wrdreg s24  }
0x17: {  	s4 =	sadd.s32 s5, s26;
	s26 =	simm.s32 $0x280;
	[dreg:$0x10] =	wrdreg s25  }
0x18: {  	s5 =	simm.s32 $0x480;
	[smem:$0x7F1] =	sst s26  }
0x19: {  	s31 =	simm.s32 $0xD;
	s7 =	sadd.s32 $0x800, s4;
	[smem:$0x7F2] =	sst s5  }
0x1a: {  	s30 =	simm.s32 $0x400;
	s8 =	sadd.s32 $0x1000, s4;
	[dreg:$0x12] =	wrdreg s7  }
0x1b: {  	p0 =	por $0x0, $0x0;
	s9 =	sadd.s32 $0x1800, s4;
	[dreg:$0x13] =	wrdreg s8  }
0x1c: {  	s29 =	simm.s32 $0xB00;
	s10 =	sadd.s32 $0x2000, s4;
	[dreg:$0x14] =	wrdreg s9  }
0x1d: {  	s1 =	ssub.s32 $0x2, s1;
	s11 =	sadd.s32 $0x2800, s4;
	[dreg:$0x15] =	wrdreg s10  }
0x1e: {  	s6 =	simm.s32 $0xD000;
	s12 =	sadd.s32 $0x3000, s4;
	[dreg:$0x16] =	wrdreg s11  }
0x1f: {  	s22 =	simm.s32 $0x6;
	s13 =	sadd.s32 $0x3800, s4;
	[dreg:$0x17] =	wrdreg s12  }
0x20: {  	s14 =	sadd.s32 $0x4000, s4;
	s15 =	sadd.s32 $0x4800, s4;
	[dreg:$0x18] =	wrdreg s13  }
0x21: {  	s16 =	sadd.s32 $0x5000, s4;
	s17 =	sadd.s32 $0x5800, s4;
	[dreg:$0x19] =	wrdreg s14  }
0x22: {  	s18 =	sadd.s32 $0x6000, s4;
	s19 =	sadd.s32 $0x6800, s4;
	[dreg:$0x1a] =	wrdreg s15  }
0x23: {  	s20 =	sshrl.u32 s1, $0x1;
	s21 =	sadd.s32 $0x7000, s4;
	[dreg:$0x1b] =	wrdreg s16  }
0x24: {  	s24 =	simm.s32 $0x180;
	s25 =	simm.s32 $0x200;
	[dreg:$0x1c] =	wrdreg s17  }
0x25: {  	s4 =	simm.s32 $0x11000;
	s5 =	simm.s32 $0x15000;
	[dreg:$0x1d] =	wrdreg s18  }
0x26: {  	s26 =	simm.s32 $0xA00;
	[dreg:$0x1e] =	wrdreg s19;
	s1 =	ssub.s32 s1, s20  }
0x27: {  	[dreg:$0x1f] =	wrdreg s21;
	s11 =	simm.s32 $0x80;
	s13 =	simm.s32 $0x1000  }
0x28: {  	s9 =	simm.s32 $0x5000;
	s7 =	simm.s32 $0x9000;
	[smem:$0x7EF] =	sst s24  }
0x29: {  	[smem:$0x7F0] =	sst s25;
	s20 =	simm.s32 $0x1;
	s8 =	simm.s32 $0x500  }
0x2a: {  	s10 =	simm.s32 $0x580;
	s17 =	simm.s32 $0x2;
	[smem:$0x7FD] =	sst s26  }
0x2b: {  	s12 =	simm.s32 $0x600;
	s14 =	simm.s32 $0x680;
	[smem:$0x7F3] =	sst s8  }
0x2c: {  	s18 =	simm.s32 $0x3;
	s15 =	simm.s32 $0x700;
	[smem:$0x7F4] =	sst s10  }
0x2d: {  	s16 =	simm.s32 $0x780;
	s19 =	simm.s32 $0x4;
	[smem:$0x7F5] =	sst s12  }
0x2e: {  	s21 =	simm.s32 $0x800;
	s24 =	simm.s32 $0x900;
	[smem:$0x7F6] =	sst s14  }
0x2f: {  	s25 =	simm.s32 $0x980;
	s0 =	smax.u32 s1, $0x1;
	[smem:$0x7F7] =	sst s15  }
0x30: {  	s26 =	simm.s32 $0xB80;
	[smem:$0x7F8] =	sst s16;
	p1 =	sne.s32 s0, $0x1  }
.Ltmp0:
0x31: {  	s8 =	simm.s32 $0x7;
	[smem:$0x7F9] =	sst s21;
	(pc) =	sbr.rel @!p1 .LBB2_1-.Ltmp0, $4  }
0x32: {  	s10 =	simm.s32 $0x8;
	s12 =	simm.s32 $0x9;
	[smem:$0x7FB] =	sst s24  }
0x33: {  	s21 =	simm.s32 $0x5;
	s14 =	simm.s32 $0xA;
	[smem:$0x7FC] =	sst s25  }
0x34: {  	s15 =	simm.s32 $0xB;
	s16 =	simm.s32 $0xC;
	s25 =	simm.s32 $0xC00  }
0x35: {  	s24 =	simm.s32 $0xC80;
	s1 =	sadd.s32 $0xFFFFFFFF, s0;
	s0 =	rddreg [dreg:$0x6]  }
0x36: {  	[tilespmem:s2], [sflag:$0xD] =	stream.linear.gather [hbm4b:s0+s2], $0x300, $0x38;
	[tilespmem:$0x19000] =	vst v63  }
0x37: {  	_ =	swait.ge [sflag:s31], $0x300  }
0x38: {  	[sflag:s31] =	ssyncset.done $0x0  }
0x39: {  	s23 =	rddreg [dreg:$0x7];
	[sflag:s31] =	ssyncadd.s32 $0xFFFFFD00  }
0x3a: {  	[tilespmem:s30], [sflag:$0xD] =	stream.linear.gather [hbm4b:s23+s2], $0x900, $0x38;
	[tilespmem:$0x19000] =	vst v63  }
0x3b: {  	_ =	swait.ge [sflag:s31], $0x900  }
0x3c: {  	[sflag:s31] =	ssyncset.done $0x0  }
0x3d: {  	[sflag:s31] =	ssyncadd.s32 $0xFFFFF700  }
0x3e: {  	[tilespmem:s13], [sflag:$0x1] =	stream.indirect.gather [hbm4b:s28+s11], $0x80, s2, s11, $0xb8;
	[tilespmem:$0x19000] =	vst v63  }
0x3f: {  	s0 =	sld [smem:$0x7EE]  }
0x40: {  	[tilespmem:s9], [sflag:$0x2] =	stream.indirect.gather [hbm4b:s28+s11], $0x80, s11, s11, $0xb8;
	[tilespmem:$0x19000] =	vst v63  }
0x41: {  	s23 =	smov.u32 s1;
	s1 =	sld [smem:$0x7EF]  }
0x42: {  	[tilespmem:s7], [sflag:$0x3] =	stream.indirect.gather [hbm4b:s28+s11], $0x80, s0, s11, $0xb8;
	[tilespmem:$0x19000] =	vst v63  }
0x43: {  	s0 =	sld [smem:$0x7F0]  }
0x44: {  	[tilespmem:s6], [sflag:$0x4] =	stream.indirect.gather [hbm4b:s28+s11], $0x80, s1, s11, $0xb8;
	[tilespmem:$0x19000] =	vst v63  }
0x45: {  	_ = 	snop  }
0x46: {  	[tilespmem:s4], [sflag:$0x5] =	stream.indirect.gather [hbm4b:s28+s11], $0x80, s0, s11, $0xb8;
	[tilespmem:$0x19000] =	vst v63  }
0x47: {  	_ =	swait.ge [sflag:s20], $0x4000  }
0x48: {  	s0 =	rddreg [dreg:$0x8];
	[sflag:s20] =	ssyncset.done $0x0  }
0x49: {  	s1 =	sld [smem:$0x7F1];
	[sflag:s20] =	ssyncadd.s32 $0xFFFFC000  }
0x4a: {  	[hbm4b:s0+s2] =	stream.linear.scatter [tilespmem:s13], [sflag:$0x7], $0x4000, $0x38;
	[tilespmem:$0x19000] =	vst v63  }
0x4b: {  	_ = 	snop  }
0x4c: {  	[tilespmem:s5], [sflag:$0x6] =	stream.indirect.gather [hbm4b:s28+s11], $0x80, s1, s11, $0xb8;
	[tilespmem:$0x19000] =	vst v63  }
0x4d: {  	_ =	swait.ge [sflag:s17], $0x4000  }
0x4e: {  	[sflag:s17] =	ssyncset.done $0x0  }
0x4f: {  	s1 =	rddreg [dreg:$0x9];
	[sflag:s17] =	ssyncadd.s32 $0xFFFFC000  }
0x50: {  	[hbm4b:s1+s2] =	stream.linear.scatter [tilespmem:s9], [sflag:$0x8], $0x4000, $0x38;
	[tilespmem:$0x19000] =	vst v63  }
0x51: {  	_ =	swait.ge [sflag:s8], $0x4000  }
0x52: {  	[sflag:s8] =	ssyncset.done $0x0  }
0x53: {  	[sflag:s8] =	ssyncadd.s32 $0xFFFFC000  }
0x54: {  	[tilespmem:s13], [sflag:$0x1] =	stream.indirect.gather [hbm4b:s3+s11], $0x80, s30, s11, $0xb8;
	[tilespmem:$0x19000] =	vst v63  }
0x55: {  	_ =	swait.ge [sflag:s18], $0x4000  }
0x56: {  	[sflag:s18] =	ssyncset.done $0x0  }
0x57: {  	s1 =	rddreg [dreg:$0xa];
	[sflag:s18] =	ssyncadd.s32 $0xFFFFC000  }
0x58: {  	[hbm4b:s1+s2] =	stream.linear.scatter [tilespmem:s7], [sflag:$0x9], $0x4000, $0x38;
	[tilespmem:$0x19000] =	vst v63  }
0x59: {  	_ =	swait.ge [sflag:s10], $0x4000  }
0x5a: {  	s1 =	sld [smem:$0x7F2]  }
0x5b: {  	[sflag:s10] =	ssyncset.done $0x0  }
0x5c: {  	[sflag:s10] =	ssyncadd.s32 $0xFFFFC000  }
0x5d: {  	[tilespmem:s9], [sflag:$0x2] =	stream.indirect.gather [hbm4b:s3+s11], $0x80, s1, s11, $0xb8;
	[tilespmem:$0x19000] =	vst v63  }
0x5e: {  	_ =	swait.ge [sflag:s19], $0x4000  }
0x5f: {  	[sflag:s19] =	ssyncset.done $0x0  }
0x60: {  	s1 =	rddreg [dreg:$0xb];
	[sflag:s19] =	ssyncadd.s32 $0xFFFFC000  }
0x61: {  	[hbm4b:s1+s2] =	stream.linear.scatter [tilespmem:s6], [sflag:$0xA], $0x4000, $0x38;
	[tilespmem:$0x19000] =	vst v63  }
0x62: {  	_ =	swait.ge [sflag:s12], $0x4000  }
0x63: {  	s1 =	sld [smem:$0x7F3]  }
0x64: {  	[sflag:s12] =	ssyncset.done $0x0  }
0x65: {  	[sflag:s12] =	ssyncadd.s32 $0xFFFFC000  }
0x66: {  	[tilespmem:s7], [sflag:$0x3] =	stream.indirect.gather [hbm4b:s3+s11], $0x80, s1, s11, $0xb8;
	[tilespmem:$0x19000] =	vst v63  }
0x67: {  	_ =	swait.ge [sflag:s21], $0x4000  }
0x68: {  	[sflag:s21] =	ssyncset.done $0x0  }
0x69: {  	s1 =	rddreg [dreg:$0xc];
	[sflag:s21] =	ssyncadd.s32 $0xFFFFC000  }
0x6a: {  	[hbm4b:s1+s2] =	stream.linear.scatter [tilespmem:s4], [sflag:$0xB], $0x4000, $0x38;
	[tilespmem:$0x19000] =	vst v63  }
0x6b: {  	_ =	swait.ge [sflag:s14], $0x4000  }
0x6c: {  	s1 =	sld [smem:$0x7F4]  }
0x6d: {  	[sflag:s14] =	ssyncset.done $0x0  }
0x6e: {  	[sflag:s14] =	ssyncadd.s32 $0xFFFFC000  }
0x6f: {  	[tilespmem:s6], [sflag:$0x4] =	stream.indirect.gather [hbm4b:s3+s11], $0x80, s1, s11, $0xb8;
	[tilespmem:$0x19000] =	vst v63  }
0x70: {  	_ =	swait.ge [sflag:s22], $0x4000  }
0x71: {  	[sflag:s22] =	ssyncset.done $0x0  }
0x72: {  	s1 =	rddreg [dreg:$0xd];
	[sflag:s22] =	ssyncadd.s32 $0xFFFFC000  }
0x73: {  	[hbm4b:s1+s2] =	stream.linear.scatter [tilespmem:s5], [sflag:$0xC], $0x4000, $0x38;
	[tilespmem:$0x19000] =	vst v63  }
0x74: {  	_ =	swait.ge [sflag:s15], $0x4000  }
0x75: {  	s1 =	sld [smem:$0x7F5]  }
0x76: {  	[sflag:s15] =	ssyncset.done $0x0  }
0x77: {  	[sflag:s15] =	ssyncadd.s32 $0xFFFFC000  }
0x78: {  	[tilespmem:s4], [sflag:$0x5] =	stream.indirect.gather [hbm4b:s3+s11], $0x80, s1, s11, $0xb8;
	[tilespmem:$0x19000] =	vst v63  }
0x79: {  	_ =	swait.ge [sflag:s20], $0x4000  }
0x7a: {  	[sflag:s20] =	ssyncset.done $0x0  }
0x7b: {  	s1 =	rddreg [dreg:$0xe];
	[sflag:s20] =	ssyncadd.s32 $0xFFFFC000  }
0x7c: {  	[hbm4b:s1+s2] =	stream.linear.scatter [tilespmem:s13], [sflag:$0x7], $0x4000, $0x38;
	[tilespmem:$0x19000] =	vst v63  }
0x7d: {  	_ =	swait.ge [sflag:s16], $0x4000  }
0x7e: {  	s1 =	sld [smem:$0x7F6]  }
0x7f: {  	[sflag:s16] =	ssyncset.done $0x0  }
0x80: {  	[sflag:s16] =	ssyncadd.s32 $0xFFFFC000  }
0x81: {  	[tilespmem:s5], [sflag:$0x6] =	stream.indirect.gather [hbm4b:s3+s11], $0x80, s1, s11, $0xb8;
	[tilespmem:$0x19000] =	vst v63  }
0x82: {  	_ =	swait.ge [sflag:s17], $0x4000  }
0x83: {  	[sflag:s17] =	ssyncset.done $0x0  }
0x84: {  	s1 =	rddreg [dreg:$0xf];
	[sflag:s17] =	ssyncadd.s32 $0xFFFFC000  }
0x85: {  	[hbm4b:s1+s2] =	stream.linear.scatter [tilespmem:s9], [sflag:$0x8], $0x4000, $0x38;
	[tilespmem:$0x19000] =	vst v63  }
0x86: {  	_ =	swait.ge [sflag:s8], $0x4000  }
0x87: {  	s1 =	sld [smem:$0x7F7]  }
0x88: {  	[sflag:s8] =	ssyncset.done $0x0  }
0x89: {  	[sflag:s8] =	ssyncadd.s32 $0xFFFFC000  }
0x8a: {  	[tilespmem:s13], [sflag:$0x1] =	stream.indirect.gather [hbm4b:s3+s11], $0x80, s1, s11, $0xb8;
	[tilespmem:$0x19000] =	vst v63  }
0x8b: {  	_ =	swait.ge [sflag:s18], $0x4000  }
0x8c: {  	[sflag:s18] =	ssyncset.done $0x0  }
0x8d: {  	s1 =	rddreg [dreg:$0x10];
	[sflag:s18] =	ssyncadd.s32 $0xFFFFC000  }
0x8e: {  	[hbm4b:s1+s2] =	stream.linear.scatter [tilespmem:s7], [sflag:$0x9], $0x4000, $0x38;
	[tilespmem:$0x19000] =	vst v63  }
0x8f: {  	_ =	swait.ge [sflag:s10], $0x4000  }
0x90: {  	s1 =	sld [smem:$0x7F8]  }
0x91: {  	[sflag:s10] =	ssyncset.done $0x0  }
0x92: {  	[sflag:s10] =	ssyncadd.s32 $0xFFFFC000  }
0x93: {  	[tilespmem:s9], [sflag:$0x2] =	stream.indirect.gather [hbm4b:s3+s11], $0x80, s1, s11, $0xb8;
	[tilespmem:$0x19000] =	vst v63  }
0x94: {  	_ =	swait.ge [sflag:s19], $0x4000  }
0x95: {  	[sflag:s19] =	ssyncset.done $0x0  }
0x96: {  	s1 =	rddreg [dreg:$0x11];
	[sflag:s19] =	ssyncadd.s32 $0xFFFFC000  }
0x97: {  	[hbm4b:s1+s2] =	stream.linear.scatter [tilespmem:s6], [sflag:$0xA], $0x4000, $0x38;
	[tilespmem:$0x19000] =	vst v63  }
0x98: {  	_ =	swait.ge [sflag:s12], $0x4000  }
0x99: {  	s1 =	sld [smem:$0x7F9]  }
0x9a: {  	[sflag:s12] =	ssyncset.done $0x0  }
0x9b: {  	[sflag:s12] =	ssyncadd.s32 $0xFFFFC000  }
0x9c: {  	[tilespmem:s7], [sflag:$0x3] =	stream.indirect.gather [hbm4b:s3+s11], $0x80, s1, s11, $0xb8;
	[tilespmem:$0x19000] =	vst v63  }
0x9d: {  	_ =	swait.ge [sflag:s21], $0x4000  }
0x9e: {  	[sflag:s21] =	ssyncset.done $0x0  }
0x9f: {  	s1 =	rddreg [dreg:$0x12];
	[sflag:s21] =	ssyncadd.s32 $0xFFFFC000  }
0xa0: {  	[hbm4b:s1+s2] =	stream.linear.scatter [tilespmem:s4], [sflag:$0xB], $0x4000, $0x38;
	[tilespmem:$0x19000] =	vst v63  }
0xa1: {  	_ =	swait.ge [sflag:s14], $0x4000  }
0xa2: {  	s1 =	sld [smem:$0x7FA]  }
0xa3: {  	[sflag:s14] =	ssyncset.done $0x0  }
0xa4: {  	[sflag:s14] =	ssyncadd.s32 $0xFFFFC000  }
0xa5: {  	[tilespmem:s6], [sflag:$0x4] =	stream.indirect.gather [hbm4b:s3+s11], $0x80, s1, s11, $0xb8;
	[tilespmem:$0x19000] =	vst v63  }
0xa6: {  	_ =	swait.ge [sflag:s22], $0x4000  }
0xa7: {  	[sflag:s22] =	ssyncset.done $0x0  }
0xa8: {  	s1 =	rddreg [dreg:$0x13];
	[sflag:s22] =	ssyncadd.s32 $0xFFFFC000  }
0xa9: {  	[hbm4b:s1+s2] =	stream.linear.scatter [tilespmem:s5], [sflag:$0xC], $0x4000, $0x38;
	[tilespmem:$0x19000] =	vst v63  }
0xaa: {  	_ =	swait.ge [sflag:s15], $0x4000  }
0xab: {  	s1 =	sld [smem:$0x7FB]  }
0xac: {  	[sflag:s15] =	ssyncset.done $0x0  }
0xad: {  	[sflag:s15] =	ssyncadd.s32 $0xFFFFC000  }
0xae: {  	[tilespmem:s4], [sflag:$0x5] =	stream.indirect.gather [hbm4b:s3+s11], $0x80, s1, s11, $0xb8;
	[tilespmem:$0x19000] =	vst v63  }
0xaf: {  	_ =	swait.ge [sflag:s20], $0x4000  }
0xb0: {  	[sflag:s20] =	ssyncset.done $0x0  }
0xb1: {  	s1 =	rddreg [dreg:$0x14];
	[sflag:s20] =	ssyncadd.s32 $0xFFFFC000  }
0xb2: {  	[hbm4b:s1+s2] =	stream.linear.scatter [tilespmem:s13], [sflag:$0x7], $0x4000, $0x38;
	[tilespmem:$0x19000] =	vst v63  }
0xb3: {  	_ =	swait.ge [sflag:s16], $0x4000  }
0xb4: {  	s1 =	sld [smem:$0x7FC]  }
0xb5: {  	[sflag:s16] =	ssyncset.done $0x0  }
0xb6: {  	[sflag:s16] =	ssyncadd.s32 $0xFFFFC000  }
0xb7: {  	[tilespmem:s5], [sflag:$0x6] =	stream.indirect.gather [hbm4b:s3+s11], $0x80, s1, s11, $0xb8;
	[tilespmem:$0x19000] =	vst v63  }
0xb8: {  	_ =	swait.ge [sflag:s17], $0x4000  }
0xb9: {  	[sflag:s17] =	ssyncset.done $0x0  }
0xba: {  	s1 =	rddreg [dreg:$0x15];
	[sflag:s17] =	ssyncadd.s32 $0xFFFFC000  }
0xbb: {  	[hbm4b:s1+s2] =	stream.linear.scatter [tilespmem:s9], [sflag:$0x8], $0x4000, $0x38;
	[tilespmem:$0x19000] =	vst v63  }
0xbc: {  	_ =	swait.ge [sflag:s8], $0x4000  }
0xbd: {  	s1 =	sld [smem:$0x7FD]  }
0xbe: {  	[sflag:s8] =	ssyncset.done $0x0  }
0xbf: {  	[sflag:s8] =	ssyncadd.s32 $0xFFFFC000  }
0xc0: {  	[tilespmem:s13], [sflag:$0x1] =	stream.indirect.gather [hbm4b:s3+s11], $0x80, s1, s11, $0xb8;
	[tilespmem:$0x19000] =	vst v63  }
0xc1: {  	_ =	swait.ge [sflag:s18], $0x4000  }
0xc2: {  	[sflag:s18] =	ssyncset.done $0x0  }
0xc3: {  	s1 =	rddreg [dreg:$0x16];
	[sflag:s18] =	ssyncadd.s32 $0xFFFFC000  }
0xc4: {  	[hbm4b:s1+s2] =	stream.linear.scatter [tilespmem:s7], [sflag:$0x9], $0x4000, $0x38;
	[tilespmem:$0x19000] =	vst v63  }
0xc5: {  	_ =	swait.ge [sflag:s10], $0x4000  }
0xc6: {  	[sflag:s10] =	ssyncset.done $0x0  }
0xc7: {  	s1 =	simm.s32 $0xA80;
	[sflag:s10] =	ssyncadd.s32 $0xFFFFC000  }
0xc8: {  	[tilespmem:s9], [sflag:$0x2] =	stream.indirect.gather [hbm4b:s3+s11], $0x80, s1, s11, $0xb8;
	[tilespmem:$0x19000] =	vst v63  }
0xc9: {  	_ =	swait.ge [sflag:s19], $0x4000  }
0xca: {  	[sflag:s19] =	ssyncset.done $0x0  }
0xcb: {  	s1 =	rddreg [dreg:$0x17];
	[sflag:s19] =	ssyncadd.s32 $0xFFFFC000  }
0xcc: {  	[hbm4b:s1+s2] =	stream.linear.scatter [tilespmem:s6], [sflag:$0xA], $0x4000, $0x38;
	[tilespmem:$0x19000] =	vst v63  }
0xcd: {  	_ =	swait.ge [sflag:s12], $0x4000  }
0xce: {  	[sflag:s12] =	ssyncset.done $0x0  }
0xcf: {  	[sflag:s12] =	ssyncadd.s32 $0xFFFFC000  }
0xd0: {  	[tilespmem:s7], [sflag:$0x3] =	stream.indirect.gather [hbm4b:s3+s11], $0x80, s29, s11, $0xb8;
	[tilespmem:$0x19000] =	vst v63  }
0xd1: {  	_ =	swait.ge [sflag:s21], $0x4000  }
0xd2: {  	[sflag:s21] =	ssyncset.done $0x0  }
0xd3: {  	s1 =	rddreg [dreg:$0x18];
	[sflag:s21] =	ssyncadd.s32 $0xFFFFC000  }
0xd4: {  	[hbm4b:s1+s2] =	stream.linear.scatter [tilespmem:s4], [sflag:$0xB], $0x4000, $0x38;
	[tilespmem:$0x19000] =	vst v63  }
0xd5: {  	_ =	swait.ge [sflag:s14], $0x4000  }
0xd6: {  	[sflag:s14] =	ssyncset.done $0x0  }
0xd7: {  	[sflag:s14] =	ssyncadd.s32 $0xFFFFC000  }
0xd8: {  	[tilespmem:s6], [sflag:$0x4] =	stream.indirect.gather [hbm4b:s3+s11], $0x80, s26, s11, $0xb8;
	[tilespmem:$0x19000] =	vst v63  }
0xd9: {  	_ =	swait.ge [sflag:s22], $0x4000  }
0xda: {  	[sflag:s22] =	ssyncset.done $0x0  }
0xdb: {  	s1 =	rddreg [dreg:$0x19];
	[sflag:s22] =	ssyncadd.s32 $0xFFFFC000  }
0xdc: {  	[hbm4b:s1+s2] =	stream.linear.scatter [tilespmem:s5], [sflag:$0xC], $0x4000, $0x38;
	[tilespmem:$0x19000] =	vst v63  }
0xdd: {  	_ =	swait.ge [sflag:s15], $0x4000  }
0xde: {  	[sflag:s15] =	ssyncset.done $0x0  }
0xdf: {  	[sflag:s15] =	ssyncadd.s32 $0xFFFFC000  }
0xe0: {  	[tilespmem:s4], [sflag:$0x5] =	stream.indirect.gather [hbm4b:s3+s11], $0x80, s25, s11, $0xb8;
	[tilespmem:$0x19000] =	vst v63  }
0xe1: {  	_ =	swait.ge [sflag:s20], $0x4000  }
0xe2: {  	[sflag:s20] =	ssyncset.done $0x0  }
0xe3: {  	s1 =	rddreg [dreg:$0x1a];
	[sflag:s20] =	ssyncadd.s32 $0xFFFFC000  }
0xe4: {  	[hbm4b:s1+s2] =	stream.linear.scatter [tilespmem:s13], [sflag:$0x7], $0x4000, $0x38;
	[tilespmem:$0x19000] =	vst v63  }
0xe5: {  	_ =	swait.ge [sflag:s16], $0x4000  }
0xe6: {  	[sflag:s16] =	ssyncset.done $0x0  }
0xe7: {  	[sflag:s16] =	ssyncadd.s32 $0xFFFFC000  }
0xe8: {  	[tilespmem:s5], [sflag:$0x6] =	stream.indirect.gather [hbm4b:s3+s11], $0x80, s24, s11, $0xb8;
	[tilespmem:$0x19000] =	vst v63  }
0xe9: {  	_ =	swait.ge [sflag:s17], $0x4000  }
0xea: {  	[sflag:s17] =	ssyncset.done $0x0  }
0xeb: {  	s1 =	rddreg [dreg:$0x1b];
	[sflag:s17] =	ssyncadd.s32 $0xFFFFC000  }
0xec: {  	[hbm4b:s1+s2] =	stream.linear.scatter [tilespmem:s9], [sflag:$0x8], $0x4000, $0x38;
	[tilespmem:$0x19000] =	vst v63  }
0xed: {  	_ =	swait.ge [sflag:s18], $0x4000  }
0xee: {  	[sflag:s18] =	ssyncset.done $0x0  }
0xef: {  	s1 =	rddreg [dreg:$0x1c];
	[sflag:s18] =	ssyncadd.s32 $0xFFFFC000  }
0xf0: {  	[hbm4b:s1+s2] =	stream.linear.scatter [tilespmem:s7], [sflag:$0x9], $0x4000, $0x38;
	[tilespmem:$0x19000] =	vst v63  }
0xf1: {  	_ =	swait.ge [sflag:s19], $0x4000  }
0xf2: {  	[sflag:s19] =	ssyncset.done $0x0  }
0xf3: {  	s1 =	rddreg [dreg:$0x1d];
	[sflag:s19] =	ssyncadd.s32 $0xFFFFC000  }
0xf4: {  	[hbm4b:s1+s2] =	stream.linear.scatter [tilespmem:s6], [sflag:$0xA], $0x4000, $0x38;
	[tilespmem:$0x19000] =	vst v63  }
0xf5: {  	_ =	swait.ge [sflag:s21], $0x4000  }
0xf6: {  	[sflag:s21] =	ssyncset.done $0x0  }
0xf7: {  	s1 =	rddreg [dreg:$0x1e];
	[sflag:s21] =	ssyncadd.s32 $0xFFFFC000  }
0xf8: {  	[hbm4b:s1+s2] =	stream.linear.scatter [tilespmem:s4], [sflag:$0xB], $0x4000, $0x38;
	[tilespmem:$0x19000] =	vst v63  }
0xf9: {  	_ =	swait.ge [sflag:s22], $0x4000  }
0xfa: {  	[sflag:s22] =	ssyncset.done $0x0  }
0xfb: {  	s1 =	rddreg [dreg:$0x1f];
	[sflag:s22] =	ssyncadd.s32 $0xFFFFC000  }
0xfc: {  	[hbm4b:s1+s2] =	stream.linear.scatter [tilespmem:s5], [sflag:$0xC], $0x4000, $0x38;
	[tilespmem:$0x19000] =	vst v63  }
0xfd: {  	_ =	swait.ge [sflag:s8], $0x4000  }
0xfe: {  	[sflag:s8] =	ssyncset.done $0x0  }
0xff: {  	[sflag:s8] =	ssyncadd.s32 $0xFFFFC000  }
0x100: {  	_ =	swait.ge [sflag:s10], $0x4000  }
0x101: {  	[sflag:s10] =	ssyncset.done $0x0  }
0x102: {  	[sflag:s10] =	ssyncadd.s32 $0xFFFFC000  }
0x103: {  	_ =	swait.ge [sflag:s12], $0x4000  }
0x104: {  	[sflag:s12] =	ssyncset.done $0x0  }
0x105: {  	[sflag:s12] =	ssyncadd.s32 $0xFFFFC000  }
0x106: {  	_ =	swait.ge [sflag:s14], $0x4000  }
0x107: {  	[sflag:s14] =	ssyncset.done $0x0  }
0x108: {  	p1 =	sne.s32 s23, $0x1;
	[sflag:s14] =	ssyncadd.s32 $0xFFFFC000  }
.Ltmp1:
0x109: {  	_ =	swait.ge [sflag:s15], $0x4000;
	(pc) =	sbr.rel @!p1 .LBB2_3-.Ltmp1, $4  }
0x10a: {  	[sflag:s15] =	ssyncset.done $0x0  }
0x10b: {  	[sflag:s15] =	ssyncadd.s32 $0xFFFFC000  }
0x10c: {  	p0 =	por $0x1, $0x1;
	_ =	swait.ge [sflag:s16], $0x4000  }
0x10d: {  	s1 =	sadd.s32 $0xFFFFFFFF, s23;
	s0 =	rddreg [dreg:$0x6];
	[sflag:s16] =	ssyncset.done $0x0  }
.LBB2_4:
0x10e: {  	[sflag:s16] =	ssyncadd.s32 $0xFFFFC000  }
0x10f: {  	[tilespmem:s2], [sflag:$0xD] =	stream.linear.gather [hbm4b:s0+s2], $0x300, $0x38;
	[tilespmem:$0x19000] =	vst v63  }
0x110: {  	_ =	swait.ge [sflag:s31], $0x300  }
0x111: {  	[sflag:s31] =	ssyncset.done $0x0  }
0x112: {  	s23 =	rddreg [dreg:$0x7];
	[sflag:s31] =	ssyncadd.s32 $0xFFFFFD00  }
0x113: {  	[tilespmem:s30], [sflag:$0xD] =	stream.linear.gather [hbm4b:s23+s2], $0x900, $0x38;
	[tilespmem:$0x19000] =	vst v63  }
0x114: {  	_ =	swait.ge [sflag:s31], $0x900  }
0x115: {  	[sflag:s31] =	ssyncset.done $0x0  }
0x116: {  	[sflag:s31] =	ssyncadd.s32 $0xFFFFF700  }
0x117: {  	[tilespmem:s13], [sflag:$0x1] =	stream.indirect.gather [hbm4b:s28+s11], $0x80, s2, s11, $0xb8;
	[tilespmem:$0x19000] =	vst v63  }
0x118: {  	s0 =	sld [smem:$0x7EE]  }
0x119: {  	[tilespmem:s9], [sflag:$0x2] =	stream.indirect.gather [hbm4b:s28+s11], $0x80, s11, s11, $0xb8;
	[tilespmem:$0x19000] =	vst v63  }
0x11a: {  	s23 =	sld [smem:$0x7EF]  }
0x11b: {  	[tilespmem:s7], [sflag:$0x3] =	stream.indirect.gather [hbm4b:s28+s11], $0x80, s0, s11, $0xb8;
	[tilespmem:$0x19000] =	vst v63  }
0x11c: {  	s0 =	sld [smem:$0x7F0]  }
0x11d: {  	[tilespmem:s6], [sflag:$0x4] =	stream.indirect.gather [hbm4b:s28+s11], $0x80, s23, s11, $0xb8;
	[tilespmem:$0x19000] =	vst v63  }
0x11e: {  	_ = 	snop  }
0x11f: {  	[tilespmem:s4], [sflag:$0x5] =	stream.indirect.gather [hbm4b:s28+s11], $0x80, s0, s11, $0xb8;
	[tilespmem:$0x19000] =	vst v63  }
0x120: {  	_ =	swait.ge [sflag:s20], $0x4000  }
0x121: {  	s0 =	rddreg [dreg:$0x8];
	[sflag:s20] =	ssyncset.done $0x0  }
0x122: {  	s23 =	sld [smem:$0x7F1];
	[sflag:s20] =	ssyncadd.s32 $0xFFFFC000  }
0x123: {  	[hbm4b:s0+s2] =	stream.linear.scatter [tilespmem:s13], [sflag:$0x7], $0x4000, $0x38;
	[tilespmem:$0x19000] =	vst v63  }
0x124: {  	_ = 	snop  }
0x125: {  	[tilespmem:s5], [sflag:$0x6] =	stream.indirect.gather [hbm4b:s28+s11], $0x80, s23, s11, $0xb8;
	[tilespmem:$0x19000] =	vst v63  }
0x126: {  	_ =	swait.ge [sflag:s17], $0x4000  }
0x127: {  	[sflag:s17] =	ssyncset.done $0x0  }
0x128: {  	s23 =	rddreg [dreg:$0x9];
	[sflag:s17] =	ssyncadd.s32 $0xFFFFC000  }
0x129: {  	[hbm4b:s23+s2] =	stream.linear.scatter [tilespmem:s9], [sflag:$0x8], $0x4000, $0x38;
	[tilespmem:$0x19000] =	vst v63  }
0x12a: {  	_ =	swait.ge [sflag:s8], $0x4000  }
0x12b: {  	[sflag:s8] =	ssyncset.done $0x0  }
0x12c: {  	[sflag:s8] =	ssyncadd.s32 $0xFFFFC000  }
0x12d: {  	[tilespmem:s13], [sflag:$0x1] =	stream.indirect.gather [hbm4b:s3+s11], $0x80, s30, s11, $0xb8;
	[tilespmem:$0x19000] =	vst v63  }
0x12e: {  	_ =	swait.ge [sflag:s18], $0x4000  }
0x12f: {  	[sflag:s18] =	ssyncset.done $0x0  }
0x130: {  	s23 =	rddreg [dreg:$0xa];
	[sflag:s18] =	ssyncadd.s32 $0xFFFFC000  }
0x131: {  	[hbm4b:s23+s2] =	stream.linear.scatter [tilespmem:s7], [sflag:$0x9], $0x4000, $0x38;
	[tilespmem:$0x19000] =	vst v63  }
0x132: {  	_ =	swait.ge [sflag:s10], $0x4000  }
0x133: {  	s23 =	sld [smem:$0x7F2]  }
0x134: {  	[sflag:s10] =	ssyncset.done $0x0  }
0x135: {  	[sflag:s10] =	ssyncadd.s32 $0xFFFFC000  }
0x136: {  	[tilespmem:s9], [sflag:$0x2] =	stream.indirect.gather [hbm4b:s3+s11], $0x80, s23, s11, $0xb8;
	[tilespmem:$0x19000] =	vst v63  }
0x137: {  	_ =	swait.ge [sflag:s19], $0x4000  }
0x138: {  	[sflag:s19] =	ssyncset.done $0x0  }
0x139: {  	s23 =	rddreg [dreg:$0xb];
	[sflag:s19] =	ssyncadd.s32 $0xFFFFC000  }
0x13a: {  	[hbm4b:s23+s2] =	stream.linear.scatter [tilespmem:s6], [sflag:$0xA], $0x4000, $0x38;
	[tilespmem:$0x19000] =	vst v63  }
0x13b: {  	_ =	swait.ge [sflag:s12], $0x4000  }
0x13c: {  	s23 =	sld [smem:$0x7F3]  }
0x13d: {  	[sflag:s12] =	ssyncset.done $0x0  }
0x13e: {  	[sflag:s12] =	ssyncadd.s32 $0xFFFFC000  }
0x13f: {  	[tilespmem:s7], [sflag:$0x3] =	stream.indirect.gather [hbm4b:s3+s11], $0x80, s23, s11, $0xb8;
	[tilespmem:$0x19000] =	vst v63  }
0x140: {  	_ =	swait.ge [sflag:s21], $0x4000  }
0x141: {  	[sflag:s21] =	ssyncset.done $0x0  }
0x142: {  	s23 =	rddreg [dreg:$0xc];
	[sflag:s21] =	ssyncadd.s32 $0xFFFFC000  }
0x143: {  	[hbm4b:s23+s2] =	stream.linear.scatter [tilespmem:s4], [sflag:$0xB], $0x4000, $0x38;
	[tilespmem:$0x19000] =	vst v63  }
0x144: {  	_ =	swait.ge [sflag:s14], $0x4000  }
0x145: {  	s23 =	sld [smem:$0x7F4]  }
0x146: {  	[sflag:s14] =	ssyncset.done $0x0  }
0x147: {  	[sflag:s14] =	ssyncadd.s32 $0xFFFFC000  }
0x148: {  	[tilespmem:s6], [sflag:$0x4] =	stream.indirect.gather [hbm4b:s3+s11], $0x80, s23, s11, $0xb8;
	[tilespmem:$0x19000] =	vst v63  }
0x149: {  	_ =	swait.ge [sflag:s22], $0x4000  }
0x14a: {  	[sflag:s22] =	ssyncset.done $0x0  }
0x14b: {  	s23 =	rddreg [dreg:$0xd];
	[sflag:s22] =	ssyncadd.s32 $0xFFFFC000  }
0x14c: {  	[hbm4b:s23+s2] =	stream.linear.scatter [tilespmem:s5], [sflag:$0xC], $0x4000, $0x38;
	[tilespmem:$0x19000] =	vst v63  }
0x14d: {  	_ =	swait.ge [sflag:s15], $0x4000  }
0x14e: {  	s23 =	sld [smem:$0x7F5]  }
0x14f: {  	[sflag:s15] =	ssyncset.done $0x0  }
0x150: {  	[sflag:s15] =	ssyncadd.s32 $0xFFFFC000  }
0x151: {  	[tilespmem:s4], [sflag:$0x5] =	stream.indirect.gather [hbm4b:s3+s11], $0x80, s23, s11, $0xb8;
	[tilespmem:$0x19000] =	vst v63  }
0x152: {  	_ =	swait.ge [sflag:s20], $0x4000  }
0x153: {  	[sflag:s20] =	ssyncset.done $0x0  }
0x154: {  	s23 =	rddreg [dreg:$0xe];
	[sflag:s20] =	ssyncadd.s32 $0xFFFFC000  }
0x155: {  	[hbm4b:s23+s2] =	stream.linear.scatter [tilespmem:s13], [sflag:$0x7], $0x4000, $0x38;
	[tilespmem:$0x19000] =	vst v63  }
0x156: {  	_ =	swait.ge [sflag:s16], $0x4000  }
0x157: {  	s23 =	sld [smem:$0x7F6]  }
0x158: {  	[sflag:s16] =	ssyncset.done $0x0  }
0x159: {  	[sflag:s16] =	ssyncadd.s32 $0xFFFFC000  }
0x15a: {  	[tilespmem:s5], [sflag:$0x6] =	stream.indirect.gather [hbm4b:s3+s11], $0x80, s23, s11, $0xb8;
	[tilespmem:$0x19000] =	vst v63  }
0x15b: {  	_ =	swait.ge [sflag:s17], $0x4000  }
0x15c: {  	[sflag:s17] =	ssyncset.done $0x0  }
0x15d: {  	s23 =	rddreg [dreg:$0xf];
	[sflag:s17] =	ssyncadd.s32 $0xFFFFC000  }
0x15e: {  	[hbm4b:s23+s2] =	stream.linear.scatter [tilespmem:s9], [sflag:$0x8], $0x4000, $0x38;
	[tilespmem:$0x19000] =	vst v63  }
0x15f: {  	_ =	swait.ge [sflag:s8], $0x4000  }
0x160: {  	s23 =	sld [smem:$0x7F7]  }
0x161: {  	[sflag:s8] =	ssyncset.done $0x0  }
0x162: {  	[sflag:s8] =	ssyncadd.s32 $0xFFFFC000  }
0x163: {  	[tilespmem:s13], [sflag:$0x1] =	stream.indirect.gather [hbm4b:s3+s11], $0x80, s23, s11, $0xb8;
	[tilespmem:$0x19000] =	vst v63  }
0x164: {  	_ =	swait.ge [sflag:s18], $0x4000  }
0x165: {  	[sflag:s18] =	ssyncset.done $0x0  }
0x166: {  	s23 =	rddreg [dreg:$0x10];
	[sflag:s18] =	ssyncadd.s32 $0xFFFFC000  }
0x167: {  	[hbm4b:s23+s2] =	stream.linear.scatter [tilespmem:s7], [sflag:$0x9], $0x4000, $0x38;
	[tilespmem:$0x19000] =	vst v63  }
0x168: {  	_ =	swait.ge [sflag:s10], $0x4000  }
0x169: {  	s23 =	sld [smem:$0x7F8]  }
0x16a: {  	[sflag:s10] =	ssyncset.done $0x0  }
0x16b: {  	[sflag:s10] =	ssyncadd.s32 $0xFFFFC000  }
0x16c: {  	[tilespmem:s9], [sflag:$0x2] =	stream.indirect.gather [hbm4b:s3+s11], $0x80, s23, s11, $0xb8;
	[tilespmem:$0x19000] =	vst v63  }
0x16d: {  	_ =	swait.ge [sflag:s19], $0x4000  }
0x16e: {  	[sflag:s19] =	ssyncset.done $0x0  }
0x16f: {  	s23 =	rddreg [dreg:$0x11];
	[sflag:s19] =	ssyncadd.s32 $0xFFFFC000  }
0x170: {  	[hbm4b:s23+s2] =	stream.linear.scatter [tilespmem:s6], [sflag:$0xA], $0x4000, $0x38;
	[tilespmem:$0x19000] =	vst v63  }
0x171: {  	_ =	swait.ge [sflag:s12], $0x4000  }
0x172: {  	s23 =	sld [smem:$0x7F9]  }
0x173: {  	[sflag:s12] =	ssyncset.done $0x0  }
0x174: {  	[sflag:s12] =	ssyncadd.s32 $0xFFFFC000  }
0x175: {  	[tilespmem:s7], [sflag:$0x3] =	stream.indirect.gather [hbm4b:s3+s11], $0x80, s23, s11, $0xb8;
	[tilespmem:$0x19000] =	vst v63  }
0x176: {  	_ =	swait.ge [sflag:s21], $0x4000  }
0x177: {  	[sflag:s21] =	ssyncset.done $0x0  }
0x178: {  	s23 =	rddreg [dreg:$0x12];
	[sflag:s21] =	ssyncadd.s32 $0xFFFFC000  }
0x179: {  	[hbm4b:s23+s2] =	stream.linear.scatter [tilespmem:s4], [sflag:$0xB], $0x4000, $0x38;
	[tilespmem:$0x19000] =	vst v63  }
0x17a: {  	_ =	swait.ge [sflag:s14], $0x4000  }
0x17b: {  	s23 =	sld [smem:$0x7FA]  }
0x17c: {  	[sflag:s14] =	ssyncset.done $0x0  }
0x17d: {  	[sflag:s14] =	ssyncadd.s32 $0xFFFFC000  }
0x17e: {  	[tilespmem:s6], [sflag:$0x4] =	stream.indirect.gather [hbm4b:s3+s11], $0x80, s23, s11, $0xb8;
	[tilespmem:$0x19000] =	vst v63  }
0x17f: {  	_ =	swait.ge [sflag:s22], $0x4000  }
0x180: {  	[sflag:s22] =	ssyncset.done $0x0  }
0x181: {  	s23 =	rddreg [dreg:$0x13];
	[sflag:s22] =	ssyncadd.s32 $0xFFFFC000  }
0x182: {  	[hbm4b:s23+s2] =	stream.linear.scatter [tilespmem:s5], [sflag:$0xC], $0x4000, $0x38;
	[tilespmem:$0x19000] =	vst v63  }
0x183: {  	_ =	swait.ge [sflag:s15], $0x4000  }
0x184: {  	s23 =	sld [smem:$0x7FB]  }
0x185: {  	[sflag:s15] =	ssyncset.done $0x0  }
0x186: {  	[sflag:s15] =	ssyncadd.s32 $0xFFFFC000  }
0x187: {  	[tilespmem:s4], [sflag:$0x5] =	stream.indirect.gather [hbm4b:s3+s11], $0x80, s23, s11, $0xb8;
	[tilespmem:$0x19000] =	vst v63  }
0x188: {  	_ =	swait.ge [sflag:s20], $0x4000  }
0x189: {  	[sflag:s20] =	ssyncset.done $0x0  }
0x18a: {  	s23 =	rddreg [dreg:$0x14];
	[sflag:s20] =	ssyncadd.s32 $0xFFFFC000  }
0x18b: {  	[hbm4b:s23+s2] =	stream.linear.scatter [tilespmem:s13], [sflag:$0x7], $0x4000, $0x38;
	[tilespmem:$0x19000] =	vst v63  }
0x18c: {  	_ =	swait.ge [sflag:s16], $0x4000  }
0x18d: {  	s23 =	sld [smem:$0x7FC]  }
0x18e: {  	[sflag:s16] =	ssyncset.done $0x0  }
0x18f: {  	[sflag:s16] =	ssyncadd.s32 $0xFFFFC000  }
0x190: {  	[tilespmem:s5], [sflag:$0x6] =	stream.indirect.gather [hbm4b:s3+s11], $0x80, s23, s11, $0xb8;
	[tilespmem:$0x19000] =	vst v63  }
0x191: {  	_ =	swait.ge [sflag:s17], $0x4000  }
0x192: {  	[sflag:s17] =	ssyncset.done $0x0  }
0x193: {  	s23 =	rddreg [dreg:$0x15];
	[sflag:s17] =	ssyncadd.s32 $0xFFFFC000  }
0x194: {  	[hbm4b:s23+s2] =	stream.linear.scatter [tilespmem:s9], [sflag:$0x8], $0x4000, $0x38;
	[tilespmem:$0x19000] =	vst v63  }
0x195: {  	_ =	swait.ge [sflag:s8], $0x4000  }
0x196: {  	s23 =	sld [smem:$0x7FD]  }
0x197: {  	[sflag:s8] =	ssyncset.done $0x0  }
0x198: {  	[sflag:s8] =	ssyncadd.s32 $0xFFFFC000  }
0x199: {  	[tilespmem:s13], [sflag:$0x1] =	stream.indirect.gather [hbm4b:s3+s11], $0x80, s23, s11, $0xb8;
	[tilespmem:$0x19000] =	vst v63  }
0x19a: {  	_ =	swait.ge [sflag:s18], $0x4000  }
0x19b: {  	[sflag:s18] =	ssyncset.done $0x0  }
0x19c: {  	s23 =	rddreg [dreg:$0x16];
	[sflag:s18] =	ssyncadd.s32 $0xFFFFC000  }
0x19d: {  	[hbm4b:s23+s2] =	stream.linear.scatter [tilespmem:s7], [sflag:$0x9], $0x4000, $0x38;
	[tilespmem:$0x19000] =	vst v63  }
0x19e: {  	_ =	swait.ge [sflag:s10], $0x4000  }
0x19f: {  	[sflag:s10] =	ssyncset.done $0x0  }
0x1a0: {  	s23 =	simm.s32 $0xA80;
	[sflag:s10] =	ssyncadd.s32 $0xFFFFC000  }
0x1a1: {  	[tilespmem:s9], [sflag:$0x2] =	stream.indirect.gather [hbm4b:s3+s11], $0x80, s23, s11, $0xb8;
	[tilespmem:$0x19000] =	vst v63  }
0x1a2: {  	_ =	swait.ge [sflag:s19], $0x4000  }
0x1a3: {  	[sflag:s19] =	ssyncset.done $0x0  }
0x1a4: {  	s23 =	rddreg [dreg:$0x17];
	[sflag:s19] =	ssyncadd.s32 $0xFFFFC000  }
0x1a5: {  	[hbm4b:s23+s2] =	stream.linear.scatter [tilespmem:s6], [sflag:$0xA], $0x4000, $0x38;
	[tilespmem:$0x19000] =	vst v63  }
0x1a6: {  	_ =	swait.ge [sflag:s12], $0x4000  }
0x1a7: {  	[sflag:s12] =	ssyncset.done $0x0  }
0x1a8: {  	[sflag:s12] =	ssyncadd.s32 $0xFFFFC000  }
0x1a9: {  	[tilespmem:s7], [sflag:$0x3] =	stream.indirect.gather [hbm4b:s3+s11], $0x80, s29, s11, $0xb8;
	[tilespmem:$0x19000] =	vst v63  }
0x1aa: {  	_ =	swait.ge [sflag:s21], $0x4000  }
0x1ab: {  	[sflag:s21] =	ssyncset.done $0x0  }
0x1ac: {  	s23 =	rddreg [dreg:$0x18];
	[sflag:s21] =	ssyncadd.s32 $0xFFFFC000  }
0x1ad: {  	[hbm4b:s23+s2] =	stream.linear.scatter [tilespmem:s4], [sflag:$0xB], $0x4000, $0x38;
	[tilespmem:$0x19000] =	vst v63  }
0x1ae: {  	_ =	swait.ge [sflag:s14], $0x4000  }
0x1af: {  	[sflag:s14] =	ssyncset.done $0x0  }
0x1b0: {  	[sflag:s14] =	ssyncadd.s32 $0xFFFFC000  }
0x1b1: {  	[tilespmem:s6], [sflag:$0x4] =	stream.indirect.gather [hbm4b:s3+s11], $0x80, s26, s11, $0xb8;
	[tilespmem:$0x19000] =	vst v63  }
0x1b2: {  	_ =	swait.ge [sflag:s22], $0x4000  }
0x1b3: {  	[sflag:s22] =	ssyncset.done $0x0  }
0x1b4: {  	s23 =	rddreg [dreg:$0x19];
	[sflag:s22] =	ssyncadd.s32 $0xFFFFC000  }
0x1b5: {  	[hbm4b:s23+s2] =	stream.linear.scatter [tilespmem:s5], [sflag:$0xC], $0x4000, $0x38;
	[tilespmem:$0x19000] =	vst v63  }
0x1b6: {  	_ =	swait.ge [sflag:s15], $0x4000  }
0x1b7: {  	[sflag:s15] =	ssyncset.done $0x0  }
0x1b8: {  	[sflag:s15] =	ssyncadd.s32 $0xFFFFC000  }
0x1b9: {  	[tilespmem:s4], [sflag:$0x5] =	stream.indirect.gather [hbm4b:s3+s11], $0x80, s25, s11, $0xb8;
	[tilespmem:$0x19000] =	vst v63  }
0x1ba: {  	_ =	swait.ge [sflag:s20], $0x4000  }
0x1bb: {  	[sflag:s20] =	ssyncset.done $0x0  }
0x1bc: {  	s23 =	rddreg [dreg:$0x1a];
	[sflag:s20] =	ssyncadd.s32 $0xFFFFC000  }
0x1bd: {  	[hbm4b:s23+s2] =	stream.linear.scatter [tilespmem:s13], [sflag:$0x7], $0x4000, $0x38;
	[tilespmem:$0x19000] =	vst v63  }
0x1be: {  	_ =	swait.ge [sflag:s16], $0x4000  }
0x1bf: {  	[sflag:s16] =	ssyncset.done $0x0  }
0x1c0: {  	[sflag:s16] =	ssyncadd.s32 $0xFFFFC000  }
0x1c1: {  	[tilespmem:s5], [sflag:$0x6] =	stream.indirect.gather [hbm4b:s3+s11], $0x80, s24, s11, $0xb8;
	[tilespmem:$0x19000] =	vst v63  }
0x1c2: {  	_ =	swait.ge [sflag:s17], $0x4000  }
0x1c3: {  	[sflag:s17] =	ssyncset.done $0x0  }
0x1c4: {  	s23 =	rddreg [dreg:$0x1b];
	[sflag:s17] =	ssyncadd.s32 $0xFFFFC000  }
0x1c5: {  	[hbm4b:s23+s2] =	stream.linear.scatter [tilespmem:s9], [sflag:$0x8], $0x4000, $0x38;
	[tilespmem:$0x19000] =	vst v63  }
0x1c6: {  	_ =	swait.ge [sflag:s18], $0x4000  }
0x1c7: {  	[sflag:s18] =	ssyncset.done $0x0  }
0x1c8: {  	s23 =	rddreg [dreg:$0x1c];
	[sflag:s18] =	ssyncadd.s32 $0xFFFFC000  }
0x1c9: {  	[hbm4b:s23+s2] =	stream.linear.scatter [tilespmem:s7], [sflag:$0x9], $0x4000, $0x38;
	[tilespmem:$0x19000] =	vst v63  }
0x1ca: {  	_ =	swait.ge [sflag:s19], $0x4000  }
0x1cb: {  	[sflag:s19] =	ssyncset.done $0x0  }
0x1cc: {  	s23 =	rddreg [dreg:$0x1d];
	[sflag:s19] =	ssyncadd.s32 $0xFFFFC000  }
0x1cd: {  	[hbm4b:s23+s2] =	stream.linear.scatter [tilespmem:s6], [sflag:$0xA], $0x4000, $0x38;
	[tilespmem:$0x19000] =	vst v63  }
0x1ce: {  	_ =	swait.ge [sflag:s21], $0x4000  }
0x1cf: {  	[sflag:s21] =	ssyncset.done $0x0  }
0x1d0: {  	s23 =	rddreg [dreg:$0x1e];
	[sflag:s21] =	ssyncadd.s32 $0xFFFFC000  }
0x1d1: {  	[hbm4b:s23+s2] =	stream.linear.scatter [tilespmem:s4], [sflag:$0xB], $0x4000, $0x38;
	[tilespmem:$0x19000] =	vst v63  }
0x1d2: {  	_ =	swait.ge [sflag:s22], $0x4000  }
0x1d3: {  	[sflag:s22] =	ssyncset.done $0x0  }
0x1d4: {  	s23 =	rddreg [dreg:$0x1f];
	[sflag:s22] =	ssyncadd.s32 $0xFFFFC000  }
0x1d5: {  	[hbm4b:s23+s2] =	stream.linear.scatter [tilespmem:s5], [sflag:$0xC], $0x4000, $0x38;
	[tilespmem:$0x19000] =	vst v63  }
0x1d6: {  	_ =	swait.ge [sflag:s8], $0x4000  }
0x1d7: {  	[sflag:s8] =	ssyncset.done $0x0  }
0x1d8: {  	[sflag:s8] =	ssyncadd.s32 $0xFFFFC000  }
0x1d9: {  	_ =	swait.ge [sflag:s10], $0x4000  }
0x1da: {  	[sflag:s10] =	ssyncset.done $0x0  }
0x1db: {  	[sflag:s10] =	ssyncadd.s32 $0xFFFFC000  }
0x1dc: {  	_ =	swait.ge [sflag:s12], $0x4000  }
0x1dd: {  	[sflag:s12] =	ssyncset.done $0x0  }
0x1de: {  	[sflag:s12] =	ssyncadd.s32 $0xFFFFC000  }
0x1df: {  	_ =	swait.ge [sflag:s14], $0x4000  }
0x1e0: {  	[sflag:s14] =	ssyncset.done $0x0  }
0x1e1: {  	p1 =	sne.s32 s1, $0x1;
	[sflag:s14] =	ssyncadd.s32 $0xFFFFC000  }
.Ltmp2:
0x1e2: {  	_ =	swait.ge [sflag:s15], $0x4000;
	(pc) =	sbr.rel @p1 .LBB2_4-.Ltmp2, $4  }
0x1e3: {  	[sflag:s15] =	ssyncset.done $0x0  }
0x1e4: {  	[sflag:s15] =	ssyncadd.s32 $0xFFFFC000  }
0x1e5: {  	_ =	swait.ge [sflag:s16], $0x4000  }
0x1e6: {  	s1 =	sadd.s32 $0xFFFFFFFF, s1;
	s0 =	rddreg [dreg:$0x6];
	[sflag:s16] =	ssyncset.done $0x0  }
0x1e7: {  	s24 =	simm.s32 $0xA80;
	s29 =	simm.s32 $0xB00  }
0x1e8: {  	s26 =	simm.s32 $0xB80;
	s25 =	simm.s32 $0xC00;
	s23 =	stileid.u32  }
.LBB2_6:
0x1e9: {  	[sflag:s16] =	ssyncadd.s32 @p0 $0xFFFFC000  }
0x1ea: {  	[tilespmem:s2], [sflag:$0xD] =	stream.linear.gather [hbm4b:s0+s2], $0x300, $0x38;
	[tilespmem:$0x19000] =	vst v63  }
0x1eb: {  	_ =	swait.ge [sflag:s31], $0x300  }
0x1ec: {  	[sflag:s31] =	ssyncset.done $0x0  }
0x1ed: {  	s1 =	rddreg [dreg:$0x7];
	[sflag:s31] =	ssyncadd.s32 $0xFFFFFD00  }
0x1ee: {  	[tilespmem:s30], [sflag:$0xD] =	stream.linear.gather [hbm4b:s1+s2], $0x900, $0x38;
	[tilespmem:$0x19000] =	vst v63  }
0x1ef: {  	_ =	swait.ge [sflag:s31], $0x900  }
0x1f0: {  	[sflag:s31] =	ssyncset.done $0x0  }
0x1f1: {  	[sflag:s31] =	ssyncadd.s32 $0xFFFFF700  }
0x1f2: {  	[tilespmem:s13], [sflag:$0x1] =	stream.indirect.gather [hbm4b:s28+s11], $0x80, s2, s11, $0xb8;
	[tilespmem:$0x19000] =	vst v63  }
0x1f3: {  	s31 =	sld [smem:$0x7EE]  }
0x1f4: {  	[tilespmem:s9], [sflag:$0x2] =	stream.indirect.gather [hbm4b:s28+s11], $0x80, s11, s11, $0xb8;
	[tilespmem:$0x19000] =	vst v63  }
0x1f5: {  	s1 =	sld [smem:$0x7EF]  }
0x1f6: {  	[tilespmem:s7], [sflag:$0x3] =	stream.indirect.gather [hbm4b:s28+s11], $0x80, s31, s11, $0xb8;
	[tilespmem:$0x19000] =	vst v63  }
0x1f7: {  	s31 =	sld [smem:$0x7F0]  }
0x1f8: {  	[tilespmem:s6], [sflag:$0x4] =	stream.indirect.gather [hbm4b:s28+s11], $0x80, s1, s11, $0xb8;
	[tilespmem:$0x19000] =	vst v63  }
0x1f9: {  	_ = 	snop  }
0x1fa: {  	[tilespmem:s4], [sflag:$0x5] =	stream.indirect.gather [hbm4b:s28+s11], $0x80, s31, s11, $0xb8;
	[tilespmem:$0x19000] =	vst v63  }
0x1fb: {  	_ =	swait.ge [sflag:s20], $0x4000  }
0x1fc: {  	s1 =	rddreg [dreg:$0x8];
	[sflag:s20] =	ssyncset.done $0x0  }
0x1fd: {  	s31 =	sld [smem:$0x7F1];
	[sflag:s20] =	ssyncadd.s32 $0xFFFFC000  }
0x1fe: {  	[hbm4b:s1+s2] =	stream.linear.scatter [tilespmem:s13], [sflag:$0x7], $0x4000, $0x38;
	[tilespmem:$0x19000] =	vst v63  }
0x1ff: {  	_ = 	snop  }
0x200: {  	[tilespmem:s5], [sflag:$0x6] =	stream.indirect.gather [hbm4b:s28+s11], $0x80, s31, s11, $0xb8;
	[tilespmem:$0x19000] =	vst v63  }
0x201: {  	_ =	swait.ge [sflag:s17], $0x4000  }
0x202: {  	[sflag:s17] =	ssyncset.done $0x0  }
0x203: {  	s1 =	rddreg [dreg:$0x9];
	[sflag:s17] =	ssyncadd.s32 $0xFFFFC000  }
0x204: {  	[hbm4b:s1+s2] =	stream.linear.scatter [tilespmem:s9], [sflag:$0x8], $0x4000, $0x38;
	[tilespmem:$0x19000] =	vst v63  }
0x205: {  	_ =	swait.ge [sflag:s8], $0x4000  }
0x206: {  	[sflag:s8] =	ssyncset.done $0x0  }
0x207: {  	[sflag:s8] =	ssyncadd.s32 $0xFFFFC000  }
0x208: {  	[tilespmem:s13], [sflag:$0x1] =	stream.indirect.gather [hbm4b:s3+s11], $0x80, s30, s11, $0xb8;
	[tilespmem:$0x19000] =	vst v63  }
0x209: {  	_ =	swait.ge [sflag:s18], $0x4000  }
0x20a: {  	[sflag:s18] =	ssyncset.done $0x0  }
0x20b: {  	s28 =	rddreg [dreg:$0xa];
	[sflag:s18] =	ssyncadd.s32 $0xFFFFC000  }
0x20c: {  	[hbm4b:s28+s2] =	stream.linear.scatter [tilespmem:s7], [sflag:$0x9], $0x4000, $0x38;
	[tilespmem:$0x19000] =	vst v63  }
0x20d: {  	_ =	swait.ge [sflag:s10], $0x4000  }
0x20e: {  	s30 =	sld [smem:$0x7F2]  }
0x20f: {  	[sflag:s10] =	ssyncset.done $0x0  }
0x210: {  	[sflag:s10] =	ssyncadd.s32 $0xFFFFC000  }
0x211: {  	[tilespmem:s9], [sflag:$0x2] =	stream.indirect.gather [hbm4b:s3+s11], $0x80, s30, s11, $0xb8;
	[tilespmem:$0x19000] =	vst v63  }
0x212: {  	_ =	swait.ge [sflag:s19], $0x4000  }
0x213: {  	[sflag:s19] =	ssyncset.done $0x0  }
0x214: {  	s31 =	rddreg [dreg:$0xb];
	[sflag:s19] =	ssyncadd.s32 $0xFFFFC000  }
0x215: {  	[hbm4b:s31+s2] =	stream.linear.scatter [tilespmem:s6], [sflag:$0xA], $0x4000, $0x38;
	[tilespmem:$0x19000] =	vst v63  }
0x216: {  	_ =	swait.ge [sflag:s12], $0x4000  }
0x217: {  	s1 =	sld [smem:$0x7F3]  }
0x218: {  	[sflag:s12] =	ssyncset.done $0x0  }
0x219: {  	[sflag:s12] =	ssyncadd.s32 $0xFFFFC000  }
0x21a: {  	[tilespmem:s7], [sflag:$0x3] =	stream.indirect.gather [hbm4b:s3+s11], $0x80, s1, s11, $0xb8;
	[tilespmem:$0x19000] =	vst v63  }
0x21b: {  	_ =	swait.ge [sflag:s21], $0x4000  }
0x21c: {  	[sflag:s21] =	ssyncset.done $0x0  }
0x21d: {  	s28 =	rddreg [dreg:$0xc];
	[sflag:s21] =	ssyncadd.s32 $0xFFFFC000  }
0x21e: {  	[hbm4b:s28+s2] =	stream.linear.scatter [tilespmem:s4], [sflag:$0xB], $0x4000, $0x38;
	[tilespmem:$0x19000] =	vst v63  }
0x21f: {  	_ =	swait.ge [sflag:s14], $0x4000  }
0x220: {  	s30 =	sld [smem:$0x7F4]  }
0x221: {  	[sflag:s14] =	ssyncset.done $0x0  }
0x222: {  	[sflag:s14] =	ssyncadd.s32 $0xFFFFC000  }
0x223: {  	[tilespmem:s6], [sflag:$0x4] =	stream.indirect.gather [hbm4b:s3+s11], $0x80, s30, s11, $0xb8;
	[tilespmem:$0x19000] =	vst v63  }
0x224: {  	_ =	swait.ge [sflag:s22], $0x4000  }
0x225: {  	[sflag:s22] =	ssyncset.done $0x0  }
0x226: {  	s31 =	rddreg [dreg:$0xd];
	[sflag:s22] =	ssyncadd.s32 $0xFFFFC000  }
0x227: {  	[hbm4b:s31+s2] =	stream.linear.scatter [tilespmem:s5], [sflag:$0xC], $0x4000, $0x38;
	[tilespmem:$0x19000] =	vst v63  }
0x228: {  	_ =	swait.ge [sflag:s15], $0x4000  }
0x229: {  	s1 =	sld [smem:$0x7F5]  }
0x22a: {  	[sflag:s15] =	ssyncset.done $0x0  }
0x22b: {  	[sflag:s15] =	ssyncadd.s32 $0xFFFFC000  }
0x22c: {  	[tilespmem:s4], [sflag:$0x5] =	stream.indirect.gather [hbm4b:s3+s11], $0x80, s1, s11, $0xb8;
	[tilespmem:$0x19000] =	vst v63  }
0x22d: {  	_ =	swait.ge [sflag:s20], $0x4000  }
0x22e: {  	[sflag:s20] =	ssyncset.done $0x0  }
0x22f: {  	s28 =	rddreg [dreg:$0xe];
	[sflag:s20] =	ssyncadd.s32 $0xFFFFC000  }
0x230: {  	[hbm4b:s28+s2] =	stream.linear.scatter [tilespmem:s13], [sflag:$0x7], $0x4000, $0x38;
	[tilespmem:$0x19000] =	vst v63  }
0x231: {  	_ =	swait.ge [sflag:s16], $0x4000  }
0x232: {  	s30 =	sld [smem:$0x7F6]  }
0x233: {  	[sflag:s16] =	ssyncset.done $0x0  }
0x234: {  	[sflag:s16] =	ssyncadd.s32 $0xFFFFC000  }
0x235: {  	[tilespmem:s5], [sflag:$0x6] =	stream.indirect.gather [hbm4b:s3+s11], $0x80, s30, s11, $0xb8;
	[tilespmem:$0x19000] =	vst v63  }
0x236: {  	_ =	swait.ge [sflag:s17], $0x4000  }
0x237: {  	[sflag:s17] =	ssyncset.done $0x0  }
0x238: {  	s31 =	rddreg [dreg:$0xf];
	[sflag:s17] =	ssyncadd.s32 $0xFFFFC000  }
0x239: {  	[hbm4b:s31+s2] =	stream.linear.scatter [tilespmem:s9], [sflag:$0x8], $0x4000, $0x38;
	[tilespmem:$0x19000] =	vst v63  }
0x23a: {  	_ =	swait.ge [sflag:s8], $0x4000  }
0x23b: {  	s1 =	sld [smem:$0x7F7]  }
0x23c: {  	[sflag:s8] =	ssyncset.done $0x0  }
0x23d: {  	[sflag:s8] =	ssyncadd.s32 $0xFFFFC000  }
0x23e: {  	[tilespmem:s13], [sflag:$0x1] =	stream.indirect.gather [hbm4b:s3+s11], $0x80, s1, s11, $0xb8;
	[tilespmem:$0x19000] =	vst v63  }
0x23f: {  	_ =	swait.ge [sflag:s18], $0x4000  }
0x240: {  	[sflag:s18] =	ssyncset.done $0x0  }
0x241: {  	s28 =	rddreg [dreg:$0x10];
	[sflag:s18] =	ssyncadd.s32 $0xFFFFC000  }
0x242: {  	[hbm4b:s28+s2] =	stream.linear.scatter [tilespmem:s7], [sflag:$0x9], $0x4000, $0x38;
	[tilespmem:$0x19000] =	vst v63  }
0x243: {  	_ =	swait.ge [sflag:s10], $0x4000  }
0x244: {  	s30 =	sld [smem:$0x7F8]  }
0x245: {  	[sflag:s10] =	ssyncset.done $0x0  }
0x246: {  	[sflag:s10] =	ssyncadd.s32 $0xFFFFC000  }
0x247: {  	[tilespmem:s9], [sflag:$0x2] =	stream.indirect.gather [hbm4b:s3+s11], $0x80, s30, s11, $0xb8;
	[tilespmem:$0x19000] =	vst v63  }
0x248: {  	_ =	swait.ge [sflag:s19], $0x4000  }
0x249: {  	[sflag:s19] =	ssyncset.done $0x0  }
0x24a: {  	s31 =	rddreg [dreg:$0x11];
	[sflag:s19] =	ssyncadd.s32 $0xFFFFC000  }
0x24b: {  	[hbm4b:s31+s2] =	stream.linear.scatter [tilespmem:s6], [sflag:$0xA], $0x4000, $0x38;
	[tilespmem:$0x19000] =	vst v63  }
0x24c: {  	_ =	swait.ge [sflag:s12], $0x4000  }
0x24d: {  	s1 =	sld [smem:$0x7F9]  }
0x24e: {  	[sflag:s12] =	ssyncset.done $0x0  }
0x24f: {  	[sflag:s12] =	ssyncadd.s32 $0xFFFFC000  }
0x250: {  	[tilespmem:s7], [sflag:$0x3] =	stream.indirect.gather [hbm4b:s3+s11], $0x80, s1, s11, $0xb8;
	[tilespmem:$0x19000] =	vst v63  }
0x251: {  	_ =	swait.ge [sflag:s21], $0x4000  }
0x252: {  	[sflag:s21] =	ssyncset.done $0x0  }
0x253: {  	s28 =	rddreg [dreg:$0x12];
	[sflag:s21] =	ssyncadd.s32 $0xFFFFC000  }
0x254: {  	[hbm4b:s28+s2] =	stream.linear.scatter [tilespmem:s4], [sflag:$0xB], $0x4000, $0x38;
	[tilespmem:$0x19000] =	vst v63  }
0x255: {  	_ =	swait.ge [sflag:s14], $0x4000  }
0x256: {  	s30 =	sld [smem:$0x7FA]  }
0x257: {  	[sflag:s14] =	ssyncset.done $0x0  }
0x258: {  	[sflag:s14] =	ssyncadd.s32 $0xFFFFC000  }
0x259: {  	[tilespmem:s6], [sflag:$0x4] =	stream.indirect.gather [hbm4b:s3+s11], $0x80, s30, s11, $0xb8;
	[tilespmem:$0x19000] =	vst v63  }
0x25a: {  	_ =	swait.ge [sflag:s22], $0x4000  }
0x25b: {  	[sflag:s22] =	ssyncset.done $0x0  }
0x25c: {  	s31 =	rddreg [dreg:$0x13];
	[sflag:s22] =	ssyncadd.s32 $0xFFFFC000  }
0x25d: {  	[hbm4b:s31+s2] =	stream.linear.scatter [tilespmem:s5], [sflag:$0xC], $0x4000, $0x38;
	[tilespmem:$0x19000] =	vst v63  }
0x25e: {  	_ =	swait.ge [sflag:s15], $0x4000  }
0x25f: {  	s1 =	sld [smem:$0x7FB]  }
0x260: {  	[sflag:s15] =	ssyncset.done $0x0  }
0x261: {  	[sflag:s15] =	ssyncadd.s32 $0xFFFFC000  }
0x262: {  	[tilespmem:s4], [sflag:$0x5] =	stream.indirect.gather [hbm4b:s3+s11], $0x80, s1, s11, $0xb8;
	[tilespmem:$0x19000] =	vst v63  }
0x263: {  	_ =	swait.ge [sflag:s20], $0x4000  }
0x264: {  	[sflag:s20] =	ssyncset.done $0x0  }
0x265: {  	s28 =	rddreg [dreg:$0x14];
	[sflag:s20] =	ssyncadd.s32 $0xFFFFC000  }
0x266: {  	[hbm4b:s28+s2] =	stream.linear.scatter [tilespmem:s13], [sflag:$0x7], $0x4000, $0x38;
	[tilespmem:$0x19000] =	vst v63  }
0x267: {  	_ =	swait.ge [sflag:s16], $0x4000  }
0x268: {  	s30 =	sld [smem:$0x7FC]  }
0x269: {  	[sflag:s16] =	ssyncset.done $0x0  }
0x26a: {  	[sflag:s16] =	ssyncadd.s32 $0xFFFFC000  }
0x26b: {  	[tilespmem:s5], [sflag:$0x6] =	stream.indirect.gather [hbm4b:s3+s11], $0x80, s30, s11, $0xb8;
	[tilespmem:$0x19000] =	vst v63  }
0x26c: {  	_ =	swait.ge [sflag:s17], $0x4000  }
0x26d: {  	[sflag:s17] =	ssyncset.done $0x0  }
0x26e: {  	s31 =	rddreg [dreg:$0x15];
	[sflag:s17] =	ssyncadd.s32 $0xFFFFC000  }
0x26f: {  	[hbm4b:s31+s2] =	stream.linear.scatter [tilespmem:s9], [sflag:$0x8], $0x4000, $0x38;
	[tilespmem:$0x19000] =	vst v63  }
0x270: {  	_ =	swait.ge [sflag:s8], $0x4000  }
0x271: {  	s1 =	sld [smem:$0x7FD]  }
0x272: {  	[sflag:s8] =	ssyncset.done $0x0  }
0x273: {  	[sflag:s8] =	ssyncadd.s32 $0xFFFFC000  }
0x274: {  	[tilespmem:s13], [sflag:$0x1] =	stream.indirect.gather [hbm4b:s3+s11], $0x80, s1, s11, $0xb8;
	[tilespmem:$0x19000] =	vst v63  }
0x275: {  	_ =	swait.ge [sflag:s18], $0x4000  }
0x276: {  	[sflag:s18] =	ssyncset.done $0x0  }
0x277: {  	s28 =	rddreg [dreg:$0x16];
	[sflag:s18] =	ssyncadd.s32 $0xFFFFC000  }
0x278: {  	[hbm4b:s28+s2] =	stream.linear.scatter [tilespmem:s7], [sflag:$0x9], $0x4000, $0x38;
	[tilespmem:$0x19000] =	vst v63  }
0x279: {  	_ =	swait.ge [sflag:s10], $0x4000  }
0x27a: {  	[sflag:s10] =	ssyncset.done $0x0  }
0x27b: {  	[sflag:s10] =	ssyncadd.s32 $0xFFFFC000  }
0x27c: {  	[tilespmem:s9], [sflag:$0x2] =	stream.indirect.gather [hbm4b:s3+s11], $0x80, s24, s11, $0xb8;
	[tilespmem:$0x19000] =	vst v63  }
0x27d: {  	_ =	swait.ge [sflag:s19], $0x4000  }
0x27e: {  	[sflag:s19] =	ssyncset.done $0x0  }
0x27f: {  	s30 =	rddreg [dreg:$0x17];
	[sflag:s19] =	ssyncadd.s32 $0xFFFFC000  }
0x280: {  	[hbm4b:s30+s2] =	stream.linear.scatter [tilespmem:s6], [sflag:$0xA], $0x4000, $0x38;
	[tilespmem:$0x19000] =	vst v63  }
0x281: {  	_ =	swait.ge [sflag:s12], $0x4000  }
0x282: {  	[sflag:s12] =	ssyncset.done $0x0  }
0x283: {  	[sflag:s12] =	ssyncadd.s32 $0xFFFFC000  }
0x284: {  	[tilespmem:s7], [sflag:$0x3] =	stream.indirect.gather [hbm4b:s3+s11], $0x80, s29, s11, $0xb8;
	[tilespmem:$0x19000] =	vst v63  }
0x285: {  	_ =	swait.ge [sflag:s21], $0x4000  }
0x286: {  	[sflag:s21] =	ssyncset.done $0x0  }
0x287: {  	s31 =	rddreg [dreg:$0x18];
	[sflag:s21] =	ssyncadd.s32 $0xFFFFC000  }
0x288: {  	[hbm4b:s31+s2] =	stream.linear.scatter [tilespmem:s4], [sflag:$0xB], $0x4000, $0x38;
	[tilespmem:$0x19000] =	vst v63  }
0x289: {  	_ =	swait.ge [sflag:s14], $0x4000  }
0x28a: {  	[sflag:s14] =	ssyncset.done $0x0  }
0x28b: {  	[sflag:s14] =	ssyncadd.s32 $0xFFFFC000  }
0x28c: {  	[tilespmem:s6], [sflag:$0x4] =	stream.indirect.gather [hbm4b:s3+s11], $0x80, s26, s11, $0xb8;
	[tilespmem:$0x19000] =	vst v63  }
0x28d: {  	_ =	swait.ge [sflag:s22], $0x4000  }
0x28e: {  	[sflag:s22] =	ssyncset.done $0x0  }
0x28f: {  	s1 =	rddreg [dreg:$0x19];
	[sflag:s22] =	ssyncadd.s32 $0xFFFFC000  }
0x290: {  	[hbm4b:s1+s2] =	stream.linear.scatter [tilespmem:s5], [sflag:$0xC], $0x4000, $0x38;
	[tilespmem:$0x19000] =	vst v63  }
0x291: {  	_ =	swait.ge [sflag:s15], $0x4000  }
0x292: {  	[sflag:s15] =	ssyncset.done $0x0  }
0x293: {  	[sflag:s15] =	ssyncadd.s32 $0xFFFFC000  }
0x294: {  	[tilespmem:s4], [sflag:$0x5] =	stream.indirect.gather [hbm4b:s3+s11], $0x80, s25, s11, $0xb8;
	[tilespmem:$0x19000] =	vst v63  }
0x295: {  	_ =	swait.ge [sflag:s20], $0x4000  }
0x296: {  	[sflag:s20] =	ssyncset.done $0x0  }
0x297: {  	s24 =	rddreg [dreg:$0x1a];
	[sflag:s20] =	ssyncadd.s32 $0xFFFFC000  }
0x298: {  	[hbm4b:s24+s2] =	stream.linear.scatter [tilespmem:s13], [sflag:$0x7], $0x4000, $0x38;
	[tilespmem:$0x19000] =	vst v63  }
0x299: {  	_ =	swait.ge [sflag:s16], $0x4000  }
0x29a: {  	[sflag:s16] =	ssyncset.done $0x0  }
0x29b: {  	s25 =	simm.s32 $0xC80;
	[sflag:s16] =	ssyncadd.s32 $0xFFFFC000  }
0x29c: {  	[tilespmem:s5], [sflag:$0x6] =	stream.indirect.gather [hbm4b:s3+s11], $0x80, s25, s11, $0xb8;
	[tilespmem:$0x19000] =	vst v63  }
0x29d: {  	_ =	swait.ge [sflag:s17], $0x4000  }
0x29e: {  	[sflag:s17] =	ssyncset.done $0x0  }
0x29f: {  	s26 =	rddreg [dreg:$0x1b];
	[sflag:s17] =	ssyncadd.s32 $0xFFFFC000  }
0x2a0: {  	[hbm4b:s26+s2] =	stream.linear.scatter [tilespmem:s9], [sflag:$0x8], $0x4000, $0x38;
	[tilespmem:$0x19000] =	vst v63  }
0x2a1: {  	_ =	swait.ge [sflag:s18], $0x4000  }
0x2a2: {  	[sflag:s18] =	ssyncset.done $0x0  }
0x2a3: {  	s28 =	rddreg [dreg:$0x1c];
	[sflag:s18] =	ssyncadd.s32 $0xFFFFC000  }
0x2a4: {  	[hbm4b:s28+s2] =	stream.linear.scatter [tilespmem:s7], [sflag:$0x9], $0x4000, $0x38;
	[tilespmem:$0x19000] =	vst v63  }
0x2a5: {  	_ =	swait.ge [sflag:s19], $0x4000  }
0x2a6: {  	[sflag:s19] =	ssyncset.done $0x0  }
0x2a7: {  	s29 =	rddreg [dreg:$0x1d];
	[sflag:s19] =	ssyncadd.s32 $0xFFFFC000  }
0x2a8: {  	[hbm4b:s29+s2] =	stream.linear.scatter [tilespmem:s6], [sflag:$0xA], $0x4000, $0x38;
	[tilespmem:$0x19000] =	vst v63  }
0x2a9: {  	_ =	swait.ge [sflag:s21], $0x4000  }
0x2aa: {  	[sflag:s21] =	ssyncset.done $0x0  }
0x2ab: {  	s30 =	rddreg [dreg:$0x1e];
	[sflag:s21] =	ssyncadd.s32 $0xFFFFC000  }
0x2ac: {  	[hbm4b:s30+s2] =	stream.linear.scatter [tilespmem:s4], [sflag:$0xB], $0x4000, $0x38;
	[tilespmem:$0x19000] =	vst v63  }
0x2ad: {  	_ =	swait.ge [sflag:s22], $0x4000  }
0x2ae: {  	[sflag:s22] =	ssyncset.done $0x0  }
0x2af: {  	s31 =	rddreg [dreg:$0x1f];
	[sflag:s22] =	ssyncadd.s32 $0xFFFFC000  }
0x2b0: {  	[hbm4b:s31+s2] =	stream.linear.scatter [tilespmem:s5], [sflag:$0xC], $0x4000, $0x38;
	[tilespmem:$0x19000] =	vst v63  }
0x2b1: {  	_ =	swait.ge [sflag:s8], $0x4000  }
0x2b2: {  	[sflag:s8] =	ssyncset.done $0x0  }
0x2b3: {  	[sflag:s8] =	ssyncadd.s32 $0xFFFFC000  }
0x2b4: {  	_ =	swait.ge [sflag:s10], $0x4000  }
0x2b5: {  	[sflag:s10] =	ssyncset.done $0x0  }
0x2b6: {  	[sflag:s10] =	ssyncadd.s32 $0xFFFFC000  }
0x2b7: {  	_ =	swait.ge [sflag:s12], $0x4000  }
0x2b8: {  	[sflag:s12] =	ssyncset.done $0x0  }
0x2b9: {  	[sflag:s12] =	ssyncadd.s32 $0xFFFFC000  }
0x2ba: {  	_ =	swait.ge [sflag:s14], $0x4000  }
0x2bb: {  	[sflag:s14] =	ssyncset.done $0x0  }
0x2bc: {  	[sflag:s14] =	ssyncadd.s32 $0xFFFFC000  }
0x2bd: {  	_ =	swait.ge [sflag:s15], $0x4000  }
0x2be: {  	[sflag:s15] =	ssyncset.done $0x0  }
0x2bf: {  	[sflag:s15] =	ssyncadd.s32 $0xFFFFC000  }
0x2c0: {  	_ =	swait.ge [sflag:s16], $0x4000  }
0x2c1: {  	[sflag:s16] =	ssyncset.done $0x0  }
0x2c2: {  	[sflag:s16] =	ssyncadd.s32 $0xFFFFC000  }
0x2c3: {  	_ =	sfence.sel $0x180000  }
0x2c4: {  	[bflag:$0x0] =	sbarrier.arrive $0xFFFF  }
0x2c5: {  	_ =	strace $0x90000047  }
0x2c6: {  	[bflag:$0x2] =	sbarrier.arrive $0xFFFF  }
0x2c7: {  	p0 =	sne.s32 s23, $0x0;
	s0 =	rddreg [dreg:$0x5]  }
0x2c8: {  	s0 =	sadd.s32 @!p0 $0x100000, s0  }
0x2c9: {  	[sflag:s0] =	ssyncadd.tile.s32 @!p0 $0x1;
	_ =	shalt  }
.LBB2_1:
.Ltmp3:
0x2ca: {  	(pc) =	sbr.rel .LBB2_6-.Ltmp3, $3  }
0x2cb: {  	_ =	sdelay $0x1  }
0x2cc: {  	s24 =	simm.s32 $0xA80  }
0x2cd: {  	s29 =	simm.s32 $0xB00;
	s26 =	simm.s32 $0xB80;
	s25 =	simm.s32 $0xC00  }
.LBB2_3:
.Ltmp4:
0x2ce: {  	(pc) =	sbr.rel .LBB2_6-.Ltmp4, $3  }
0x2cf: {  	_ =	sdelay $0x1  }
0x2d0: {  	s24 =	simm.s32 $0xA80;
	s29 =	simm.s32 $0xB00  }
0x2d1: {  	s26 =	simm.s32 $0xB80;
	s25 =	simm.s32 $0xC00;
	s23 =	stileid.u32  }
.Lfunc_end2:
_tile_overlayer_lowered:
.L_overlay_start_2:
0x2d2: {  	(tag) =	ssettag $0x2  }
0x2d3: {  	s0 =	rddreg [dreg:$0x0];
	s2 =	stileid.u32  }
0x2d4: {  	s1 =	rddreg [dreg:$0x1];
	p0 =	sne.s32 s2, $0x0  }
0x2d5: {  	s3 =	rddreg [dreg:$0x2];
	[bflag:$0x3] =	sbarrier.arrive $0xFFFF;
	s2 =	simm.s32 @!p0 $0x1C0D  }
0x2d6: {  	[timem:s3], [sflag:s2] =	dma.local @!p0 [hbm:s0], s1  }
0x2d7: {  	s0 =	simm.s32 @!p0 $0xD  }
0x2d8: {  	_ =	swait.ge @!p0 [sflag:s0], s1  }
0x2d9: {  	s1 =	ssub.s32 @!p0 $0x0, s1;
	[sflag:s0] =	ssyncset.done @!p0 $0x0  }
0x2da: {  	[sflag:s0] =	ssyncadd.s32 @!p0 s1  }
0x2db: {  	[bflag:$0x3] =	sbarrier.arrive $0xFFFF  }
0x2dc: {  	_ =	shalt  }

// kernel: kernel.9.cloned.1.call-start
scs
__scs_entry_jumppad:
0x0: {  	(pc) =	sbr.rel $0x88, $3  }
0x1: {  	(tag) =	ssettag $0x0;
	lr =	simm.s32 $0x1  }
0x2: {  	[smem:$0x3F9B] =	sst lr;
	_ =	strace $0xD0000000  }
0x3: {  	_ = 	snop  }
0x4: {  	_ = 	snop  }
0x5: {  	_ = 	snop  }
0x6: {  	_ = 	snop  }
0x7: {  	_ = 	snop  }
__scs_overlays_trampoline_lowered:
0x8: {  	[smem:$0x3FAA] =	sst s0  }
0x9: {  	[smem:$0x3FAB] =	sst s1  }
0xa: {  	[smem:$0x3FAC] =	sst s2  }
0xb: {  	[smem:$0x3FAD] =	sst s3  }
0xc: {  	[smem:$0x3FAE] =	sst s4  }
0xd: {  	[smem:$0x3FAF] =	sst s5  }
0xe: {  	[smem:$0x3FB0] =	sst s6  }
0xf: {  	[smem:$0x3FB1] =	sst s7  }
0x10: {  	[smem:$0x3FB2] =	sst s8  }
0x11: {  	[smem:$0x3FB3] =	sst s9;
	s0 =	simm.s32 @!p0 $0x0  }
0x12: {  	s1 =	sld [smem:$0x3F99];
	s0 =	simm.s32 @p0 $0x1  }
0x13: {  	[smem:$0x3FB4] =	sst s0;
	s0 =	simm.s32 @!p1 $0x0  }
0x14: {  	s2 =	sld [smem:$0x3F98];
	s0 =	simm.s32 @p1 $0x1  }
0x15: {  	[smem:$0x3FB5] =	sst s0;
	s0 =	simm.s32 @!p2 $0x0  }
0x16: {  	s3 =	sld [smem:$0x3FDB];
	s0 =	simm.s32 @p2 $0x1  }
0x17: {  	s4 =	simm.s32 $0x1BF5;
	[smem:$0x3FB7] =	sst s0  }
0x18: {  	s0 =	sld [smem:$0x3F9A];
	_ =	swait.ge [sflag:s4], $0x0  }
0x19: {  	s7 =	sld [smem:$0x3F9B]  }
0x1a: {  	s8 =	sadd.s32 $0xFFFFE003, lr  }
0x1b: {  	s9 =	sadd.s32 $0xFFFFFEF7, lr;
	s5 =	simm.s32 $0xFFFFFFFF;
	p2 =	slt.u32 s8, $0xFFFFF086  }
0x1c: {  	p1 =	slt.u32 s9, $0xF7A;
	s5 =	simm.s32 @!p2 $0x0  }
0x1d: {  	s5 =	simm.s32 @p1 $0x1;
	p0 =	seq.s32 s7, s2  }
0x1e: {  	s7 =	smul.u32 @!p0 $0xF7A, s2;
	p2 =	seq.s32 @!p0 s5, $0x0  }
0x1f: {  	s9 =	smul.u32 $0xF7A, s1;
	s8 =	simm.s32 @!p0 $0x1BF5;
	p2 =	por !p2, p0  }
0x20: {  	[sflag:s8] =	ssyncset.s32 @!p0 $0xFFFFF086;
	s6 =	sadd.s32 @!p0 s3, s7;
	s7 =	simm.s32 @!p0 $0x108  }
0x21: {  	s3 =	sadd.s32 s3, s9;
	s6 =	sadd.s32 @!p0 $0x88, s6;
	s7 =	simm.s32 @p2 $0x1082  }
0x22: {  	[simem:s7], [sflag:s8] =	dma.local @!p0 [hbm:s6], $0xF7A  }
0x23: {  	s9 =	sor.u32 $0xD0000000, s2;
	s6 =	simm.s32 $0x108;
	_ =	swait.ge @!p0 [sflag:s8], $0x0  }
0x24: {  	s3 =	sadd.s32 $0x88, s3;
	s6 =	simm.s32 @!p1 $0x1082;
	[sflag:s4] =	ssyncset.s32 $0xFFFFF086  }
0x25: {  	[simem:s6], [sflag:s4] =	dma.local [hbm:s3], $0xF7A  }
0x26: {  	[smem:$0x3F9B] =	sst s1;
	(tag) =	ssettag s2;
	_ =	strace s9  }
0x27: {  	s1 =	sld [smem:$0x3FAB]  }
0x28: {  	s2 =	sld [smem:$0x3FAC]  }
0x29: {  	s4 =	sld [smem:$0x3FAE]  }
0x2a: {  	p0 =	seq.s32 s5, $0x0;
	s5 =	sld [smem:$0x3FAF]  }
0x2b: {  	s6 =	sld [smem:$0x3FB0]  }
0x2c: {  	s7 =	sld [smem:$0x3FB1]  }
0x2d: {  	s3 =	simm.s32 $0x108;
	s8 =	sld [smem:$0x3FB2]  }
0x2e: {  	s3 =	simm.s32 @!p0 $0x1082;
	s9 =	sld [smem:$0x3FB3]  }
0x2f: {  	lr =	sadd.s32 s0, s3;
	s0 =	sld [smem:$0x3FAA]  }
0x30: {  	s3 =	sld [smem:$0x3FAD]  }
0x31: {  	[smem:$0x3FB6] =	sst s10  }
0x32: {  	s10 =	sld [smem:$0x3FB4];
	_ =	sdelay $0x3  }
0x33: {  	p0 =	seq.s32 s10, $0x1;
	s10 =	sld [smem:$0x3FB6];
	_ =	sdelay $0x3  }
0x34: {  	[smem:$0x3FB6] =	sst s10  }
0x35: {  	s10 =	sld [smem:$0x3FB5];
	_ =	sdelay $0x3  }
0x36: {  	p1 =	seq.s32 s10, $0x1;
	s10 =	sld [smem:$0x3FB6];
	_ =	sdelay $0x3  }
0x37: {  	[smem:$0x3FB6] =	sst s10  }
0x38: {  	s10 =	sld [smem:$0x3FB7]  }
0x39: {  	_ = 	snop;
	(pc) =	sbr.ind lr, $3  }
0x3a: {  	_ = 	snop  }
0x3b: {  	_ = 	snop  }
0x3c: {  	p2 =	seq.s32 s10, $0x1;
	s10 =	sld [smem:$0x3FB6]  }
0x3d: {  	_ =	shalt  }
0x3e: {  	_ =	shalt  }
0x3f: {  	_ =	shalt  }
0x40: {  	_ =	shalt  }
0x41: {  	_ =	shalt  }
0x42: {  	_ =	shalt  }
0x43: {  	_ =	shalt  }
0x44: {  	_ =	shalt  }
0x45: {  	_ =	shalt  }
0x46: {  	_ =	shalt  }
0x47: {  	_ =	shalt  }
0x48: {  	_ =	shalt  }
0x49: {  	_ =	shalt  }
0x4a: {  	_ =	shalt  }
0x4b: {  	_ =	shalt  }
0x4c: {  	_ =	shalt  }
0x4d: {  	_ =	shalt  }
0x4e: {  	_ =	shalt  }
0x4f: {  	_ =	shalt  }
0x50: {  	_ =	shalt  }
0x51: {  	_ =	shalt  }
0x52: {  	_ =	shalt  }
0x53: {  	_ =	shalt  }
0x54: {  	_ =	shalt  }
0x55: {  	_ =	shalt  }
0x56: {  	_ =	shalt  }
0x57: {  	_ =	shalt  }
0x58: {  	_ =	shalt  }
0x59: {  	_ =	shalt  }
0x5a: {  	_ =	shalt  }
0x5b: {  	_ =	shalt  }
0x5c: {  	_ =	shalt  }
0x5d: {  	_ =	shalt  }
0x5e: {  	_ =	shalt  }
0x5f: {  	_ =	shalt  }
0x60: {  	_ =	shalt  }
0x61: {  	_ =	shalt  }
0x62: {  	_ =	shalt  }
0x63: {  	_ =	shalt  }
0x64: {  	_ =	shalt  }
0x65: {  	_ =	shalt  }
0x66: {  	_ =	shalt  }
0x67: {  	_ =	shalt  }
0x68: {  	_ =	shalt  }
0x69: {  	_ =	shalt  }
0x6a: {  	_ =	shalt  }
0x6b: {  	_ =	shalt  }
0x6c: {  	_ =	shalt  }
0x6d: {  	_ =	shalt  }
0x6e: {  	_ =	shalt  }
0x6f: {  	_ =	shalt  }
0x70: {  	_ =	shalt  }
0x71: {  	_ =	shalt  }
0x72: {  	_ =	shalt  }
0x73: {  	_ =	shalt  }
0x74: {  	_ =	shalt  }
0x75: {  	_ =	shalt  }
0x76: {  	_ =	shalt  }
0x77: {  	_ =	shalt  }
0x78: {  	_ =	shalt  }
0x79: {  	_ =	shalt  }
0x7a: {  	_ =	shalt  }
0x7b: {  	_ =	shalt  }
0x7c: {  	_ =	shalt  }
0x7d: {  	_ =	shalt  }
0x7e: {  	_ =	shalt  }
0x7f: {  	_ =	shalt  }
0x80: {  	_ =	shalt  }
0x81: {  	_ =	shalt  }
0x82: {  	_ =	shalt  }
0x83: {  	_ =	shalt  }
0x84: {  	_ =	shalt  }
0x85: {  	_ =	shalt  }
0x86: {  	_ =	shalt  }
0x87: {  	_ =	shalt  }
.Lfunc_end0:
.L_simem_size_0:
called_computation.1_lowered:
.L_overlay_start_0:
0x88: {  	s2 =	sld [smem:$0x3FD9]  }
0x89: {  	s3 =	sld [smem:$0x3FFE];
	_ =	sdelay $0x1  }
0x8a: {  	s1 =	srdreg.scid  }
0x8b: {  	s0 =	sand.u32 $0x1, s1  }
0x8c: {  	s17 =	sshll.u32 s0, $0xA;
	s2 =	sadd.s32 s3, s2  }
0x8d: {  	s2 =	sadd.s32 s2, s17  }
0x8e: {  	[smem:$0x3FC2] =	sst s2  }
0x8f: {  	_ = 	snop  }
0x90: {  	s18 =	sld [smem:$0x3FC6]  }
0x91: {  	s4 =	sld [smem:$0x3FC5];
	(tm) =	ssettm $0x1  }
0x92: {  	s19 =	sld [smem:$0x3FFB];
	_ =	sdelay $0x3  }
0x93: {  	_ =	strace s19  }
0x94: {  	s2 =	sld [smem:$0x3FFC];
	_ =	sdelay $0x3  }
0x95: {  	_ =	strace s2  }
0x96: {  	s2 =	sld [smem:$0x3FFD];
	_ =	sdelay $0x3  }
0x97: {  	_ =	strace s2  }
0x98: {  	_ =	strace $0x8FFFFFFF  }
0x99: {  	s20 =	sld [smem:$0x3FDB];
	_ =	sdelay $0x1  }
0x9a: {  	s5 =	simm.s32 $_scs_section_size  }
0x9b: {  	s6 =	simm.s32 $_size__tile_overlayer_lowered;
	s7 =	simm.s32 $_tile_overlayer_lowered  }
0x9c: {  	s8 =	simm.s32 $0x1BFF;
	s21 =	sshll.u32 s7, $0x1;
	s5 =	sadd.s32 s5, s20  }
0x9d: {  	s22 =	simm.s32 $0x0;
	s6 =	sshll.u32 s6, $0x1;
	s7 =	sadd.s32 s21, s5  }
0x9e: {  	[timem:s22], [sflag:s8] =	dma.local [hbm:s7], s6  }
0x9f: {  	_ =	swait.ge [sflag:s8], s6  }
0xa0: {  	s6 =	ssub.s32 $0x0, s6;
	[sflag:s8] =	ssyncset.done $0x0  }
0xa1: {  	[sflag:s8] =	ssyncadd.s32 s6;
	_ =	sdelay $0x1  }
0xa2: {  	s23 =	simm.s32 $0x1B8B  }
0xa3: {  	_ =	swait.ge [sflag:s23], $0x1  }
0xa4: {  	[sflag:s23] =	ssyncset.done $0x0  }
0xa5: {  	[sflag:s23] =	ssyncadd.s32 $0xFFFFFFFF  }
0xa6: {  	s6 =	sld [smem:$0x0]  }
0xa7: {  	s7 =	sand.u32 $0xFFFFFFFE, s1  }
0xa8: {  	p0 =	sne.s32 s1, s7  }
0xa9: {  	s7 =	sshll.u32 @p0 s7, $0xE  }
0xaa: {  	s7 =	sadd.s32 @p0 $0x11B8D, s7;
	s8 =	sshll.u32 @p0 s6, $0x11  }
0xab: {  	s7 =	sor.u32 @p0 s8, s7  }
0xac: {  	[sflag:s7] =	ssyncadd.remote.s32 @p0 $0x1;
	_ =	sdelay $0x1  }
0xad: {  	s7 =	simm.s32 @p0 $0x1B8D  }
0xae: {  	_ =	swait.eq @p0 [sflag:s7], $0x1  }
0xaf: {  	[sflag:s7] =	ssyncadd.s32 @p0 $0xFFFFFFFF  }
0xb0: {  	s8 =	sshll.u32 @!p0 s1, $0xE  }
0xb1: {  	s8 =	sor.u32 @!p0 $0x4000, s8;
	s7 =	simm.s32 @!p0 $0x1B8D  }
0xb2: {  	s6 =	sshll.u32 @!p0 s6, $0x11;
	s8 =	sadd.s32 @!p0 $0x11B8D, s8;
	_ =	swait.eq @!p0 [sflag:s7], $0x1  }
0xb3: {  	s6 =	sor.u32 @!p0 s6, s8;
	[sflag:s7] =	ssyncadd.s32 @!p0 $0xFFFFFFFF  }
0xb4: {  	s25 =	simm.s32 $0x1B8E;
	s24 =	sld [smem:$0x3FFE];
	[sflag:s6] =	ssyncadd.remote.s32 @!p0 $0x1  }
0xb5: {  	s26 =	simm.s32 $execute0_lowered;
	[smem:$0x3FD2] =	sst s25  }
0xb6: {  	s7 =	sshll.u32 s26, $0x1;
	_ =	strace $0x80000049;
	[dreg:$0x1] =	wrdreg $0xFFFFFFFF  }
0xb7: {  	s28 =	simm.s32 $_size_execute0_lowered;
	s5 =	sadd.s32 s5, s7;
	[dreg:$0x0] =	wrdreg $0x0  }
0xb8: {  	s7 =	sshll.u32 s28, $0x1;
	[dreg:$0x2] =	wrdreg s5  }
0xb9: {  	[dreg:$0x3] =	wrdreg s7  }
0xba: {  	[dreg:$0x4] =	wrdreg $0xC0  }
0xbb: {  	_ =	task [dreg:s22], $0x5FFFF  }
0xbc: {  	[dreg:$0x1] =	wrdreg $0xFFFFFFFF  }
0xbd: {  	[dreg:$0x0] =	wrdreg $0x60  }
0xbe: {  	[dreg:$0x2] =	wrdreg s18  }
0xbf: {  	[dreg:$0x3] =	wrdreg s4  }
0xc0: {  	[dreg:$0x4] =	wrdreg s24  }
0xc1: {  	[dreg:$0x5] =	wrdreg $0xA  }
0xc2: {  	_ =	task.clear_ibuf [dreg:s22], $0x6FFFF;
	_ =	strace $0x90000049  }
0xc3: {  	s29 =	simm.s32 $0xA;
	_ =	strace $0x8000004B  }
0xc4: {  	_ =	swait.ge [sflag:s29], $0x1  }
0xc5: {  	[sflag:s29] =	ssyncadd.s32 $0xFFFFFFFF  }
0xc6: {  	_ =	strace $0x9000004B  }
0xc7: {  	_ =	sfence  }
0xc8: {  	s30 =	sld [smem:$0x0];
	_ =	sdelay $0x2  }
0xc9: {  	s31 =	sshll.u32 s1, $0xD;
	s1 =	sshrl.u32 s1, $0x2  }
0xca: {  	s4 =	sand.u32 $0x4000, s31;
	s1 =	sadd.s32 s1, s30  }
0xcb: {  	s0 =	sor.u32 s4, s0;
	s1 =	sshll.u32 s1, $0x11  }
0xcc: {  	s0 =	sor.u32 s1, s0  }
0xcd: {  	s0 =	sadd.s32 $0x8F2B, s0  }
0xce: {  	[sflag:s0] =	ssyncadd.remote.s32 $0x1  }
0xcf: {  	_ =	sfence.sel $0xFFFF  }
0xd0: {  	[dreg:$0x0] =	wrdreg $0xFFFFFFFF;
	(pc) =	sbr.abs _section_cstart, $3  }
0xd1: {  	[dreg:$0x1] =	wrdreg $0xFFFFFFFF  }
0xd2: {  	_ =	task.clear_ibuf [dreg:s22], $0x2FFFF;
	_ =	strace $0x9FFFFFFF  }
0xd3: {  	(tm) =	ssettm $0x7FFFFFFF  }
tec
execute0_lowered:
.L_overlay_start_1:
0x0: {  	(tag) =	ssettag $0x1  }
0x1: {  	s7 =	rddreg [dreg:$0x0]  }
0x2: {  	s3 =	rddreg [dreg:$0x1]  }
0x3: {  	s0 =	rddreg [dreg:$0x2]  }
0x4: {  	s1 =	srdreg.scid;
	s4 =	stileid.u32  }
0x5: {  	s2 =	simm.s32 $0x0;
	s28 =	simm.s32 $0xD;
	s26 =	simm.s32 $0x100  }
0x6: {  	s30 =	simm.s32 $0x180;
	s31 =	simm.s32 $0x200;
	s10 =	simm.s32 $0x1  }
0x7: {  	s29 =	simm.s32 $0x280;
	s9 =	simm.s32 $0x2;
	s25 =	simm.s32 $0x300  }
0x8: {  	s24 =	simm.s32 $0x3;
	s23 =	simm.s32 $0x380;
	s22 =	simm.s32 $0x4  }
0x9: {  	p0 =	por $0x0, $0x0;
	s1 =	sand.u32 $0x1, s1;
	s4 =	sshll.u32 s4, $0x1  }
0xa: {  	s11 =	simm.s32 $0xC;
	[smem:$0x7FF] =	sst s2;
	s4 =	sor.u32 s1, s4  }
0xb: {  	_ =	strace $0x8000004A;
	s1 =	ssub.s32 $0x2, s1;
	s5 =	sshll.u32 s4, $0x5  }
0xc: {  	s6 =	sshll.u32 s4, $0x7;
	s8 =	sshll.u32 s4, $0xB;
	s14 =	smul.u32 $0x14000, s4  }
0xd: {  	s4 =	smul.u32 $0x2800, s4;
	s19 =	sshrl.u32 s1, $0x1;
	s5 =	sadd.s32 s5, s0  }
0xe: {  	s6 =	sadd.s32 s6, s0;
	s8 =	sadd.s32 s8, s0;
	s0 =	sadd.s32 $0x1B3A00, s0  }
0xf: {  	s1 =	ssub.s32 s1, s19;
	s19 =	simm.s32 $0x8500;
	s5 =	sadd.s32 $0x183600, s5  }
0x10: {  	s12 =	sadd.s32 $0x182600, s6;
	s13 =	sadd.s32 $0x183A00, s8;
	[dreg:$0x4] =	wrdreg s5  }
0x11: {  	s15 =	sadd.s32 $0x193A00, s8;
	s16 =	sadd.s32 $0x1A3A00, s8;
	[dreg:$0x5] =	wrdreg s12  }
0x12: {  	s6 =	sshrl.u32 s14, $0x3;
	s4 =	sadd.s32 s0, s4;
	[dreg:$0x6] =	wrdreg s13  }
0x13: {  	s21 =	smax.u32 s1, $0x1;
	s8 =	simm.s32 $0x500;
	[dreg:$0x7] =	wrdreg s15  }
0x14: {  	s14 =	simm.s32 $0x14500;
	[dreg:$0x8] =	wrdreg s16;
	s0 =	sadd.s32 s0, s6  }
0x15: {  	[dreg:$0x9] =	wrdreg s4;
	s6 =	simm.s32 $0x4500;
	s16 =	simm.s32 $0x10500  }
0x16: {  	s4 =	simm.s32 $0x7;
	s5 =	simm.s32 $0x8;
	p1 =	sne.s32 s21, $0x1  }
0x17: {  	s15 =	simm.s32 $0x9;
	s17 =	sadd.s32 $0x800, s0;
	s1 =	rddreg [dreg:$0x4]  }
.Ltmp0:
0x18: {  	s18 =	sadd.s32 $0x1000, s0;
	[dreg:$0xa] =	wrdreg s17;
	(pc) =	sbr.rel @!p1 .LBB2_3-.Ltmp0, $4  }
0x19: {  	s13 =	simm.s32 $0xA;
	s20 =	sadd.s32 $0x1800, s0;
	[dreg:$0xb] =	wrdreg s18  }
0x1a: {  	s12 =	simm.s32 $0xB;
	s0 =	sadd.s32 $0x2000, s0;
	[dreg:$0xc] =	wrdreg s20  }
0x1b: {  	[dreg:$0xd] =	wrdreg s0;
	s17 =	simm.s32 $0x80;
	s18 =	simm.s32 $0xC500  }
0x1c: {  	s0 =	sadd.s32 $0xFFFFFFFF, s21;
	s21 =	simm.s32 $0x5;
	s20 =	simm.s32 $0x6  }
0x1d: {  	[tilespmem:s2], [sflag:$0xD] =	stream.linear.gather [hbm4b:s1+s2], $0x100, $0x38;
	[tilespmem:$0x18500] =	vst v63  }
0x1e: {  	_ =	swait.ge [sflag:s28], $0x100  }
0x1f: {  	[sflag:s28] =	ssyncset.done $0x0  }
0x20: {  	s1 =	rddreg [dreg:$0x5];
	[sflag:s28] =	ssyncadd.s32 $0xFFFFFF00  }
0x21: {  	[tilespmem:s26], [sflag:$0xD] =	stream.linear.gather [hbm4b:s1+s2], $0x300, $0x38;
	[tilespmem:$0x18500] =	vst v63  }
0x22: {  	_ =	swait.ge [sflag:s28], $0x300  }
0x23: {  	[sflag:s28] =	ssyncset.done $0x0  }
0x24: {  	[sflag:s28] =	ssyncadd.s32 $0xFFFFFD00  }
0x25: {  	[tilespmem:s8], [sflag:$0x1] =	stream.indirect.gather [hbm4b:s7+s17], $0x80, s2, s17, $0xb8;
	[tilespmem:$0x18500] =	vst v63  }
0x26: {  	_ = 	snop  }
0x27: {  	[tilespmem:s6], [sflag:$0x2] =	stream.indirect.gather [hbm4b:s7+s17], $0x80, s17, s17, $0xb8;
	[tilespmem:$0x18500] =	vst v63  }
0x28: {  	_ = 	snop  }
0x29: {  	[tilespmem:s19], [sflag:$0x3] =	stream.indirect.gather [hbm4b:s3+s17], $0x80, s26, s17, $0xb8;
	[tilespmem:$0x18500] =	vst v63  }
0x2a: {  	_ = 	snop  }
0x2b: {  	[tilespmem:s18], [sflag:$0x4] =	stream.indirect.gather [hbm4b:s3+s17], $0x80, s30, s17, $0xb8;
	[tilespmem:$0x18500] =	vst v63  }
0x2c: {  	_ = 	snop  }
0x2d: {  	[tilespmem:s16], [sflag:$0x5] =	stream.indirect.gather [hbm4b:s3+s17], $0x80, s31, s17, $0xb8;
	[tilespmem:$0x18500] =	vst v63  }
0x2e: {  	_ =	swait.ge [sflag:s10], $0x4000  }
0x2f: {  	[sflag:s10] =	ssyncset.done $0x0  }
0x30: {  	s1 =	rddreg [dreg:$0x6];
	[sflag:s10] =	ssyncadd.s32 $0xFFFFC000  }
0x31: {  	[hbm4b:s1+s2] =	stream.linear.scatter [tilespmem:s8], [sflag:$0x7], $0x4000, $0x38;
	[tilespmem:$0x18500] =	vst v63  }
0x32: {  	_ = 	snop  }
0x33: {  	[tilespmem:s14], [sflag:$0x6] =	stream.indirect.gather [hbm4b:s3+s17], $0x80, s29, s17, $0xb8;
	[tilespmem:$0x18500] =	vst v63  }
0x34: {  	_ =	swait.ge [sflag:s9], $0x4000  }
0x35: {  	[sflag:s9] =	ssyncset.done $0x0  }
0x36: {  	s1 =	rddreg [dreg:$0x7];
	[sflag:s9] =	ssyncadd.s32 $0xFFFFC000  }
0x37: {  	[hbm4b:s1+s2] =	stream.linear.scatter [tilespmem:s6], [sflag:$0x8], $0x4000, $0x38;
	[tilespmem:$0x18500] =	vst v63  }
0x38: {  	_ =	swait.ge [sflag:s4], $0x4000  }
0x39: {  	[sflag:s4] =	ssyncset.done $0x0  }
0x3a: {  	[sflag:s4] =	ssyncadd.s32 $0xFFFFC000  }
0x3b: {  	[tilespmem:s8], [sflag:$0x1] =	stream.indirect.gather [hbm4b:s3+s17], $0x80, s25, s17, $0xb8;
	[tilespmem:$0x18500] =	vst v63  }
0x3c: {  	_ =	swait.ge [sflag:s24], $0x4000  }
0x3d: {  	[sflag:s24] =	ssyncset.done $0x0  }
0x3e: {  	s1 =	rddreg [dreg:$0x8];
	[sflag:s24] =	ssyncadd.s32 $0xFFFFC000  }
0x3f: {  	[hbm4b:s1+s2] =	stream.linear.scatter [tilespmem:s19], [sflag:$0x9], $0x4000, $0x38;
	[tilespmem:$0x18500] =	vst v63  }
0x40: {  	_ =	swait.ge [sflag:s5], $0x4000  }
0x41: {  	[sflag:s5] =	ssyncset.done $0x0  }
0x42: {  	[sflag:s5] =	ssyncadd.s32 $0xFFFFC000  }
0x43: {  	[tilespmem:s6], [sflag:$0x2] =	stream.indirect.gather [hbm4b:s3+s17], $0x80, s23, s17, $0xb8;
	[tilespmem:$0x18500] =	vst v63  }
0x44: {  	_ =	swait.ge [sflag:s22], $0x4000  }
0x45: {  	[sflag:s22] =	ssyncset.done $0x0  }
0x46: {  	s1 =	rddreg [dreg:$0x9];
	[sflag:s22] =	ssyncadd.s32 $0xFFFFC000  }
0x47: {  	[hbm4b:s1+s2] =	stream.linear.scatter [tilespmem:s18], [sflag:$0xA], $0x4000, $0x38;
	[tilespmem:$0x18500] =	vst v63  }
0x48: {  	_ =	swait.ge [sflag:s21], $0x4000  }
0x49: {  	[sflag:s21] =	ssyncset.done $0x0  }
0x4a: {  	s1 =	rddreg [dreg:$0xa];
	[sflag:s21] =	ssyncadd.s32 $0xFFFFC000  }
0x4b: {  	[hbm4b:s1+s2] =	stream.linear.scatter [tilespmem:s16], [sflag:$0xB], $0x4000, $0x38;
	[tilespmem:$0x18500] =	vst v63  }
0x4c: {  	_ =	swait.ge [sflag:s20], $0x4000  }
0x4d: {  	[sflag:s20] =	ssyncset.done $0x0  }
0x4e: {  	s1 =	rddreg [dreg:$0xb];
	[sflag:s20] =	ssyncadd.s32 $0xFFFFC000  }
0x4f: {  	[hbm4b:s1+s2] =	stream.linear.scatter [tilespmem:s14], [sflag:$0xC], $0x4000, $0x38;
	[tilespmem:$0x18500] =	vst v63  }
0x50: {  	_ =	swait.ge [sflag:s10], $0x4000  }
0x51: {  	[sflag:s10] =	ssyncset.done $0x0  }
0x52: {  	s1 =	rddreg [dreg:$0xc];
	[sflag:s10] =	ssyncadd.s32 $0xFFFFC000  }
0x53: {  	[hbm4b:s1+s2] =	stream.linear.scatter [tilespmem:s8], [sflag:$0x7], $0x4000, $0x38;
	[tilespmem:$0x18500] =	vst v63  }
0x54: {  	_ =	swait.ge [sflag:s9], $0x4000  }
0x55: {  	[sflag:s9] =	ssyncset.done $0x0  }
0x56: {  	s1 =	rddreg [dreg:$0xd];
	[sflag:s9] =	ssyncadd.s32 $0xFFFFC000  }
0x57: {  	[hbm4b:s1+s2] =	stream.linear.scatter [tilespmem:s6], [sflag:$0x8], $0x4000, $0x38;
	[tilespmem:$0x18500] =	vst v63  }
0x58: {  	_ =	swait.ge [sflag:s15], $0x4000  }
0x59: {  	[sflag:s15] =	ssyncset.done $0x0  }
0x5a: {  	[sflag:s15] =	ssyncadd.s32 $0xFFFFC000  }
0x5b: {  	_ =	swait.ge [sflag:s13], $0x4000  }
0x5c: {  	[sflag:s13] =	ssyncset.done $0x0  }
0x5d: {  	[sflag:s13] =	ssyncadd.s32 $0xFFFFC000  }
0x5e: {  	_ =	swait.ge [sflag:s12], $0x4000  }
0x5f: {  	[sflag:s12] =	ssyncset.done $0x0  }
0x60: {  	[sflag:s12] =	ssyncadd.s32 $0xFFFFC000  }
0x61: {  	_ =	swait.ge [sflag:s11], $0x4000  }
0x62: {  	[sflag:s11] =	ssyncset.done $0x0  }
0x63: {  	p1 =	sne.s32 s0, $0x1;
	[sflag:s11] =	ssyncadd.s32 $0xFFFFC000  }
.Ltmp1:
0x64: {  	_ =	swait.ge [sflag:s4], $0x4000;
	(pc) =	sbr.rel @!p1 .LBB2_3-.Ltmp1, $4  }
0x65: {  	[sflag:s4] =	ssyncset.done $0x0  }
0x66: {  	[sflag:s4] =	ssyncadd.s32 $0xFFFFC000  }
0x67: {  	s0 =	sadd.s32 $0xFFFFFFFF, s0;
	_ =	swait.ge [sflag:s5], $0x4000  }
0x68: {  	p0 =	por $0x1, $0x1;
	s1 =	rddreg [dreg:$0x4];
	[sflag:s5] =	ssyncset.done $0x0  }
.LBB2_2:
0x69: {  	[sflag:s5] =	ssyncadd.s32 $0xFFFFC000  }
0x6a: {  	[tilespmem:s2], [sflag:$0xD] =	stream.linear.gather [hbm4b:s1+s2], $0x100, $0x38;
	[tilespmem:$0x18500] =	vst v63  }
0x6b: {  	_ =	swait.ge [sflag:s28], $0x100  }
0x6c: {  	[sflag:s28] =	ssyncset.done $0x0  }
0x6d: {  	s1 =	rddreg [dreg:$0x5];
	[sflag:s28] =	ssyncadd.s32 $0xFFFFFF00  }
0x6e: {  	[tilespmem:s26], [sflag:$0xD] =	stream.linear.gather [hbm4b:s1+s2], $0x300, $0x38;
	[tilespmem:$0x18500] =	vst v63  }
0x6f: {  	_ =	swait.ge [sflag:s28], $0x300  }
0x70: {  	[sflag:s28] =	ssyncset.done $0x0  }
0x71: {  	[sflag:s28] =	ssyncadd.s32 $0xFFFFFD00  }
0x72: {  	[tilespmem:s8], [sflag:$0x1] =	stream.indirect.gather [hbm4b:s7+s17], $0x80, s2, s17, $0xb8;
	[tilespmem:$0x18500] =	vst v63  }
0x73: {  	_ = 	snop  }
0x74: {  	[tilespmem:s6], [sflag:$0x2] =	stream.indirect.gather [hbm4b:s7+s17], $0x80, s17, s17, $0xb8;
	[tilespmem:$0x18500] =	vst v63  }
0x75: {  	_ = 	snop  }
0x76: {  	[tilespmem:s19], [sflag:$0x3] =	stream.indirect.gather [hbm4b:s3+s17], $0x80, s26, s17, $0xb8;
	[tilespmem:$0x18500] =	vst v63  }
0x77: {  	_ = 	snop  }
0x78: {  	[tilespmem:s18], [sflag:$0x4] =	stream.indirect.gather [hbm4b:s3+s17], $0x80, s30, s17, $0xb8;
	[tilespmem:$0x18500] =	vst v63  }
0x79: {  	_ = 	snop  }
0x7a: {  	[tilespmem:s16], [sflag:$0x5] =	stream.indirect.gather [hbm4b:s3+s17], $0x80, s31, s17, $0xb8;
	[tilespmem:$0x18500] =	vst v63  }
0x7b: {  	_ =	swait.ge [sflag:s10], $0x4000  }
0x7c: {  	[sflag:s10] =	ssyncset.done $0x0  }
0x7d: {  	s1 =	rddreg [dreg:$0x6];
	[sflag:s10] =	ssyncadd.s32 $0xFFFFC000  }
0x7e: {  	[hbm4b:s1+s2] =	stream.linear.scatter [tilespmem:s8], [sflag:$0x7], $0x4000, $0x38;
	[tilespmem:$0x18500] =	vst v63  }
0x7f: {  	_ = 	snop  }
0x80: {  	[tilespmem:s14], [sflag:$0x6] =	stream.indirect.gather [hbm4b:s3+s17], $0x80, s29, s17, $0xb8;
	[tilespmem:$0x18500] =	vst v63  }
0x81: {  	_ =	swait.ge [sflag:s9], $0x4000  }
0x82: {  	[sflag:s9] =	ssyncset.done $0x0  }
0x83: {  	s1 =	rddreg [dreg:$0x7];
	[sflag:s9] =	ssyncadd.s32 $0xFFFFC000  }
0x84: {  	[hbm4b:s1+s2] =	stream.linear.scatter [tilespmem:s6], [sflag:$0x8], $0x4000, $0x38;
	[tilespmem:$0x18500] =	vst v63  }
0x85: {  	_ =	swait.ge [sflag:s4], $0x4000  }
0x86: {  	[sflag:s4] =	ssyncset.done $0x0  }
0x87: {  	[sflag:s4] =	ssyncadd.s32 $0xFFFFC000  }
0x88: {  	[tilespmem:s8], [sflag:$0x1] =	stream.indirect.gather [hbm4b:s3+s17], $0x80, s25, s17, $0xb8;
	[tilespmem:$0x18500] =	vst v63  }
0x89: {  	_ =	swait.ge [sflag:s24], $0x4000  }
0x8a: {  	[sflag:s24] =	ssyncset.done $0x0  }
0x8b: {  	s1 =	rddreg [dreg:$0x8];
	[sflag:s24] =	ssyncadd.s32 $0xFFFFC000  }
0x8c: {  	[hbm4b:s1+s2] =	stream.linear.scatter [tilespmem:s19], [sflag:$0x9], $0x4000, $0x38;
	[tilespmem:$0x18500] =	vst v63  }
0x8d: {  	_ =	swait.ge [sflag:s5], $0x4000  }
0x8e: {  	[sflag:s5] =	ssyncset.done $0x0  }
0x8f: {  	[sflag:s5] =	ssyncadd.s32 $0xFFFFC000  }
0x90: {  	[tilespmem:s6], [sflag:$0x2] =	stream.indirect.gather [hbm4b:s3+s17], $0x80, s23, s17, $0xb8;
	[tilespmem:$0x18500] =	vst v63  }
0x91: {  	_ =	swait.ge [sflag:s22], $0x4000  }
0x92: {  	[sflag:s22] =	ssyncset.done $0x0  }
0x93: {  	s1 =	rddreg [dreg:$0x9];
	[sflag:s22] =	ssyncadd.s32 $0xFFFFC000  }
0x94: {  	[hbm4b:s1+s2] =	stream.linear.scatter [tilespmem:s18], [sflag:$0xA], $0x4000, $0x38;
	[tilespmem:$0x18500] =	vst v63  }
0x95: {  	_ =	swait.ge [sflag:s21], $0x4000  }
0x96: {  	[sflag:s21] =	ssyncset.done $0x0  }
0x97: {  	s1 =	rddreg [dreg:$0xa];
	[sflag:s21] =	ssyncadd.s32 $0xFFFFC000  }
0x98: {  	[hbm4b:s1+s2] =	stream.linear.scatter [tilespmem:s16], [sflag:$0xB], $0x4000, $0x38;
	[tilespmem:$0x18500] =	vst v63  }
0x99: {  	_ =	swait.ge [sflag:s20], $0x4000  }
0x9a: {  	[sflag:s20] =	ssyncset.done $0x0  }
0x9b: {  	s1 =	rddreg [dreg:$0xb];
	[sflag:s20] =	ssyncadd.s32 $0xFFFFC000  }
0x9c: {  	[hbm4b:s1+s2] =	stream.linear.scatter [tilespmem:s14], [sflag:$0xC], $0x4000, $0x38;
	[tilespmem:$0x18500] =	vst v63  }
0x9d: {  	_ =	swait.ge [sflag:s10], $0x4000  }
0x9e: {  	[sflag:s10] =	ssyncset.done $0x0  }
0x9f: {  	s1 =	rddreg [dreg:$0xc];
	[sflag:s10] =	ssyncadd.s32 $0xFFFFC000  }
0xa0: {  	[hbm4b:s1+s2] =	stream.linear.scatter [tilespmem:s8], [sflag:$0x7], $0x4000, $0x38;
	[tilespmem:$0x18500] =	vst v63  }
0xa1: {  	_ =	swait.ge [sflag:s9], $0x4000  }
0xa2: {  	[sflag:s9] =	ssyncset.done $0x0  }
0xa3: {  	s1 =	rddreg [dreg:$0xd];
	[sflag:s9] =	ssyncadd.s32 $0xFFFFC000  }
0xa4: {  	[hbm4b:s1+s2] =	stream.linear.scatter [tilespmem:s6], [sflag:$0x8], $0x4000, $0x38;
	[tilespmem:$0x18500] =	vst v63  }
0xa5: {  	_ =	swait.ge [sflag:s15], $0x4000  }
0xa6: {  	[sflag:s15] =	ssyncset.done $0x0  }
0xa7: {  	[sflag:s15] =	ssyncadd.s32 $0xFFFFC000  }
0xa8: {  	_ =	swait.ge [sflag:s13], $0x4000  }
0xa9: {  	[sflag:s13] =	ssyncset.done $0x0  }
0xaa: {  	[sflag:s13] =	ssyncadd.s32 $0xFFFFC000  }
0xab: {  	_ =	swait.ge [sflag:s12], $0x4000  }
0xac: {  	[sflag:s12] =	ssyncset.done $0x0  }
0xad: {  	[sflag:s12] =	ssyncadd.s32 $0xFFFFC000  }
0xae: {  	_ =	swait.ge [sflag:s11], $0x4000  }
0xaf: {  	[sflag:s11] =	ssyncset.done $0x0  }
0xb0: {  	p1 =	sne.s32 s0, $0x1;
	[sflag:s11] =	ssyncadd.s32 $0xFFFFC000  }
.Ltmp2:
0xb1: {  	_ =	swait.ge [sflag:s4], $0x4000;
	(pc) =	sbr.rel @p1 .LBB2_2-.Ltmp2, $4  }
0xb2: {  	[sflag:s4] =	ssyncset.done $0x0  }
0xb3: {  	[sflag:s4] =	ssyncadd.s32 $0xFFFFC000  }
0xb4: {  	_ =	swait.ge [sflag:s5], $0x4000  }
0xb5: {  	s0 =	sadd.s32 $0xFFFFFFFF, s0;
	s1 =	rddreg [dreg:$0x4];
	[sflag:s5] =	ssyncset.done $0x0  }
.LBB2_3:
0xb6: {  	[sflag:s5] =	ssyncadd.s32 @p0 $0xFFFFC000  }
0xb7: {  	[tilespmem:s2], [sflag:$0xD] =	stream.linear.gather [hbm4b:s1+s2], $0x100, $0x38;
	[tilespmem:$0x18500] =	vst v63  }
0xb8: {  	_ =	swait.ge [sflag:s28], $0x100  }
0xb9: {  	[sflag:s28] =	ssyncset.done $0x0  }
0xba: {  	s0 =	rddreg [dreg:$0x5];
	[sflag:s28] =	ssyncadd.s32 $0xFFFFFF00  }
0xbb: {  	[tilespmem:s26], [sflag:$0xD] =	stream.linear.gather [hbm4b:s0+s2], $0x300, $0x38;
	[tilespmem:$0x18500] =	vst v63  }
0xbc: {  	_ =	swait.ge [sflag:s28], $0x300  }
0xbd: {  	[sflag:s28] =	ssyncset.done $0x0  }
0xbe: {  	[sflag:s28] =	ssyncadd.s32 $0xFFFFFD00  }
0xbf: {  	[tilespmem:s8], [sflag:$0x1] =	stream.indirect.gather [hbm4b:s7+s17], $0x80, s2, s17, $0xb8;
	[tilespmem:$0x18500] =	vst v63  }
0xc0: {  	_ = 	snop  }
0xc1: {  	[tilespmem:s6], [sflag:$0x2] =	stream.indirect.gather [hbm4b:s7+s17], $0x80, s17, s17, $0xb8;
	[tilespmem:$0x18500] =	vst v63  }
0xc2: {  	_ = 	snop  }
0xc3: {  	[tilespmem:s19], [sflag:$0x3] =	stream.indirect.gather [hbm4b:s3+s17], $0x80, s26, s17, $0xb8;
	[tilespmem:$0x18500] =	vst v63  }
0xc4: {  	_ = 	snop  }
0xc5: {  	[tilespmem:s18], [sflag:$0x4] =	stream.indirect.gather [hbm4b:s3+s17], $0x80, s30, s17, $0xb8;
	[tilespmem:$0x18500] =	vst v63  }
0xc6: {  	_ = 	snop  }
0xc7: {  	[tilespmem:s16], [sflag:$0x5] =	stream.indirect.gather [hbm4b:s3+s17], $0x80, s31, s17, $0xb8;
	[tilespmem:$0x18500] =	vst v63  }
0xc8: {  	_ =	swait.ge [sflag:s10], $0x4000  }
0xc9: {  	[sflag:s10] =	ssyncset.done $0x0  }
0xca: {  	s31 =	rddreg [dreg:$0x6];
	[sflag:s10] =	ssyncadd.s32 $0xFFFFC000  }
0xcb: {  	[hbm4b:s31+s2] =	stream.linear.scatter [tilespmem:s8], [sflag:$0x7], $0x4000, $0x38;
	[tilespmem:$0x18500] =	vst v63  }
0xcc: {  	_ = 	snop  }
0xcd: {  	[tilespmem:s14], [sflag:$0x6] =	stream.indirect.gather [hbm4b:s3+s17], $0x80, s29, s17, $0xb8;
	[tilespmem:$0x18500] =	vst v63  }
0xce: {  	_ =	swait.ge [sflag:s9], $0x4000  }
0xcf: {  	[sflag:s9] =	ssyncset.done $0x0  }
0xd0: {  	s1 =	rddreg [dreg:$0x7];
	[sflag:s9] =	ssyncadd.s32 $0xFFFFC000  }
0xd1: {  	[hbm4b:s1+s2] =	stream.linear.scatter [tilespmem:s6], [sflag:$0x8], $0x4000, $0x38;
	[tilespmem:$0x18500] =	vst v63  }
0xd2: {  	_ =	swait.ge [sflag:s4], $0x4000  }
0xd3: {  	[sflag:s4] =	ssyncset.done $0x0  }
0xd4: {  	[sflag:s4] =	ssyncadd.s32 $0xFFFFC000  }
0xd5: {  	[tilespmem:s8], [sflag:$0x1] =	stream.indirect.gather [hbm4b:s3+s17], $0x80, s25, s17, $0xb8;
	[tilespmem:$0x18500] =	vst v63  }
0xd6: {  	_ =	swait.ge [sflag:s24], $0x4000  }
0xd7: {  	[sflag:s24] =	ssyncset.done $0x0  }
0xd8: {  	s7 =	rddreg [dreg:$0x8];
	[sflag:s24] =	ssyncadd.s32 $0xFFFFC000  }
0xd9: {  	[hbm4b:s7+s2] =	stream.linear.scatter [tilespmem:s19], [sflag:$0x9], $0x4000, $0x38;
	[tilespmem:$0x18500] =	vst v63  }
0xda: {  	_ =	swait.ge [sflag:s5], $0x4000  }
0xdb: {  	[sflag:s5] =	ssyncset.done $0x0  }
0xdc: {  	[sflag:s5] =	ssyncadd.s32 $0xFFFFC000  }
0xdd: {  	[tilespmem:s6], [sflag:$0x2] =	stream.indirect.gather [hbm4b:s3+s17], $0x80, s23, s17, $0xb8;
	[tilespmem:$0x18500] =	vst v63  }
0xde: {  	_ =	swait.ge [sflag:s22], $0x4000  }
0xdf: {  	[sflag:s22] =	ssyncset.done $0x0  }
0xe0: {  	s25 =	rddreg [dreg:$0x9];
	[sflag:s22] =	ssyncadd.s32 $0xFFFFC000  }
0xe1: {  	[hbm4b:s25+s2] =	stream.linear.scatter [tilespmem:s18], [sflag:$0xA], $0x4000, $0x38;
	[tilespmem:$0x18500] =	vst v63  }
0xe2: {  	_ =	swait.ge [sflag:s21], $0x4000  }
0xe3: {  	[sflag:s21] =	ssyncset.done $0x0  }
0xe4: {  	s26 =	rddreg [dreg:$0xa];
	[sflag:s21] =	ssyncadd.s32 $0xFFFFC000  }
0xe5: {  	[hbm4b:s26+s2] =	stream.linear.scatter [tilespmem:s16], [sflag:$0xB], $0x4000, $0x38;
	[tilespmem:$0x18500] =	vst v63  }
0xe6: {  	_ =	swait.ge [sflag:s20], $0x4000  }
0xe7: {  	[sflag:s20] =	ssyncset.done $0x0  }
0xe8: {  	s28 =	rddreg [dreg:$0xb];
	[sflag:s20] =	ssyncadd.s32 $0xFFFFC000  }
0xe9: {  	[hbm4b:s28+s2] =	stream.linear.scatter [tilespmem:s14], [sflag:$0xC], $0x4000, $0x38;
	[tilespmem:$0x18500] =	vst v63  }
0xea: {  	_ =	swait.ge [sflag:s10], $0x4000  }
0xeb: {  	[sflag:s10] =	ssyncset.done $0x0  }
0xec: {  	s29 =	rddreg [dreg:$0xc];
	[sflag:s10] =	ssyncadd.s32 $0xFFFFC000  }
0xed: {  	[hbm4b:s29+s2] =	stream.linear.scatter [tilespmem:s8], [sflag:$0x7], $0x4000, $0x38;
	[tilespmem:$0x18500] =	vst v63  }
0xee: {  	_ =	swait.ge [sflag:s9], $0x4000  }
0xef: {  	[sflag:s9] =	ssyncset.done $0x0  }
0xf0: {  	s30 =	rddreg [dreg:$0xd];
	[sflag:s9] =	ssyncadd.s32 $0xFFFFC000  }
0xf1: {  	[hbm4b:s30+s2] =	stream.linear.scatter [tilespmem:s6], [sflag:$0x8], $0x4000, $0x38;
	[tilespmem:$0x18500] =	vst v63  }
0xf2: {  	_ =	swait.ge [sflag:s15], $0x4000  }
0xf3: {  	[sflag:s15] =	ssyncset.done $0x0  }
0xf4: {  	[sflag:s15] =	ssyncadd.s32 $0xFFFFC000  }
0xf5: {  	_ =	swait.ge [sflag:s13], $0x4000  }
0xf6: {  	[sflag:s13] =	ssyncset.done $0x0  }
0xf7: {  	[sflag:s13] =	ssyncadd.s32 $0xFFFFC000  }
0xf8: {  	_ =	swait.ge [sflag:s12], $0x4000  }
0xf9: {  	[sflag:s12] =	ssyncset.done $0x0  }
0xfa: {  	[sflag:s12] =	ssyncadd.s32 $0xFFFFC000  }
0xfb: {  	_ =	swait.ge [sflag:s11], $0x4000  }
0xfc: {  	[sflag:s11] =	ssyncset.done $0x0  }
0xfd: {  	[sflag:s11] =	ssyncadd.s32 $0xFFFFC000  }
0xfe: {  	_ =	swait.ge [sflag:s4], $0x4000  }
0xff: {  	[sflag:s4] =	ssyncset.done $0x0  }
0x100: {  	[sflag:s4] =	ssyncadd.s32 $0xFFFFC000  }
0x101: {  	_ =	swait.ge [sflag:s5], $0x4000  }
0x102: {  	[sflag:s5] =	ssyncset.done $0x0  }
0x103: {  	[sflag:s5] =	ssyncadd.s32 $0xFFFFC000  }
0x104: {  	_ =	sfence.sel $0x180000  }
0x105: {  	[bflag:$0x0] =	sbarrier.arrive $0xFFFF  }
0x106: {  	_ =	strace $0x9000004A  }
0x107: {  	s31 =	stileid.u32;
	[bflag:$0x2] =	sbarrier.arrive $0xFFFF  }
0x108: {  	p0 =	sne.s32 s31, $0x0;
	s0 =	rddreg [dreg:$0x3]  }
0x109: {  	s0 =	sadd.s32 @!p0 $0x100000, s0  }
0x10a: {  	[sflag:s0] =	ssyncadd.tile.s32 @!p0 $0x1;
	_ =	shalt  }
.Lfunc_end2:
_tile_overlayer_lowered:
.L_overlay_start_2:
0x10b: {  	(tag) =	ssettag $0x2  }
0x10c: {  	s0 =	rddreg [dreg:$0x0];
	s2 =	stileid.u32  }
0x10d: {  	s1 =	rddreg [dreg:$0x1];
	p0 =	sne.s32 s2, $0x0  }
0x10e: {  	s3 =	rddreg [dreg:$0x2];
	[bflag:$0x3] =	sbarrier.arrive $0xFFFF;
	s2 =	simm.s32 @!p0 $0x1C0D  }
0x10f: {  	[timem:s3], [sflag:s2] =	dma.local @!p0 [hbm:s0], s1  }
0x110: {  	s0 =	simm.s32 @!p0 $0xD  }
0x111: {  	_ =	swait.ge @!p0 [sflag:s0], s1  }
0x112: {  	s1 =	ssub.s32 @!p0 $0x0, s1;
	[sflag:s0] =	ssyncset.done @!p0 $0x0  }
0x113: {  	[sflag:s0] =	ssyncadd.s32 @!p0 s1  }
0x114: {  	[bflag:$0x3] =	sbarrier.arrive $0xFFFF  }
0x115: {  	_ =	shalt  }

</sc_bundles>
